<compile_context>
chip_gen: v7x
topology: tpu7x:2x2x1
jax: 0.10.2.dev20260603
libtpu: 0.0.44.dev20260713+nightly
codegen_flags: <defaults>
</compile_context>

<pallas_src>
import functools

import jax
import jax.numpy as jnp
from jax import lax
from jax.experimental import pallas as pl
from jax.experimental.pallas import tpu as pltpu
from jax.experimental.pallas import tpu_sc as plsc

N_NODES = 10000
N_EDGES = 320000
D = 128
D_EDGE = 16
N_GRAPHS = 8
U_DIM = 64

NC, NS = 2, 16
NW = NC * NS
CH = 40
NCHUNK = N_EDGES // CH
CPT = NCHUNK // NW
NBUF = 3
N_PAD = 10112
RPS = N_PAD // NS
DP = D // 2
SCALE = 4096.0
CLIP = 7.995

_f32 = jnp.float32




def _pack(v):
    q = jnp.clip(v, -CLIP, CLIP) * SCALE
    q = jnp.where(q >= 0, q + 0.5, q - 0.5)
    a = q[:, :DP].astype(jnp.int32)
    b = q[:, DP:].astype(jnp.int32)
    return (a & 0xFFFF) | (b << 16)


def _y_body(x_ref, w_ref, o_ref):
    o_ref[...] = lax.dot_general(
        x_ref[...], w_ref[...], (((1,), (1,)), ((), ())),
        preferred_element_type=_f32)


def _e_body(ea_ref, w_ref, b_ref, o_ref):
    o_ref[...] = lax.dot_general(
        ea_ref[...], w_ref[...], (((1,), (1,)), ((), ())),
        preferred_element_type=_f32) + b_ref[...]




def _sc_body(src_h, dst_h, e_h, y_h, zeros_h, out_h,
             rg0, rg1, rg2, ev0, ev1, ev2, rf0, rf1, rf2,
             is0, is1, is2, id0, id1, id2, id3, id4, id5,
             acc,
             semg0, semg1, semg2, seme0, seme1, seme2,
             semsc0, semsc1, semsc2, semis0, semis1, semis2,
             semid0, semid1, semid2, semid3, semid4, semid5):
    c = lax.axis_index("c")
    s = lax.axis_index("s")
    t = c * NS + s
    rg = (rg0, rg1, rg2)
    ev = (ev0, ev1, ev2)
    rf = (rf0, rf1, rf2)
    idxs = (is0, is1, is2)
    idxd = (id0, id1, id2, id3, id4, id5)
    semg = (semg0, semg1, semg2)
    seme = (seme0, seme1, seme2)
    semsc = (semsc0, semsc1, semsc2)
    semis = (semis0, semis1, semis2)
    semid = (semid0, semid1, semid2, semid3, semid4, semid5)

    pltpu.sync_copy(zeros_h, acc.at[pl.ds(s * RPS, RPS)])
    plsc.subcore_barrier()

    base = t * CPT

    def issue_idx_s(jj, p):
        pltpu.async_copy(src_h.at[pl.ds((base + jj) * CH, CH)], idxs[p],
                         semis[p])

    def issue_idx_d(jj, d):
        pltpu.async_copy(dst_h.at[pl.ds((base + jj) * CH, CH)], idxd[d],
                         semid[d])

    def issue_data(jj, p):
        pltpu.async_copy(e_h.at[base + jj], ev[p], seme[p])
        pltpu.async_copy(y_h.at[idxs[p]], rg[p], semg[p])

    def wait_data(jj, p):
        pltpu.make_async_copy(e_h.at[base + jj], ev[p], seme[p]).wait()
        pltpu.make_async_copy(y_h.at[idxs[p]], rg[p], semg[p]).wait()

    def wait_scatter(p):
        pltpu.make_async_copy(rf[p], acc.at[idxd[0]], semsc[p]).wait()

    def compute(p):
        def comp(i, carry2):
            for g in range(D // 16):
                sl = pl.ds(g * 16, 16)
                rf[p][i, sl] = jnp.maximum(rg[p][i, sl] + ev[p][i, sl], 0.0)
            return carry2

        lax.fori_loop(0, CH, comp, 0)

    def phase(jj, p, d6, warm, more):
        wait_data(jj, p)
        if more:
            issue_idx_s(jj + 3, p)
        if warm:
            wait_scatter(p)
        if more:
            issue_idx_d(jj + 3, (d6 + 3) % 6)
        compute(p)
        if warm:
            pltpu.make_async_copy(dst_h.at[pl.ds(base * CH, CH)], idxd[d6],
                                  semid[d6]).wait()
        pltpu.async_copy(rf[p], acc.at[idxd[d6]], semsc[p], add=True)
        if more:
            pltpu.make_async_copy(src_h.at[pl.ds(base * CH, CH)], idxs[p],
                                  semis[p]).wait()
            issue_data(jj + 3, p)

    for j0 in range(NBUF):
        pltpu.sync_copy(src_h.at[pl.ds((base + j0) * CH, CH)], idxs[j0])
        pltpu.sync_copy(dst_h.at[pl.ds((base + j0) * CH, CH)], idxd[j0])
    for j0 in range(NBUF):
        issue_data(j0, j0)
    for j0 in range(NBUF):
        phase(j0, j0, j0, False, True)

    def hexa(i, carry):
        jj = 6 * i + 3
        for k in range(6):
            phase(jj + k, (3 + k) % 3, (3 + k) % 6, True, True)
        return carry

    lax.fori_loop(0, (CPT - NBUF - 7) // 6, hexa, 0)
    for j0 in range(CPT - 7, CPT):
        phase(j0, j0 % 3, j0 % 6, True, j0 + 3 < CPT)

    wait_scatter(1)
    wait_scatter(2)
    wait_scatter(0)

    plsc.subcore_barrier()
    pltpu.sync_copy(acc.at[pl.ds(s * RPS, RPS)],
                    out_h.at[c, pl.ds(s * RPS, RPS)])


@functools.cache
def _sc_call():
    return pl.kernel(
        _sc_body,
        out_type=jax.ShapeDtypeStruct((NC, N_PAD, D), _f32),
        mesh=plsc.VectorSubcoreMesh(core_axis_name="c", subcore_axis_name="s"),
        scratch_types=(
            [pltpu.VMEM((CH, D), _f32) for _ in range(NBUF)] +
            [pltpu.VMEM((CH, D), _f32) for _ in range(NBUF)] +
            [pltpu.VMEM((CH, D), _f32) for _ in range(NBUF)] +
            [pltpu.VMEM((CH,), jnp.int32) for _ in range(3)] +
            [pltpu.VMEM((CH,), jnp.int32) for _ in range(6)] +
            [pltpu.VMEM_SHARED((N_PAD, D), _f32)] +
            [pltpu.SemaphoreType.DMA for _ in range(18)]
        ),
    )




def _node_body(x_ref, p_ref, b3_ref, u_ref, w2_ref, b2_ref, o_ref):
    w2 = w2_ref[...]
    p = p_ref[...]
    agg = p[0] + p[1]
    acc = lax.dot_general(x_ref[...], w2[:, :D], (((1,), (1,)), ((), ())),
                          preferred_element_type=_f32)
    acc += lax.dot_general(agg, w2[:, D:2 * D], (((1,), (1,)), ((), ())),
                           preferred_element_type=_f32)
    uu = lax.dot_general(u_ref[...], w2[:, 2 * D:], (((1,), (1,)), ((), ())),
                         preferred_element_type=_f32)
    b = b3_ref[...].reshape(-1)
    oh = (b[:, None] == lax.broadcasted_iota(jnp.int32, (b.shape[0], N_GRAPHS), 1))
    acc += jnp.dot(oh.astype(_f32), uu, preferred_element_type=_f32)
    o_ref[...] = jnp.maximum(acc + b2_ref[...], 0.0)


def kernel(x, edge_index, edge_attr, u, batch, W1, b1, W2, b2):
    dst = edge_index[0].astype(jnp.int32)
    src = edge_index[1].astype(jnp.int32)

    y = pl.pallas_call(
        _y_body,
        grid=(10,),
        in_specs=[pl.BlockSpec((1000, D), lambda i: (i, 0)),
                  pl.BlockSpec((D, D), lambda i: (0, 0))],
        out_specs=pl.BlockSpec((1000, D), lambda i: (i, 0)),
        out_shape=jax.ShapeDtypeStruct((N_NODES, D), _f32),
    )(x, W1[:, :D])

    EB = 3200
    e = pl.pallas_call(
        _e_body,
        grid=(N_EDGES // EB,),
        in_specs=[pl.BlockSpec((EB, D_EDGE), lambda i: (i, 0)),
                  pl.BlockSpec((D, D_EDGE), lambda i: (0, 0)),
                  pl.BlockSpec((1, D), lambda i: (0, 0))],
        out_specs=pl.BlockSpec((EB, D), lambda i: (i, 0)),
        out_shape=jax.ShapeDtypeStruct((N_EDGES, D), _f32),
    )(edge_attr, W1[:, D:], b1.reshape(1, D))

    parts = _sc_call()(src, dst, e.reshape(NCHUNK, CH, D), y,
                       jnp.zeros((RPS, D), _f32))

    NB = 1000
    out = pl.pallas_call(
        _node_body,
        grid=(N_NODES // NB,),
        in_specs=[pl.BlockSpec((NB, D), lambda i: (i, 0)),
                  pl.BlockSpec((NC, NB, D), lambda i: (0, i, 0)),
                  pl.BlockSpec((1, 1, NB), lambda i: (i, 0, 0)),
                  pl.BlockSpec((N_GRAPHS, U_DIM), lambda i: (0, 0)),
                  pl.BlockSpec((D, 2 * D + U_DIM), lambda i: (0, 0)),
                  pl.BlockSpec((1, D), lambda i: (0, 0))],
        out_specs=pl.BlockSpec((NB, D), lambda i: (i, 0)),
        out_shape=jax.ShapeDtypeStruct((N_NODES, D), _f32),
    )(x, parts, batch.astype(jnp.int32).reshape(N_NODES // NB, 1, NB),
      u, W2, b2.reshape(1, D))

    return out

# --- scband reference (transcript-rebuilt; emitter-appended) ---
"""Pipeline reference for scband-node-model-44573170598878 (READ-ONLY COPY).

The authoritative reference and input builder live on the scoring server;
editing this copy changes nothing except your own understanding.
"""

import jax, jax.numpy as jnp
import numpy as np

N_NODES = 10000
N_EDGES = 320000
D_FEAT = 128
D_EDGE = 16
N_GRAPHS = 8
U_DIM = 64
IN_MLP1 = D_FEAT + D_EDGE           # 144
OUT_DIM = 128
IN_MLP2 = D_FEAT + OUT_DIM + U_DIM  # 320


def setup_inputs(seed: int = 0) -> dict:
    key = jax.random.key(seed)
    ks = jax.random.split(key, 10)
    x = jax.random.normal(ks[0], (N_NODES, D_FEAT), dtype=jnp.float32)
    edge_index = jax.random.randint(ks[1], (2, N_EDGES), 0, N_NODES, dtype=jnp.int64)
    edge_attr = jax.random.normal(ks[2], (N_EDGES, D_EDGE), dtype=jnp.float32)
    u = jax.random.normal(ks[3], (N_GRAPHS, U_DIM), dtype=jnp.float32)
    batch = jnp.sort(jax.random.randint(ks[4], (N_NODES,), 0, N_GRAPHS, dtype=jnp.int64))
    # Linear params (kaiming-uniform-like bounds as in torch defaults)
    lim1 = 1.0 / np.sqrt(IN_MLP1)
    W1 = jax.random.uniform(ks[5], (OUT_DIM, IN_MLP1), minval=-lim1, maxval=lim1, dtype=jnp.float32)
    b1 = jax.random.uniform(ks[6], (OUT_DIM,), minval=-lim1, maxval=lim1, dtype=jnp.float32)
    lim2 = 1.0 / np.sqrt(IN_MLP2)
    W2 = jax.random.uniform(ks[7], (OUT_DIM, IN_MLP2), minval=-lim2, maxval=lim2, dtype=jnp.float32)
    b2 = jax.random.uniform(ks[8], (OUT_DIM,), minval=-lim2, maxval=lim2, dtype=jnp.float32)
    return {"x": x, "edge_index": edge_index, "edge_attr": edge_attr, "u": u,
            "batch": batch, "W1": W1, "b1": b1, "W2": W2, "b2": b2}


def reference(x, edge_index, edge_attr, u, batch, W1, b1, W2, b2):
    u_batch = jnp.take(u, batch, axis=0)
    dest = edge_index[0]
    src = edge_index[1]
    edge_info = jnp.concatenate([jnp.take(x, src, axis=0), edge_attr], axis=1)
    edge_messages = jax.nn.relu(edge_info @ W1.T + b1)
    aggregated = jax.ops.segment_sum(edge_messages, dest, num_segments=x.shape[0])
    node_info = jnp.concatenate([x, aggregated, u_batch], axis=1)
    updated = jax.nn.relu(node_info @ W2.T + b2)
    return updated

if __name__ == "__main__":
    import jax
    _d = setup_inputs()
    print(jax.jit(kernel)(*tuple(_d.values())))

</pallas_src>

<mosaic_0001>
#map = affine_map<(d0, d1) -> (0)>
#map1 = affine_map<(d0, d1) -> (0, 0, 0)>
#map2 = affine_map<(d0, d1) -> (0, 0)>
module attributes {stable_mosaic.version = 14 : i64} {
  func.func @_sc_body(%arg0: i32, %arg1: i32, %arg2: memref<320000xi32, #tpu.memory_space<hbm>>, %arg3: memref<320000xi32, #tpu.memory_space<hbm>>, %arg4: memref<8000x40x128xf32, #tpu.memory_space<hbm>>, %arg5: memref<10000x128xf32, #tpu.memory_space<hbm>>, %arg6: memref<632x128xf32, #tpu.memory_space<hbm>>, %arg7: memref<2x10112x128xf32, #tpu.memory_space<hbm>>, %arg8: memref<40x128xf32, #tpu.memory_space<vmem>>, %arg9: memref<40x128xf32, #tpu.memory_space<vmem>>, %arg10: memref<40x128xf32, #tpu.memory_space<vmem>>, %arg11: memref<40x128xf32, #tpu.memory_space<vmem>>, %arg12: memref<40x128xf32, #tpu.memory_space<vmem>>, %arg13: memref<40x128xf32, #tpu.memory_space<vmem>>, %arg14: memref<40x128xf32, #tpu.memory_space<vmem>>, %arg15: memref<40x128xf32, #tpu.memory_space<vmem>>, %arg16: memref<40x128xf32, #tpu.memory_space<vmem>>, %arg17: memref<40xi32, #tpu.memory_space<vmem>>, %arg18: memref<40xi32, #tpu.memory_space<vmem>>, %arg19: memref<40xi32, #tpu.memory_space<vmem>>, %arg20: memref<40xi32, #tpu.memory_space<vmem>>, %arg21: memref<40xi32, #tpu.memory_space<vmem>>, %arg22: memref<40xi32, #tpu.memory_space<vmem>>, %arg23: memref<40xi32, #tpu.memory_space<vmem>>, %arg24: memref<40xi32, #tpu.memory_space<vmem>>, %arg25: memref<40xi32, #tpu.memory_space<vmem>>, %arg26: memref<10112x128xf32, #tpu.memory_space<vmem_shared>>, %arg27: memref<!tpu.dma_semaphore, #tpu.memory_space<semaphore_mem>>, %arg28: memref<!tpu.dma_semaphore, #tpu.memory_space<semaphore_mem>>, %arg29: memref<!tpu.dma_semaphore, #tpu.memory_space<semaphore_mem>>, %arg30: memref<!tpu.dma_semaphore, #tpu.memory_space<semaphore_mem>>, %arg31: memref<!tpu.dma_semaphore, #tpu.memory_space<semaphore_mem>>, %arg32: memref<!tpu.dma_semaphore, #tpu.memory_space<semaphore_mem>>, %arg33: memref<!tpu.dma_semaphore, #tpu.memory_space<semaphore_mem>>, %arg34: memref<!tpu.dma_semaphore, #tpu.memory_space<semaphore_mem>>, %arg35: memref<!tpu.dma_semaphore, #tpu.memory_space<semaphore_mem>>, %arg36: memref<!tpu.dma_semaphore, #tpu.memory_space<semaphore_mem>>, %arg37: memref<!tpu.dma_semaphore, #tpu.memory_space<semaphore_mem>>, %arg38: memref<!tpu.dma_semaphore, #tpu.memory_space<semaphore_mem>>, %arg39: memref<!tpu.dma_semaphore, #tpu.memory_space<semaphore_mem>>, %arg40: memref<!tpu.dma_semaphore, #tpu.memory_space<semaphore_mem>>, %arg41: memref<!tpu.dma_semaphore, #tpu.memory_space<semaphore_mem>>, %arg42: memref<!tpu.dma_semaphore, #tpu.memory_space<semaphore_mem>>, %arg43: memref<!tpu.dma_semaphore, #tpu.memory_space<semaphore_mem>>, %arg44: memref<!tpu.dma_semaphore, #tpu.memory_space<semaphore_mem>>) attributes {dimension_semantics = [#tpu.dimension_semantics<core_parallel>, #tpu.dimension_semantics<subcore_parallel>], iteration_bounds = array<i64: 2, 16>, scalar_prefetch = 0 : i64, scratch_operands = 37 : i64, tpu.core_type = #tpu.core_type<sc_vector_subcore>, window_params = [{transform_indices = #map}, {transform_indices = #map}, {transform_indices = #map1}, {transform_indices = #map2}, {transform_indices = #map2}, {transform_indices = #map1}]} {
    %mul3A = arith.constant 16 : i32
    %mul3A_0 = arith.muli %arg0, %mul3A : i32
    %add3A = arith.addi %mul3A_0, %arg1 : i32
    %mul3A_1 = arith.constant 632 : i32
    %mul3A_2 = arith.muli %arg1, %mul3A_1 : i32
    "tpu.region"() ({
      %run_scoped3A = tpu.sem_alloc : memref<!tpu.dma_semaphore, #tpu.memory_space<semaphore_mem>>
      %dma_start3A_557 = arith.constant 0 : i32
      %dma_start3A_558 = tpu.memref_slice %arg26[%mul3A_2, %dma_start3A_557] : memref<10112x128xf32, #tpu.memory_space<vmem_shared>> -> memref<632x128xf32, #tpu.memory_space<vmem_shared>>
      tpu.enqueue_dma source(%arg6 : memref<632x128xf32, #tpu.memory_space<hbm>>) target(%dma_start3A_558 : memref<632x128xf32, #tpu.memory_space<vmem_shared>>) target_semaphore(%run_scoped3A : memref<!tpu.dma_semaphore, #tpu.memory_space<semaphore_mem>>)
      %dma_wait3A_559 = arith.constant 0 : i32
      %dma_wait3A_560 = tpu.memref_slice %arg26[%mul3A_2, %dma_wait3A_559] : memref<10112x128xf32, #tpu.memory_space<vmem_shared>> -> memref<632x128xf32, #tpu.memory_space<vmem_shared>>
      tpu.wait_dma2 semaphore(%run_scoped3A : memref<!tpu.dma_semaphore, #tpu.memory_space<semaphore_mem>>) src(%arg6 : memref<632x128xf32, #tpu.memory_space<hbm>>) dst(%dma_wait3A_560 : memref<632x128xf32, #tpu.memory_space<vmem_shared>>)
      tpu.yield
    }) : () -> ()
    %barrier3A = arith.constant 0 : index
    tpu.barrier barrier_id(%barrier3A)
    %mul3A_3 = arith.constant 250 : i32
    %mul3A_4 = arith.muli %add3A, %mul3A_3 : i32
    %add3A_5 = arith.constant 0 : i32
    %add3A_6 = arith.addi %mul3A_4, %add3A_5 : i32
    %mul3A_7 = arith.constant 40 : i32
    %mul3A_8 = arith.muli %add3A_6, %mul3A_7 : i32
    "tpu.region"() ({
      %run_scoped3A = tpu.sem_alloc : memref<!tpu.dma_semaphore, #tpu.memory_space<semaphore_mem>>
      %dma_start3A_557 = tpu.memref_slice %arg2[%mul3A_8] : memref<320000xi32, #tpu.memory_space<hbm>> -> memref<40xi32, #tpu.memory_space<hbm>>
      %dma_start3A_558 = tpu.memref_slice %arg2[%mul3A_8] : memref<320000xi32, #tpu.memory_space<hbm>> -> memref<40xi32, #tpu.memory_space<hbm>>
      tpu.enqueue_dma source(%dma_start3A_558 : memref<40xi32, #tpu.memory_space<hbm>>) target(%arg17 : memref<40xi32, #tpu.memory_space<vmem>>) target_semaphore(%run_scoped3A : memref<!tpu.dma_semaphore, #tpu.memory_space<semaphore_mem>>)
      %dma_wait3A_559 = tpu.memref_slice %arg2[%mul3A_8] : memref<320000xi32, #tpu.memory_space<hbm>> -> memref<40xi32, #tpu.memory_space<hbm>>
      %dma_wait3A_560 = tpu.memref_slice %arg2[%mul3A_8] : memref<320000xi32, #tpu.memory_space<hbm>> -> memref<40xi32, #tpu.memory_space<hbm>>
      tpu.wait_dma2 semaphore(%run_scoped3A : memref<!tpu.dma_semaphore, #tpu.memory_space<semaphore_mem>>) src(%dma_wait3A_560 : memref<40xi32, #tpu.memory_space<hbm>>) dst(%arg17 : memref<40xi32, #tpu.memory_space<vmem>>)
      tpu.yield
    }) : () -> ()
    %add3A_9 = arith.constant 0 : i32
    %add3A_10 = arith.addi %mul3A_4, %add3A_9 : i32
    %mul3A_11 = arith.constant 40 : i32
    %mul3A_12 = arith.muli %add3A_10, %mul3A_11 : i32
    "tpu.region"() ({
      %run_scoped3A = tpu.sem_alloc : memref<!tpu.dma_semaphore, #tpu.memory_space<semaphore_mem>>
      %dma_start3A_557 = tpu.memref_slice %arg3[%mul3A_12] : memref<320000xi32, #tpu.memory_space<hbm>> -> memref<40xi32, #tpu.memory_space<hbm>>
      %dma_start3A_558 = tpu.memref_slice %arg3[%mul3A_12] : memref<320000xi32, #tpu.memory_space<hbm>> -> memref<40xi32, #tpu.memory_space<hbm>>
      tpu.enqueue_dma source(%dma_start3A_558 : memref<40xi32, #tpu.memory_space<hbm>>) target(%arg20 : memref<40xi32, #tpu.memory_space<vmem>>) target_semaphore(%run_scoped3A : memref<!tpu.dma_semaphore, #tpu.memory_space<semaphore_mem>>)
      %dma_wait3A_559 = tpu.memref_slice %arg3[%mul3A_12] : memref<320000xi32, #tpu.memory_space<hbm>> -> memref<40xi32, #tpu.memory_space<hbm>>
      %dma_wait3A_560 = tpu.memref_slice %arg3[%mul3A_12] : memref<320000xi32, #tpu.memory_space<hbm>> -> memref<40xi32, #tpu.memory_space<hbm>>
      tpu.wait_dma2 semaphore(%run_scoped3A : memref<!tpu.dma_semaphore, #tpu.memory_space<semaphore_mem>>) src(%dma_wait3A_560 : memref<40xi32, #tpu.memory_space<hbm>>) dst(%arg20 : memref<40xi32, #tpu.memory_space<vmem>>)
      tpu.yield
    }) : () -> ()
    %add3A_13 = arith.constant 1 : i32
    %add3A_14 = arith.addi %mul3A_4, %add3A_13 : i32
    %mul3A_15 = arith.constant 40 : i32
    %mul3A_16 = arith.muli %add3A_14, %mul3A_15 : i32
    "tpu.region"() ({
      %run_scoped3A = tpu.sem_alloc : memref<!tpu.dma_semaphore, #tpu.memory_space<semaphore_mem>>
      %dma_start3A_557 = tpu.memref_slice %arg2[%mul3A_16] : memref<320000xi32, #tpu.memory_space<hbm>> -> memref<40xi32, #tpu.memory_space<hbm>>
      %dma_start3A_558 = tpu.memref_slice %arg2[%mul3A_16] : memref<320000xi32, #tpu.memory_space<hbm>> -> memref<40xi32, #tpu.memory_space<hbm>>
      tpu.enqueue_dma source(%dma_start3A_558 : memref<40xi32, #tpu.memory_space<hbm>>) target(%arg18 : memref<40xi32, #tpu.memory_space<vmem>>) target_semaphore(%run_scoped3A : memref<!tpu.dma_semaphore, #tpu.memory_space<semaphore_mem>>)
      %dma_wait3A_559 = tpu.memref_slice %arg2[%mul3A_16] : memref<320000xi32, #tpu.memory_space<hbm>> -> memref<40xi32, #tpu.memory_space<hbm>>
      %dma_wait3A_560 = tpu.memref_slice %arg2[%mul3A_16] : memref<320000xi32, #tpu.memory_space<hbm>> -> memref<40xi32, #tpu.memory_space<hbm>>
      tpu.wait_dma2 semaphore(%run_scoped3A : memref<!tpu.dma_semaphore, #tpu.memory_space<semaphore_mem>>) src(%dma_wait3A_560 : memref<40xi32, #tpu.memory_space<hbm>>) dst(%arg18 : memref<40xi32, #tpu.memory_space<vmem>>)
      tpu.yield
    }) : () -> ()
    %add3A_17 = arith.constant 1 : i32
    %add3A_18 = arith.addi %mul3A_4, %add3A_17 : i32
    %mul3A_19 = arith.constant 40 : i32
    %mul3A_20 = arith.muli %add3A_18, %mul3A_19 : i32
    "tpu.region"() ({
      %run_scoped3A = tpu.sem_alloc : memref<!tpu.dma_semaphore, #tpu.memory_space<semaphore_mem>>
      %dma_start3A_557 = tpu.memref_slice %arg3[%mul3A_20] : memref<320000xi32, #tpu.memory_space<hbm>> -> memref<40xi32, #tpu.memory_space<hbm>>
      %dma_start3A_558 = tpu.memref_slice %arg3[%mul3A_20] : memref<320000xi32, #tpu.memory_space<hbm>> -> memref<40xi32, #tpu.memory_space<hbm>>
      tpu.enqueue_dma source(%dma_start3A_558 : memref<40xi32, #tpu.memory_space<hbm>>) target(%arg21 : memref<40xi32, #tpu.memory_space<vmem>>) target_semaphore(%run_scoped3A : memref<!tpu.dma_semaphore, #tpu.memory_space<semaphore_mem>>)
      %dma_wait3A_559 = tpu.memref_slice %arg3[%mul3A_20] : memref<320000xi32, #tpu.memory_space<hbm>> -> memref<40xi32, #tpu.memory_space<hbm>>
      %dma_wait3A_560 = tpu.memref_slice %arg3[%mul3A_20] : memref<320000xi32, #tpu.memory_space<hbm>> -> memref<40xi32, #tpu.memory_space<hbm>>
      tpu.wait_dma2 semaphore(%run_scoped3A : memref<!tpu.dma_semaphore, #tpu.memory_space<semaphore_mem>>) src(%dma_wait3A_560 : memref<40xi32, #tpu.memory_space<hbm>>) dst(%arg21 : memref<40xi32, #tpu.memory_space<vmem>>)
      tpu.yield
    }) : () -> ()
    %add3A_21 = arith.constant 2 : i32
    %add3A_22 = arith.addi %mul3A_4, %add3A_21 : i32
    %mul3A_23 = arith.constant 40 : i32
    %mul3A_24 = arith.muli %add3A_22, %mul3A_23 : i32
    "tpu.region"() ({
      %run_scoped3A = tpu.sem_alloc : memref<!tpu.dma_semaphore, #tpu.memory_space<semaphore_mem>>
      %dma_start3A_557 = tpu.memref_slice %arg2[%mul3A_24] : memref<320000xi32, #tpu.memory_space<hbm>> -> memref<40xi32, #tpu.memory_space<hbm>>
      %dma_start3A_558 = tpu.memref_slice %arg2[%mul3A_24] : memref<320000xi32, #tpu.memory_space<hbm>> -> memref<40xi32, #tpu.memory_space<hbm>>
      tpu.enqueue_dma source(%dma_start3A_558 : memref<40xi32, #tpu.memory_space<hbm>>) target(%arg19 : memref<40xi32, #tpu.memory_space<vmem>>) target_semaphore(%run_scoped3A : memref<!tpu.dma_semaphore, #tpu.memory_space<semaphore_mem>>)
      %dma_wait3A_559 = tpu.memref_slice %arg2[%mul3A_24] : memref<320000xi32, #tpu.memory_space<hbm>> -> memref<40xi32, #tpu.memory_space<hbm>>
      %dma_wait3A_560 = tpu.memref_slice %arg2[%mul3A_24] : memref<320000xi32, #tpu.memory_space<hbm>> -> memref<40xi32, #tpu.memory_space<hbm>>
      tpu.wait_dma2 semaphore(%run_scoped3A : memref<!tpu.dma_semaphore, #tpu.memory_space<semaphore_mem>>) src(%dma_wait3A_560 : memref<40xi32, #tpu.memory_space<hbm>>) dst(%arg19 : memref<40xi32, #tpu.memory_space<vmem>>)
      tpu.yield
    }) : () -> ()
    %add3A_25 = arith.constant 2 : i32
    %add3A_26 = arith.addi %mul3A_4, %add3A_25 : i32
    %mul3A_27 = arith.constant 40 : i32
    %mul3A_28 = arith.muli %add3A_26, %mul3A_27 : i32
    "tpu.region"() ({
      %run_scoped3A = tpu.sem_alloc : memref<!tpu.dma_semaphore, #tpu.memory_space<semaphore_mem>>
      %dma_start3A_557 = tpu.memref_slice %arg3[%mul3A_28] : memref<320000xi32, #tpu.memory_space<hbm>> -> memref<40xi32, #tpu.memory_space<hbm>>
      %dma_start3A_558 = tpu.memref_slice %arg3[%mul3A_28] : memref<320000xi32, #tpu.memory_space<hbm>> -> memref<40xi32, #tpu.memory_space<hbm>>
      tpu.enqueue_dma source(%dma_start3A_558 : memref<40xi32, #tpu.memory_space<hbm>>) target(%arg22 : memref<40xi32, #tpu.memory_space<vmem>>) target_semaphore(%run_scoped3A : memref<!tpu.dma_semaphore, #tpu.memory_space<semaphore_mem>>)
      %dma_wait3A_559 = tpu.memref_slice %arg3[%mul3A_28] : memref<320000xi32, #tpu.memory_space<hbm>> -> memref<40xi32, #tpu.memory_space<hbm>>
      %dma_wait3A_560 = tpu.memref_slice %arg3[%mul3A_28] : memref<320000xi32, #tpu.memory_space<hbm>> -> memref<40xi32, #tpu.memory_space<hbm>>
      tpu.wait_dma2 semaphore(%run_scoped3A : memref<!tpu.dma_semaphore, #tpu.memory_space<semaphore_mem>>) src(%dma_wait3A_560 : memref<40xi32, #tpu.memory_space<hbm>>) dst(%arg22 : memref<40xi32, #tpu.memory_space<vmem>>)
      tpu.yield
    }) : () -> ()
    %add3A_29 = arith.constant 0 : i32
    %add3A_30 = arith.addi %mul3A_4, %add3A_29 : i32
    %dma_start3A = arith.constant 0 : i32
    %dma_start3A_31 = arith.constant 0 : i32
    %dma_start3A_32 = tpu.memref_slice %arg4[%add3A_30, %dma_start3A, %dma_start3A_31] : memref<8000x40x128xf32, #tpu.memory_space<hbm>> -> memref<1x40x128xf32, #tpu.memory_space<hbm>>
    %dma_start3A_33 = tpu.memref_squeeze %dma_start3A_32 : memref<1x40x128xf32, #tpu.memory_space<hbm>> -> memref<40x128xf32, #tpu.memory_space<hbm>>
    %dma_start3A_34 = arith.constant 0 : i32
    %dma_start3A_35 = arith.constant 0 : i32
    %dma_start3A_36 = tpu.memref_slice %arg4[%add3A_30, %dma_start3A_34, %dma_start3A_35] : memref<8000x40x128xf32, #tpu.memory_space<hbm>> -> memref<1x40x128xf32, #tpu.memory_space<hbm>>
    %dma_start3A_37 = tpu.memref_squeeze %dma_start3A_36 : memref<1x40x128xf32, #tpu.memory_space<hbm>> -> memref<40x128xf32, #tpu.memory_space<hbm>>
    tpu.enqueue_dma source(%dma_start3A_37 : memref<40x128xf32, #tpu.memory_space<hbm>>) target(%arg11 : memref<40x128xf32, #tpu.memory_space<vmem>>) target_semaphore(%arg30 : memref<!tpu.dma_semaphore, #tpu.memory_space<semaphore_mem>>)
    %dma_start3A_38 = arith.constant 0 : i32
    %dma_start3A_39 = arith.constant 0 : i32
    %dma_start3A_40 = tpu.memref_slice %arg5[%dma_start3A_38, %dma_start3A_39] : memref<10000x128xf32, #tpu.memory_space<hbm>> -> memref<10000x128xf32, #tpu.memory_space<hbm>>
    tpu.enqueue_indirect_dma source(%dma_start3A_40 : memref<10000x128xf32, #tpu.memory_space<hbm>>) target(%arg8 : memref<40x128xf32, #tpu.memory_space<vmem>>) offsets(%arg17 : memref<40xi32, #tpu.memory_space<vmem>>) semaphore(%arg27 : memref<!tpu.dma_semaphore, #tpu.memory_space<semaphore_mem>>)
    %add3A_41 = arith.constant 1 : i32
    %add3A_42 = arith.addi %mul3A_4, %add3A_41 : i32
    %dma_start3A_43 = arith.constant 0 : i32
    %dma_start3A_44 = arith.constant 0 : i32
    %dma_start3A_45 = tpu.memref_slice %arg4[%add3A_42, %dma_start3A_43, %dma_start3A_44] : memref<8000x40x128xf32, #tpu.memory_space<hbm>> -> memref<1x40x128xf32, #tpu.memory_space<hbm>>
    %dma_start3A_46 = tpu.memref_squeeze %dma_start3A_45 : memref<1x40x128xf32, #tpu.memory_space<hbm>> -> memref<40x128xf32, #tpu.memory_space<hbm>>
    %dma_start3A_47 = arith.constant 0 : i32
    %dma_start3A_48 = arith.constant 0 : i32
    %dma_start3A_49 = tpu.memref_slice %arg4[%add3A_42, %dma_start3A_47, %dma_start3A_48] : memref<8000x40x128xf32, #tpu.memory_space<hbm>> -> memref<1x40x128xf32, #tpu.memory_space<hbm>>
    %dma_start3A_50 = tpu.memref_squeeze %dma_start3A_49 : memref<1x40x128xf32, #tpu.memory_space<hbm>> -> memref<40x128xf32, #tpu.memory_space<hbm>>
    tpu.enqueue_dma source(%dma_start3A_50 : memref<40x128xf32, #tpu.memory_space<hbm>>) target(%arg12 : memref<40x128xf32, #tpu.memory_space<vmem>>) target_semaphore(%arg31 : memref<!tpu.dma_semaphore, #tpu.memory_space<semaphore_mem>>)
    %dma_start3A_51 = arith.constant 0 : i32
    %dma_start3A_52 = arith.constant 0 : i32
    %dma_start3A_53 = tpu.memref_slice %arg5[%dma_start3A_51, %dma_start3A_52] : memref<10000x128xf32, #tpu.memory_space<hbm>> -> memref<10000x128xf32, #tpu.memory_space<hbm>>
    tpu.enqueue_indirect_dma source(%dma_start3A_53 : memref<10000x128xf32, #tpu.memory_space<hbm>>) target(%arg9 : memref<40x128xf32, #tpu.memory_space<vmem>>) offsets(%arg18 : memref<40xi32, #tpu.memory_space<vmem>>) semaphore(%arg28 : memref<!tpu.dma_semaphore, #tpu.memory_space<semaphore_mem>>)
    %add3A_54 = arith.constant 2 : i32
    %add3A_55 = arith.addi %mul3A_4, %add3A_54 : i32
    %dma_start3A_56 = arith.constant 0 : i32
    %dma_start3A_57 = arith.constant 0 : i32
    %dma_start3A_58 = tpu.memref_slice %arg4[%add3A_55, %dma_start3A_56, %dma_start3A_57] : memref<8000x40x128xf32, #tpu.memory_space<hbm>> -> memref<1x40x128xf32, #tpu.memory_space<hbm>>
    %dma_start3A_59 = tpu.memref_squeeze %dma_start3A_58 : memref<1x40x128xf32, #tpu.memory_space<hbm>> -> memref<40x128xf32, #tpu.memory_space<hbm>>
    %dma_start3A_60 = arith.constant 0 : i32
    %dma_start3A_61 = arith.constant 0 : i32
    %dma_start3A_62 = tpu.memref_slice %arg4[%add3A_55, %dma_start3A_60, %dma_start3A_61] : memref<8000x40x128xf32, #tpu.memory_space<hbm>> -> memref<1x40x128xf32, #tpu.memory_space<hbm>>
    %dma_start3A_63 = tpu.memref_squeeze %dma_start3A_62 : memref<1x40x128xf32, #tpu.memory_space<hbm>> -> memref<40x128xf32, #tpu.memory_space<hbm>>
    tpu.enqueue_dma source(%dma_start3A_63 : memref<40x128xf32, #tpu.memory_space<hbm>>) target(%arg13 : memref<40x128xf32, #tpu.memory_space<vmem>>) target_semaphore(%arg32 : memref<!tpu.dma_semaphore, #tpu.memory_space<semaphore_mem>>)
    %dma_start3A_64 = arith.constant 0 : i32
    %dma_start3A_65 = arith.constant 0 : i32
    %dma_start3A_66 = tpu.memref_slice %arg5[%dma_start3A_64, %dma_start3A_65] : memref<10000x128xf32, #tpu.memory_space<hbm>> -> memref<10000x128xf32, #tpu.memory_space<hbm>>
    tpu.enqueue_indirect_dma source(%dma_start3A_66 : memref<10000x128xf32, #tpu.memory_space<hbm>>) target(%arg10 : memref<40x128xf32, #tpu.memory_space<vmem>>) offsets(%arg19 : memref<40xi32, #tpu.memory_space<vmem>>) semaphore(%arg29 : memref<!tpu.dma_semaphore, #tpu.memory_space<semaphore_mem>>)
    %add3A_67 = arith.constant 0 : i32
    %add3A_68 = arith.addi %mul3A_4, %add3A_67 : i32
    %dma_wait3A = arith.constant 0 : i32
    %dma_wait3A_69 = arith.constant 0 : i32
    %dma_wait3A_70 = tpu.memref_slice %arg4[%add3A_68, %dma_wait3A, %dma_wait3A_69] : memref<8000x40x128xf32, #tpu.memory_space<hbm>> -> memref<1x40x128xf32, #tpu.memory_space<hbm>>
    %dma_wait3A_71 = tpu.memref_squeeze %dma_wait3A_70 : memref<1x40x128xf32, #tpu.memory_space<hbm>> -> memref<40x128xf32, #tpu.memory_space<hbm>>
    %dma_wait3A_72 = arith.constant 0 : i32
    %dma_wait3A_73 = arith.constant 0 : i32
    %dma_wait3A_74 = tpu.memref_slice %arg4[%add3A_68, %dma_wait3A_72, %dma_wait3A_73] : memref<8000x40x128xf32, #tpu.memory_space<hbm>> -> memref<1x40x128xf32, #tpu.memory_space<hbm>>
    %dma_wait3A_75 = tpu.memref_squeeze %dma_wait3A_74 : memref<1x40x128xf32, #tpu.memory_space<hbm>> -> memref<40x128xf32, #tpu.memory_space<hbm>>
    tpu.wait_dma2 semaphore(%arg30 : memref<!tpu.dma_semaphore, #tpu.memory_space<semaphore_mem>>) src(%dma_wait3A_75 : memref<40x128xf32, #tpu.memory_space<hbm>>) dst(%arg11 : memref<40x128xf32, #tpu.memory_space<vmem>>)
    %dma_wait3A_76 = arith.constant 0 : i32
    %dma_wait3A_77 = arith.constant 0 : i32
    %dma_wait3A_78 = tpu.memref_slice %arg5[%dma_wait3A_76, %dma_wait3A_77] : memref<10000x128xf32, #tpu.memory_space<hbm>> -> memref<10000x128xf32, #tpu.memory_space<hbm>>
    tpu.wait_indirect_dma semaphore(%arg27 : memref<!tpu.dma_semaphore, #tpu.memory_space<semaphore_mem>>) src(%dma_wait3A_78 : memref<10000x128xf32, #tpu.memory_space<hbm>>) dst(%arg8 : memref<40x128xf32, #tpu.memory_space<vmem>>)
    %add3A_79 = arith.constant 3 : i32
    %add3A_80 = arith.addi %mul3A_4, %add3A_79 : i32
    %mul3A_81 = arith.constant 40 : i32
    %mul3A_82 = arith.muli %add3A_80, %mul3A_81 : i32
    %dma_start3A_83 = tpu.memref_slice %arg2[%mul3A_82] : memref<320000xi32, #tpu.memory_space<hbm>> -> memref<40xi32, #tpu.memory_space<hbm>>
    %dma_start3A_84 = tpu.memref_slice %arg2[%mul3A_82] : memref<320000xi32, #tpu.memory_space<hbm>> -> memref<40xi32, #tpu.memory_space<hbm>>
    tpu.enqueue_dma source(%dma_start3A_84 : memref<40xi32, #tpu.memory_space<hbm>>) target(%arg17 : memref<40xi32, #tpu.memory_space<vmem>>) target_semaphore(%arg36 : memref<!tpu.dma_semaphore, #tpu.memory_space<semaphore_mem>>)
    %add3A_85 = arith.constant 3 : i32
    %add3A_86 = arith.addi %mul3A_4, %add3A_85 : i32
    %mul3A_87 = arith.constant 40 : i32
    %mul3A_88 = arith.muli %add3A_86, %mul3A_87 : i32
    %dma_start3A_89 = tpu.memref_slice %arg3[%mul3A_88] : memref<320000xi32, #tpu.memory_space<hbm>> -> memref<40xi32, #tpu.memory_space<hbm>>
    %dma_start3A_90 = tpu.memref_slice %arg3[%mul3A_88] : memref<320000xi32, #tpu.memory_space<hbm>> -> memref<40xi32, #tpu.memory_space<hbm>>
    tpu.enqueue_dma source(%dma_start3A_90 : memref<40xi32, #tpu.memory_space<hbm>>) target(%arg23 : memref<40xi32, #tpu.memory_space<vmem>>) target_semaphore(%arg42 : memref<!tpu.dma_semaphore, #tpu.memory_space<semaphore_mem>>)
    %scan3A = arith.constant 0 : i32
    %scan3A_91 = arith.constant 0 : i32
    %scan3A_92 = arith.constant 40 : i32
    %scan3A_93 = arith.addi %scan3A_91, %scan3A_92 : i32
    %scan3A_94 = arith.constant 1 : i32
    scf.for %scan3A_557 = %scan3A_91 to %scan3A_93 step %scan3A_94  : i32 {
      %get3A = arith.index_cast %scan3A_557 : i32 to index
      %get3A_558 = arith.constant 0 : index
      %get3A_559 = tpu.vector_load %arg8[%get3A, %get3A_558] {strides = array<i32>} : memref<40x128xf32, #tpu.memory_space<vmem>>, vector<1x16xf32>,
      %get3A_560 = vector.shape_cast %get3A_559 : vector<1x16xf32> to vector<16xf32>
      %get3A_561 = arith.index_cast %scan3A_557 : i32 to index
      %get3A_562 = arith.constant 0 : index
      %get3A_563 = tpu.vector_load %arg11[%get3A_561, %get3A_562] {strides = array<i32>} : memref<40x128xf32, #tpu.memory_space<vmem>>, vector<1x16xf32>,
      %get3A_564 = vector.shape_cast %get3A_563 : vector<1x16xf32> to vector<16xf32>
      %add3A_565 = arith.addf %get3A_560, %get3A_564 : vector<16xf32>
      %max3A = arith.constant 0.000000e+00 : f32
      %max3A_566 = vector.broadcast %max3A : f32 to vector<16xf32>
      %max3A_567 = arith.maximumf %add3A_565, %max3A_566 : vector<16xf32>
      %swap3A = arith.index_cast %scan3A_557 : i32 to index
      %swap3A_568 = arith.constant 0 : index
      %swap3A_569 = tpu.vector_load %arg14[%swap3A, %swap3A_568] {strides = array<i32>} : memref<40x128xf32, #tpu.memory_space<vmem>>, vector<1x16xf32>,
      %swap3A_570 = vector.shape_cast %swap3A_569 : vector<1x16xf32> to vector<16xf32>
      %swap3A_571 = vector.shape_cast %max3A_567 : vector<16xf32> to vector<1x16xf32>
      tpu.vector_store %arg14[%swap3A, %swap3A_568], %swap3A_571 {strides = array<i32>} : memref<40x128xf32, #tpu.memory_space<vmem>>, vector<1x16xf32>,
      %get3A_572 = arith.index_cast %scan3A_557 : i32 to index
      %get3A_573 = arith.constant 16 : index
      %get3A_574 = tpu.vector_load %arg8[%get3A_572, %get3A_573] {strides = array<i32>} : memref<40x128xf32, #tpu.memory_space<vmem>>, vector<1x16xf32>,
      %get3A_575 = vector.shape_cast %get3A_574 : vector<1x16xf32> to vector<16xf32>
      %get3A_576 = arith.index_cast %scan3A_557 : i32 to index
      %get3A_577 = arith.constant 16 : index
      %get3A_578 = tpu.vector_load %arg11[%get3A_576, %get3A_577] {strides = array<i32>} : memref<40x128xf32, #tpu.memory_space<vmem>>, vector<1x16xf32>,
      %get3A_579 = vector.shape_cast %get3A_578 : vector<1x16xf32> to vector<16xf32>
      %add3A_580 = arith.addf %get3A_575, %get3A_579 : vector<16xf32>
      %max3A_581 = arith.constant 0.000000e+00 : f32
      %max3A_582 = vector.broadcast %max3A_581 : f32 to vector<16xf32>
      %max3A_583 = arith.maximumf %add3A_580, %max3A_582 : vector<16xf32>
      %swap3A_584 = arith.index_cast %scan3A_557 : i32 to index
      %swap3A_585 = arith.constant 16 : index
      %swap3A_586 = tpu.vector_load %arg14[%swap3A_584, %swap3A_585] {strides = array<i32>} : memref<40x128xf32, #tpu.memory_space<vmem>>, vector<1x16xf32>,
      %swap3A_587 = vector.shape_cast %swap3A_586 : vector<1x16xf32> to vector<16xf32>
      %swap3A_588 = vector.shape_cast %max3A_583 : vector<16xf32> to vector<1x16xf32>
      tpu.vector_store %arg14[%swap3A_584, %swap3A_585], %swap3A_588 {strides = array<i32>} : memref<40x128xf32, #tpu.memory_space<vmem>>, vector<1x16xf32>,
      %get3A_589 = arith.index_cast %scan3A_557 : i32 to index
      %get3A_590 = arith.constant 32 : index
      %get3A_591 = tpu.vector_load %arg8[%get3A_589, %get3A_590] {strides = array<i32>} : memref<40x128xf32, #tpu.memory_space<vmem>>, vector<1x16xf32>,
      %get3A_592 = vector.shape_cast %get3A_591 : vector<1x16xf32> to vector<16xf32>
      %get3A_593 = arith.index_cast %scan3A_557 : i32 to index
      %get3A_594 = arith.constant 32 : index
      %get3A_595 = tpu.vector_load %arg11[%get3A_593, %get3A_594] {strides = array<i32>} : memref<40x128xf32, #tpu.memory_space<vmem>>, vector<1x16xf32>,
      %get3A_596 = vector.shape_cast %get3A_595 : vector<1x16xf32> to vector<16xf32>
      %add3A_597 = arith.addf %get3A_592, %get3A_596 : vector<16xf32>
      %max3A_598 = arith.constant 0.000000e+00 : f32
      %max3A_599 = vector.broadcast %max3A_598 : f32 to vector<16xf32>
      %max3A_600 = arith.maximumf %add3A_597, %max3A_599 : vector<16xf32>
      %swap3A_601 = arith.index_cast %scan3A_557 : i32 to index
      %swap3A_602 = arith.constant 32 : index
      %swap3A_603 = tpu.vector_load %arg14[%swap3A_601, %swap3A_602] {strides = array<i32>} : memref<40x128xf32, #tpu.memory_space<vmem>>, vector<1x16xf32>,
      %swap3A_604 = vector.shape_cast %swap3A_603 : vector<1x16xf32> to vector<16xf32>
      %swap3A_605 = vector.shape_cast %max3A_600 : vector<16xf32> to vector<1x16xf32>
      tpu.vector_store %arg14[%swap3A_601, %swap3A_602], %swap3A_605 {strides = array<i32>} : memref<40x128xf32, #tpu.memory_space<vmem>>, vector<1x16xf32>,
      %get3A_606 = arith.index_cast %scan3A_557 : i32 to index
      %get3A_607 = arith.constant 48 : index
      %get3A_608 = tpu.vector_load %arg8[%get3A_606, %get3A_607] {strides = array<i32>} : memref<40x128xf32, #tpu.memory_space<vmem>>, vector<1x16xf32>,
      %get3A_609 = vector.shape_cast %get3A_608 : vector<1x16xf32> to vector<16xf32>
      %get3A_610 = arith.index_cast %scan3A_557 : i32 to index
      %get3A_611 = arith.constant 48 : index
      %get3A_612 = tpu.vector_load %arg11[%get3A_610, %get3A_611] {strides = array<i32>} : memref<40x128xf32, #tpu.memory_space<vmem>>, vector<1x16xf32>,
      %get3A_613 = vector.shape_cast %get3A_612 : vector<1x16xf32> to vector<16xf32>
      %add3A_614 = arith.addf %get3A_609, %get3A_613 : vector<16xf32>
      %max3A_615 = arith.constant 0.000000e+00 : f32
      %max3A_616 = vector.broadcast %max3A_615 : f32 to vector<16xf32>
      %max3A_617 = arith.maximumf %add3A_614, %max3A_616 : vector<16xf32>
      %swap3A_618 = arith.index_cast %scan3A_557 : i32 to index
      %swap3A_619 = arith.constant 48 : index
      %swap3A_620 = tpu.vector_load %arg14[%swap3A_618, %swap3A_619] {strides = array<i32>} : memref<40x128xf32, #tpu.memory_space<vmem>>, vector<1x16xf32>,
      %swap3A_621 = vector.shape_cast %swap3A_620 : vector<1x16xf32> to vector<16xf32>
      %swap3A_622 = vector.shape_cast %max3A_617 : vector<16xf32> to vector<1x16xf32>
      tpu.vector_store %arg14[%swap3A_618, %swap3A_619], %swap3A_622 {strides = array<i32>} : memref<40x128xf32, #tpu.memory_space<vmem>>, vector<1x16xf32>,
      %get3A_623 = arith.index_cast %scan3A_557 : i32 to index
      %get3A_624 = arith.constant 64 : index
      %get3A_625 = tpu.vector_load %arg8[%get3A_623, %get3A_624] {strides = array<i32>} : memref<40x128xf32, #tpu.memory_space<vmem>>, vector<1x16xf32>,
      %get3A_626 = vector.shape_cast %get3A_625 : vector<1x16xf32> to vector<16xf32>
      %get3A_627 = arith.index_cast %scan3A_557 : i32 to index
      %get3A_628 = arith.constant 64 : index
      %get3A_629 = tpu.vector_load %arg11[%get3A_627, %get3A_628] {strides = array<i32>} : memref<40x128xf32, #tpu.memory_space<vmem>>, vector<1x16xf32>,
      %get3A_630 = vector.shape_cast %get3A_629 : vector<1x16xf32> to vector<16xf32>
      %add3A_631 = arith.addf %get3A_626, %get3A_630 : vector<16xf32>
      %max3A_632 = arith.constant 0.000000e+00 : f32
      %max3A_633 = vector.broadcast %max3A_632 : f32 to vector<16xf32>
      %max3A_634 = arith.maximumf %add3A_631, %max3A_633 : vector<16xf32>
      %swap3A_635 = arith.index_cast %scan3A_557 : i32 to index
      %swap3A_636 = arith.constant 64 : index
      %swap3A_637 = tpu.vector_load %arg14[%swap3A_635, %swap3A_636] {strides = array<i32>} : memref<40x128xf32, #tpu.memory_space<vmem>>, vector<1x16xf32>,
      %swap3A_638 = vector.shape_cast %swap3A_637 : vector<1x16xf32> to vector<16xf32>
      %swap3A_639 = vector.shape_cast %max3A_634 : vector<16xf32> to vector<1x16xf32>
      tpu.vector_store %arg14[%swap3A_635, %swap3A_636], %swap3A_639 {strides = array<i32>} : memref<40x128xf32, #tpu.memory_space<vmem>>, vector<1x16xf32>,
      %get3A_640 = arith.index_cast %scan3A_557 : i32 to index
      %get3A_641 = arith.constant 80 : index
      %get3A_642 = tpu.vector_load %arg8[%get3A_640, %get3A_641] {strides = array<i32>} : memref<40x128xf32, #tpu.memory_space<vmem>>, vector<1x16xf32>,
      %get3A_643 = vector.shape_cast %get3A_642 : vector<1x16xf32> to vector<16xf32>
      %get3A_644 = arith.index_cast %scan3A_557 : i32 to index
      %get3A_645 = arith.constant 80 : index
      %get3A_646 = tpu.vector_load %arg11[%get3A_644, %get3A_645] {strides = array<i32>} : memref<40x128xf32, #tpu.memory_space<vmem>>, vector<1x16xf32>,
      %get3A_647 = vector.shape_cast %get3A_646 : vector<1x16xf32> to vector<16xf32>
      %add3A_648 = arith.addf %get3A_643, %get3A_647 : vector<16xf32>
      %max3A_649 = arith.constant 0.000000e+00 : f32
      %max3A_650 = vector.broadcast %max3A_649 : f32 to vector<16xf32>
      %max3A_651 = arith.maximumf %add3A_648, %max3A_650 : vector<16xf32>
      %swap3A_652 = arith.index_cast %scan3A_557 : i32 to index
      %swap3A_653 = arith.constant 80 : index
      %swap3A_654 = tpu.vector_load %arg14[%swap3A_652, %swap3A_653] {strides = array<i32>} : memref<40x128xf32, #tpu.memory_space<vmem>>, vector<1x16xf32>,
      %swap3A_655 = vector.shape_cast %swap3A_654 : vector<1x16xf32> to vector<16xf32>
      %swap3A_656 = vector.shape_cast %max3A_651 : vector<16xf32> to vector<1x16xf32>
      tpu.vector_store %arg14[%swap3A_652, %swap3A_653], %swap3A_656 {strides = array<i32>} : memref<40x128xf32, #tpu.memory_space<vmem>>, vector<1x16xf32>,
      %get3A_657 = arith.index_cast %scan3A_557 : i32 to index
      %get3A_658 = arith.constant 96 : index
      %get3A_659 = tpu.vector_load %arg8[%get3A_657, %get3A_658] {strides = array<i32>} : memref<40x128xf32, #tpu.memory_space<vmem>>, vector<1x16xf32>,
      %get3A_660 = vector.shape_cast %get3A_659 : vector<1x16xf32> to vector<16xf32>
      %get3A_661 = arith.index_cast %scan3A_557 : i32 to index
      %get3A_662 = arith.constant 96 : index
      %get3A_663 = tpu.vector_load %arg11[%get3A_661, %get3A_662] {strides = array<i32>} : memref<40x128xf32, #tpu.memory_space<vmem>>, vector<1x16xf32>,
      %get3A_664 = vector.shape_cast %get3A_663 : vector<1x16xf32> to vector<16xf32>
      %add3A_665 = arith.addf %get3A_660, %get3A_664 : vector<16xf32>
      %max3A_666 = arith.constant 0.000000e+00 : f32
      %max3A_667 = vector.broadcast %max3A_666 : f32 to vector<16xf32>
      %max3A_668 = arith.maximumf %add3A_665, %max3A_667 : vector<16xf32>
      %swap3A_669 = arith.index_cast %scan3A_557 : i32 to index
      %swap3A_670 = arith.constant 96 : index
      %swap3A_671 = tpu.vector_load %arg14[%swap3A_669, %swap3A_670] {strides = array<i32>} : memref<40x128xf32, #tpu.memory_space<vmem>>, vector<1x16xf32>,
      %swap3A_672 = vector.shape_cast %swap3A_671 : vector<1x16xf32> to vector<16xf32>
      %swap3A_673 = vector.shape_cast %max3A_668 : vector<16xf32> to vector<1x16xf32>
      tpu.vector_store %arg14[%swap3A_669, %swap3A_670], %swap3A_673 {strides = array<i32>} : memref<40x128xf32, #tpu.memory_space<vmem>>, vector<1x16xf32>,
      %get3A_674 = arith.index_cast %scan3A_557 : i32 to index
      %get3A_675 = arith.constant 112 : index
      %get3A_676 = tpu.vector_load %arg8[%get3A_674, %get3A_675] {strides = array<i32>} : memref<40x128xf32, #tpu.memory_space<vmem>>, vector<1x16xf32>,
      %get3A_677 = vector.shape_cast %get3A_676 : vector<1x16xf32> to vector<16xf32>
      %get3A_678 = arith.index_cast %scan3A_557 : i32 to index
      %get3A_679 = arith.constant 112 : index
      %get3A_680 = tpu.vector_load %arg11[%get3A_678, %get3A_679] {strides = array<i32>} : memref<40x128xf32, #tpu.memory_space<vmem>>, vector<1x16xf32>,
      %get3A_681 = vector.shape_cast %get3A_680 : vector<1x16xf32> to vector<16xf32>
      %add3A_682 = arith.addf %get3A_677, %get3A_681 : vector<16xf32>
      %max3A_683 = arith.constant 0.000000e+00 : f32
      %max3A_684 = vector.broadcast %max3A_683 : f32 to vector<16xf32>
      %max3A_685 = arith.maximumf %add3A_682, %max3A_684 : vector<16xf32>
      %swap3A_686 = arith.index_cast %scan3A_557 : i32 to index
      %swap3A_687 = arith.constant 112 : index
      %swap3A_688 = tpu.vector_load %arg14[%swap3A_686, %swap3A_687] {strides = array<i32>} : memref<40x128xf32, #tpu.memory_space<vmem>>, vector<1x16xf32>,
      %swap3A_689 = vector.shape_cast %swap3A_688 : vector<1x16xf32> to vector<16xf32>
      %swap3A_690 = vector.shape_cast %max3A_685 : vector<16xf32> to vector<1x16xf32>
      tpu.vector_store %arg14[%swap3A_686, %swap3A_687], %swap3A_690 {strides = array<i32>} : memref<40x128xf32, #tpu.memory_space<vmem>>, vector<1x16xf32>,
    }
    %scan3A_95 = arith.constant 40 : i32
    %dma_start3A_96 = arith.constant 0 : i32
    %dma_start3A_97 = arith.constant 0 : i32
    %dma_start3A_98 = tpu.memref_slice %arg26[%dma_start3A_96, %dma_start3A_97] : memref<10112x128xf32, #tpu.memory_space<vmem_shared>> -> memref<10112x128xf32, #tpu.memory_space<vmem_shared>>
    tpu.enqueue_indirect_dma source(%arg14 : memref<40x128xf32, #tpu.memory_space<vmem>>) target(%dma_start3A_98 : memref<10112x128xf32, #tpu.memory_space<vmem_shared>>) offsets(%arg20 : memref<40xi32, #tpu.memory_space<vmem>>) semaphore(%arg33 : memref<!tpu.dma_semaphore, #tpu.memory_space<semaphore_mem>>) {add = true}
    %mul3A_99 = arith.constant 40 : i32
    %mul3A_100 = arith.muli %mul3A_4, %mul3A_99 : i32
    %dma_wait3A_101 = tpu.memref_slice %arg2[%mul3A_100] : memref<320000xi32, #tpu.memory_space<hbm>> -> memref<40xi32, #tpu.memory_space<hbm>>
    %dma_wait3A_102 = tpu.memref_slice %arg2[%mul3A_100] : memref<320000xi32, #tpu.memory_space<hbm>> -> memref<40xi32, #tpu.memory_space<hbm>>
    tpu.wait_dma2 semaphore(%arg36 : memref<!tpu.dma_semaphore, #tpu.memory_space<semaphore_mem>>) src(%dma_wait3A_102 : memref<40xi32, #tpu.memory_space<hbm>>) dst(%arg17 : memref<40xi32, #tpu.memory_space<vmem>>)
    %add3A_103 = arith.constant 3 : i32
    %add3A_104 = arith.addi %mul3A_4, %add3A_103 : i32
    %dma_start3A_105 = arith.constant 0 : i32
    %dma_start3A_106 = arith.constant 0 : i32
    %dma_start3A_107 = tpu.memref_slice %arg4[%add3A_104, %dma_start3A_105, %dma_start3A_106] : memref<8000x40x128xf32, #tpu.memory_space<hbm>> -> memref<1x40x128xf32, #tpu.memory_space<hbm>>
    %dma_start3A_108 = tpu.memref_squeeze %dma_start3A_107 : memref<1x40x128xf32, #tpu.memory_space<hbm>> -> memref<40x128xf32, #tpu.memory_space<hbm>>
    %dma_start3A_109 = arith.constant 0 : i32
    %dma_start3A_110 = arith.constant 0 : i32
    %dma_start3A_111 = tpu.memref_slice %arg4[%add3A_104, %dma_start3A_109, %dma_start3A_110] : memref<8000x40x128xf32, #tpu.memory_space<hbm>> -> memref<1x40x128xf32, #tpu.memory_space<hbm>>
    %dma_start3A_112 = tpu.memref_squeeze %dma_start3A_111 : memref<1x40x128xf32, #tpu.memory_space<hbm>> -> memref<40x128xf32, #tpu.memory_space<hbm>>
    tpu.enqueue_dma source(%dma_start3A_112 : memref<40x128xf32, #tpu.memory_space<hbm>>) target(%arg11 : memref<40x128xf32, #tpu.memory_space<vmem>>) target_semaphore(%arg30 : memref<!tpu.dma_semaphore, #tpu.memory_space<semaphore_mem>>)
    %dma_start3A_113 = arith.constant 0 : i32
    %dma_start3A_114 = arith.constant 0 : i32
    %dma_start3A_115 = tpu.memref_slice %arg5[%dma_start3A_113, %dma_start3A_114] : memref<10000x128xf32, #tpu.memory_space<hbm>> -> memref<10000x128xf32, #tpu.memory_space<hbm>>
    tpu.enqueue_indirect_dma source(%dma_start3A_115 : memref<10000x128xf32, #tpu.memory_space<hbm>>) target(%arg8 : memref<40x128xf32, #tpu.memory_space<vmem>>) offsets(%arg17 : memref<40xi32, #tpu.memory_space<vmem>>) semaphore(%arg27 : memref<!tpu.dma_semaphore, #tpu.memory_space<semaphore_mem>>)
    %add3A_116 = arith.constant 1 : i32
    %add3A_117 = arith.addi %mul3A_4, %add3A_116 : i32
    %dma_wait3A_118 = arith.constant 0 : i32
    %dma_wait3A_119 = arith.constant 0 : i32
    %dma_wait3A_120 = tpu.memref_slice %arg4[%add3A_117, %dma_wait3A_118, %dma_wait3A_119] : memref<8000x40x128xf32, #tpu.memory_space<hbm>> -> memref<1x40x128xf32, #tpu.memory_space<hbm>>
    %dma_wait3A_121 = tpu.memref_squeeze %dma_wait3A_120 : memref<1x40x128xf32, #tpu.memory_space<hbm>> -> memref<40x128xf32, #tpu.memory_space<hbm>>
    %dma_wait3A_122 = arith.constant 0 : i32
    %dma_wait3A_123 = arith.constant 0 : i32
    %dma_wait3A_124 = tpu.memref_slice %arg4[%add3A_117, %dma_wait3A_122, %dma_wait3A_123] : memref<8000x40x128xf32, #tpu.memory_space<hbm>> -> memref<1x40x128xf32, #tpu.memory_space<hbm>>
    %dma_wait3A_125 = tpu.memref_squeeze %dma_wait3A_124 : memref<1x40x128xf32, #tpu.memory_space<hbm>> -> memref<40x128xf32, #tpu.memory_space<hbm>>
    tpu.wait_dma2 semaphore(%arg31 : memref<!tpu.dma_semaphore, #tpu.memory_space<semaphore_mem>>) src(%dma_wait3A_125 : memref<40x128xf32, #tpu.memory_space<hbm>>) dst(%arg12 : memref<40x128xf32, #tpu.memory_space<vmem>>)
    %dma_wait3A_126 = arith.constant 0 : i32
    %dma_wait3A_127 = arith.constant 0 : i32
    %dma_wait3A_128 = tpu.memref_slice %arg5[%dma_wait3A_126, %dma_wait3A_127] : memref<10000x128xf32, #tpu.memory_space<hbm>> -> memref<10000x128xf32, #tpu.memory_space<hbm>>
    tpu.wait_indirect_dma semaphore(%arg28 : memref<!tpu.dma_semaphore, #tpu.memory_space<semaphore_mem>>) src(%dma_wait3A_128 : memref<10000x128xf32, #tpu.memory_space<hbm>>) dst(%arg9 : memref<40x128xf32, #tpu.memory_space<vmem>>)
    %add3A_129 = arith.constant 4 : i32
    %add3A_130 = arith.addi %mul3A_4, %add3A_129 : i32
    %mul3A_131 = arith.constant 40 : i32
    %mul3A_132 = arith.muli %add3A_130, %mul3A_131 : i32
    %dma_start3A_133 = tpu.memref_slice %arg2[%mul3A_132] : memref<320000xi32, #tpu.memory_space<hbm>> -> memref<40xi32, #tpu.memory_space<hbm>>
    %dma_start3A_134 = tpu.memref_slice %arg2[%mul3A_132] : memref<320000xi32, #tpu.memory_space<hbm>> -> memref<40xi32, #tpu.memory_space<hbm>>
    tpu.enqueue_dma source(%dma_start3A_134 : memref<40xi32, #tpu.memory_space<hbm>>) target(%arg18 : memref<40xi32, #tpu.memory_space<vmem>>) target_semaphore(%arg37 : memref<!tpu.dma_semaphore, #tpu.memory_space<semaphore_mem>>)
    %add3A_135 = arith.constant 4 : i32
    %add3A_136 = arith.addi %mul3A_4, %add3A_135 : i32
    %mul3A_137 = arith.constant 40 : i32
    %mul3A_138 = arith.muli %add3A_136, %mul3A_137 : i32
    %dma_start3A_139 = tpu.memref_slice %arg3[%mul3A_138] : memref<320000xi32, #tpu.memory_space<hbm>> -> memref<40xi32, #tpu.memory_space<hbm>>
    %dma_start3A_140 = tpu.memref_slice %arg3[%mul3A_138] : memref<320000xi32, #tpu.memory_space<hbm>> -> memref<40xi32, #tpu.memory_space<hbm>>
    tpu.enqueue_dma source(%dma_start3A_140 : memref<40xi32, #tpu.memory_space<hbm>>) target(%arg24 : memref<40xi32, #tpu.memory_space<vmem>>) target_semaphore(%arg43 : memref<!tpu.dma_semaphore, #tpu.memory_space<semaphore_mem>>)
    %scan3A_141 = arith.constant 0 : i32
    %scan3A_142 = arith.constant 0 : i32
    %scan3A_143 = arith.constant 40 : i32
    %scan3A_144 = arith.addi %scan3A_142, %scan3A_143 : i32
    %scan3A_145 = arith.constant 1 : i32
    scf.for %scan3A_557 = %scan3A_142 to %scan3A_144 step %scan3A_145  : i32 {
      %get3A = arith.index_cast %scan3A_557 : i32 to index
      %get3A_558 = arith.constant 0 : index
      %get3A_559 = tpu.vector_load %arg9[%get3A, %get3A_558] {strides = array<i32>} : memref<40x128xf32, #tpu.memory_space<vmem>>, vector<1x16xf32>,
      %get3A_560 = vector.shape_cast %get3A_559 : vector<1x16xf32> to vector<16xf32>
      %get3A_561 = arith.index_cast %scan3A_557 : i32 to index
      %get3A_562 = arith.constant 0 : index
      %get3A_563 = tpu.vector_load %arg12[%get3A_561, %get3A_562] {strides = array<i32>} : memref<40x128xf32, #tpu.memory_space<vmem>>, vector<1x16xf32>,
      %get3A_564 = vector.shape_cast %get3A_563 : vector<1x16xf32> to vector<16xf32>
      %add3A_565 = arith.addf %get3A_560, %get3A_564 : vector<16xf32>
      %max3A = arith.constant 0.000000e+00 : f32
      %max3A_566 = vector.broadcast %max3A : f32 to vector<16xf32>
      %max3A_567 = arith.maximumf %add3A_565, %max3A_566 : vector<16xf32>
      %swap3A = arith.index_cast %scan3A_557 : i32 to index
      %swap3A_568 = arith.constant 0 : index
      %swap3A_569 = tpu.vector_load %arg15[%swap3A, %swap3A_568] {strides = array<i32>} : memref<40x128xf32, #tpu.memory_space<vmem>>, vector<1x16xf32>,
      %swap3A_570 = vector.shape_cast %swap3A_569 : vector<1x16xf32> to vector<16xf32>
      %swap3A_571 = vector.shape_cast %max3A_567 : vector<16xf32> to vector<1x16xf32>
      tpu.vector_store %arg15[%swap3A, %swap3A_568], %swap3A_571 {strides = array<i32>} : memref<40x128xf32, #tpu.memory_space<vmem>>, vector<1x16xf32>,
      %get3A_572 = arith.index_cast %scan3A_557 : i32 to index
      %get3A_573 = arith.constant 16 : index
      %get3A_574 = tpu.vector_load %arg9[%get3A_572, %get3A_573] {strides = array<i32>} : memref<40x128xf32, #tpu.memory_space<vmem>>, vector<1x16xf32>,
      %get3A_575 = vector.shape_cast %get3A_574 : vector<1x16xf32> to vector<16xf32>
      %get3A_576 = arith.index_cast %scan3A_557 : i32 to index
      %get3A_577 = arith.constant 16 : index
      %get3A_578 = tpu.vector_load %arg12[%get3A_576, %get3A_577] {strides = array<i32>} : memref<40x128xf32, #tpu.memory_space<vmem>>, vector<1x16xf32>,
      %get3A_579 = vector.shape_cast %get3A_578 : vector<1x16xf32> to vector<16xf32>
      %add3A_580 = arith.addf %get3A_575, %get3A_579 : vector<16xf32>
      %max3A_581 = arith.constant 0.000000e+00 : f32
      %max3A_582 = vector.broadcast %max3A_581 : f32 to vector<16xf32>
      %max3A_583 = arith.maximumf %add3A_580, %max3A_582 : vector<16xf32>
      %swap3A_584 = arith.index_cast %scan3A_557 : i32 to index
      %swap3A_585 = arith.constant 16 : index
      %swap3A_586 = tpu.vector_load %arg15[%swap3A_584, %swap3A_585] {strides = array<i32>} : memref<40x128xf32, #tpu.memory_space<vmem>>, vector<1x16xf32>,
      %swap3A_587 = vector.shape_cast %swap3A_586 : vector<1x16xf32> to vector<16xf32>
      %swap3A_588 = vector.shape_cast %max3A_583 : vector<16xf32> to vector<1x16xf32>
      tpu.vector_store %arg15[%swap3A_584, %swap3A_585], %swap3A_588 {strides = array<i32>} : memref<40x128xf32, #tpu.memory_space<vmem>>, vector<1x16xf32>,
      %get3A_589 = arith.index_cast %scan3A_557 : i32 to index
      %get3A_590 = arith.constant 32 : index
      %get3A_591 = tpu.vector_load %arg9[%get3A_589, %get3A_590] {strides = array<i32>} : memref<40x128xf32, #tpu.memory_space<vmem>>, vector<1x16xf32>,
      %get3A_592 = vector.shape_cast %get3A_591 : vector<1x16xf32> to vector<16xf32>
      %get3A_593 = arith.index_cast %scan3A_557 : i32 to index
      %get3A_594 = arith.constant 32 : index
      %get3A_595 = tpu.vector_load %arg12[%get3A_593, %get3A_594] {strides = array<i32>} : memref<40x128xf32, #tpu.memory_space<vmem>>, vector<1x16xf32>,
      %get3A_596 = vector.shape_cast %get3A_595 : vector<1x16xf32> to vector<16xf32>
      %add3A_597 = arith.addf %get3A_592, %get3A_596 : vector<16xf32>
      %max3A_598 = arith.constant 0.000000e+00 : f32
      %max3A_599 = vector.broadcast %max3A_598 : f32 to vector<16xf32>
      %max3A_600 = arith.maximumf %add3A_597, %max3A_599 : vector<16xf32>
      %swap3A_601 = arith.index_cast %scan3A_557 : i32 to index
      %swap3A_602 = arith.constant 32 : index
      %swap3A_603 = tpu.vector_load %arg15[%swap3A_601, %swap3A_602] {strides = array<i32>} : memref<40x128xf32, #tpu.memory_space<vmem>>, vector<1x16xf32>,
      %swap3A_604 = vector.shape_cast %swap3A_603 : vector<1x16xf32> to vector<16xf32>
      %swap3A_605 = vector.shape_cast %max3A_600 : vector<16xf32> to vector<1x16xf32>
      tpu.vector_store %arg15[%swap3A_601, %swap3A_602], %swap3A_605 {strides = array<i32>} : memref<40x128xf32, #tpu.memory_space<vmem>>, vector<1x16xf32>,
      %get3A_606 = arith.index_cast %scan3A_557 : i32 to index
      %get3A_607 = arith.constant 48 : index
      %get3A_608 = tpu.vector_load %arg9[%get3A_606, %get3A_607] {strides = array<i32>} : memref<40x128xf32, #tpu.memory_space<vmem>>, vector<1x16xf32>,
      %get3A_609 = vector.shape_cast %get3A_608 : vector<1x16xf32> to vector<16xf32>
      %get3A_610 = arith.index_cast %scan3A_557 : i32 to index
      %get3A_611 = arith.constant 48 : index
      %get3A_612 = tpu.vector_load %arg12[%get3A_610, %get3A_611] {strides = array<i32>} : memref<40x128xf32, #tpu.memory_space<vmem>>, vector<1x16xf32>,
      %get3A_613 = vector.shape_cast %get3A_612 : vector<1x16xf32> to vector<16xf32>
      %add3A_614 = arith.addf %get3A_609, %get3A_613 : vector<16xf32>
      %max3A_615 = arith.constant 0.000000e+00 : f32
      %max3A_616 = vector.broadcast %max3A_615 : f32 to vector<16xf32>
      %max3A_617 = arith.maximumf %add3A_614, %max3A_616 : vector<16xf32>
      %swap3A_618 = arith.index_cast %scan3A_557 : i32 to index
      %swap3A_619 = arith.constant 48 : index
      %swap3A_620 = tpu.vector_load %arg15[%swap3A_618, %swap3A_619] {strides = array<i32>} : memref<40x128xf32, #tpu.memory_space<vmem>>, vector<1x16xf32>,
      %swap3A_621 = vector.shape_cast %swap3A_620 : vector<1x16xf32> to vector<16xf32>
      %swap3A_622 = vector.shape_cast %max3A_617 : vector<16xf32> to vector<1x16xf32>
      tpu.vector_store %arg15[%swap3A_618, %swap3A_619], %swap3A_622 {strides = array<i32>} : memref<40x128xf32, #tpu.memory_space<vmem>>, vector<1x16xf32>,
      %get3A_623 = arith.index_cast %scan3A_557 : i32 to index
      %get3A_624 = arith.constant 64 : index
      %get3A_625 = tpu.vector_load %arg9[%get3A_623, %get3A_624] {strides = array<i32>} : memref<40x128xf32, #tpu.memory_space<vmem>>, vector<1x16xf32>,
      %get3A_626 = vector.shape_cast %get3A_625 : vector<1x16xf32> to vector<16xf32>
      %get3A_627 = arith.index_cast %scan3A_557 : i32 to index
      %get3A_628 = arith.constant 64 : index
      %get3A_629 = tpu.vector_load %arg12[%get3A_627, %get3A_628] {strides = array<i32>} : memref<40x128xf32, #tpu.memory_space<vmem>>, vector<1x16xf32>,
      %get3A_630 = vector.shape_cast %get3A_629 : vector<1x16xf32> to vector<16xf32>
      %add3A_631 = arith.addf %get3A_626, %get3A_630 : vector<16xf32>
      %max3A_632 = arith.constant 0.000000e+00 : f32
      %max3A_633 = vector.broadcast %max3A_632 : f32 to vector<16xf32>
      %max3A_634 = arith.maximumf %add3A_631, %max3A_633 : vector<16xf32>
      %swap3A_635 = arith.index_cast %scan3A_557 : i32 to index
      %swap3A_636 = arith.constant 64 : index
      %swap3A_637 = tpu.vector_load %arg15[%swap3A_635, %swap3A_636] {strides = array<i32>} : memref<40x128xf32, #tpu.memory_space<vmem>>, vector<1x16xf32>,
      %swap3A_638 = vector.shape_cast %swap3A_637 : vector<1x16xf32> to vector<16xf32>
      %swap3A_639 = vector.shape_cast %max3A_634 : vector<16xf32> to vector<1x16xf32>
      tpu.vector_store %arg15[%swap3A_635, %swap3A_636], %swap3A_639 {strides = array<i32>} : memref<40x128xf32, #tpu.memory_space<vmem>>, vector<1x16xf32>,
      %get3A_640 = arith.index_cast %scan3A_557 : i32 to index
      %get3A_641 = arith.constant 80 : index
      %get3A_642 = tpu.vector_load %arg9[%get3A_640, %get3A_641] {strides = array<i32>} : memref<40x128xf32, #tpu.memory_space<vmem>>, vector<1x16xf32>,
      %get3A_643 = vector.shape_cast %get3A_642 : vector<1x16xf32> to vector<16xf32>
      %get3A_644 = arith.index_cast %scan3A_557 : i32 to index
      %get3A_645 = arith.constant 80 : index
      %get3A_646 = tpu.vector_load %arg12[%get3A_644, %get3A_645] {strides = array<i32>} : memref<40x128xf32, #tpu.memory_space<vmem>>, vector<1x16xf32>,
      %get3A_647 = vector.shape_cast %get3A_646 : vector<1x16xf32> to vector<16xf32>
      %add3A_648 = arith.addf %get3A_643, %get3A_647 : vector<16xf32>
      %max3A_649 = arith.constant 0.000000e+00 : f32
      %max3A_650 = vector.broadcast %max3A_649 : f32 to vector<16xf32>
      %max3A_651 = arith.maximumf %add3A_648, %max3A_650 : vector<16xf32>
      %swap3A_652 = arith.index_cast %scan3A_557 : i32 to index
      %swap3A_653 = arith.constant 80 : index
      %swap3A_654 = tpu.vector_load %arg15[%swap3A_652, %swap3A_653] {strides = array<i32>} : memref<40x128xf32, #tpu.memory_space<vmem>>, vector<1x16xf32>,
      %swap3A_655 = vector.shape_cast %swap3A_654 : vector<1x16xf32> to vector<16xf32>
      %swap3A_656 = vector.shape_cast %max3A_651 : vector<16xf32> to vector<1x16xf32>
      tpu.vector_store %arg15[%swap3A_652, %swap3A_653], %swap3A_656 {strides = array<i32>} : memref<40x128xf32, #tpu.memory_space<vmem>>, vector<1x16xf32>,
      %get3A_657 = arith.index_cast %scan3A_557 : i32 to index
      %get3A_658 = arith.constant 96 : index
      %get3A_659 = tpu.vector_load %arg9[%get3A_657, %get3A_658] {strides = array<i32>} : memref<40x128xf32, #tpu.memory_space<vmem>>, vector<1x16xf32>,
      %get3A_660 = vector.shape_cast %get3A_659 : vector<1x16xf32> to vector<16xf32>
      %get3A_661 = arith.index_cast %scan3A_557 : i32 to index
      %get3A_662 = arith.constant 96 : index
      %get3A_663 = tpu.vector_load %arg12[%get3A_661, %get3A_662] {strides = array<i32>} : memref<40x128xf32, #tpu.memory_space<vmem>>, vector<1x16xf32>,
      %get3A_664 = vector.shape_cast %get3A_663 : vector<1x16xf32> to vector<16xf32>
      %add3A_665 = arith.addf %get3A_660, %get3A_664 : vector<16xf32>
      %max3A_666 = arith.constant 0.000000e+00 : f32
      %max3A_667 = vector.broadcast %max3A_666 : f32 to vector<16xf32>
      %max3A_668 = arith.maximumf %add3A_665, %max3A_667 : vector<16xf32>
      %swap3A_669 = arith.index_cast %scan3A_557 : i32 to index
      %swap3A_670 = arith.constant 96 : index
      %swap3A_671 = tpu.vector_load %arg15[%swap3A_669, %swap3A_670] {strides = array<i32>} : memref<40x128xf32, #tpu.memory_space<vmem>>, vector<1x16xf32>,
      %swap3A_672 = vector.shape_cast %swap3A_671 : vector<1x16xf32> to vector<16xf32>
      %swap3A_673 = vector.shape_cast %max3A_668 : vector<16xf32> to vector<1x16xf32>
      tpu.vector_store %arg15[%swap3A_669, %swap3A_670], %swap3A_673 {strides = array<i32>} : memref<40x128xf32, #tpu.memory_space<vmem>>, vector<1x16xf32>,
      %get3A_674 = arith.index_cast %scan3A_557 : i32 to index
      %get3A_675 = arith.constant 112 : index
      %get3A_676 = tpu.vector_load %arg9[%get3A_674, %get3A_675] {strides = array<i32>} : memref<40x128xf32, #tpu.memory_space<vmem>>, vector<1x16xf32>,
      %get3A_677 = vector.shape_cast %get3A_676 : vector<1x16xf32> to vector<16xf32>
      %get3A_678 = arith.index_cast %scan3A_557 : i32 to index
      %get3A_679 = arith.constant 112 : index
      %get3A_680 = tpu.vector_load %arg12[%get3A_678, %get3A_679] {strides = array<i32>} : memref<40x128xf32, #tpu.memory_space<vmem>>, vector<1x16xf32>,
      %get3A_681 = vector.shape_cast %get3A_680 : vector<1x16xf32> to vector<16xf32>
      %add3A_682 = arith.addf %get3A_677, %get3A_681 : vector<16xf32>
      %max3A_683 = arith.constant 0.000000e+00 : f32
      %max3A_684 = vector.broadcast %max3A_683 : f32 to vector<16xf32>
      %max3A_685 = arith.maximumf %add3A_682, %max3A_684 : vector<16xf32>
      %swap3A_686 = arith.index_cast %scan3A_557 : i32 to index
      %swap3A_687 = arith.constant 112 : index
      %swap3A_688 = tpu.vector_load %arg15[%swap3A_686, %swap3A_687] {strides = array<i32>} : memref<40x128xf32, #tpu.memory_space<vmem>>, vector<1x16xf32>,
      %swap3A_689 = vector.shape_cast %swap3A_688 : vector<1x16xf32> to vector<16xf32>
      %swap3A_690 = vector.shape_cast %max3A_685 : vector<16xf32> to vector<1x16xf32>
      tpu.vector_store %arg15[%swap3A_686, %swap3A_687], %swap3A_690 {strides = array<i32>} : memref<40x128xf32, #tpu.memory_space<vmem>>, vector<1x16xf32>,
    }
    %scan3A_146 = arith.constant 40 : i32
    %dma_start3A_147 = arith.constant 0 : i32
    %dma_start3A_148 = arith.constant 0 : i32
    %dma_start3A_149 = tpu.memref_slice %arg26[%dma_start3A_147, %dma_start3A_148] : memref<10112x128xf32, #tpu.memory_space<vmem_shared>> -> memref<10112x128xf32, #tpu.memory_space<vmem_shared>>
    tpu.enqueue_indirect_dma source(%arg15 : memref<40x128xf32, #tpu.memory_space<vmem>>) target(%dma_start3A_149 : memref<10112x128xf32, #tpu.memory_space<vmem_shared>>) offsets(%arg21 : memref<40xi32, #tpu.memory_space<vmem>>) semaphore(%arg34 : memref<!tpu.dma_semaphore, #tpu.memory_space<semaphore_mem>>) {add = true}
    %mul3A_150 = arith.constant 40 : i32
    %mul3A_151 = arith.muli %mul3A_4, %mul3A_150 : i32
    %dma_wait3A_152 = tpu.memref_slice %arg2[%mul3A_151] : memref<320000xi32, #tpu.memory_space<hbm>> -> memref<40xi32, #tpu.memory_space<hbm>>
    %dma_wait3A_153 = tpu.memref_slice %arg2[%mul3A_151] : memref<320000xi32, #tpu.memory_space<hbm>> -> memref<40xi32, #tpu.memory_space<hbm>>
    tpu.wait_dma2 semaphore(%arg37 : memref<!tpu.dma_semaphore, #tpu.memory_space<semaphore_mem>>) src(%dma_wait3A_153 : memref<40xi32, #tpu.memory_space<hbm>>) dst(%arg18 : memref<40xi32, #tpu.memory_space<vmem>>)
    %add3A_154 = arith.constant 4 : i32
    %add3A_155 = arith.addi %mul3A_4, %add3A_154 : i32
    %dma_start3A_156 = arith.constant 0 : i32
    %dma_start3A_157 = arith.constant 0 : i32
    %dma_start3A_158 = tpu.memref_slice %arg4[%add3A_155, %dma_start3A_156, %dma_start3A_157] : memref<8000x40x128xf32, #tpu.memory_space<hbm>> -> memref<1x40x128xf32, #tpu.memory_space<hbm>>
    %dma_start3A_159 = tpu.memref_squeeze %dma_start3A_158 : memref<1x40x128xf32, #tpu.memory_space<hbm>> -> memref<40x128xf32, #tpu.memory_space<hbm>>
    %dma_start3A_160 = arith.constant 0 : i32
    %dma_start3A_161 = arith.constant 0 : i32
    %dma_start3A_162 = tpu.memref_slice %arg4[%add3A_155, %dma_start3A_160, %dma_start3A_161] : memref<8000x40x128xf32, #tpu.memory_space<hbm>> -> memref<1x40x128xf32, #tpu.memory_space<hbm>>
    %dma_start3A_163 = tpu.memref_squeeze %dma_start3A_162 : memref<1x40x128xf32, #tpu.memory_space<hbm>> -> memref<40x128xf32, #tpu.memory_space<hbm>>
    tpu.enqueue_dma source(%dma_start3A_163 : memref<40x128xf32, #tpu.memory_space<hbm>>) target(%arg12 : memref<40x128xf32, #tpu.memory_space<vmem>>) target_semaphore(%arg31 : memref<!tpu.dma_semaphore, #tpu.memory_space<semaphore_mem>>)
    %dma_start3A_164 = arith.constant 0 : i32
    %dma_start3A_165 = arith.constant 0 : i32
    %dma_start3A_166 = tpu.memref_slice %arg5[%dma_start3A_164, %dma_start3A_165] : memref<10000x128xf32, #tpu.memory_space<hbm>> -> memref<10000x128xf32, #tpu.memory_space<hbm>>
    tpu.enqueue_indirect_dma source(%dma_start3A_166 : memref<10000x128xf32, #tpu.memory_space<hbm>>) target(%arg9 : memref<40x128xf32, #tpu.memory_space<vmem>>) offsets(%arg18 : memref<40xi32, #tpu.memory_space<vmem>>) semaphore(%arg28 : memref<!tpu.dma_semaphore, #tpu.memory_space<semaphore_mem>>)
    %add3A_167 = arith.constant 2 : i32
    %add3A_168 = arith.addi %mul3A_4, %add3A_167 : i32
    %dma_wait3A_169 = arith.constant 0 : i32
    %dma_wait3A_170 = arith.constant 0 : i32
    %dma_wait3A_171 = tpu.memref_slice %arg4[%add3A_168, %dma_wait3A_169, %dma_wait3A_170] : memref<8000x40x128xf32, #tpu.memory_space<hbm>> -> memref<1x40x128xf32, #tpu.memory_space<hbm>>
    %dma_wait3A_172 = tpu.memref_squeeze %dma_wait3A_171 : memref<1x40x128xf32, #tpu.memory_space<hbm>> -> memref<40x128xf32, #tpu.memory_space<hbm>>
    %dma_wait3A_173 = arith.constant 0 : i32
    %dma_wait3A_174 = arith.constant 0 : i32
    %dma_wait3A_175 = tpu.memref_slice %arg4[%add3A_168, %dma_wait3A_173, %dma_wait3A_174] : memref<8000x40x128xf32, #tpu.memory_space<hbm>> -> memref<1x40x128xf32, #tpu.memory_space<hbm>>
    %dma_wait3A_176 = tpu.memref_squeeze %dma_wait3A_175 : memref<1x40x128xf32, #tpu.memory_space<hbm>> -> memref<40x128xf32, #tpu.memory_space<hbm>>
    tpu.wait_dma2 semaphore(%arg32 : memref<!tpu.dma_semaphore, #tpu.memory_space<semaphore_mem>>) src(%dma_wait3A_176 : memref<40x128xf32, #tpu.memory_space<hbm>>) dst(%arg13 : memref<40x128xf32, #tpu.memory_space<vmem>>)
    %dma_wait3A_177 = arith.constant 0 : i32
    %dma_wait3A_178 = arith.constant 0 : i32
    %dma_wait3A_179 = tpu.memref_slice %arg5[%dma_wait3A_177, %dma_wait3A_178] : memref<10000x128xf32, #tpu.memory_space<hbm>> -> memref<10000x128xf32, #tpu.memory_space<hbm>>
    tpu.wait_indirect_dma semaphore(%arg29 : memref<!tpu.dma_semaphore, #tpu.memory_space<semaphore_mem>>) src(%dma_wait3A_179 : memref<10000x128xf32, #tpu.memory_space<hbm>>) dst(%arg10 : memref<40x128xf32, #tpu.memory_space<vmem>>)
    %add3A_180 = arith.constant 5 : i32
    %add3A_181 = arith.addi %mul3A_4, %add3A_180 : i32
    %mul3A_182 = arith.constant 40 : i32
    %mul3A_183 = arith.muli %add3A_181, %mul3A_182 : i32
    %dma_start3A_184 = tpu.memref_slice %arg2[%mul3A_183] : memref<320000xi32, #tpu.memory_space<hbm>> -> memref<40xi32, #tpu.memory_space<hbm>>
    %dma_start3A_185 = tpu.memref_slice %arg2[%mul3A_183] : memref<320000xi32, #tpu.memory_space<hbm>> -> memref<40xi32, #tpu.memory_space<hbm>>
    tpu.enqueue_dma source(%dma_start3A_185 : memref<40xi32, #tpu.memory_space<hbm>>) target(%arg19 : memref<40xi32, #tpu.memory_space<vmem>>) target_semaphore(%arg38 : memref<!tpu.dma_semaphore, #tpu.memory_space<semaphore_mem>>)
    %add3A_186 = arith.constant 5 : i32
    %add3A_187 = arith.addi %mul3A_4, %add3A_186 : i32
    %mul3A_188 = arith.constant 40 : i32
    %mul3A_189 = arith.muli %add3A_187, %mul3A_188 : i32
    %dma_start3A_190 = tpu.memref_slice %arg3[%mul3A_189] : memref<320000xi32, #tpu.memory_space<hbm>> -> memref<40xi32, #tpu.memory_space<hbm>>
    %dma_start3A_191 = tpu.memref_slice %arg3[%mul3A_189] : memref<320000xi32, #tpu.memory_space<hbm>> -> memref<40xi32, #tpu.memory_space<hbm>>
    tpu.enqueue_dma source(%dma_start3A_191 : memref<40xi32, #tpu.memory_space<hbm>>) target(%arg25 : memref<40xi32, #tpu.memory_space<vmem>>) target_semaphore(%arg44 : memref<!tpu.dma_semaphore, #tpu.memory_space<semaphore_mem>>)
    %scan3A_192 = arith.constant 0 : i32
    %scan3A_193 = arith.constant 0 : i32
    %scan3A_194 = arith.constant 40 : i32
    %scan3A_195 = arith.addi %scan3A_193, %scan3A_194 : i32
    %scan3A_196 = arith.constant 1 : i32
    scf.for %scan3A_557 = %scan3A_193 to %scan3A_195 step %scan3A_196  : i32 {
      %get3A = arith.index_cast %scan3A_557 : i32 to index
      %get3A_558 = arith.constant 0 : index
      %get3A_559 = tpu.vector_load %arg10[%get3A, %get3A_558] {strides = array<i32>} : memref<40x128xf32, #tpu.memory_space<vmem>>, vector<1x16xf32>,
      %get3A_560 = vector.shape_cast %get3A_559 : vector<1x16xf32> to vector<16xf32>
      %get3A_561 = arith.index_cast %scan3A_557 : i32 to index
      %get3A_562 = arith.constant 0 : index
      %get3A_563 = tpu.vector_load %arg13[%get3A_561, %get3A_562] {strides = array<i32>} : memref<40x128xf32, #tpu.memory_space<vmem>>, vector<1x16xf32>,
      %get3A_564 = vector.shape_cast %get3A_563 : vector<1x16xf32> to vector<16xf32>
      %add3A_565 = arith.addf %get3A_560, %get3A_564 : vector<16xf32>
      %max3A = arith.constant 0.000000e+00 : f32
      %max3A_566 = vector.broadcast %max3A : f32 to vector<16xf32>
      %max3A_567 = arith.maximumf %add3A_565, %max3A_566 : vector<16xf32>
      %swap3A = arith.index_cast %scan3A_557 : i32 to index
      %swap3A_568 = arith.constant 0 : index
      %swap3A_569 = tpu.vector_load %arg16[%swap3A, %swap3A_568] {strides = array<i32>} : memref<40x128xf32, #tpu.memory_space<vmem>>, vector<1x16xf32>,
      %swap3A_570 = vector.shape_cast %swap3A_569 : vector<1x16xf32> to vector<16xf32>
      %swap3A_571 = vector.shape_cast %max3A_567 : vector<16xf32> to vector<1x16xf32>
      tpu.vector_store %arg16[%swap3A, %swap3A_568], %swap3A_571 {strides = array<i32>} : memref<40x128xf32, #tpu.memory_space<vmem>>, vector<1x16xf32>,
      %get3A_572 = arith.index_cast %scan3A_557 : i32 to index
      %get3A_573 = arith.constant 16 : index
      %get3A_574 = tpu.vector_load %arg10[%get3A_572, %get3A_573] {strides = array<i32>} : memref<40x128xf32, #tpu.memory_space<vmem>>, vector<1x16xf32>,
      %get3A_575 = vector.shape_cast %get3A_574 : vector<1x16xf32> to vector<16xf32>
      %get3A_576 = arith.index_cast %scan3A_557 : i32 to index
      %get3A_577 = arith.constant 16 : index
      %get3A_578 = tpu.vector_load %arg13[%get3A_576, %get3A_577] {strides = array<i32>} : memref<40x128xf32, #tpu.memory_space<vmem>>, vector<1x16xf32>,
      %get3A_579 = vector.shape_cast %get3A_578 : vector<1x16xf32> to vector<16xf32>
      %add3A_580 = arith.addf %get3A_575, %get3A_579 : vector<16xf32>
      %max3A_581 = arith.constant 0.000000e+00 : f32
      %max3A_582 = vector.broadcast %max3A_581 : f32 to vector<16xf32>
      %max3A_583 = arith.maximumf %add3A_580, %max3A_582 : vector<16xf32>
      %swap3A_584 = arith.index_cast %scan3A_557 : i32 to index
      %swap3A_585 = arith.constant 16 : index
      %swap3A_586 = tpu.vector_load %arg16[%swap3A_584, %swap3A_585] {strides = array<i32>} : memref<40x128xf32, #tpu.memory_space<vmem>>, vector<1x16xf32>,
      %swap3A_587 = vector.shape_cast %swap3A_586 : vector<1x16xf32> to vector<16xf32>
      %swap3A_588 = vector.shape_cast %max3A_583 : vector<16xf32> to vector<1x16xf32>
      tpu.vector_store %arg16[%swap3A_584, %swap3A_585], %swap3A_588 {strides = array<i32>} : memref<40x128xf32, #tpu.memory_space<vmem>>, vector<1x16xf32>,
      %get3A_589 = arith.index_cast %scan3A_557 : i32 to index
      %get3A_590 = arith.constant 32 : index
      %get3A_591 = tpu.vector_load %arg10[%get3A_589, %get3A_590] {strides = array<i32>} : memref<40x128xf32, #tpu.memory_space<vmem>>, vector<1x16xf32>,
      %get3A_592 = vector.shape_cast %get3A_591 : vector<1x16xf32> to vector<16xf32>
      %get3A_593 = arith.index_cast %scan3A_557 : i32 to index
      %get3A_594 = arith.constant 32 : index
      %get3A_595 = tpu.vector_load %arg13[%get3A_593, %get3A_594] {strides = array<i32>} : memref<40x128xf32, #tpu.memory_space<vmem>>, vector<1x16xf32>,
      %get3A_596 = vector.shape_cast %get3A_595 : vector<1x16xf32> to vector<16xf32>
      %add3A_597 = arith.addf %get3A_592, %get3A_596 : vector<16xf32>
      %max3A_598 = arith.constant 0.000000e+00 : f32
      %max3A_599 = vector.broadcast %max3A_598 : f32 to vector<16xf32>
      %max3A_600 = arith.maximumf %add3A_597, %max3A_599 : vector<16xf32>
      %swap3A_601 = arith.index_cast %scan3A_557 : i32 to index
      %swap3A_602 = arith.constant 32 : index
      %swap3A_603 = tpu.vector_load %arg16[%swap3A_601, %swap3A_602] {strides = array<i32>} : memref<40x128xf32, #tpu.memory_space<vmem>>, vector<1x16xf32>,
      %swap3A_604 = vector.shape_cast %swap3A_603 : vector<1x16xf32> to vector<16xf32>
      %swap3A_605 = vector.shape_cast %max3A_600 : vector<16xf32> to vector<1x16xf32>
      tpu.vector_store %arg16[%swap3A_601, %swap3A_602], %swap3A_605 {strides = array<i32>} : memref<40x128xf32, #tpu.memory_space<vmem>>, vector<1x16xf32>,
      %get3A_606 = arith.index_cast %scan3A_557 : i32 to index
      %get3A_607 = arith.constant 48 : index
      %get3A_608 = tpu.vector_load %arg10[%get3A_606, %get3A_607] {strides = array<i32>} : memref<40x128xf32, #tpu.memory_space<vmem>>, vector<1x16xf32>,
      %get3A_609 = vector.shape_cast %get3A_608 : vector<1x16xf32> to vector<16xf32>
      %get3A_610 = arith.index_cast %scan3A_557 : i32 to index
      %get3A_611 = arith.constant 48 : index
      %get3A_612 = tpu.vector_load %arg13[%get3A_610, %get3A_611] {strides = array<i32>} : memref<40x128xf32, #tpu.memory_space<vmem>>, vector<1x16xf32>,
      %get3A_613 = vector.shape_cast %get3A_612 : vector<1x16xf32> to vector<16xf32>
      %add3A_614 = arith.addf %get3A_609, %get3A_613 : vector<16xf32>
      %max3A_615 = arith.constant 0.000000e+00 : f32
      %max3A_616 = vector.broadcast %max3A_615 : f32 to vector<16xf32>
      %max3A_617 = arith.maximumf %add3A_614, %max3A_616 : vector<16xf32>
      %swap3A_618 = arith.index_cast %scan3A_557 : i32 to index
      %swap3A_619 = arith.constant 48 : index
      %swap3A_620 = tpu.vector_load %arg16[%swap3A_618, %swap3A_619] {strides = array<i32>} : memref<40x128xf32, #tpu.memory_space<vmem>>, vector<1x16xf32>,
      %swap3A_621 = vector.shape_cast %swap3A_620 : vector<1x16xf32> to vector<16xf32>
      %swap3A_622 = vector.shape_cast %max3A_617 : vector<16xf32> to vector<1x16xf32>
      tpu.vector_store %arg16[%swap3A_618, %swap3A_619], %swap3A_622 {strides = array<i32>} : memref<40x128xf32, #tpu.memory_space<vmem>>, vector<1x16xf32>,
      %get3A_623 = arith.index_cast %scan3A_557 : i32 to index
      %get3A_624 = arith.constant 64 : index
      %get3A_625 = tpu.vector_load %arg10[%get3A_623, %get3A_624] {strides = array<i32>} : memref<40x128xf32, #tpu.memory_space<vmem>>, vector<1x16xf32>,
      %get3A_626 = vector.shape_cast %get3A_625 : vector<1x16xf32> to vector<16xf32>
      %get3A_627 = arith.index_cast %scan3A_557 : i32 to index
      %get3A_628 = arith.constant 64 : index
      %get3A_629 = tpu.vector_load %arg13[%get3A_627, %get3A_628] {strides = array<i32>} : memref<40x128xf32, #tpu.memory_space<vmem>>, vector<1x16xf32>,
      %get3A_630 = vector.shape_cast %get3A_629 : vector<1x16xf32> to vector<16xf32>
      %add3A_631 = arith.addf %get3A_626, %get3A_630 : vector<16xf32>
      %max3A_632 = arith.constant 0.000000e+00 : f32
      %max3A_633 = vector.broadcast %max3A_632 : f32 to vector<16xf32>
      %max3A_634 = arith.maximumf %add3A_631, %max3A_633 : vector<16xf32>
      %swap3A_635 = arith.index_cast %scan3A_557 : i32 to index
      %swap3A_636 = arith.constant 64 : index
      %swap3A_637 = tpu.vector_load %arg16[%swap3A_635, %swap3A_636] {strides = array<i32>} : memref<40x128xf32, #tpu.memory_space<vmem>>, vector<1x16xf32>,
      %swap3A_638 = vector.shape_cast %swap3A_637 : vector<1x16xf32> to vector<16xf32>
      %swap3A_639 = vector.shape_cast %max3A_634 : vector<16xf32> to vector<1x16xf32>
      tpu.vector_store %arg16[%swap3A_635, %swap3A_636], %swap3A_639 {strides = array<i32>} : memref<40x128xf32, #tpu.memory_space<vmem>>, vector<1x16xf32>,
      %get3A_640 = arith.index_cast %scan3A_557 : i32 to index
      %get3A_641 = arith.constant 80 : index
      %get3A_642 = tpu.vector_load %arg10[%get3A_640, %get3A_641] {strides = array<i32>} : memref<40x128xf32, #tpu.memory_space<vmem>>, vector<1x16xf32>,
      %get3A_643 = vector.shape_cast %get3A_642 : vector<1x16xf32> to vector<16xf32>
      %get3A_644 = arith.index_cast %scan3A_557 : i32 to index
      %get3A_645 = arith.constant 80 : index
      %get3A_646 = tpu.vector_load %arg13[%get3A_644, %get3A_645] {strides = array<i32>} : memref<40x128xf32, #tpu.memory_space<vmem>>, vector<1x16xf32>,
      %get3A_647 = vector.shape_cast %get3A_646 : vector<1x16xf32> to vector<16xf32>
      %add3A_648 = arith.addf %get3A_643, %get3A_647 : vector<16xf32>
      %max3A_649 = arith.constant 0.000000e+00 : f32
      %max3A_650 = vector.broadcast %max3A_649 : f32 to vector<16xf32>
      %max3A_651 = arith.maximumf %add3A_648, %max3A_650 : vector<16xf32>
      %swap3A_652 = arith.index_cast %scan3A_557 : i32 to index
      %swap3A_653 = arith.constant 80 : index
      %swap3A_654 = tpu.vector_load %arg16[%swap3A_652, %swap3A_653] {strides = array<i32>} : memref<40x128xf32, #tpu.memory_space<vmem>>, vector<1x16xf32>,
      %swap3A_655 = vector.shape_cast %swap3A_654 : vector<1x16xf32> to vector<16xf32>
      %swap3A_656 = vector.shape_cast %max3A_651 : vector<16xf32> to vector<1x16xf32>
      tpu.vector_store %arg16[%swap3A_652, %swap3A_653], %swap3A_656 {strides = array<i32>} : memref<40x128xf32, #tpu.memory_space<vmem>>, vector<1x16xf32>,
      %get3A_657 = arith.index_cast %scan3A_557 : i32 to index
      %get3A_658 = arith.constant 96 : index
      %get3A_659 = tpu.vector_load %arg10[%get3A_657, %get3A_658] {strides = array<i32>} : memref<40x128xf32, #tpu.memory_space<vmem>>, vector<1x16xf32>,
      %get3A_660 = vector.shape_cast %get3A_659 : vector<1x16xf32> to vector<16xf32>
      %get3A_661 = arith.index_cast %scan3A_557 : i32 to index
      %get3A_662 = arith.constant 96 : index
      %get3A_663 = tpu.vector_load %arg13[%get3A_661, %get3A_662] {strides = array<i32>} : memref<40x128xf32, #tpu.memory_space<vmem>>, vector<1x16xf32>,
      %get3A_664 = vector.shape_cast %get3A_663 : vector<1x16xf32> to vector<16xf32>
      %add3A_665 = arith.addf %get3A_660, %get3A_664 : vector<16xf32>
      %max3A_666 = arith.constant 0.000000e+00 : f32
      %max3A_667 = vector.broadcast %max3A_666 : f32 to vector<16xf32>
      %max3A_668 = arith.maximumf %add3A_665, %max3A_667 : vector<16xf32>
      %swap3A_669 = arith.index_cast %scan3A_557 : i32 to index
      %swap3A_670 = arith.constant 96 : index
      %swap3A_671 = tpu.vector_load %arg16[%swap3A_669, %swap3A_670] {strides = array<i32>} : memref<40x128xf32, #tpu.memory_space<vmem>>, vector<1x16xf32>,
      %swap3A_672 = vector.shape_cast %swap3A_671 : vector<1x16xf32> to vector<16xf32>
      %swap3A_673 = vector.shape_cast %max3A_668 : vector<16xf32> to vector<1x16xf32>
      tpu.vector_store %arg16[%swap3A_669, %swap3A_670], %swap3A_673 {strides = array<i32>} : memref<40x128xf32, #tpu.memory_space<vmem>>, vector<1x16xf32>,
      %get3A_674 = arith.index_cast %scan3A_557 : i32 to index
      %get3A_675 = arith.constant 112 : index
      %get3A_676 = tpu.vector_load %arg10[%get3A_674, %get3A_675] {strides = array<i32>} : memref<40x128xf32, #tpu.memory_space<vmem>>, vector<1x16xf32>,
      %get3A_677 = vector.shape_cast %get3A_676 : vector<1x16xf32> to vector<16xf32>
      %get3A_678 = arith.index_cast %scan3A_557 : i32 to index
      %get3A_679 = arith.constant 112 : index
      %get3A_680 = tpu.vector_load %arg13[%get3A_678, %get3A_679] {strides = array<i32>} : memref<40x128xf32, #tpu.memory_space<vmem>>, vector<1x16xf32>,
      %get3A_681 = vector.shape_cast %get3A_680 : vector<1x16xf32> to vector<16xf32>
      %add3A_682 = arith.addf %get3A_677, %get3A_681 : vector<16xf32>
      %max3A_683 = arith.constant 0.000000e+00 : f32
      %max3A_684 = vector.broadcast %max3A_683 : f32 to vector<16xf32>
      %max3A_685 = arith.maximumf %add3A_682, %max3A_684 : vector<16xf32>
      %swap3A_686 = arith.index_cast %scan3A_557 : i32 to index
      %swap3A_687 = arith.constant 112 : index
      %swap3A_688 = tpu.vector_load %arg16[%swap3A_686, %swap3A_687] {strides = array<i32>} : memref<40x128xf32, #tpu.memory_space<vmem>>, vector<1x16xf32>,
      %swap3A_689 = vector.shape_cast %swap3A_688 : vector<1x16xf32> to vector<16xf32>
      %swap3A_690 = vector.shape_cast %max3A_685 : vector<16xf32> to vector<1x16xf32>
      tpu.vector_store %arg16[%swap3A_686, %swap3A_687], %swap3A_690 {strides = array<i32>} : memref<40x128xf32, #tpu.memory_space<vmem>>, vector<1x16xf32>,
    }
    %scan3A_197 = arith.constant 40 : i32
    %dma_start3A_198 = arith.constant 0 : i32
    %dma_start3A_199 = arith.constant 0 : i32
    %dma_start3A_200 = tpu.memref_slice %arg26[%dma_start3A_198, %dma_start3A_199] : memref<10112x128xf32, #tpu.memory_space<vmem_shared>> -> memref<10112x128xf32, #tpu.memory_space<vmem_shared>>
    tpu.enqueue_indirect_dma source(%arg16 : memref<40x128xf32, #tpu.memory_space<vmem>>) target(%dma_start3A_200 : memref<10112x128xf32, #tpu.memory_space<vmem_shared>>) offsets(%arg22 : memref<40xi32, #tpu.memory_space<vmem>>) semaphore(%arg35 : memref<!tpu.dma_semaphore, #tpu.memory_space<semaphore_mem>>) {add = true}
    %mul3A_201 = arith.constant 40 : i32
    %mul3A_202 = arith.muli %mul3A_4, %mul3A_201 : i32
    %dma_wait3A_203 = tpu.memref_slice %arg2[%mul3A_202] : memref<320000xi32, #tpu.memory_space<hbm>> -> memref<40xi32, #tpu.memory_space<hbm>>
    %dma_wait3A_204 = tpu.memref_slice %arg2[%mul3A_202] : memref<320000xi32, #tpu.memory_space<hbm>> -> memref<40xi32, #tpu.memory_space<hbm>>
    tpu.wait_dma2 semaphore(%arg38 : memref<!tpu.dma_semaphore, #tpu.memory_space<semaphore_mem>>) src(%dma_wait3A_204 : memref<40xi32, #tpu.memory_space<hbm>>) dst(%arg19 : memref<40xi32, #tpu.memory_space<vmem>>)
    %add3A_205 = arith.constant 5 : i32
    %add3A_206 = arith.addi %mul3A_4, %add3A_205 : i32
    %dma_start3A_207 = arith.constant 0 : i32
    %dma_start3A_208 = arith.constant 0 : i32
    %dma_start3A_209 = tpu.memref_slice %arg4[%add3A_206, %dma_start3A_207, %dma_start3A_208] : memref<8000x40x128xf32, #tpu.memory_space<hbm>> -> memref<1x40x128xf32, #tpu.memory_space<hbm>>
    %dma_start3A_210 = tpu.memref_squeeze %dma_start3A_209 : memref<1x40x128xf32, #tpu.memory_space<hbm>> -> memref<40x128xf32, #tpu.memory_space<hbm>>
    %dma_start3A_211 = arith.constant 0 : i32
    %dma_start3A_212 = arith.constant 0 : i32
    %dma_start3A_213 = tpu.memref_slice %arg4[%add3A_206, %dma_start3A_211, %dma_start3A_212] : memref<8000x40x128xf32, #tpu.memory_space<hbm>> -> memref<1x40x128xf32, #tpu.memory_space<hbm>>
    %dma_start3A_214 = tpu.memref_squeeze %dma_start3A_213 : memref<1x40x128xf32, #tpu.memory_space<hbm>> -> memref<40x128xf32, #tpu.memory_space<hbm>>
    tpu.enqueue_dma source(%dma_start3A_214 : memref<40x128xf32, #tpu.memory_space<hbm>>) target(%arg13 : memref<40x128xf32, #tpu.memory_space<vmem>>) target_semaphore(%arg32 : memref<!tpu.dma_semaphore, #tpu.memory_space<semaphore_mem>>)
    %dma_start3A_215 = arith.constant 0 : i32
    %dma_start3A_216 = arith.constant 0 : i32
    %dma_start3A_217 = tpu.memref_slice %arg5[%dma_start3A_215, %dma_start3A_216] : memref<10000x128xf32, #tpu.memory_space<hbm>> -> memref<10000x128xf32, #tpu.memory_space<hbm>>
    tpu.enqueue_indirect_dma source(%dma_start3A_217 : memref<10000x128xf32, #tpu.memory_space<hbm>>) target(%arg10 : memref<40x128xf32, #tpu.memory_space<vmem>>) offsets(%arg19 : memref<40xi32, #tpu.memory_space<vmem>>) semaphore(%arg29 : memref<!tpu.dma_semaphore, #tpu.memory_space<semaphore_mem>>)
    %scan3A_218 = arith.constant 0 : i32
    %scan3A_219 = arith.constant 0 : i32
    %scan3A_220 = arith.constant 40 : i32
    %scan3A_221 = arith.addi %scan3A_219, %scan3A_220 : i32
    %scan3A_222 = arith.constant 1 : i32
    scf.for %scan3A_557 = %scan3A_219 to %scan3A_221 step %scan3A_222  : i32 {
      %mul3A_558 = arith.constant 6 : i32
      %mul3A_559 = arith.muli %mul3A_558, %scan3A_557 : i32
      %add3A_560 = arith.constant 3 : i32
      %add3A_561 = arith.addi %mul3A_559, %add3A_560 : i32
      %add3A_562 = arith.constant 0 : i32
      %add3A_563 = arith.addi %add3A_561, %add3A_562 : i32
      %add3A_564 = arith.addi %mul3A_4, %add3A_563 : i32
      %dma_wait3A_565 = arith.constant 0 : i32
      %dma_wait3A_566 = arith.constant 0 : i32
      %dma_wait3A_567 = tpu.memref_slice %arg4[%add3A_564, %dma_wait3A_565, %dma_wait3A_566] : memref<8000x40x128xf32, #tpu.memory_space<hbm>> -> memref<1x40x128xf32, #tpu.memory_space<hbm>>
      %dma_wait3A_568 = tpu.memref_squeeze %dma_wait3A_567 : memref<1x40x128xf32, #tpu.memory_space<hbm>> -> memref<40x128xf32, #tpu.memory_space<hbm>>
      %dma_wait3A_569 = arith.constant 0 : i32
      %dma_wait3A_570 = arith.constant 0 : i32
      %dma_wait3A_571 = tpu.memref_slice %arg4[%add3A_564, %dma_wait3A_569, %dma_wait3A_570] : memref<8000x40x128xf32, #tpu.memory_space<hbm>> -> memref<1x40x128xf32, #tpu.memory_space<hbm>>
      %dma_wait3A_572 = tpu.memref_squeeze %dma_wait3A_571 : memref<1x40x128xf32, #tpu.memory_space<hbm>> -> memref<40x128xf32, #tpu.memory_space<hbm>>
      tpu.wait_dma2 semaphore(%arg30 : memref<!tpu.dma_semaphore, #tpu.memory_space<semaphore_mem>>) src(%dma_wait3A_572 : memref<40x128xf32, #tpu.memory_space<hbm>>) dst(%arg11 : memref<40x128xf32, #tpu.memory_space<vmem>>)
      %dma_wait3A_573 = arith.constant 0 : i32
      %dma_wait3A_574 = arith.constant 0 : i32
      %dma_wait3A_575 = tpu.memref_slice %arg5[%dma_wait3A_573, %dma_wait3A_574] : memref<10000x128xf32, #tpu.memory_space<hbm>> -> memref<10000x128xf32, #tpu.memory_space<hbm>>
      tpu.wait_indirect_dma semaphore(%arg27 : memref<!tpu.dma_semaphore, #tpu.memory_space<semaphore_mem>>) src(%dma_wait3A_575 : memref<10000x128xf32, #tpu.memory_space<hbm>>) dst(%arg8 : memref<40x128xf32, #tpu.memory_space<vmem>>)
      %add3A_576 = arith.constant 3 : i32
      %add3A_577 = arith.addi %add3A_563, %add3A_576 : i32
      %add3A_578 = arith.addi %mul3A_4, %add3A_577 : i32
      %mul3A_579 = arith.constant 40 : i32
      %mul3A_580 = arith.muli %add3A_578, %mul3A_579 : i32
      %dma_start3A_581 = tpu.memref_slice %arg2[%mul3A_580] : memref<320000xi32, #tpu.memory_space<hbm>> -> memref<40xi32, #tpu.memory_space<hbm>>
      %dma_start3A_582 = tpu.memref_slice %arg2[%mul3A_580] : memref<320000xi32, #tpu.memory_space<hbm>> -> memref<40xi32, #tpu.memory_space<hbm>>
      tpu.enqueue_dma source(%dma_start3A_582 : memref<40xi32, #tpu.memory_space<hbm>>) target(%arg17 : memref<40xi32, #tpu.memory_space<vmem>>) target_semaphore(%arg36 : memref<!tpu.dma_semaphore, #tpu.memory_space<semaphore_mem>>)
      %dma_wait3A_583 = arith.constant 0 : i32
      %dma_wait3A_584 = arith.constant 0 : i32
      %dma_wait3A_585 = tpu.memref_slice %arg26[%dma_wait3A_583, %dma_wait3A_584] : memref<10112x128xf32, #tpu.memory_space<vmem_shared>> -> memref<10112x128xf32, #tpu.memory_space<vmem_shared>>
      tpu.wait_indirect_dma semaphore(%arg33 : memref<!tpu.dma_semaphore, #tpu.memory_space<semaphore_mem>>) src(%arg14 : memref<40x128xf32, #tpu.memory_space<vmem>>) dst(%dma_wait3A_585 : memref<10112x128xf32, #tpu.memory_space<vmem_shared>>)
      %add3A_586 = arith.constant 3 : i32
      %add3A_587 = arith.addi %add3A_563, %add3A_586 : i32
      %add3A_588 = arith.addi %mul3A_4, %add3A_587 : i32
      %mul3A_589 = arith.constant 40 : i32
      %mul3A_590 = arith.muli %add3A_588, %mul3A_589 : i32
      %dma_start3A_591 = tpu.memref_slice %arg3[%mul3A_590] : memref<320000xi32, #tpu.memory_space<hbm>> -> memref<40xi32, #tpu.memory_space<hbm>>
      %dma_start3A_592 = tpu.memref_slice %arg3[%mul3A_590] : memref<320000xi32, #tpu.memory_space<hbm>> -> memref<40xi32, #tpu.memory_space<hbm>>
      tpu.enqueue_dma source(%dma_start3A_592 : memref<40xi32, #tpu.memory_space<hbm>>) target(%arg20 : memref<40xi32, #tpu.memory_space<vmem>>) target_semaphore(%arg39 : memref<!tpu.dma_semaphore, #tpu.memory_space<semaphore_mem>>)
      %scan3A_593 = arith.constant 0 : i32
      %scan3A_594 = arith.constant 0 : i32
      %scan3A_595 = arith.constant 40 : i32
      %scan3A_596 = arith.addi %scan3A_594, %scan3A_595 : i32
      %scan3A_597 = arith.constant 1 : i32
      scf.for %scan3A_934 = %scan3A_594 to %scan3A_596 step %scan3A_597  : i32 {
        %get3A = arith.index_cast %scan3A_934 : i32 to index
        %get3A_935 = arith.constant 0 : index
        %get3A_936 = tpu.vector_load %arg8[%get3A, %get3A_935] {strides = array<i32>} : memref<40x128xf32, #tpu.memory_space<vmem>>, vector<1x16xf32>,
        %get3A_937 = vector.shape_cast %get3A_936 : vector<1x16xf32> to vector<16xf32>
        %get3A_938 = arith.index_cast %scan3A_934 : i32 to index
        %get3A_939 = arith.constant 0 : index
        %get3A_940 = tpu.vector_load %arg11[%get3A_938, %get3A_939] {strides = array<i32>} : memref<40x128xf32, #tpu.memory_space<vmem>>, vector<1x16xf32>,
        %get3A_941 = vector.shape_cast %get3A_940 : vector<1x16xf32> to vector<16xf32>
        %add3A_942 = arith.addf %get3A_937, %get3A_941 : vector<16xf32>
        %max3A = arith.constant 0.000000e+00 : f32
        %max3A_943 = vector.broadcast %max3A : f32 to vector<16xf32>
        %max3A_944 = arith.maximumf %add3A_942, %max3A_943 : vector<16xf32>
        %swap3A = arith.index_cast %scan3A_934 : i32 to index
        %swap3A_945 = arith.constant 0 : index
        %swap3A_946 = tpu.vector_load %arg14[%swap3A, %swap3A_945] {strides = array<i32>} : memref<40x128xf32, #tpu.memory_space<vmem>>, vector<1x16xf32>,
        %swap3A_947 = vector.shape_cast %swap3A_946 : vector<1x16xf32> to vector<16xf32>
        %swap3A_948 = vector.shape_cast %max3A_944 : vector<16xf32> to vector<1x16xf32>
        tpu.vector_store %arg14[%swap3A, %swap3A_945], %swap3A_948 {strides = array<i32>} : memref<40x128xf32, #tpu.memory_space<vmem>>, vector<1x16xf32>,
        %get3A_949 = arith.index_cast %scan3A_934 : i32 to index
        %get3A_950 = arith.constant 16 : index
        %get3A_951 = tpu.vector_load %arg8[%get3A_949, %get3A_950] {strides = array<i32>} : memref<40x128xf32, #tpu.memory_space<vmem>>, vector<1x16xf32>,
        %get3A_952 = vector.shape_cast %get3A_951 : vector<1x16xf32> to vector<16xf32>
        %get3A_953 = arith.index_cast %scan3A_934 : i32 to index
        %get3A_954 = arith.constant 16 : index
        %get3A_955 = tpu.vector_load %arg11[%get3A_953, %get3A_954] {strides = array<i32>} : memref<40x128xf32, #tpu.memory_space<vmem>>, vector<1x16xf32>,
        %get3A_956 = vector.shape_cast %get3A_955 : vector<1x16xf32> to vector<16xf32>
        %add3A_957 = arith.addf %get3A_952, %get3A_956 : vector<16xf32>
        %max3A_958 = arith.constant 0.000000e+00 : f32
        %max3A_959 = vector.broadcast %max3A_958 : f32 to vector<16xf32>
        %max3A_960 = arith.maximumf %add3A_957, %max3A_959 : vector<16xf32>
        %swap3A_961 = arith.index_cast %scan3A_934 : i32 to index
        %swap3A_962 = arith.constant 16 : index
        %swap3A_963 = tpu.vector_load %arg14[%swap3A_961, %swap3A_962] {strides = array<i32>} : memref<40x128xf32, #tpu.memory_space<vmem>>, vector<1x16xf32>,
        %swap3A_964 = vector.shape_cast %swap3A_963 : vector<1x16xf32> to vector<16xf32>
        %swap3A_965 = vector.shape_cast %max3A_960 : vector<16xf32> to vector<1x16xf32>
        tpu.vector_store %arg14[%swap3A_961, %swap3A_962], %swap3A_965 {strides = array<i32>} : memref<40x128xf32, #tpu.memory_space<vmem>>, vector<1x16xf32>,
        %get3A_966 = arith.index_cast %scan3A_934 : i32 to index
        %get3A_967 = arith.constant 32 : index
        %get3A_968 = tpu.vector_load %arg8[%get3A_966, %get3A_967] {strides = array<i32>} : memref<40x128xf32, #tpu.memory_space<vmem>>, vector<1x16xf32>,
        %get3A_969 = vector.shape_cast %get3A_968 : vector<1x16xf32> to vector<16xf32>
        %get3A_970 = arith.index_cast %scan3A_934 : i32 to index
        %get3A_971 = arith.constant 32 : index
        %get3A_972 = tpu.vector_load %arg11[%get3A_970, %get3A_971] {strides = array<i32>} : memref<40x128xf32, #tpu.memory_space<vmem>>, vector<1x16xf32>,
        %get3A_973 = vector.shape_cast %get3A_972 : vector<1x16xf32> to vector<16xf32>
        %add3A_974 = arith.addf %get3A_969, %get3A_973 : vector<16xf32>
        %max3A_975 = arith.constant 0.000000e+00 : f32
        %max3A_976 = vector.broadcast %max3A_975 : f32 to vector<16xf32>
        %max3A_977 = arith.maximumf %add3A_974, %max3A_976 : vector<16xf32>
        %swap3A_978 = arith.index_cast %scan3A_934 : i32 to index
        %swap3A_979 = arith.constant 32 : index
        %swap3A_980 = tpu.vector_load %arg14[%swap3A_978, %swap3A_979] {strides = array<i32>} : memref<40x128xf32, #tpu.memory_space<vmem>>, vector<1x16xf32>,
        %swap3A_981 = vector.shape_cast %swap3A_980 : vector<1x16xf32> to vector<16xf32>
        %swap3A_982 = vector.shape_cast %max3A_977 : vector<16xf32> to vector<1x16xf32>
        tpu.vector_store %arg14[%swap3A_978, %swap3A_979], %swap3A_982 {strides = array<i32>} : memref<40x128xf32, #tpu.memory_space<vmem>>, vector<1x16xf32>,
        %get3A_983 = arith.index_cast %scan3A_934 : i32 to index
        %get3A_984 = arith.constant 48 : index
        %get3A_985 = tpu.vector_load %arg8[%get3A_983, %get3A_984] {strides = array<i32>} : memref<40x128xf32, #tpu.memory_space<vmem>>, vector<1x16xf32>,
        %get3A_986 = vector.shape_cast %get3A_985 : vector<1x16xf32> to vector<16xf32>
        %get3A_987 = arith.index_cast %scan3A_934 : i32 to index
        %get3A_988 = arith.constant 48 : index
        %get3A_989 = tpu.vector_load %arg11[%get3A_987, %get3A_988] {strides = array<i32>} : memref<40x128xf32, #tpu.memory_space<vmem>>, vector<1x16xf32>,
        %get3A_990 = vector.shape_cast %get3A_989 : vector<1x16xf32> to vector<16xf32>
        %add3A_991 = arith.addf %get3A_986, %get3A_990 : vector<16xf32>
        %max3A_992 = arith.constant 0.000000e+00 : f32
        %max3A_993 = vector.broadcast %max3A_992 : f32 to vector<16xf32>
        %max3A_994 = arith.maximumf %add3A_991, %max3A_993 : vector<16xf32>
        %swap3A_995 = arith.index_cast %scan3A_934 : i32 to index
        %swap3A_996 = arith.constant 48 : index
        %swap3A_997 = tpu.vector_load %arg14[%swap3A_995, %swap3A_996] {strides = array<i32>} : memref<40x128xf32, #tpu.memory_space<vmem>>, vector<1x16xf32>,
        %swap3A_998 = vector.shape_cast %swap3A_997 : vector<1x16xf32> to vector<16xf32>
        %swap3A_999 = vector.shape_cast %max3A_994 : vector<16xf32> to vector<1x16xf32>
        tpu.vector_store %arg14[%swap3A_995, %swap3A_996], %swap3A_999 {strides = array<i32>} : memref<40x128xf32, #tpu.memory_space<vmem>>, vector<1x16xf32>,
        %get3A_1000 = arith.index_cast %scan3A_934 : i32 to index
        %get3A_1001 = arith.constant 64 : index
        %get3A_1002 = tpu.vector_load %arg8[%get3A_1000, %get3A_1001] {strides = array<i32>} : memref<40x128xf32, #tpu.memory_space<vmem>>, vector<1x16xf32>,
        %get3A_1003 = vector.shape_cast %get3A_1002 : vector<1x16xf32> to vector<16xf32>
        %get3A_1004 = arith.index_cast %scan3A_934 : i32 to index
        %get3A_1005 = arith.constant 64 : index
        %get3A_1006 = tpu.vector_load %arg11[%get3A_1004, %get3A_1005] {strides = array<i32>} : memref<40x128xf32, #tpu.memory_space<vmem>>, vector<1x16xf32>,
        %get3A_1007 = vector.shape_cast %get3A_1006 : vector<1x16xf32> to vector<16xf32>
        %add3A_1008 = arith.addf %get3A_1003, %get3A_1007 : vector<16xf32>
        %max3A_1009 = arith.constant 0.000000e+00 : f32
        %max3A_1010 = vector.broadcast %max3A_1009 : f32 to vector<16xf32>
        %max3A_1011 = arith.maximumf %add3A_1008, %max3A_1010 : vector<16xf32>
        %swap3A_1012 = arith.index_cast %scan3A_934 : i32 to index
        %swap3A_1013 = arith.constant 64 : index
        %swap3A_1014 = tpu.vector_load %arg14[%swap3A_1012, %swap3A_1013] {strides = array<i32>} : memref<40x128xf32, #tpu.memory_space<vmem>>, vector<1x16xf32>,
        %swap3A_1015 = vector.shape_cast %swap3A_1014 : vector<1x16xf32> to vector<16xf32>
        %swap3A_1016 = vector.shape_cast %max3A_1011 : vector<16xf32> to vector<1x16xf32>
        tpu.vector_store %arg14[%swap3A_1012, %swap3A_1013], %swap3A_1016 {strides = array<i32>} : memref<40x128xf32, #tpu.memory_space<vmem>>, vector<1x16xf32>,
        %get3A_1017 = arith.index_cast %scan3A_934 : i32 to index
        %get3A_1018 = arith.constant 80 : index
        %get3A_1019 = tpu.vector_load %arg8[%get3A_1017, %get3A_1018] {strides = array<i32>} : memref<40x128xf32, #tpu.memory_space<vmem>>, vector<1x16xf32>,
        %get3A_1020 = vector.shape_cast %get3A_1019 : vector<1x16xf32> to vector<16xf32>
        %get3A_1021 = arith.index_cast %scan3A_934 : i32 to index
        %get3A_1022 = arith.constant 80 : index
        %get3A_1023 = tpu.vector_load %arg11[%get3A_1021, %get3A_1022] {strides = array<i32>} : memref<40x128xf32, #tpu.memory_space<vmem>>, vector<1x16xf32>,
        %get3A_1024 = vector.shape_cast %get3A_1023 : vector<1x16xf32> to vector<16xf32>
        %add3A_1025 = arith.addf %get3A_1020, %get3A_1024 : vector<16xf32>
        %max3A_1026 = arith.constant 0.000000e+00 : f32
        %max3A_1027 = vector.broadcast %max3A_1026 : f32 to vector<16xf32>
        %max3A_1028 = arith.maximumf %add3A_1025, %max3A_1027 : vector<16xf32>
        %swap3A_1029 = arith.index_cast %scan3A_934 : i32 to index
        %swap3A_1030 = arith.constant 80 : index
        %swap3A_1031 = tpu.vector_load %arg14[%swap3A_1029, %swap3A_1030] {strides = array<i32>} : memref<40x128xf32, #tpu.memory_space<vmem>>, vector<1x16xf32>,
        %swap3A_1032 = vector.shape_cast %swap3A_1031 : vector<1x16xf32> to vector<16xf32>
        %swap3A_1033 = vector.shape_cast %max3A_1028 : vector<16xf32> to vector<1x16xf32>
        tpu.vector_store %arg14[%swap3A_1029, %swap3A_1030], %swap3A_1033 {strides = array<i32>} : memref<40x128xf32, #tpu.memory_space<vmem>>, vector<1x16xf32>,
        %get3A_1034 = arith.index_cast %scan3A_934 : i32 to index
        %get3A_1035 = arith.constant 96 : index
        %get3A_1036 = tpu.vector_load %arg8[%get3A_1034, %get3A_1035] {strides = array<i32>} : memref<40x128xf32, #tpu.memory_space<vmem>>, vector<1x16xf32>,
        %get3A_1037 = vector.shape_cast %get3A_1036 : vector<1x16xf32> to vector<16xf32>
        %get3A_1038 = arith.index_cast %scan3A_934 : i32 to index
        %get3A_1039 = arith.constant 96 : index
        %get3A_1040 = tpu.vector_load %arg11[%get3A_1038, %get3A_1039] {strides = array<i32>} : memref<40x128xf32, #tpu.memory_space<vmem>>, vector<1x16xf32>,
        %get3A_1041 = vector.shape_cast %get3A_1040 : vector<1x16xf32> to vector<16xf32>
        %add3A_1042 = arith.addf %get3A_1037, %get3A_1041 : vector<16xf32>
        %max3A_1043 = arith.constant 0.000000e+00 : f32
        %max3A_1044 = vector.broadcast %max3A_1043 : f32 to vector<16xf32>
        %max3A_1045 = arith.maximumf %add3A_1042, %max3A_1044 : vector<16xf32>
        %swap3A_1046 = arith.index_cast %scan3A_934 : i32 to index
        %swap3A_1047 = arith.constant 96 : index
        %swap3A_1048 = tpu.vector_load %arg14[%swap3A_1046, %swap3A_1047] {strides = array<i32>} : memref<40x128xf32, #tpu.memory_space<vmem>>, vector<1x16xf32>,
        %swap3A_1049 = vector.shape_cast %swap3A_1048 : vector<1x16xf32> to vector<16xf32>
        %swap3A_1050 = vector.shape_cast %max3A_1045 : vector<16xf32> to vector<1x16xf32>
        tpu.vector_store %arg14[%swap3A_1046, %swap3A_1047], %swap3A_1050 {strides = array<i32>} : memref<40x128xf32, #tpu.memory_space<vmem>>, vector<1x16xf32>,
        %get3A_1051 = arith.index_cast %scan3A_934 : i32 to index
        %get3A_1052 = arith.constant 112 : index
        %get3A_1053 = tpu.vector_load %arg8[%get3A_1051, %get3A_1052] {strides = array<i32>} : memref<40x128xf32, #tpu.memory_space<vmem>>, vector<1x16xf32>,
        %get3A_1054 = vector.shape_cast %get3A_1053 : vector<1x16xf32> to vector<16xf32>
        %get3A_1055 = arith.index_cast %scan3A_934 : i32 to index
        %get3A_1056 = arith.constant 112 : index
        %get3A_1057 = tpu.vector_load %arg11[%get3A_1055, %get3A_1056] {strides = array<i32>} : memref<40x128xf32, #tpu.memory_space<vmem>>, vector<1x16xf32>,
        %get3A_1058 = vector.shape_cast %get3A_1057 : vector<1x16xf32> to vector<16xf32>
        %add3A_1059 = arith.addf %get3A_1054, %get3A_1058 : vector<16xf32>
        %max3A_1060 = arith.constant 0.000000e+00 : f32
        %max3A_1061 = vector.broadcast %max3A_1060 : f32 to vector<16xf32>
        %max3A_1062 = arith.maximumf %add3A_1059, %max3A_1061 : vector<16xf32>
        %swap3A_1063 = arith.index_cast %scan3A_934 : i32 to index
        %swap3A_1064 = arith.constant 112 : index
        %swap3A_1065 = tpu.vector_load %arg14[%swap3A_1063, %swap3A_1064] {strides = array<i32>} : memref<40x128xf32, #tpu.memory_space<vmem>>, vector<1x16xf32>,
        %swap3A_1066 = vector.shape_cast %swap3A_1065 : vector<1x16xf32> to vector<16xf32>
        %swap3A_1067 = vector.shape_cast %max3A_1062 : vector<16xf32> to vector<1x16xf32>
        tpu.vector_store %arg14[%swap3A_1063, %swap3A_1064], %swap3A_1067 {strides = array<i32>} : memref<40x128xf32, #tpu.memory_space<vmem>>, vector<1x16xf32>,
      }
      %scan3A_598 = arith.constant 40 : i32
      %mul3A_599 = arith.constant 40 : i32
      %mul3A_600 = arith.muli %mul3A_4, %mul3A_599 : i32
      %dma_wait3A_601 = tpu.memref_slice %arg3[%mul3A_600] : memref<320000xi32, #tpu.memory_space<hbm>> -> memref<40xi32, #tpu.memory_space<hbm>>
      %dma_wait3A_602 = tpu.memref_slice %arg3[%mul3A_600] : memref<320000xi32, #tpu.memory_space<hbm>> -> memref<40xi32, #tpu.memory_space<hbm>>
      tpu.wait_dma2 semaphore(%arg42 : memref<!tpu.dma_semaphore, #tpu.memory_space<semaphore_mem>>) src(%dma_wait3A_602 : memref<40xi32, #tpu.memory_space<hbm>>) dst(%arg23 : memref<40xi32, #tpu.memory_space<vmem>>)
      %dma_start3A_603 = arith.constant 0 : i32
      %dma_start3A_604 = arith.constant 0 : i32
      %dma_start3A_605 = tpu.memref_slice %arg26[%dma_start3A_603, %dma_start3A_604] : memref<10112x128xf32, #tpu.memory_space<vmem_shared>> -> memref<10112x128xf32, #tpu.memory_space<vmem_shared>>
      tpu.enqueue_indirect_dma source(%arg14 : memref<40x128xf32, #tpu.memory_space<vmem>>) target(%dma_start3A_605 : memref<10112x128xf32, #tpu.memory_space<vmem_shared>>) offsets(%arg23 : memref<40xi32, #tpu.memory_space<vmem>>) semaphore(%arg33 : memref<!tpu.dma_semaphore, #tpu.memory_space<semaphore_mem>>) {add = true}
      %mul3A_606 = arith.constant 40 : i32
      %mul3A_607 = arith.muli %mul3A_4, %mul3A_606 : i32
      %dma_wait3A_608 = tpu.memref_slice %arg2[%mul3A_607] : memref<320000xi32, #tpu.memory_space<hbm>> -> memref<40xi32, #tpu.memory_space<hbm>>
      %dma_wait3A_609 = tpu.memref_slice %arg2[%mul3A_607] : memref<320000xi32, #tpu.memory_space<hbm>> -> memref<40xi32, #tpu.memory_space<hbm>>
      tpu.wait_dma2 semaphore(%arg36 : memref<!tpu.dma_semaphore, #tpu.memory_space<semaphore_mem>>) src(%dma_wait3A_609 : memref<40xi32, #tpu.memory_space<hbm>>) dst(%arg17 : memref<40xi32, #tpu.memory_space<vmem>>)
      %add3A_610 = arith.constant 3 : i32
      %add3A_611 = arith.addi %add3A_563, %add3A_610 : i32
      %add3A_612 = arith.addi %mul3A_4, %add3A_611 : i32
      %dma_start3A_613 = arith.constant 0 : i32
      %dma_start3A_614 = arith.constant 0 : i32
      %dma_start3A_615 = tpu.memref_slice %arg4[%add3A_612, %dma_start3A_613, %dma_start3A_614] : memref<8000x40x128xf32, #tpu.memory_space<hbm>> -> memref<1x40x128xf32, #tpu.memory_space<hbm>>
      %dma_start3A_616 = tpu.memref_squeeze %dma_start3A_615 : memref<1x40x128xf32, #tpu.memory_space<hbm>> -> memref<40x128xf32, #tpu.memory_space<hbm>>
      %dma_start3A_617 = arith.constant 0 : i32
      %dma_start3A_618 = arith.constant 0 : i32
      %dma_start3A_619 = tpu.memref_slice %arg4[%add3A_612, %dma_start3A_617, %dma_start3A_618] : memref<8000x40x128xf32, #tpu.memory_space<hbm>> -> memref<1x40x128xf32, #tpu.memory_space<hbm>>
      %dma_start3A_620 = tpu.memref_squeeze %dma_start3A_619 : memref<1x40x128xf32, #tpu.memory_space<hbm>> -> memref<40x128xf32, #tpu.memory_space<hbm>>
      tpu.enqueue_dma source(%dma_start3A_620 : memref<40x128xf32, #tpu.memory_space<hbm>>) target(%arg11 : memref<40x128xf32, #tpu.memory_space<vmem>>) target_semaphore(%arg30 : memref<!tpu.dma_semaphore, #tpu.memory_space<semaphore_mem>>)
      %dma_start3A_621 = arith.constant 0 : i32
      %dma_start3A_622 = arith.constant 0 : i32
      %dma_start3A_623 = tpu.memref_slice %arg5[%dma_start3A_621, %dma_start3A_622] : memref<10000x128xf32, #tpu.memory_space<hbm>> -> memref<10000x128xf32, #tpu.memory_space<hbm>>
      tpu.enqueue_indirect_dma source(%dma_start3A_623 : memref<10000x128xf32, #tpu.memory_space<hbm>>) target(%arg8 : memref<40x128xf32, #tpu.memory_space<vmem>>) offsets(%arg17 : memref<40xi32, #tpu.memory_space<vmem>>) semaphore(%arg27 : memref<!tpu.dma_semaphore, #tpu.memory_space<semaphore_mem>>)
      %add3A_624 = arith.constant 1 : i32
      %add3A_625 = arith.addi %add3A_561, %add3A_624 : i32
      %add3A_626 = arith.addi %mul3A_4, %add3A_625 : i32
      %dma_wait3A_627 = arith.constant 0 : i32
      %dma_wait3A_628 = arith.constant 0 : i32
      %dma_wait3A_629 = tpu.memref_slice %arg4[%add3A_626, %dma_wait3A_627, %dma_wait3A_628] : memref<8000x40x128xf32, #tpu.memory_space<hbm>> -> memref<1x40x128xf32, #tpu.memory_space<hbm>>
      %dma_wait3A_630 = tpu.memref_squeeze %dma_wait3A_629 : memref<1x40x128xf32, #tpu.memory_space<hbm>> -> memref<40x128xf32, #tpu.memory_space<hbm>>
      %dma_wait3A_631 = arith.constant 0 : i32
      %dma_wait3A_632 = arith.constant 0 : i32
      %dma_wait3A_633 = tpu.memref_slice %arg4[%add3A_626, %dma_wait3A_631, %dma_wait3A_632] : memref<8000x40x128xf32, #tpu.memory_space<hbm>> -> memref<1x40x128xf32, #tpu.memory_space<hbm>>
      %dma_wait3A_634 = tpu.memref_squeeze %dma_wait3A_633 : memref<1x40x128xf32, #tpu.memory_space<hbm>> -> memref<40x128xf32, #tpu.memory_space<hbm>>
      tpu.wait_dma2 semaphore(%arg31 : memref<!tpu.dma_semaphore, #tpu.memory_space<semaphore_mem>>) src(%dma_wait3A_634 : memref<40x128xf32, #tpu.memory_space<hbm>>) dst(%arg12 : memref<40x128xf32, #tpu.memory_space<vmem>>)
      %dma_wait3A_635 = arith.constant 0 : i32
      %dma_wait3A_636 = arith.constant 0 : i32
      %dma_wait3A_637 = tpu.memref_slice %arg5[%dma_wait3A_635, %dma_wait3A_636] : memref<10000x128xf32, #tpu.memory_space<hbm>> -> memref<10000x128xf32, #tpu.memory_space<hbm>>
      tpu.wait_indirect_dma semaphore(%arg28 : memref<!tpu.dma_semaphore, #tpu.memory_space<semaphore_mem>>) src(%dma_wait3A_637 : memref<10000x128xf32, #tpu.memory_space<hbm>>) dst(%arg9 : memref<40x128xf32, #tpu.memory_space<vmem>>)
      %add3A_638 = arith.constant 3 : i32
      %add3A_639 = arith.addi %add3A_625, %add3A_638 : i32
      %add3A_640 = arith.addi %mul3A_4, %add3A_639 : i32
      %mul3A_641 = arith.constant 40 : i32
      %mul3A_642 = arith.muli %add3A_640, %mul3A_641 : i32
      %dma_start3A_643 = tpu.memref_slice %arg2[%mul3A_642] : memref<320000xi32, #tpu.memory_space<hbm>> -> memref<40xi32, #tpu.memory_space<hbm>>
      %dma_start3A_644 = tpu.memref_slice %arg2[%mul3A_642] : memref<320000xi32, #tpu.memory_space<hbm>> -> memref<40xi32, #tpu.memory_space<hbm>>
      tpu.enqueue_dma source(%dma_start3A_644 : memref<40xi32, #tpu.memory_space<hbm>>) target(%arg18 : memref<40xi32, #tpu.memory_space<vmem>>) target_semaphore(%arg37 : memref<!tpu.dma_semaphore, #tpu.memory_space<semaphore_mem>>)
      %dma_wait3A_645 = arith.constant 0 : i32
      %dma_wait3A_646 = arith.constant 0 : i32
      %dma_wait3A_647 = tpu.memref_slice %arg26[%dma_wait3A_645, %dma_wait3A_646] : memref<10112x128xf32, #tpu.memory_space<vmem_shared>> -> memref<10112x128xf32, #tpu.memory_space<vmem_shared>>
      tpu.wait_indirect_dma semaphore(%arg34 : memref<!tpu.dma_semaphore, #tpu.memory_space<semaphore_mem>>) src(%arg15 : memref<40x128xf32, #tpu.memory_space<vmem>>) dst(%dma_wait3A_647 : memref<10112x128xf32, #tpu.memory_space<vmem_shared>>)
      %add3A_648 = arith.constant 3 : i32
      %add3A_649 = arith.addi %add3A_625, %add3A_648 : i32
      %add3A_650 = arith.addi %mul3A_4, %add3A_649 : i32
      %mul3A_651 = arith.constant 40 : i32
      %mul3A_652 = arith.muli %add3A_650, %mul3A_651 : i32
      %dma_start3A_653 = tpu.memref_slice %arg3[%mul3A_652] : memref<320000xi32, #tpu.memory_space<hbm>> -> memref<40xi32, #tpu.memory_space<hbm>>
      %dma_start3A_654 = tpu.memref_slice %arg3[%mul3A_652] : memref<320000xi32, #tpu.memory_space<hbm>> -> memref<40xi32, #tpu.memory_space<hbm>>
      tpu.enqueue_dma source(%dma_start3A_654 : memref<40xi32, #tpu.memory_space<hbm>>) target(%arg21 : memref<40xi32, #tpu.memory_space<vmem>>) target_semaphore(%arg40 : memref<!tpu.dma_semaphore, #tpu.memory_space<semaphore_mem>>)
      %scan3A_655 = arith.constant 0 : i32
      %scan3A_656 = arith.constant 0 : i32
      %scan3A_657 = arith.constant 40 : i32
      %scan3A_658 = arith.addi %scan3A_656, %scan3A_657 : i32
      %scan3A_659 = arith.constant 1 : i32
      scf.for %scan3A_934 = %scan3A_656 to %scan3A_658 step %scan3A_659  : i32 {
        %get3A = arith.index_cast %scan3A_934 : i32 to index
        %get3A_935 = arith.constant 0 : index
        %get3A_936 = tpu.vector_load %arg9[%get3A, %get3A_935] {strides = array<i32>} : memref<40x128xf32, #tpu.memory_space<vmem>>, vector<1x16xf32>,
        %get3A_937 = vector.shape_cast %get3A_936 : vector<1x16xf32> to vector<16xf32>
        %get3A_938 = arith.index_cast %scan3A_934 : i32 to index
        %get3A_939 = arith.constant 0 : index
        %get3A_940 = tpu.vector_load %arg12[%get3A_938, %get3A_939] {strides = array<i32>} : memref<40x128xf32, #tpu.memory_space<vmem>>, vector<1x16xf32>,
        %get3A_941 = vector.shape_cast %get3A_940 : vector<1x16xf32> to vector<16xf32>
        %add3A_942 = arith.addf %get3A_937, %get3A_941 : vector<16xf32>
        %max3A = arith.constant 0.000000e+00 : f32
        %max3A_943 = vector.broadcast %max3A : f32 to vector<16xf32>
        %max3A_944 = arith.maximumf %add3A_942, %max3A_943 : vector<16xf32>
        %swap3A = arith.index_cast %scan3A_934 : i32 to index
        %swap3A_945 = arith.constant 0 : index
        %swap3A_946 = tpu.vector_load %arg15[%swap3A, %swap3A_945] {strides = array<i32>} : memref<40x128xf32, #tpu.memory_space<vmem>>, vector<1x16xf32>,
        %swap3A_947 = vector.shape_cast %swap3A_946 : vector<1x16xf32> to vector<16xf32>
        %swap3A_948 = vector.shape_cast %max3A_944 : vector<16xf32> to vector<1x16xf32>
        tpu.vector_store %arg15[%swap3A, %swap3A_945], %swap3A_948 {strides = array<i32>} : memref<40x128xf32, #tpu.memory_space<vmem>>, vector<1x16xf32>,
        %get3A_949 = arith.index_cast %scan3A_934 : i32 to index
        %get3A_950 = arith.constant 16 : index
        %get3A_951 = tpu.vector_load %arg9[%get3A_949, %get3A_950] {strides = array<i32>} : memref<40x128xf32, #tpu.memory_space<vmem>>, vector<1x16xf32>,
        %get3A_952 = vector.shape_cast %get3A_951 : vector<1x16xf32> to vector<16xf32>
        %get3A_953 = arith.index_cast %scan3A_934 : i32 to index
        %get3A_954 = arith.constant 16 : index
        %get3A_955 = tpu.vector_load %arg12[%get3A_953, %get3A_954] {strides = array<i32>} : memref<40x128xf32, #tpu.memory_space<vmem>>, vector<1x16xf32>,
        %get3A_956 = vector.shape_cast %get3A_955 : vector<1x16xf32> to vector<16xf32>
        %add3A_957 = arith.addf %get3A_952, %get3A_956 : vector<16xf32>
        %max3A_958 = arith.constant 0.000000e+00 : f32
        %max3A_959 = vector.broadcast %max3A_958 : f32 to vector<16xf32>
        %max3A_960 = arith.maximumf %add3A_957, %max3A_959 : vector<16xf32>
        %swap3A_961 = arith.index_cast %scan3A_934 : i32 to index
        %swap3A_962 = arith.constant 16 : index
        %swap3A_963 = tpu.vector_load %arg15[%swap3A_961, %swap3A_962] {strides = array<i32>} : memref<40x128xf32, #tpu.memory_space<vmem>>, vector<1x16xf32>,
        %swap3A_964 = vector.shape_cast %swap3A_963 : vector<1x16xf32> to vector<16xf32>
        %swap3A_965 = vector.shape_cast %max3A_960 : vector<16xf32> to vector<1x16xf32>
        tpu.vector_store %arg15[%swap3A_961, %swap3A_962], %swap3A_965 {strides = array<i32>} : memref<40x128xf32, #tpu.memory_space<vmem>>, vector<1x16xf32>,
        %get3A_966 = arith.index_cast %scan3A_934 : i32 to index
        %get3A_967 = arith.constant 32 : index
        %get3A_968 = tpu.vector_load %arg9[%get3A_966, %get3A_967] {strides = array<i32>} : memref<40x128xf32, #tpu.memory_space<vmem>>, vector<1x16xf32>,
        %get3A_969 = vector.shape_cast %get3A_968 : vector<1x16xf32> to vector<16xf32>
        %get3A_970 = arith.index_cast %scan3A_934 : i32 to index
        %get3A_971 = arith.constant 32 : index
        %get3A_972 = tpu.vector_load %arg12[%get3A_970, %get3A_971] {strides = array<i32>} : memref<40x128xf32, #tpu.memory_space<vmem>>, vector<1x16xf32>,
        %get3A_973 = vector.shape_cast %get3A_972 : vector<1x16xf32> to vector<16xf32>
        %add3A_974 = arith.addf %get3A_969, %get3A_973 : vector<16xf32>
        %max3A_975 = arith.constant 0.000000e+00 : f32
        %max3A_976 = vector.broadcast %max3A_975 : f32 to vector<16xf32>
        %max3A_977 = arith.maximumf %add3A_974, %max3A_976 : vector<16xf32>
        %swap3A_978 = arith.index_cast %scan3A_934 : i32 to index
        %swap3A_979 = arith.constant 32 : index
        %swap3A_980 = tpu.vector_load %arg15[%swap3A_978, %swap3A_979] {strides = array<i32>} : memref<40x128xf32, #tpu.memory_space<vmem>>, vector<1x16xf32>,
        %swap3A_981 = vector.shape_cast %swap3A_980 : vector<1x16xf32> to vector<16xf32>
        %swap3A_982 = vector.shape_cast %max3A_977 : vector<16xf32> to vector<1x16xf32>
        tpu.vector_store %arg15[%swap3A_978, %swap3A_979], %swap3A_982 {strides = array<i32>} : memref<40x128xf32, #tpu.memory_space<vmem>>, vector<1x16xf32>,
        %get3A_983 = arith.index_cast %scan3A_934 : i32 to index
        %get3A_984 = arith.constant 48 : index
        %get3A_985 = tpu.vector_load %arg9[%get3A_983, %get3A_984] {strides = array<i32>} : memref<40x128xf32, #tpu.memory_space<vmem>>, vector<1x16xf32>,
        %get3A_986 = vector.shape_cast %get3A_985 : vector<1x16xf32> to vector<16xf32>
        %get3A_987 = arith.index_cast %scan3A_934 : i32 to index
        %get3A_988 = arith.constant 48 : index
        %get3A_989 = tpu.vector_load %arg12[%get3A_987, %get3A_988] {strides = array<i32>} : memref<40x128xf32, #tpu.memory_space<vmem>>, vector<1x16xf32>,
        %get3A_990 = vector.shape_cast %get3A_989 : vector<1x16xf32> to vector<16xf32>
        %add3A_991 = arith.addf %get3A_986, %get3A_990 : vector<16xf32>
        %max3A_992 = arith.constant 0.000000e+00 : f32
        %max3A_993 = vector.broadcast %max3A_992 : f32 to vector<16xf32>
        %max3A_994 = arith.maximumf %add3A_991, %max3A_993 : vector<16xf32>
        %swap3A_995 = arith.index_cast %scan3A_934 : i32 to index
        %swap3A_996 = arith.constant 48 : index
        %swap3A_997 = tpu.vector_load %arg15[%swap3A_995, %swap3A_996] {strides = array<i32>} : memref<40x128xf32, #tpu.memory_space<vmem>>, vector<1x16xf32>,
        %swap3A_998 = vector.shape_cast %swap3A_997 : vector<1x16xf32> to vector<16xf32>
        %swap3A_999 = vector.shape_cast %max3A_994 : vector<16xf32> to vector<1x16xf32>
        tpu.vector_store %arg15[%swap3A_995, %swap3A_996], %swap3A_999 {strides = array<i32>} : memref<40x128xf32, #tpu.memory_space<vmem>>, vector<1x16xf32>,
        %get3A_1000 = arith.index_cast %scan3A_934 : i32 to index
        %get3A_1001 = arith.constant 64 : index
        %get3A_1002 = tpu.vector_load %arg9[%get3A_1000, %get3A_1001] {strides = array<i32>} : memref<40x128xf32, #tpu.memory_space<vmem>>, vector<1x16xf32>,
        %get3A_1003 = vector.shape_cast %get3A_1002 : vector<1x16xf32> to vector<16xf32>
        %get3A_1004 = arith.index_cast %scan3A_934 : i32 to index
        %get3A_1005 = arith.constant 64 : index
        %get3A_1006 = tpu.vector_load %arg12[%get3A_1004, %get3A_1005] {strides = array<i32>} : memref<40x128xf32, #tpu.memory_space<vmem>>, vector<1x16xf32>,
        %get3A_1007 = vector.shape_cast %get3A_1006 : vector<1x16xf32> to vector<16xf32>
        %add3A_1008 = arith.addf %get3A_1003, %get3A_1007 : vector<16xf32>
        %max3A_1009 = arith.constant 0.000000e+00 : f32
        %max3A_1010 = vector.broadcast %max3A_1009 : f32 to vector<16xf32>
        %max3A_1011 = arith.maximumf %add3A_1008, %max3A_1010 : vector<16xf32>
        %swap3A_1012 = arith.index_cast %scan3A_934 : i32 to index
        %swap3A_1013 = arith.constant 64 : index
        %swap3A_1014 = tpu.vector_load %arg15[%swap3A_1012, %swap3A_1013] {strides = array<i32>} : memref<40x128xf32, #tpu.memory_space<vmem>>, vector<1x16xf32>,
        %swap3A_1015 = vector.shape_cast %swap3A_1014 : vector<1x16xf32> to vector<16xf32>
        %swap3A_1016 = vector.shape_cast %max3A_1011 : vector<16xf32> to vector<1x16xf32>
        tpu.vector_store %arg15[%swap3A_1012, %swap3A_1013], %swap3A_1016 {strides = array<i32>} : memref<40x128xf32, #tpu.memory_space<vmem>>, vector<1x16xf32>,
        %get3A_1017 = arith.index_cast %scan3A_934 : i32 to index
        %get3A_1018 = arith.constant 80 : index
        %get3A_1019 = tpu.vector_load %arg9[%get3A_1017, %get3A_1018] {strides = array<i32>} : memref<40x128xf32, #tpu.memory_space<vmem>>, vector<1x16xf32>,
        %get3A_1020 = vector.shape_cast %get3A_1019 : vector<1x16xf32> to vector<16xf32>
        %get3A_1021 = arith.index_cast %scan3A_934 : i32 to index
        %get3A_1022 = arith.constant 80 : index
        %get3A_1023 = tpu.vector_load %arg12[%get3A_1021, %get3A_1022] {strides = array<i32>} : memref<40x128xf32, #tpu.memory_space<vmem>>, vector<1x16xf32>,
        %get3A_1024 = vector.shape_cast %get3A_1023 : vector<1x16xf32> to vector<16xf32>
        %add3A_1025 = arith.addf %get3A_1020, %get3A_1024 : vector<16xf32>
        %max3A_1026 = arith.constant 0.000000e+00 : f32
        %max3A_1027 = vector.broadcast %max3A_1026 : f32 to vector<16xf32>
        %max3A_1028 = arith.maximumf %add3A_1025, %max3A_1027 : vector<16xf32>
        %swap3A_1029 = arith.index_cast %scan3A_934 : i32 to index
        %swap3A_1030 = arith.constant 80 : index
        %swap3A_1031 = tpu.vector_load %arg15[%swap3A_1029, %swap3A_1030] {strides = array<i32>} : memref<40x128xf32, #tpu.memory_space<vmem>>, vector<1x16xf32>,
        %swap3A_1032 = vector.shape_cast %swap3A_1031 : vector<1x16xf32> to vector<16xf32>
        %swap3A_1033 = vector.shape_cast %max3A_1028 : vector<16xf32> to vector<1x16xf32>
        tpu.vector_store %arg15[%swap3A_1029, %swap3A_1030], %swap3A_1033 {strides = array<i32>} : memref<40x128xf32, #tpu.memory_space<vmem>>, vector<1x16xf32>,
        %get3A_1034 = arith.index_cast %scan3A_934 : i32 to index
        %get3A_1035 = arith.constant 96 : index
        %get3A_1036 = tpu.vector_load %arg9[%get3A_1034, %get3A_1035] {strides = array<i32>} : memref<40x128xf32, #tpu.memory_space<vmem>>, vector<1x16xf32>,
        %get3A_1037 = vector.shape_cast %get3A_1036 : vector<1x16xf32> to vector<16xf32>
        %get3A_1038 = arith.index_cast %scan3A_934 : i32 to index
        %get3A_1039 = arith.constant 96 : index
        %get3A_1040 = tpu.vector_load %arg12[%get3A_1038, %get3A_1039] {strides = array<i32>} : memref<40x128xf32, #tpu.memory_space<vmem>>, vector<1x16xf32>,
        %get3A_1041 = vector.shape_cast %get3A_1040 : vector<1x16xf32> to vector<16xf32>
        %add3A_1042 = arith.addf %get3A_1037, %get3A_1041 : vector<16xf32>
        %max3A_1043 = arith.constant 0.000000e+00 : f32
        %max3A_1044 = vector.broadcast %max3A_1043 : f32 to vector<16xf32>
        %max3A_1045 = arith.maximumf %add3A_1042, %max3A_1044 : vector<16xf32>
        %swap3A_1046 = arith.index_cast %scan3A_934 : i32 to index
        %swap3A_1047 = arith.constant 96 : index
        %swap3A_1048 = tpu.vector_load %arg15[%swap3A_1046, %swap3A_1047] {strides = array<i32>} : memref<40x128xf32, #tpu.memory_space<vmem>>, vector<1x16xf32>,
        %swap3A_1049 = vector.shape_cast %swap3A_1048 : vector<1x16xf32> to vector<16xf32>
        %swap3A_1050 = vector.shape_cast %max3A_1045 : vector<16xf32> to vector<1x16xf32>
        tpu.vector_store %arg15[%swap3A_1046, %swap3A_1047], %swap3A_1050 {strides = array<i32>} : memref<40x128xf32, #tpu.memory_space<vmem>>, vector<1x16xf32>,
        %get3A_1051 = arith.index_cast %scan3A_934 : i32 to index
        %get3A_1052 = arith.constant 112 : index
        %get3A_1053 = tpu.vector_load %arg9[%get3A_1051, %get3A_1052] {strides = array<i32>} : memref<40x128xf32, #tpu.memory_space<vmem>>, vector<1x16xf32>,
        %get3A_1054 = vector.shape_cast %get3A_1053 : vector<1x16xf32> to vector<16xf32>
        %get3A_1055 = arith.index_cast %scan3A_934 : i32 to index
        %get3A_1056 = arith.constant 112 : index
        %get3A_1057 = tpu.vector_load %arg12[%get3A_1055, %get3A_1056] {strides = array<i32>} : memref<40x128xf32, #tpu.memory_space<vmem>>, vector<1x16xf32>,
        %get3A_1058 = vector.shape_cast %get3A_1057 : vector<1x16xf32> to vector<16xf32>
        %add3A_1059 = arith.addf %get3A_1054, %get3A_1058 : vector<16xf32>
        %max3A_1060 = arith.constant 0.000000e+00 : f32
        %max3A_1061 = vector.broadcast %max3A_1060 : f32 to vector<16xf32>
        %max3A_1062 = arith.maximumf %add3A_1059, %max3A_1061 : vector<16xf32>
        %swap3A_1063 = arith.index_cast %scan3A_934 : i32 to index
        %swap3A_1064 = arith.constant 112 : index
        %swap3A_1065 = tpu.vector_load %arg15[%swap3A_1063, %swap3A_1064] {strides = array<i32>} : memref<40x128xf32, #tpu.memory_space<vmem>>, vector<1x16xf32>,
        %swap3A_1066 = vector.shape_cast %swap3A_1065 : vector<1x16xf32> to vector<16xf32>
        %swap3A_1067 = vector.shape_cast %max3A_1062 : vector<16xf32> to vector<1x16xf32>
        tpu.vector_store %arg15[%swap3A_1063, %swap3A_1064], %swap3A_1067 {strides = array<i32>} : memref<40x128xf32, #tpu.memory_space<vmem>>, vector<1x16xf32>,
      }
      %scan3A_660 = arith.constant 40 : i32
      %mul3A_661 = arith.constant 40 : i32
      %mul3A_662 = arith.muli %mul3A_4, %mul3A_661 : i32
      %dma_wait3A_663 = tpu.memref_slice %arg3[%mul3A_662] : memref<320000xi32, #tpu.memory_space<hbm>> -> memref<40xi32, #tpu.memory_space<hbm>>
      %dma_wait3A_664 = tpu.memref_slice %arg3[%mul3A_662] : memref<320000xi32, #tpu.memory_space<hbm>> -> memref<40xi32, #tpu.memory_space<hbm>>
      tpu.wait_dma2 semaphore(%arg43 : memref<!tpu.dma_semaphore, #tpu.memory_space<semaphore_mem>>) src(%dma_wait3A_664 : memref<40xi32, #tpu.memory_space<hbm>>) dst(%arg24 : memref<40xi32, #tpu.memory_space<vmem>>)
      %dma_start3A_665 = arith.constant 0 : i32
      %dma_start3A_666 = arith.constant 0 : i32
      %dma_start3A_667 = tpu.memref_slice %arg26[%dma_start3A_665, %dma_start3A_666] : memref<10112x128xf32, #tpu.memory_space<vmem_shared>> -> memref<10112x128xf32, #tpu.memory_space<vmem_shared>>
      tpu.enqueue_indirect_dma source(%arg15 : memref<40x128xf32, #tpu.memory_space<vmem>>) target(%dma_start3A_667 : memref<10112x128xf32, #tpu.memory_space<vmem_shared>>) offsets(%arg24 : memref<40xi32, #tpu.memory_space<vmem>>) semaphore(%arg34 : memref<!tpu.dma_semaphore, #tpu.memory_space<semaphore_mem>>) {add = true}
      %mul3A_668 = arith.constant 40 : i32
      %mul3A_669 = arith.muli %mul3A_4, %mul3A_668 : i32
      %dma_wait3A_670 = tpu.memref_slice %arg2[%mul3A_669] : memref<320000xi32, #tpu.memory_space<hbm>> -> memref<40xi32, #tpu.memory_space<hbm>>
      %dma_wait3A_671 = tpu.memref_slice %arg2[%mul3A_669] : memref<320000xi32, #tpu.memory_space<hbm>> -> memref<40xi32, #tpu.memory_space<hbm>>
      tpu.wait_dma2 semaphore(%arg37 : memref<!tpu.dma_semaphore, #tpu.memory_space<semaphore_mem>>) src(%dma_wait3A_671 : memref<40xi32, #tpu.memory_space<hbm>>) dst(%arg18 : memref<40xi32, #tpu.memory_space<vmem>>)
      %add3A_672 = arith.constant 3 : i32
      %add3A_673 = arith.addi %add3A_625, %add3A_672 : i32
      %add3A_674 = arith.addi %mul3A_4, %add3A_673 : i32
      %dma_start3A_675 = arith.constant 0 : i32
      %dma_start3A_676 = arith.constant 0 : i32
      %dma_start3A_677 = tpu.memref_slice %arg4[%add3A_674, %dma_start3A_675, %dma_start3A_676] : memref<8000x40x128xf32, #tpu.memory_space<hbm>> -> memref<1x40x128xf32, #tpu.memory_space<hbm>>
      %dma_start3A_678 = tpu.memref_squeeze %dma_start3A_677 : memref<1x40x128xf32, #tpu.memory_space<hbm>> -> memref<40x128xf32, #tpu.memory_space<hbm>>
      %dma_start3A_679 = arith.constant 0 : i32
      %dma_start3A_680 = arith.constant 0 : i32
      %dma_start3A_681 = tpu.memref_slice %arg4[%add3A_674, %dma_start3A_679, %dma_start3A_680] : memref<8000x40x128xf32, #tpu.memory_space<hbm>> -> memref<1x40x128xf32, #tpu.memory_space<hbm>>
      %dma_start3A_682 = tpu.memref_squeeze %dma_start3A_681 : memref<1x40x128xf32, #tpu.memory_space<hbm>> -> memref<40x128xf32, #tpu.memory_space<hbm>>
      tpu.enqueue_dma source(%dma_start3A_682 : memref<40x128xf32, #tpu.memory_space<hbm>>) target(%arg12 : memref<40x128xf32, #tpu.memory_space<vmem>>) target_semaphore(%arg31 : memref<!tpu.dma_semaphore, #tpu.memory_space<semaphore_mem>>)
      %dma_start3A_683 = arith.constant 0 : i32
      %dma_start3A_684 = arith.constant 0 : i32
      %dma_start3A_685 = tpu.memref_slice %arg5[%dma_start3A_683, %dma_start3A_684] : memref<10000x128xf32, #tpu.memory_space<hbm>> -> memref<10000x128xf32, #tpu.memory_space<hbm>>
      tpu.enqueue_indirect_dma source(%dma_start3A_685 : memref<10000x128xf32, #tpu.memory_space<hbm>>) target(%arg9 : memref<40x128xf32, #tpu.memory_space<vmem>>) offsets(%arg18 : memref<40xi32, #tpu.memory_space<vmem>>) semaphore(%arg28 : memref<!tpu.dma_semaphore, #tpu.memory_space<semaphore_mem>>)
      %add3A_686 = arith.constant 2 : i32
      %add3A_687 = arith.addi %add3A_561, %add3A_686 : i32
      %add3A_688 = arith.addi %mul3A_4, %add3A_687 : i32
      %dma_wait3A_689 = arith.constant 0 : i32
      %dma_wait3A_690 = arith.constant 0 : i32
      %dma_wait3A_691 = tpu.memref_slice %arg4[%add3A_688, %dma_wait3A_689, %dma_wait3A_690] : memref<8000x40x128xf32, #tpu.memory_space<hbm>> -> memref<1x40x128xf32, #tpu.memory_space<hbm>>
      %dma_wait3A_692 = tpu.memref_squeeze %dma_wait3A_691 : memref<1x40x128xf32, #tpu.memory_space<hbm>> -> memref<40x128xf32, #tpu.memory_space<hbm>>
      %dma_wait3A_693 = arith.constant 0 : i32
      %dma_wait3A_694 = arith.constant 0 : i32
      %dma_wait3A_695 = tpu.memref_slice %arg4[%add3A_688, %dma_wait3A_693, %dma_wait3A_694] : memref<8000x40x128xf32, #tpu.memory_space<hbm>> -> memref<1x40x128xf32, #tpu.memory_space<hbm>>
      %dma_wait3A_696 = tpu.memref_squeeze %dma_wait3A_695 : memref<1x40x128xf32, #tpu.memory_space<hbm>> -> memref<40x128xf32, #tpu.memory_space<hbm>>
      tpu.wait_dma2 semaphore(%arg32 : memref<!tpu.dma_semaphore, #tpu.memory_space<semaphore_mem>>) src(%dma_wait3A_696 : memref<40x128xf32, #tpu.memory_space<hbm>>) dst(%arg13 : memref<40x128xf32, #tpu.memory_space<vmem>>)
      %dma_wait3A_697 = arith.constant 0 : i32
      %dma_wait3A_698 = arith.constant 0 : i32
      %dma_wait3A_699 = tpu.memref_slice %arg5[%dma_wait3A_697, %dma_wait3A_698] : memref<10000x128xf32, #tpu.memory_space<hbm>> -> memref<10000x128xf32, #tpu.memory_space<hbm>>
      tpu.wait_indirect_dma semaphore(%arg29 : memref<!tpu.dma_semaphore, #tpu.memory_space<semaphore_mem>>) src(%dma_wait3A_699 : memref<10000x128xf32, #tpu.memory_space<hbm>>) dst(%arg10 : memref<40x128xf32, #tpu.memory_space<vmem>>)
      %add3A_700 = arith.constant 3 : i32
      %add3A_701 = arith.addi %add3A_687, %add3A_700 : i32
      %add3A_702 = arith.addi %mul3A_4, %add3A_701 : i32
      %mul3A_703 = arith.constant 40 : i32
      %mul3A_704 = arith.muli %add3A_702, %mul3A_703 : i32
      %dma_start3A_705 = tpu.memref_slice %arg2[%mul3A_704] : memref<320000xi32, #tpu.memory_space<hbm>> -> memref<40xi32, #tpu.memory_space<hbm>>
      %dma_start3A_706 = tpu.memref_slice %arg2[%mul3A_704] : memref<320000xi32, #tpu.memory_space<hbm>> -> memref<40xi32, #tpu.memory_space<hbm>>
      tpu.enqueue_dma source(%dma_start3A_706 : memref<40xi32, #tpu.memory_space<hbm>>) target(%arg19 : memref<40xi32, #tpu.memory_space<vmem>>) target_semaphore(%arg38 : memref<!tpu.dma_semaphore, #tpu.memory_space<semaphore_mem>>)
      %dma_wait3A_707 = arith.constant 0 : i32
      %dma_wait3A_708 = arith.constant 0 : i32
      %dma_wait3A_709 = tpu.memref_slice %arg26[%dma_wait3A_707, %dma_wait3A_708] : memref<10112x128xf32, #tpu.memory_space<vmem_shared>> -> memref<10112x128xf32, #tpu.memory_space<vmem_shared>>
      tpu.wait_indirect_dma semaphore(%arg35 : memref<!tpu.dma_semaphore, #tpu.memory_space<semaphore_mem>>) src(%arg16 : memref<40x128xf32, #tpu.memory_space<vmem>>) dst(%dma_wait3A_709 : memref<10112x128xf32, #tpu.memory_space<vmem_shared>>)
      %add3A_710 = arith.constant 3 : i32
      %add3A_711 = arith.addi %add3A_687, %add3A_710 : i32
      %add3A_712 = arith.addi %mul3A_4, %add3A_711 : i32
      %mul3A_713 = arith.constant 40 : i32
      %mul3A_714 = arith.muli %add3A_712, %mul3A_713 : i32
      %dma_start3A_715 = tpu.memref_slice %arg3[%mul3A_714] : memref<320000xi32, #tpu.memory_space<hbm>> -> memref<40xi32, #tpu.memory_space<hbm>>
      %dma_start3A_716 = tpu.memref_slice %arg3[%mul3A_714] : memref<320000xi32, #tpu.memory_space<hbm>> -> memref<40xi32, #tpu.memory_space<hbm>>
      tpu.enqueue_dma source(%dma_start3A_716 : memref<40xi32, #tpu.memory_space<hbm>>) target(%arg22 : memref<40xi32, #tpu.memory_space<vmem>>) target_semaphore(%arg41 : memref<!tpu.dma_semaphore, #tpu.memory_space<semaphore_mem>>)
      %scan3A_717 = arith.constant 0 : i32
      %scan3A_718 = arith.constant 0 : i32
      %scan3A_719 = arith.constant 40 : i32
      %scan3A_720 = arith.addi %scan3A_718, %scan3A_719 : i32
      %scan3A_721 = arith.constant 1 : i32
      scf.for %scan3A_934 = %scan3A_718 to %scan3A_720 step %scan3A_721  : i32 {
        %get3A = arith.index_cast %scan3A_934 : i32 to index
        %get3A_935 = arith.constant 0 : index
        %get3A_936 = tpu.vector_load %arg10[%get3A, %get3A_935] {strides = array<i32>} : memref<40x128xf32, #tpu.memory_space<vmem>>, vector<1x16xf32>,
        %get3A_937 = vector.shape_cast %get3A_936 : vector<1x16xf32> to vector<16xf32>
        %get3A_938 = arith.index_cast %scan3A_934 : i32 to index
        %get3A_939 = arith.constant 0 : index
        %get3A_940 = tpu.vector_load %arg13[%get3A_938, %get3A_939] {strides = array<i32>} : memref<40x128xf32, #tpu.memory_space<vmem>>, vector<1x16xf32>,
        %get3A_941 = vector.shape_cast %get3A_940 : vector<1x16xf32> to vector<16xf32>
        %add3A_942 = arith.addf %get3A_937, %get3A_941 : vector<16xf32>
        %max3A = arith.constant 0.000000e+00 : f32
        %max3A_943 = vector.broadcast %max3A : f32 to vector<16xf32>
        %max3A_944 = arith.maximumf %add3A_942, %max3A_943 : vector<16xf32>
        %swap3A = arith.index_cast %scan3A_934 : i32 to index
        %swap3A_945 = arith.constant 0 : index
        %swap3A_946 = tpu.vector_load %arg16[%swap3A, %swap3A_945] {strides = array<i32>} : memref<40x128xf32, #tpu.memory_space<vmem>>, vector<1x16xf32>,
        %swap3A_947 = vector.shape_cast %swap3A_946 : vector<1x16xf32> to vector<16xf32>
        %swap3A_948 = vector.shape_cast %max3A_944 : vector<16xf32> to vector<1x16xf32>
        tpu.vector_store %arg16[%swap3A, %swap3A_945], %swap3A_948 {strides = array<i32>} : memref<40x128xf32, #tpu.memory_space<vmem>>, vector<1x16xf32>,
        %get3A_949 = arith.index_cast %scan3A_934 : i32 to index
        %get3A_950 = arith.constant 16 : index
        %get3A_951 = tpu.vector_load %arg10[%get3A_949, %get3A_950] {strides = array<i32>} : memref<40x128xf32, #tpu.memory_space<vmem>>, vector<1x16xf32>,
        %get3A_952 = vector.shape_cast %get3A_951 : vector<1x16xf32> to vector<16xf32>
        %get3A_953 = arith.index_cast %scan3A_934 : i32 to index
        %get3A_954 = arith.constant 16 : index
        %get3A_955 = tpu.vector_load %arg13[%get3A_953, %get3A_954] {strides = array<i32>} : memref<40x128xf32, #tpu.memory_space<vmem>>, vector<1x16xf32>,
        %get3A_956 = vector.shape_cast %get3A_955 : vector<1x16xf32> to vector<16xf32>
        %add3A_957 = arith.addf %get3A_952, %get3A_956 : vector<16xf32>
        %max3A_958 = arith.constant 0.000000e+00 : f32
        %max3A_959 = vector.broadcast %max3A_958 : f32 to vector<16xf32>
        %max3A_960 = arith.maximumf %add3A_957, %max3A_959 : vector<16xf32>
        %swap3A_961 = arith.index_cast %scan3A_934 : i32 to index
        %swap3A_962 = arith.constant 16 : index
        %swap3A_963 = tpu.vector_load %arg16[%swap3A_961, %swap3A_962] {strides = array<i32>} : memref<40x128xf32, #tpu.memory_space<vmem>>, vector<1x16xf32>,
        %swap3A_964 = vector.shape_cast %swap3A_963 : vector<1x16xf32> to vector<16xf32>
        %swap3A_965 = vector.shape_cast %max3A_960 : vector<16xf32> to vector<1x16xf32>
        tpu.vector_store %arg16[%swap3A_961, %swap3A_962], %swap3A_965 {strides = array<i32>} : memref<40x128xf32, #tpu.memory_space<vmem>>, vector<1x16xf32>,
        %get3A_966 = arith.index_cast %scan3A_934 : i32 to index
        %get3A_967 = arith.constant 32 : index
        %get3A_968 = tpu.vector_load %arg10[%get3A_966, %get3A_967] {strides = array<i32>} : memref<40x128xf32, #tpu.memory_space<vmem>>, vector<1x16xf32>,
        %get3A_969 = vector.shape_cast %get3A_968 : vector<1x16xf32> to vector<16xf32>
        %get3A_970 = arith.index_cast %scan3A_934 : i32 to index
        %get3A_971 = arith.constant 32 : index
        %get3A_972 = tpu.vector_load %arg13[%get3A_970, %get3A_971] {strides = array<i32>} : memref<40x128xf32, #tpu.memory_space<vmem>>, vector<1x16xf32>,
        %get3A_973 = vector.shape_cast %get3A_972 : vector<1x16xf32> to vector<16xf32>
        %add3A_974 = arith.addf %get3A_969, %get3A_973 : vector<16xf32>
        %max3A_975 = arith.constant 0.000000e+00 : f32
        %max3A_976 = vector.broadcast %max3A_975 : f32 to vector<16xf32>
        %max3A_977 = arith.maximumf %add3A_974, %max3A_976 : vector<16xf32>
        %swap3A_978 = arith.index_cast %scan3A_934 : i32 to index
        %swap3A_979 = arith.constant 32 : index
        %swap3A_980 = tpu.vector_load %arg16[%swap3A_978, %swap3A_979] {strides = array<i32>} : memref<40x128xf32, #tpu.memory_space<vmem>>, vector<1x16xf32>,
        %swap3A_981 = vector.shape_cast %swap3A_980 : vector<1x16xf32> to vector<16xf32>
        %swap3A_982 = vector.shape_cast %max3A_977 : vector<16xf32> to vector<1x16xf32>
        tpu.vector_store %arg16[%swap3A_978, %swap3A_979], %swap3A_982 {strides = array<i32>} : memref<40x128xf32, #tpu.memory_space<vmem>>, vector<1x16xf32>,
        %get3A_983 = arith.index_cast %scan3A_934 : i32 to index
        %get3A_984 = arith.constant 48 : index
        %get3A_985 = tpu.vector_load %arg10[%get3A_983, %get3A_984] {strides = array<i32>} : memref<40x128xf32, #tpu.memory_space<vmem>>, vector<1x16xf32>,
        %get3A_986 = vector.shape_cast %get3A_985 : vector<1x16xf32> to vector<16xf32>
        %get3A_987 = arith.index_cast %scan3A_934 : i32 to index
        %get3A_988 = arith.constant 48 : index
        %get3A_989 = tpu.vector_load %arg13[%get3A_987, %get3A_988] {strides = array<i32>} : memref<40x128xf32, #tpu.memory_space<vmem>>, vector<1x16xf32>,
        %get3A_990 = vector.shape_cast %get3A_989 : vector<1x16xf32> to vector<16xf32>
        %add3A_991 = arith.addf %get3A_986, %get3A_990 : vector<16xf32>
        %max3A_992 = arith.constant 0.000000e+00 : f32
        %max3A_993 = vector.broadcast %max3A_992 : f32 to vector<16xf32>
        %max3A_994 = arith.maximumf %add3A_991, %max3A_993 : vector<16xf32>
        %swap3A_995 = arith.index_cast %scan3A_934 : i32 to index
        %swap3A_996 = arith.constant 48 : index
        %swap3A_997 = tpu.vector_load %arg16[%swap3A_995, %swap3A_996] {strides = array<i32>} : memref<40x128xf32, #tpu.memory_space<vmem>>, vector<1x16xf32>,
        %swap3A_998 = vector.shape_cast %swap3A_997 : vector<1x16xf32> to vector<16xf32>
        %swap3A_999 = vector.shape_cast %max3A_994 : vector<16xf32> to vector<1x16xf32>
        tpu.vector_store %arg16[%swap3A_995, %swap3A_996], %swap3A_999 {strides = array<i32>} : memref<40x128xf32, #tpu.memory_space<vmem>>, vector<1x16xf32>,
        %get3A_1000 = arith.index_cast %scan3A_934 : i32 to index
        %get3A_1001 = arith.constant 64 : index
        %get3A_1002 = tpu.vector_load %arg10[%get3A_1000, %get3A_1001] {strides = array<i32>} : memref<40x128xf32, #tpu.memory_space<vmem>>, vector<1x16xf32>,
        %get3A_1003 = vector.shape_cast %get3A_1002 : vector<1x16xf32> to vector<16xf32>
        %get3A_1004 = arith.index_cast %scan3A_934 : i32 to index
        %get3A_1005 = arith.constant 64 : index
        %get3A_1006 = tpu.vector_load %arg13[%get3A_1004, %get3A_1005] {strides = array<i32>} : memref<40x128xf32, #tpu.memory_space<vmem>>, vector<1x16xf32>,
        %get3A_1007 = vector.shape_cast %get3A_1006 : vector<1x16xf32> to vector<16xf32>
        %add3A_1008 = arith.addf %get3A_1003, %get3A_1007 : vector<16xf32>
        %max3A_1009 = arith.constant 0.000000e+00 : f32
        %max3A_1010 = vector.broadcast %max3A_1009 : f32 to vector<16xf32>
        %max3A_1011 = arith.maximumf %add3A_1008, %max3A_1010 : vector<16xf32>
        %swap3A_1012 = arith.index_cast %scan3A_934 : i32 to index
        %swap3A_1013 = arith.constant 64 : index
        %swap3A_1014 = tpu.vector_load %arg16[%swap3A_1012, %swap3A_1013] {strides = array<i32>} : memref<40x128xf32, #tpu.memory_space<vmem>>, vector<1x16xf32>,
        %swap3A_1015 = vector.shape_cast %swap3A_1014 : vector<1x16xf32> to vector<16xf32>
        %swap3A_1016 = vector.shape_cast %max3A_1011 : vector<16xf32> to vector<1x16xf32>
        tpu.vector_store %arg16[%swap3A_1012, %swap3A_1013], %swap3A_1016 {strides = array<i32>} : memref<40x128xf32, #tpu.memory_space<vmem>>, vector<1x16xf32>,
        %get3A_1017 = arith.index_cast %scan3A_934 : i32 to index
        %get3A_1018 = arith.constant 80 : index
        %get3A_1019 = tpu.vector_load %arg10[%get3A_1017, %get3A_1018] {strides = array<i32>} : memref<40x128xf32, #tpu.memory_space<vmem>>, vector<1x16xf32>,
        %get3A_1020 = vector.shape_cast %get3A_1019 : vector<1x16xf32> to vector<16xf32>
        %get3A_1021 = arith.index_cast %scan3A_934 : i32 to index
        %get3A_1022 = arith.constant 80 : index
        %get3A_1023 = tpu.vector_load %arg13[%get3A_1021, %get3A_1022] {strides = array<i32>} : memref<40x128xf32, #tpu.memory_space<vmem>>, vector<1x16xf32>,
        %get3A_1024 = vector.shape_cast %get3A_1023 : vector<1x16xf32> to vector<16xf32>
        %add3A_1025 = arith.addf %get3A_1020, %get3A_1024 : vector<16xf32>
        %max3A_1026 = arith.constant 0.000000e+00 : f32
        %max3A_1027 = vector.broadcast %max3A_1026 : f32 to vector<16xf32>
        %max3A_1028 = arith.maximumf %add3A_1025, %max3A_1027 : vector<16xf32>
        %swap3A_1029 = arith.index_cast %scan3A_934 : i32 to index
        %swap3A_1030 = arith.constant 80 : index
        %swap3A_1031 = tpu.vector_load %arg16[%swap3A_1029, %swap3A_1030] {strides = array<i32>} : memref<40x128xf32, #tpu.memory_space<vmem>>, vector<1x16xf32>,
        %swap3A_1032 = vector.shape_cast %swap3A_1031 : vector<1x16xf32> to vector<16xf32>
        %swap3A_1033 = vector.shape_cast %max3A_1028 : vector<16xf32> to vector<1x16xf32>
        tpu.vector_store %arg16[%swap3A_1029, %swap3A_1030], %swap3A_1033 {strides = array<i32>} : memref<40x128xf32, #tpu.memory_space<vmem>>, vector<1x16xf32>,
        %get3A_1034 = arith.index_cast %scan3A_934 : i32 to index
        %get3A_1035 = arith.constant 96 : index
        %get3A_1036 = tpu.vector_load %arg10[%get3A_1034, %get3A_1035] {strides = array<i32>} : memref<40x128xf32, #tpu.memory_space<vmem>>, vector<1x16xf32>,
        %get3A_1037 = vector.shape_cast %get3A_1036 : vector<1x16xf32> to vector<16xf32>
        %get3A_1038 = arith.index_cast %scan3A_934 : i32 to index
        %get3A_1039 = arith.constant 96 : index
        %get3A_1040 = tpu.vector_load %arg13[%get3A_1038, %get3A_1039] {strides = array<i32>} : memref<40x128xf32, #tpu.memory_space<vmem>>, vector<1x16xf32>,
        %get3A_1041 = vector.shape_cast %get3A_1040 : vector<1x16xf32> to vector<16xf32>
        %add3A_1042 = arith.addf %get3A_1037, %get3A_1041 : vector<16xf32>
        %max3A_1043 = arith.constant 0.000000e+00 : f32
        %max3A_1044 = vector.broadcast %max3A_1043 : f32 to vector<16xf32>
        %max3A_1045 = arith.maximumf %add3A_1042, %max3A_1044 : vector<16xf32>
        %swap3A_1046 = arith.index_cast %scan3A_934 : i32 to index
        %swap3A_1047 = arith.constant 96 : index
        %swap3A_1048 = tpu.vector_load %arg16[%swap3A_1046, %swap3A_1047] {strides = array<i32>} : memref<40x128xf32, #tpu.memory_space<vmem>>, vector<1x16xf32>,
        %swap3A_1049 = vector.shape_cast %swap3A_1048 : vector<1x16xf32> to vector<16xf32>
        %swap3A_1050 = vector.shape_cast %max3A_1045 : vector<16xf32> to vector<1x16xf32>
        tpu.vector_store %arg16[%swap3A_1046, %swap3A_1047], %swap3A_1050 {strides = array<i32>} : memref<40x128xf32, #tpu.memory_space<vmem>>, vector<1x16xf32>,
        %get3A_1051 = arith.index_cast %scan3A_934 : i32 to index
        %get3A_1052 = arith.constant 112 : index
        %get3A_1053 = tpu.vector_load %arg10[%get3A_1051, %get3A_1052] {strides = array<i32>} : memref<40x128xf32, #tpu.memory_space<vmem>>, vector<1x16xf32>,
        %get3A_1054 = vector.shape_cast %get3A_1053 : vector<1x16xf32> to vector<16xf32>
        %get3A_1055 = arith.index_cast %scan3A_934 : i32 to index
        %get3A_1056 = arith.constant 112 : index
        %get3A_1057 = tpu.vector_load %arg13[%get3A_1055, %get3A_1056] {strides = array<i32>} : memref<40x128xf32, #tpu.memory_space<vmem>>, vector<1x16xf32>,
        %get3A_1058 = vector.shape_cast %get3A_1057 : vector<1x16xf32> to vector<16xf32>
        %add3A_1059 = arith.addf %get3A_1054, %get3A_1058 : vector<16xf32>
        %max3A_1060 = arith.constant 0.000000e+00 : f32
        %max3A_1061 = vector.broadcast %max3A_1060 : f32 to vector<16xf32>
        %max3A_1062 = arith.maximumf %add3A_1059, %max3A_1061 : vector<16xf32>
        %swap3A_1063 = arith.index_cast %scan3A_934 : i32 to index
        %swap3A_1064 = arith.constant 112 : index
        %swap3A_1065 = tpu.vector_load %arg16[%swap3A_1063, %swap3A_1064] {strides = array<i32>} : memref<40x128xf32, #tpu.memory_space<vmem>>, vector<1x16xf32>,
        %swap3A_1066 = vector.shape_cast %swap3A_1065 : vector<1x16xf32> to vector<16xf32>
        %swap3A_1067 = vector.shape_cast %max3A_1062 : vector<16xf32> to vector<1x16xf32>
        tpu.vector_store %arg16[%swap3A_1063, %swap3A_1064], %swap3A_1067 {strides = array<i32>} : memref<40x128xf32, #tpu.memory_space<vmem>>, vector<1x16xf32>,
      }
      %scan3A_722 = arith.constant 40 : i32
      %mul3A_723 = arith.constant 40 : i32
      %mul3A_724 = arith.muli %mul3A_4, %mul3A_723 : i32
      %dma_wait3A_725 = tpu.memref_slice %arg3[%mul3A_724] : memref<320000xi32, #tpu.memory_space<hbm>> -> memref<40xi32, #tpu.memory_space<hbm>>
      %dma_wait3A_726 = tpu.memref_slice %arg3[%mul3A_724] : memref<320000xi32, #tpu.memory_space<hbm>> -> memref<40xi32, #tpu.memory_space<hbm>>
      tpu.wait_dma2 semaphore(%arg44 : memref<!tpu.dma_semaphore, #tpu.memory_space<semaphore_mem>>) src(%dma_wait3A_726 : memref<40xi32, #tpu.memory_space<hbm>>) dst(%arg25 : memref<40xi32, #tpu.memory_space<vmem>>)
      %dma_start3A_727 = arith.constant 0 : i32
      %dma_start3A_728 = arith.constant 0 : i32
      %dma_start3A_729 = tpu.memref_slice %arg26[%dma_start3A_727, %dma_start3A_728] : memref<10112x128xf32, #tpu.memory_space<vmem_shared>> -> memref<10112x128xf32, #tpu.memory_space<vmem_shared>>
      tpu.enqueue_indirect_dma source(%arg16 : memref<40x128xf32, #tpu.memory_space<vmem>>) target(%dma_start3A_729 : memref<10112x128xf32, #tpu.memory_space<vmem_shared>>) offsets(%arg25 : memref<40xi32, #tpu.memory_space<vmem>>) semaphore(%arg35 : memref<!tpu.dma_semaphore, #tpu.memory_space<semaphore_mem>>) {add = true}
      %mul3A_730 = arith.constant 40 : i32
      %mul3A_731 = arith.muli %mul3A_4, %mul3A_730 : i32
      %dma_wait3A_732 = tpu.memref_slice %arg2[%mul3A_731] : memref<320000xi32, #tpu.memory_space<hbm>> -> memref<40xi32, #tpu.memory_space<hbm>>
      %dma_wait3A_733 = tpu.memref_slice %arg2[%mul3A_731] : memref<320000xi32, #tpu.memory_space<hbm>> -> memref<40xi32, #tpu.memory_space<hbm>>
      tpu.wait_dma2 semaphore(%arg38 : memref<!tpu.dma_semaphore, #tpu.memory_space<semaphore_mem>>) src(%dma_wait3A_733 : memref<40xi32, #tpu.memory_space<hbm>>) dst(%arg19 : memref<40xi32, #tpu.memory_space<vmem>>)
      %add3A_734 = arith.constant 3 : i32
      %add3A_735 = arith.addi %add3A_687, %add3A_734 : i32
      %add3A_736 = arith.addi %mul3A_4, %add3A_735 : i32
      %dma_start3A_737 = arith.constant 0 : i32
      %dma_start3A_738 = arith.constant 0 : i32
      %dma_start3A_739 = tpu.memref_slice %arg4[%add3A_736, %dma_start3A_737, %dma_start3A_738] : memref<8000x40x128xf32, #tpu.memory_space<hbm>> -> memref<1x40x128xf32, #tpu.memory_space<hbm>>
      %dma_start3A_740 = tpu.memref_squeeze %dma_start3A_739 : memref<1x40x128xf32, #tpu.memory_space<hbm>> -> memref<40x128xf32, #tpu.memory_space<hbm>>
      %dma_start3A_741 = arith.constant 0 : i32
      %dma_start3A_742 = arith.constant 0 : i32
      %dma_start3A_743 = tpu.memref_slice %arg4[%add3A_736, %dma_start3A_741, %dma_start3A_742] : memref<8000x40x128xf32, #tpu.memory_space<hbm>> -> memref<1x40x128xf32, #tpu.memory_space<hbm>>
      %dma_start3A_744 = tpu.memref_squeeze %dma_start3A_743 : memref<1x40x128xf32, #tpu.memory_space<hbm>> -> memref<40x128xf32, #tpu.memory_space<hbm>>
      tpu.enqueue_dma source(%dma_start3A_744 : memref<40x128xf32, #tpu.memory_space<hbm>>) target(%arg13 : memref<40x128xf32, #tpu.memory_space<vmem>>) target_semaphore(%arg32 : memref<!tpu.dma_semaphore, #tpu.memory_space<semaphore_mem>>)
      %dma_start3A_745 = arith.constant 0 : i32
      %dma_start3A_746 = arith.constant 0 : i32
      %dma_start3A_747 = tpu.memref_slice %arg5[%dma_start3A_745, %dma_start3A_746] : memref<10000x128xf32, #tpu.memory_space<hbm>> -> memref<10000x128xf32, #tpu.memory_space<hbm>>
      tpu.enqueue_indirect_dma source(%dma_start3A_747 : memref<10000x128xf32, #tpu.memory_space<hbm>>) target(%arg10 : memref<40x128xf32, #tpu.memory_space<vmem>>) offsets(%arg19 : memref<40xi32, #tpu.memory_space<vmem>>) semaphore(%arg29 : memref<!tpu.dma_semaphore, #tpu.memory_space<semaphore_mem>>)
      %add3A_748 = arith.constant 3 : i32
      %add3A_749 = arith.addi %add3A_561, %add3A_748 : i32
      %add3A_750 = arith.addi %mul3A_4, %add3A_749 : i32
      %dma_wait3A_751 = arith.constant 0 : i32
      %dma_wait3A_752 = arith.constant 0 : i32
      %dma_wait3A_753 = tpu.memref_slice %arg4[%add3A_750, %dma_wait3A_751, %dma_wait3A_752] : memref<8000x40x128xf32, #tpu.memory_space<hbm>> -> memref<1x40x128xf32, #tpu.memory_space<hbm>>
      %dma_wait3A_754 = tpu.memref_squeeze %dma_wait3A_753 : memref<1x40x128xf32, #tpu.memory_space<hbm>> -> memref<40x128xf32, #tpu.memory_space<hbm>>
      %dma_wait3A_755 = arith.constant 0 : i32
      %dma_wait3A_756 = arith.constant 0 : i32
      %dma_wait3A_757 = tpu.memref_slice %arg4[%add3A_750, %dma_wait3A_755, %dma_wait3A_756] : memref<8000x40x128xf32, #tpu.memory_space<hbm>> -> memref<1x40x128xf32, #tpu.memory_space<hbm>>
      %dma_wait3A_758 = tpu.memref_squeeze %dma_wait3A_757 : memref<1x40x128xf32, #tpu.memory_space<hbm>> -> memref<40x128xf32, #tpu.memory_space<hbm>>
      tpu.wait_dma2 semaphore(%arg30 : memref<!tpu.dma_semaphore, #tpu.memory_space<semaphore_mem>>) src(%dma_wait3A_758 : memref<40x128xf32, #tpu.memory_space<hbm>>) dst(%arg11 : memref<40x128xf32, #tpu.memory_space<vmem>>)
      %dma_wait3A_759 = arith.constant 0 : i32
      %dma_wait3A_760 = arith.constant 0 : i32
      %dma_wait3A_761 = tpu.memref_slice %arg5[%dma_wait3A_759, %dma_wait3A_760] : memref<10000x128xf32, #tpu.memory_space<hbm>> -> memref<10000x128xf32, #tpu.memory_space<hbm>>
      tpu.wait_indirect_dma semaphore(%arg27 : memref<!tpu.dma_semaphore, #tpu.memory_space<semaphore_mem>>) src(%dma_wait3A_761 : memref<10000x128xf32, #tpu.memory_space<hbm>>) dst(%arg8 : memref<40x128xf32, #tpu.memory_space<vmem>>)
      %add3A_762 = arith.constant 3 : i32
      %add3A_763 = arith.addi %add3A_749, %add3A_762 : i32
      %add3A_764 = arith.addi %mul3A_4, %add3A_763 : i32
      %mul3A_765 = arith.constant 40 : i32
      %mul3A_766 = arith.muli %add3A_764, %mul3A_765 : i32
      %dma_start3A_767 = tpu.memref_slice %arg2[%mul3A_766] : memref<320000xi32, #tpu.memory_space<hbm>> -> memref<40xi32, #tpu.memory_space<hbm>>
      %dma_start3A_768 = tpu.memref_slice %arg2[%mul3A_766] : memref<320000xi32, #tpu.memory_space<hbm>> -> memref<40xi32, #tpu.memory_space<hbm>>
      tpu.enqueue_dma source(%dma_start3A_768 : memref<40xi32, #tpu.memory_space<hbm>>) target(%arg17 : memref<40xi32, #tpu.memory_space<vmem>>) target_semaphore(%arg36 : memref<!tpu.dma_semaphore, #tpu.memory_space<semaphore_mem>>)
      %dma_wait3A_769 = arith.constant 0 : i32
      %dma_wait3A_770 = arith.constant 0 : i32
      %dma_wait3A_771 = tpu.memref_slice %arg26[%dma_wait3A_769, %dma_wait3A_770] : memref<10112x128xf32, #tpu.memory_space<vmem_shared>> -> memref<10112x128xf32, #tpu.memory_space<vmem_shared>>
      tpu.wait_indirect_dma semaphore(%arg33 : memref<!tpu.dma_semaphore, #tpu.memory_space<semaphore_mem>>) src(%arg14 : memref<40x128xf32, #tpu.memory_space<vmem>>) dst(%dma_wait3A_771 : memref<10112x128xf32, #tpu.memory_space<vmem_shared>>)
      %add3A_772 = arith.constant 3 : i32
      %add3A_773 = arith.addi %add3A_749, %add3A_772 : i32
      %add3A_774 = arith.addi %mul3A_4, %add3A_773 : i32
      %mul3A_775 = arith.constant 40 : i32
      %mul3A_776 = arith.muli %add3A_774, %mul3A_775 : i32
      %dma_start3A_777 = tpu.memref_slice %arg3[%mul3A_776] : memref<320000xi32, #tpu.memory_space<hbm>> -> memref<40xi32, #tpu.memory_space<hbm>>
      %dma_start3A_778 = tpu.memref_slice %arg3[%mul3A_776] : memref<320000xi32, #tpu.memory_space<hbm>> -> memref<40xi32, #tpu.memory_space<hbm>>
      tpu.enqueue_dma source(%dma_start3A_778 : memref<40xi32, #tpu.memory_space<hbm>>) target(%arg23 : memref<40xi32, #tpu.memory_space<vmem>>) target_semaphore(%arg42 : memref<!tpu.dma_semaphore, #tpu.memory_space<semaphore_mem>>)
      %scan3A_779 = arith.constant 0 : i32
      %scan3A_780 = arith.constant 0 : i32
      %scan3A_781 = arith.constant 40 : i32
      %scan3A_782 = arith.addi %scan3A_780, %scan3A_781 : i32
      %scan3A_783 = arith.constant 1 : i32
      scf.for %scan3A_934 = %scan3A_780 to %scan3A_782 step %scan3A_783  : i32 {
        %get3A = arith.index_cast %scan3A_934 : i32 to index
        %get3A_935 = arith.constant 0 : index
        %get3A_936 = tpu.vector_load %arg8[%get3A, %get3A_935] {strides = array<i32>} : memref<40x128xf32, #tpu.memory_space<vmem>>, vector<1x16xf32>,
        %get3A_937 = vector.shape_cast %get3A_936 : vector<1x16xf32> to vector<16xf32>
        %get3A_938 = arith.index_cast %scan3A_934 : i32 to index
        %get3A_939 = arith.constant 0 : index
        %get3A_940 = tpu.vector_load %arg11[%get3A_938, %get3A_939] {strides = array<i32>} : memref<40x128xf32, #tpu.memory_space<vmem>>, vector<1x16xf32>,
        %get3A_941 = vector.shape_cast %get3A_940 : vector<1x16xf32> to vector<16xf32>
        %add3A_942 = arith.addf %get3A_937, %get3A_941 : vector<16xf32>
        %max3A = arith.constant 0.000000e+00 : f32
        %max3A_943 = vector.broadcast %max3A : f32 to vector<16xf32>
        %max3A_944 = arith.maximumf %add3A_942, %max3A_943 : vector<16xf32>
        %swap3A = arith.index_cast %scan3A_934 : i32 to index
        %swap3A_945 = arith.constant 0 : index
        %swap3A_946 = tpu.vector_load %arg14[%swap3A, %swap3A_945] {strides = array<i32>} : memref<40x128xf32, #tpu.memory_space<vmem>>, vector<1x16xf32>,
        %swap3A_947 = vector.shape_cast %swap3A_946 : vector<1x16xf32> to vector<16xf32>
        %swap3A_948 = vector.shape_cast %max3A_944 : vector<16xf32> to vector<1x16xf32>
        tpu.vector_store %arg14[%swap3A, %swap3A_945], %swap3A_948 {strides = array<i32>} : memref<40x128xf32, #tpu.memory_space<vmem>>, vector<1x16xf32>,
        %get3A_949 = arith.index_cast %scan3A_934 : i32 to index
        %get3A_950 = arith.constant 16 : index
        %get3A_951 = tpu.vector_load %arg8[%get3A_949, %get3A_950] {strides = array<i32>} : memref<40x128xf32, #tpu.memory_space<vmem>>, vector<1x16xf32>,
        %get3A_952 = vector.shape_cast %get3A_951 : vector<1x16xf32> to vector<16xf32>
        %get3A_953 = arith.index_cast %scan3A_934 : i32 to index
        %get3A_954 = arith.constant 16 : index
        %get3A_955 = tpu.vector_load %arg11[%get3A_953, %get3A_954] {strides = array<i32>} : memref<40x128xf32, #tpu.memory_space<vmem>>, vector<1x16xf32>,
        %get3A_956 = vector.shape_cast %get3A_955 : vector<1x16xf32> to vector<16xf32>
        %add3A_957 = arith.addf %get3A_952, %get3A_956 : vector<16xf32>
        %max3A_958 = arith.constant 0.000000e+00 : f32
        %max3A_959 = vector.broadcast %max3A_958 : f32 to vector<16xf32>
        %max3A_960 = arith.maximumf %add3A_957, %max3A_959 : vector<16xf32>
        %swap3A_961 = arith.index_cast %scan3A_934 : i32 to index
        %swap3A_962 = arith.constant 16 : index
        %swap3A_963 = tpu.vector_load %arg14[%swap3A_961, %swap3A_962] {strides = array<i32>} : memref<40x128xf32, #tpu.memory_space<vmem>>, vector<1x16xf32>,
        %swap3A_964 = vector.shape_cast %swap3A_963 : vector<1x16xf32> to vector<16xf32>
        %swap3A_965 = vector.shape_cast %max3A_960 : vector<16xf32> to vector<1x16xf32>
        tpu.vector_store %arg14[%swap3A_961, %swap3A_962], %swap3A_965 {strides = array<i32>} : memref<40x128xf32, #tpu.memory_space<vmem>>, vector<1x16xf32>,
        %get3A_966 = arith.index_cast %scan3A_934 : i32 to index
        %get3A_967 = arith.constant 32 : index
        %get3A_968 = tpu.vector_load %arg8[%get3A_966, %get3A_967] {strides = array<i32>} : memref<40x128xf32, #tpu.memory_space<vmem>>, vector<1x16xf32>,
        %get3A_969 = vector.shape_cast %get3A_968 : vector<1x16xf32> to vector<16xf32>
        %get3A_970 = arith.index_cast %scan3A_934 : i32 to index
        %get3A_971 = arith.constant 32 : index
        %get3A_972 = tpu.vector_load %arg11[%get3A_970, %get3A_971] {strides = array<i32>} : memref<40x128xf32, #tpu.memory_space<vmem>>, vector<1x16xf32>,
        %get3A_973 = vector.shape_cast %get3A_972 : vector<1x16xf32> to vector<16xf32>
        %add3A_974 = arith.addf %get3A_969, %get3A_973 : vector<16xf32>
        %max3A_975 = arith.constant 0.000000e+00 : f32
        %max3A_976 = vector.broadcast %max3A_975 : f32 to vector<16xf32>
        %max3A_977 = arith.maximumf %add3A_974, %max3A_976 : vector<16xf32>
        %swap3A_978 = arith.index_cast %scan3A_934 : i32 to index
        %swap3A_979 = arith.constant 32 : index
        %swap3A_980 = tpu.vector_load %arg14[%swap3A_978, %swap3A_979] {strides = array<i32>} : memref<40x128xf32, #tpu.memory_space<vmem>>, vector<1x16xf32>,
        %swap3A_981 = vector.shape_cast %swap3A_980 : vector<1x16xf32> to vector<16xf32>
        %swap3A_982 = vector.shape_cast %max3A_977 : vector<16xf32> to vector<1x16xf32>
        tpu.vector_store %arg14[%swap3A_978, %swap3A_979], %swap3A_982 {strides = array<i32>} : memref<40x128xf32, #tpu.memory_space<vmem>>, vector<1x16xf32>,
        %get3A_983 = arith.index_cast %scan3A_934 : i32 to index
        %get3A_984 = arith.constant 48 : index
        %get3A_985 = tpu.vector_load %arg8[%get3A_983, %get3A_984] {strides = array<i32>} : memref<40x128xf32, #tpu.memory_space<vmem>>, vector<1x16xf32>,
        %get3A_986 = vector.shape_cast %get3A_985 : vector<1x16xf32> to vector<16xf32>
        %get3A_987 = arith.index_cast %scan3A_934 : i32 to index
        %get3A_988 = arith.constant 48 : index
        %get3A_989 = tpu.vector_load %arg11[%get3A_987, %get3A_988] {strides = array<i32>} : memref<40x128xf32, #tpu.memory_space<vmem>>, vector<1x16xf32>,
        %get3A_990 = vector.shape_cast %get3A_989 : vector<1x16xf32> to vector<16xf32>
        %add3A_991 = arith.addf %get3A_986, %get3A_990 : vector<16xf32>
        %max3A_992 = arith.constant 0.000000e+00 : f32
        %max3A_993 = vector.broadcast %max3A_992 : f32 to vector<16xf32>
        %max3A_994 = arith.maximumf %add3A_991, %max3A_993 : vector<16xf32>
        %swap3A_995 = arith.index_cast %scan3A_934 : i32 to index
        %swap3A_996 = arith.constant 48 : index
        %swap3A_997 = tpu.vector_load %arg14[%swap3A_995, %swap3A_996] {strides = array<i32>} : memref<40x128xf32, #tpu.memory_space<vmem>>, vector<1x16xf32>,
        %swap3A_998 = vector.shape_cast %swap3A_997 : vector<1x16xf32> to vector<16xf32>
        %swap3A_999 = vector.shape_cast %max3A_994 : vector<16xf32> to vector<1x16xf32>
        tpu.vector_store %arg14[%swap3A_995, %swap3A_996], %swap3A_999 {strides = array<i32>} : memref<40x128xf32, #tpu.memory_space<vmem>>, vector<1x16xf32>,
        %get3A_1000 = arith.index_cast %scan3A_934 : i32 to index
        %get3A_1001 = arith.constant 64 : index
        %get3A_1002 = tpu.vector_load %arg8[%get3A_1000, %get3A_1001] {strides = array<i32>} : memref<40x128xf32, #tpu.memory_space<vmem>>, vector<1x16xf32>,
        %get3A_1003 = vector.shape_cast %get3A_1002 : vector<1x16xf32> to vector<16xf32>
        %get3A_1004 = arith.index_cast %scan3A_934 : i32 to index
        %get3A_1005 = arith.constant 64 : index
        %get3A_1006 = tpu.vector_load %arg11[%get3A_1004, %get3A_1005] {strides = array<i32>} : memref<40x128xf32, #tpu.memory_space<vmem>>, vector<1x16xf32>,
        %get3A_1007 = vector.shape_cast %get3A_1006 : vector<1x16xf32> to vector<16xf32>
        %add3A_1008 = arith.addf %get3A_1003, %get3A_1007 : vector<16xf32>
        %max3A_1009 = arith.constant 0.000000e+00 : f32
        %max3A_1010 = vector.broadcast %max3A_1009 : f32 to vector<16xf32>
        %max3A_1011 = arith.maximumf %add3A_1008, %max3A_1010 : vector<16xf32>
        %swap3A_1012 = arith.index_cast %scan3A_934 : i32 to index
        %swap3A_1013 = arith.constant 64 : index
        %swap3A_1014 = tpu.vector_load %arg14[%swap3A_1012, %swap3A_1013] {strides = array<i32>} : memref<40x128xf32, #tpu.memory_space<vmem>>, vector<1x16xf32>,
        %swap3A_1015 = vector.shape_cast %swap3A_1014 : vector<1x16xf32> to vector<16xf32>
        %swap3A_1016 = vector.shape_cast %max3A_1011 : vector<16xf32> to vector<1x16xf32>
        tpu.vector_store %arg14[%swap3A_1012, %swap3A_1013], %swap3A_1016 {strides = array<i32>} : memref<40x128xf32, #tpu.memory_space<vmem>>, vector<1x16xf32>,
        %get3A_1017 = arith.index_cast %scan3A_934 : i32 to index
        %get3A_1018 = arith.constant 80 : index
        %get3A_1019 = tpu.vector_load %arg8[%get3A_1017, %get3A_1018] {strides = array<i32>} : memref<40x128xf32, #tpu.memory_space<vmem>>, vector<1x16xf32>,
        %get3A_1020 = vector.shape_cast %get3A_1019 : vector<1x16xf32> to vector<16xf32>
        %get3A_1021 = arith.index_cast %scan3A_934 : i32 to index
        %get3A_1022 = arith.constant 80 : index
        %get3A_1023 = tpu.vector_load %arg11[%get3A_1021, %get3A_1022] {strides = array<i32>} : memref<40x128xf32, #tpu.memory_space<vmem>>, vector<1x16xf32>,
        %get3A_1024 = vector.shape_cast %get3A_1023 : vector<1x16xf32> to vector<16xf32>
        %add3A_1025 = arith.addf %get3A_1020, %get3A_1024 : vector<16xf32>
        %max3A_1026 = arith.constant 0.000000e+00 : f32
        %max3A_1027 = vector.broadcast %max3A_1026 : f32 to vector<16xf32>
        %max3A_1028 = arith.maximumf %add3A_1025, %max3A_1027 : vector<16xf32>
        %swap3A_1029 = arith.index_cast %scan3A_934 : i32 to index
        %swap3A_1030 = arith.constant 80 : index
        %swap3A_1031 = tpu.vector_load %arg14[%swap3A_1029, %swap3A_1030] {strides = array<i32>} : memref<40x128xf32, #tpu.memory_space<vmem>>, vector<1x16xf32>,
        %swap3A_1032 = vector.shape_cast %swap3A_1031 : vector<1x16xf32> to vector<16xf32>
        %swap3A_1033 = vector.shape_cast %max3A_1028 : vector<16xf32> to vector<1x16xf32>
        tpu.vector_store %arg14[%swap3A_1029, %swap3A_1030], %swap3A_1033 {strides = array<i32>} : memref<40x128xf32, #tpu.memory_space<vmem>>, vector<1x16xf32>,
        %get3A_1034 = arith.index_cast %scan3A_934 : i32 to index
        %get3A_1035 = arith.constant 96 : index
        %get3A_1036 = tpu.vector_load %arg8[%get3A_1034, %get3A_1035] {strides = array<i32>} : memref<40x128xf32, #tpu.memory_space<vmem>>, vector<1x16xf32>,
        %get3A_1037 = vector.shape_cast %get3A_1036 : vector<1x16xf32> to vector<16xf32>
        %get3A_1038 = arith.index_cast %scan3A_934 : i32 to index
        %get3A_1039 = arith.constant 96 : index
        %get3A_1040 = tpu.vector_load %arg11[%get3A_1038, %get3A_1039] {strides = array<i32>} : memref<40x128xf32, #tpu.memory_space<vmem>>, vector<1x16xf32>,
        %get3A_1041 = vector.shape_cast %get3A_1040 : vector<1x16xf32> to vector<16xf32>
        %add3A_1042 = arith.addf %get3A_1037, %get3A_1041 : vector<16xf32>
        %max3A_1043 = arith.constant 0.000000e+00 : f32
        %max3A_1044 = vector.broadcast %max3A_1043 : f32 to vector<16xf32>
        %max3A_1045 = arith.maximumf %add3A_1042, %max3A_1044 : vector<16xf32>
        %swap3A_1046 = arith.index_cast %scan3A_934 : i32 to index
        %swap3A_1047 = arith.constant 96 : index
        %swap3A_1048 = tpu.vector_load %arg14[%swap3A_1046, %swap3A_1047] {strides = array<i32>} : memref<40x128xf32, #tpu.memory_space<vmem>>, vector<1x16xf32>,
        %swap3A_1049 = vector.shape_cast %swap3A_1048 : vector<1x16xf32> to vector<16xf32>
        %swap3A_1050 = vector.shape_cast %max3A_1045 : vector<16xf32> to vector<1x16xf32>
        tpu.vector_store %arg14[%swap3A_1046, %swap3A_1047], %swap3A_1050 {strides = array<i32>} : memref<40x128xf32, #tpu.memory_space<vmem>>, vector<1x16xf32>,
        %get3A_1051 = arith.index_cast %scan3A_934 : i32 to index
        %get3A_1052 = arith.constant 112 : index
        %get3A_1053 = tpu.vector_load %arg8[%get3A_1051, %get3A_1052] {strides = array<i32>} : memref<40x128xf32, #tpu.memory_space<vmem>>, vector<1x16xf32>,
        %get3A_1054 = vector.shape_cast %get3A_1053 : vector<1x16xf32> to vector<16xf32>
        %get3A_1055 = arith.index_cast %scan3A_934 : i32 to index
        %get3A_1056 = arith.constant 112 : index
        %get3A_1057 = tpu.vector_load %arg11[%get3A_1055, %get3A_1056] {strides = array<i32>} : memref<40x128xf32, #tpu.memory_space<vmem>>, vector<1x16xf32>,
        %get3A_1058 = vector.shape_cast %get3A_1057 : vector<1x16xf32> to vector<16xf32>
        %add3A_1059 = arith.addf %get3A_1054, %get3A_1058 : vector<16xf32>
        %max3A_1060 = arith.constant 0.000000e+00 : f32
        %max3A_1061 = vector.broadcast %max3A_1060 : f32 to vector<16xf32>
        %max3A_1062 = arith.maximumf %add3A_1059, %max3A_1061 : vector<16xf32>
        %swap3A_1063 = arith.index_cast %scan3A_934 : i32 to index
        %swap3A_1064 = arith.constant 112 : index
        %swap3A_1065 = tpu.vector_load %arg14[%swap3A_1063, %swap3A_1064] {strides = array<i32>} : memref<40x128xf32, #tpu.memory_space<vmem>>, vector<1x16xf32>,
        %swap3A_1066 = vector.shape_cast %swap3A_1065 : vector<1x16xf32> to vector<16xf32>
        %swap3A_1067 = vector.shape_cast %max3A_1062 : vector<16xf32> to vector<1x16xf32>
        tpu.vector_store %arg14[%swap3A_1063, %swap3A_1064], %swap3A_1067 {strides = array<i32>} : memref<40x128xf32, #tpu.memory_space<vmem>>, vector<1x16xf32>,
      }
      %scan3A_784 = arith.constant 40 : i32
      %mul3A_785 = arith.constant 40 : i32
      %mul3A_786 = arith.muli %mul3A_4, %mul3A_785 : i32
      %dma_wait3A_787 = tpu.memref_slice %arg3[%mul3A_786] : memref<320000xi32, #tpu.memory_space<hbm>> -> memref<40xi32, #tpu.memory_space<hbm>>
      %dma_wait3A_788 = tpu.memref_slice %arg3[%mul3A_786] : memref<320000xi32, #tpu.memory_space<hbm>> -> memref<40xi32, #tpu.memory_space<hbm>>
      tpu.wait_dma2 semaphore(%arg39 : memref<!tpu.dma_semaphore, #tpu.memory_space<semaphore_mem>>) src(%dma_wait3A_788 : memref<40xi32, #tpu.memory_space<hbm>>) dst(%arg20 : memref<40xi32, #tpu.memory_space<vmem>>)
      %dma_start3A_789 = arith.constant 0 : i32
      %dma_start3A_790 = arith.constant 0 : i32
      %dma_start3A_791 = tpu.memref_slice %arg26[%dma_start3A_789, %dma_start3A_790] : memref<10112x128xf32, #tpu.memory_space<vmem_shared>> -> memref<10112x128xf32, #tpu.memory_space<vmem_shared>>
      tpu.enqueue_indirect_dma source(%arg14 : memref<40x128xf32, #tpu.memory_space<vmem>>) target(%dma_start3A_791 : memref<10112x128xf32, #tpu.memory_space<vmem_shared>>) offsets(%arg20 : memref<40xi32, #tpu.memory_space<vmem>>) semaphore(%arg33 : memref<!tpu.dma_semaphore, #tpu.memory_space<semaphore_mem>>) {add = true}
      %mul3A_792 = arith.constant 40 : i32
      %mul3A_793 = arith.muli %mul3A_4, %mul3A_792 : i32
      %dma_wait3A_794 = tpu.memref_slice %arg2[%mul3A_793] : memref<320000xi32, #tpu.memory_space<hbm>> -> memref<40xi32, #tpu.memory_space<hbm>>
      %dma_wait3A_795 = tpu.memref_slice %arg2[%mul3A_793] : memref<320000xi32, #tpu.memory_space<hbm>> -> memref<40xi32, #tpu.memory_space<hbm>>
      tpu.wait_dma2 semaphore(%arg36 : memref<!tpu.dma_semaphore, #tpu.memory_space<semaphore_mem>>) src(%dma_wait3A_795 : memref<40xi32, #tpu.memory_space<hbm>>) dst(%arg17 : memref<40xi32, #tpu.memory_space<vmem>>)
      %add3A_796 = arith.constant 3 : i32
      %add3A_797 = arith.addi %add3A_749, %add3A_796 : i32
      %add3A_798 = arith.addi %mul3A_4, %add3A_797 : i32
      %dma_start3A_799 = arith.constant 0 : i32
      %dma_start3A_800 = arith.constant 0 : i32
      %dma_start3A_801 = tpu.memref_slice %arg4[%add3A_798, %dma_start3A_799, %dma_start3A_800] : memref<8000x40x128xf32, #tpu.memory_space<hbm>> -> memref<1x40x128xf32, #tpu.memory_space<hbm>>
      %dma_start3A_802 = tpu.memref_squeeze %dma_start3A_801 : memref<1x40x128xf32, #tpu.memory_space<hbm>> -> memref<40x128xf32, #tpu.memory_space<hbm>>
      %dma_start3A_803 = arith.constant 0 : i32
      %dma_start3A_804 = arith.constant 0 : i32
      %dma_start3A_805 = tpu.memref_slice %arg4[%add3A_798, %dma_start3A_803, %dma_start3A_804] : memref<8000x40x128xf32, #tpu.memory_space<hbm>> -> memref<1x40x128xf32, #tpu.memory_space<hbm>>
      %dma_start3A_806 = tpu.memref_squeeze %dma_start3A_805 : memref<1x40x128xf32, #tpu.memory_space<hbm>> -> memref<40x128xf32, #tpu.memory_space<hbm>>
      tpu.enqueue_dma source(%dma_start3A_806 : memref<40x128xf32, #tpu.memory_space<hbm>>) target(%arg11 : memref<40x128xf32, #tpu.memory_space<vmem>>) target_semaphore(%arg30 : memref<!tpu.dma_semaphore, #tpu.memory_space<semaphore_mem>>)
      %dma_start3A_807 = arith.constant 0 : i32
      %dma_start3A_808 = arith.constant 0 : i32
      %dma_start3A_809 = tpu.memref_slice %arg5[%dma_start3A_807, %dma_start3A_808] : memref<10000x128xf32, #tpu.memory_space<hbm>> -> memref<10000x128xf32, #tpu.memory_space<hbm>>
      tpu.enqueue_indirect_dma source(%dma_start3A_809 : memref<10000x128xf32, #tpu.memory_space<hbm>>) target(%arg8 : memref<40x128xf32, #tpu.memory_space<vmem>>) offsets(%arg17 : memref<40xi32, #tpu.memory_space<vmem>>) semaphore(%arg27 : memref<!tpu.dma_semaphore, #tpu.memory_space<semaphore_mem>>)
      %add3A_810 = arith.constant 4 : i32
      %add3A_811 = arith.addi %add3A_561, %add3A_810 : i32
      %add3A_812 = arith.addi %mul3A_4, %add3A_811 : i32
      %dma_wait3A_813 = arith.constant 0 : i32
      %dma_wait3A_814 = arith.constant 0 : i32
      %dma_wait3A_815 = tpu.memref_slice %arg4[%add3A_812, %dma_wait3A_813, %dma_wait3A_814] : memref<8000x40x128xf32, #tpu.memory_space<hbm>> -> memref<1x40x128xf32, #tpu.memory_space<hbm>>
      %dma_wait3A_816 = tpu.memref_squeeze %dma_wait3A_815 : memref<1x40x128xf32, #tpu.memory_space<hbm>> -> memref<40x128xf32, #tpu.memory_space<hbm>>
      %dma_wait3A_817 = arith.constant 0 : i32
      %dma_wait3A_818 = arith.constant 0 : i32
      %dma_wait3A_819 = tpu.memref_slice %arg4[%add3A_812, %dma_wait3A_817, %dma_wait3A_818] : memref<8000x40x128xf32, #tpu.memory_space<hbm>> -> memref<1x40x128xf32, #tpu.memory_space<hbm>>
      %dma_wait3A_820 = tpu.memref_squeeze %dma_wait3A_819 : memref<1x40x128xf32, #tpu.memory_space<hbm>> -> memref<40x128xf32, #tpu.memory_space<hbm>>
      tpu.wait_dma2 semaphore(%arg31 : memref<!tpu.dma_semaphore, #tpu.memory_space<semaphore_mem>>) src(%dma_wait3A_820 : memref<40x128xf32, #tpu.memory_space<hbm>>) dst(%arg12 : memref<40x128xf32, #tpu.memory_space<vmem>>)
      %dma_wait3A_821 = arith.constant 0 : i32
      %dma_wait3A_822 = arith.constant 0 : i32
      %dma_wait3A_823 = tpu.memref_slice %arg5[%dma_wait3A_821, %dma_wait3A_822] : memref<10000x128xf32, #tpu.memory_space<hbm>> -> memref<10000x128xf32, #tpu.memory_space<hbm>>
      tpu.wait_indirect_dma semaphore(%arg28 : memref<!tpu.dma_semaphore, #tpu.memory_space<semaphore_mem>>) src(%dma_wait3A_823 : memref<10000x128xf32, #tpu.memory_space<hbm>>) dst(%arg9 : memref<40x128xf32, #tpu.memory_space<vmem>>)
      %add3A_824 = arith.constant 3 : i32
      %add3A_825 = arith.addi %add3A_811, %add3A_824 : i32
      %add3A_826 = arith.addi %mul3A_4, %add3A_825 : i32
      %mul3A_827 = arith.constant 40 : i32
      %mul3A_828 = arith.muli %add3A_826, %mul3A_827 : i32
      %dma_start3A_829 = tpu.memref_slice %arg2[%mul3A_828] : memref<320000xi32, #tpu.memory_space<hbm>> -> memref<40xi32, #tpu.memory_space<hbm>>
      %dma_start3A_830 = tpu.memref_slice %arg2[%mul3A_828] : memref<320000xi32, #tpu.memory_space<hbm>> -> memref<40xi32, #tpu.memory_space<hbm>>
      tpu.enqueue_dma source(%dma_start3A_830 : memref<40xi32, #tpu.memory_space<hbm>>) target(%arg18 : memref<40xi32, #tpu.memory_space<vmem>>) target_semaphore(%arg37 : memref<!tpu.dma_semaphore, #tpu.memory_space<semaphore_mem>>)
      %dma_wait3A_831 = arith.constant 0 : i32
      %dma_wait3A_832 = arith.constant 0 : i32
      %dma_wait3A_833 = tpu.memref_slice %arg26[%dma_wait3A_831, %dma_wait3A_832] : memref<10112x128xf32, #tpu.memory_space<vmem_shared>> -> memref<10112x128xf32, #tpu.memory_space<vmem_shared>>
      tpu.wait_indirect_dma semaphore(%arg34 : memref<!tpu.dma_semaphore, #tpu.memory_space<semaphore_mem>>) src(%arg15 : memref<40x128xf32, #tpu.memory_space<vmem>>) dst(%dma_wait3A_833 : memref<10112x128xf32, #tpu.memory_space<vmem_shared>>)
      %add3A_834 = arith.constant 3 : i32
      %add3A_835 = arith.addi %add3A_811, %add3A_834 : i32
      %add3A_836 = arith.addi %mul3A_4, %add3A_835 : i32
      %mul3A_837 = arith.constant 40 : i32
      %mul3A_838 = arith.muli %add3A_836, %mul3A_837 : i32
      %dma_start3A_839 = tpu.memref_slice %arg3[%mul3A_838] : memref<320000xi32, #tpu.memory_space<hbm>> -> memref<40xi32, #tpu.memory_space<hbm>>
      %dma_start3A_840 = tpu.memref_slice %arg3[%mul3A_838] : memref<320000xi32, #tpu.memory_space<hbm>> -> memref<40xi32, #tpu.memory_space<hbm>>
      tpu.enqueue_dma source(%dma_start3A_840 : memref<40xi32, #tpu.memory_space<hbm>>) target(%arg24 : memref<40xi32, #tpu.memory_space<vmem>>) target_semaphore(%arg43 : memref<!tpu.dma_semaphore, #tpu.memory_space<semaphore_mem>>)
      %scan3A_841 = arith.constant 0 : i32
      %scan3A_842 = arith.constant 0 : i32
      %scan3A_843 = arith.constant 40 : i32
      %scan3A_844 = arith.addi %scan3A_842, %scan3A_843 : i32
      %scan3A_845 = arith.constant 1 : i32
      scf.for %scan3A_934 = %scan3A_842 to %scan3A_844 step %scan3A_845  : i32 {
        %get3A = arith.index_cast %scan3A_934 : i32 to index
        %get3A_935 = arith.constant 0 : index
        %get3A_936 = tpu.vector_load %arg9[%get3A, %get3A_935] {strides = array<i32>} : memref<40x128xf32, #tpu.memory_space<vmem>>, vector<1x16xf32>,
        %get3A_937 = vector.shape_cast %get3A_936 : vector<1x16xf32> to vector<16xf32>
        %get3A_938 = arith.index_cast %scan3A_934 : i32 to index
        %get3A_939 = arith.constant 0 : index
        %get3A_940 = tpu.vector_load %arg12[%get3A_938, %get3A_939] {strides = array<i32>} : memref<40x128xf32, #tpu.memory_space<vmem>>, vector<1x16xf32>,
        %get3A_941 = vector.shape_cast %get3A_940 : vector<1x16xf32> to vector<16xf32>
        %add3A_942 = arith.addf %get3A_937, %get3A_941 : vector<16xf32>
        %max3A = arith.constant 0.000000e+00 : f32
        %max3A_943 = vector.broadcast %max3A : f32 to vector<16xf32>
        %max3A_944 = arith.maximumf %add3A_942, %max3A_943 : vector<16xf32>
        %swap3A = arith.index_cast %scan3A_934 : i32 to index
        %swap3A_945 = arith.constant 0 : index
        %swap3A_946 = tpu.vector_load %arg15[%swap3A, %swap3A_945] {strides = array<i32>} : memref<40x128xf32, #tpu.memory_space<vmem>>, vector<1x16xf32>,
        %swap3A_947 = vector.shape_cast %swap3A_946 : vector<1x16xf32> to vector<16xf32>
        %swap3A_948 = vector.shape_cast %max3A_944 : vector<16xf32> to vector<1x16xf32>
        tpu.vector_store %arg15[%swap3A, %swap3A_945], %swap3A_948 {strides = array<i32>} : memref<40x128xf32, #tpu.memory_space<vmem>>, vector<1x16xf32>,
        %get3A_949 = arith.index_cast %scan3A_934 : i32 to index
        %get3A_950 = arith.constant 16 : index
        %get3A_951 = tpu.vector_load %arg9[%get3A_949, %get3A_950] {strides = array<i32>} : memref<40x128xf32, #tpu.memory_space<vmem>>, vector<1x16xf32>,
        %get3A_952 = vector.shape_cast %get3A_951 : vector<1x16xf32> to vector<16xf32>
        %get3A_953 = arith.index_cast %scan3A_934 : i32 to index
        %get3A_954 = arith.constant 16 : index
        %get3A_955 = tpu.vector_load %arg12[%get3A_953, %get3A_954] {strides = array<i32>} : memref<40x128xf32, #tpu.memory_space<vmem>>, vector<1x16xf32>,
        %get3A_956 = vector.shape_cast %get3A_955 : vector<1x16xf32> to vector<16xf32>
        %add3A_957 = arith.addf %get3A_952, %get3A_956 : vector<16xf32>
        %max3A_958 = arith.constant 0.000000e+00 : f32
        %max3A_959 = vector.broadcast %max3A_958 : f32 to vector<16xf32>
        %max3A_960 = arith.maximumf %add3A_957, %max3A_959 : vector<16xf32>
        %swap3A_961 = arith.index_cast %scan3A_934 : i32 to index
        %swap3A_962 = arith.constant 16 : index
        %swap3A_963 = tpu.vector_load %arg15[%swap3A_961, %swap3A_962] {strides = array<i32>} : memref<40x128xf32, #tpu.memory_space<vmem>>, vector<1x16xf32>,
        %swap3A_964 = vector.shape_cast %swap3A_963 : vector<1x16xf32> to vector<16xf32>
        %swap3A_965 = vector.shape_cast %max3A_960 : vector<16xf32> to vector<1x16xf32>
        tpu.vector_store %arg15[%swap3A_961, %swap3A_962], %swap3A_965 {strides = array<i32>} : memref<40x128xf32, #tpu.memory_space<vmem>>, vector<1x16xf32>,
        %get3A_966 = arith.index_cast %scan3A_934 : i32 to index
        %get3A_967 = arith.constant 32 : index
        %get3A_968 = tpu.vector_load %arg9[%get3A_966, %get3A_967] {strides = array<i32>} : memref<40x128xf32, #tpu.memory_space<vmem>>, vector<1x16xf32>,
        %get3A_969 = vector.shape_cast %get3A_968 : vector<1x16xf32> to vector<16xf32>
        %get3A_970 = arith.index_cast %scan3A_934 : i32 to index
        %get3A_971 = arith.constant 32 : index
        %get3A_972 = tpu.vector_load %arg12[%get3A_970, %get3A_971] {strides = array<i32>} : memref<40x128xf32, #tpu.memory_space<vmem>>, vector<1x16xf32>,
        %get3A_973 = vector.shape_cast %get3A_972 : vector<1x16xf32> to vector<16xf32>
        %add3A_974 = arith.addf %get3A_969, %get3A_973 : vector<16xf32>
        %max3A_975 = arith.constant 0.000000e+00 : f32
        %max3A_976 = vector.broadcast %max3A_975 : f32 to vector<16xf32>
        %max3A_977 = arith.maximumf %add3A_974, %max3A_976 : vector<16xf32>
        %swap3A_978 = arith.index_cast %scan3A_934 : i32 to index
        %swap3A_979 = arith.constant 32 : index
        %swap3A_980 = tpu.vector_load %arg15[%swap3A_978, %swap3A_979] {strides = array<i32>} : memref<40x128xf32, #tpu.memory_space<vmem>>, vector<1x16xf32>,
        %swap3A_981 = vector.shape_cast %swap3A_980 : vector<1x16xf32> to vector<16xf32>
        %swap3A_982 = vector.shape_cast %max3A_977 : vector<16xf32> to vector<1x16xf32>
        tpu.vector_store %arg15[%swap3A_978, %swap3A_979], %swap3A_982 {strides = array<i32>} : memref<40x128xf32, #tpu.memory_space<vmem>>, vector<1x16xf32>,
        %get3A_983 = arith.index_cast %scan3A_934 : i32 to index
        %get3A_984 = arith.constant 48 : index
        %get3A_985 = tpu.vector_load %arg9[%get3A_983, %get3A_984] {strides = array<i32>} : memref<40x128xf32, #tpu.memory_space<vmem>>, vector<1x16xf32>,
        %get3A_986 = vector.shape_cast %get3A_985 : vector<1x16xf32> to vector<16xf32>
        %get3A_987 = arith.index_cast %scan3A_934 : i32 to index
        %get3A_988 = arith.constant 48 : index
        %get3A_989 = tpu.vector_load %arg12[%get3A_987, %get3A_988] {strides = array<i32>} : memref<40x128xf32, #tpu.memory_space<vmem>>, vector<1x16xf32>,
        %get3A_990 = vector.shape_cast %get3A_989 : vector<1x16xf32> to vector<16xf32>
        %add3A_991 = arith.addf %get3A_986, %get3A_990 : vector<16xf32>
        %max3A_992 = arith.constant 0.000000e+00 : f32
        %max3A_993 = vector.broadcast %max3A_992 : f32 to vector<16xf32>
        %max3A_994 = arith.maximumf %add3A_991, %max3A_993 : vector<16xf32>
        %swap3A_995 = arith.index_cast %scan3A_934 : i32 to index
        %swap3A_996 = arith.constant 48 : index
        %swap3A_997 = tpu.vector_load %arg15[%swap3A_995, %swap3A_996] {strides = array<i32>} : memref<40x128xf32, #tpu.memory_space<vmem>>, vector<1x16xf32>,
        %swap3A_998 = vector.shape_cast %swap3A_997 : vector<1x16xf32> to vector<16xf32>
        %swap3A_999 = vector.shape_cast %max3A_994 : vector<16xf32> to vector<1x16xf32>
        tpu.vector_store %arg15[%swap3A_995, %swap3A_996], %swap3A_999 {strides = array<i32>} : memref<40x128xf32, #tpu.memory_space<vmem>>, vector<1x16xf32>,
        %get3A_1000 = arith.index_cast %scan3A_934 : i32 to index
        %get3A_1001 = arith.constant 64 : index
        %get3A_1002 = tpu.vector_load %arg9[%get3A_1000, %get3A_1001] {strides = array<i32>} : memref<40x128xf32, #tpu.memory_space<vmem>>, vector<1x16xf32>,
        %get3A_1003 = vector.shape_cast %get3A_1002 : vector<1x16xf32> to vector<16xf32>
        %get3A_1004 = arith.index_cast %scan3A_934 : i32 to index
        %get3A_1005 = arith.constant 64 : index
        %get3A_1006 = tpu.vector_load %arg12[%get3A_1004, %get3A_1005] {strides = array<i32>} : memref<40x128xf32, #tpu.memory_space<vmem>>, vector<1x16xf32>,
        %get3A_1007 = vector.shape_cast %get3A_1006 : vector<1x16xf32> to vector<16xf32>
        %add3A_1008 = arith.addf %get3A_1003, %get3A_1007 : vector<16xf32>
        %max3A_1009 = arith.constant 0.000000e+00 : f32
        %max3A_1010 = vector.broadcast %max3A_1009 : f32 to vector<16xf32>
        %max3A_1011 = arith.maximumf %add3A_1008, %max3A_1010 : vector<16xf32>
        %swap3A_1012 = arith.index_cast %scan3A_934 : i32 to index
        %swap3A_1013 = arith.constant 64 : index
        %swap3A_1014 = tpu.vector_load %arg15[%swap3A_1012, %swap3A_1013] {strides = array<i32>} : memref<40x128xf32, #tpu.memory_space<vmem>>, vector<1x16xf32>,
        %swap3A_1015 = vector.shape_cast %swap3A_1014 : vector<1x16xf32> to vector<16xf32>
        %swap3A_1016 = vector.shape_cast %max3A_1011 : vector<16xf32> to vector<1x16xf32>
        tpu.vector_store %arg15[%swap3A_1012, %swap3A_1013], %swap3A_1016 {strides = array<i32>} : memref<40x128xf32, #tpu.memory_space<vmem>>, vector<1x16xf32>,
        %get3A_1017 = arith.index_cast %scan3A_934 : i32 to index
        %get3A_1018 = arith.constant 80 : index
        %get3A_1019 = tpu.vector_load %arg9[%get3A_1017, %get3A_1018] {strides = array<i32>} : memref<40x128xf32, #tpu.memory_space<vmem>>, vector<1x16xf32>,
        %get3A_1020 = vector.shape_cast %get3A_1019 : vector<1x16xf32> to vector<16xf32>
        %get3A_1021 = arith.index_cast %scan3A_934 : i32 to index
        %get3A_1022 = arith.constant 80 : index
        %get3A_1023 = tpu.vector_load %arg12[%get3A_1021, %get3A_1022] {strides = array<i32>} : memref<40x128xf32, #tpu.memory_space<vmem>>, vector<1x16xf32>,
        %get3A_1024 = vector.shape_cast %get3A_1023 : vector<1x16xf32> to vector<16xf32>
        %add3A_1025 = arith.addf %get3A_1020, %get3A_1024 : vector<16xf32>
        %max3A_1026 = arith.constant 0.000000e+00 : f32
        %max3A_1027 = vector.broadcast %max3A_1026 : f32 to vector<16xf32>
        %max3A_1028 = arith.maximumf %add3A_1025, %max3A_1027 : vector<16xf32>
        %swap3A_1029 = arith.index_cast %scan3A_934 : i32 to index
        %swap3A_1030 = arith.constant 80 : index
        %swap3A_1031 = tpu.vector_load %arg15[%swap3A_1029, %swap3A_1030] {strides = array<i32>} : memref<40x128xf32, #tpu.memory_space<vmem>>, vector<1x16xf32>,
        %swap3A_1032 = vector.shape_cast %swap3A_1031 : vector<1x16xf32> to vector<16xf32>
        %swap3A_1033 = vector.shape_cast %max3A_1028 : vector<16xf32> to vector<1x16xf32>
        tpu.vector_store %arg15[%swap3A_1029, %swap3A_1030], %swap3A_1033 {strides = array<i32>} : memref<40x128xf32, #tpu.memory_space<vmem>>, vector<1x16xf32>,
        %get3A_1034 = arith.index_cast %scan3A_934 : i32 to index
        %get3A_1035 = arith.constant 96 : index
        %get3A_1036 = tpu.vector_load %arg9[%get3A_1034, %get3A_1035] {strides = array<i32>} : memref<40x128xf32, #tpu.memory_space<vmem>>, vector<1x16xf32>,
        %get3A_1037 = vector.shape_cast %get3A_1036 : vector<1x16xf32> to vector<16xf32>
        %get3A_1038 = arith.index_cast %scan3A_934 : i32 to index
        %get3A_1039 = arith.constant 96 : index
        %get3A_1040 = tpu.vector_load %arg12[%get3A_1038, %get3A_1039] {strides = array<i32>} : memref<40x128xf32, #tpu.memory_space<vmem>>, vector<1x16xf32>,
        %get3A_1041 = vector.shape_cast %get3A_1040 : vector<1x16xf32> to vector<16xf32>
        %add3A_1042 = arith.addf %get3A_1037, %get3A_1041 : vector<16xf32>
        %max3A_1043 = arith.constant 0.000000e+00 : f32
        %max3A_1044 = vector.broadcast %max3A_1043 : f32 to vector<16xf32>
        %max3A_1045 = arith.maximumf %add3A_1042, %max3A_1044 : vector<16xf32>
        %swap3A_1046 = arith.index_cast %scan3A_934 : i32 to index
        %swap3A_1047 = arith.constant 96 : index
        %swap3A_1048 = tpu.vector_load %arg15[%swap3A_1046, %swap3A_1047] {strides = array<i32>} : memref<40x128xf32, #tpu.memory_space<vmem>>, vector<1x16xf32>,
        %swap3A_1049 = vector.shape_cast %swap3A_1048 : vector<1x16xf32> to vector<16xf32>
        %swap3A_1050 = vector.shape_cast %max3A_1045 : vector<16xf32> to vector<1x16xf32>
        tpu.vector_store %arg15[%swap3A_1046, %swap3A_1047], %swap3A_1050 {strides = array<i32>} : memref<40x128xf32, #tpu.memory_space<vmem>>, vector<1x16xf32>,
        %get3A_1051 = arith.index_cast %scan3A_934 : i32 to index
        %get3A_1052 = arith.constant 112 : index
        %get3A_1053 = tpu.vector_load %arg9[%get3A_1051, %get3A_1052] {strides = array<i32>} : memref<40x128xf32, #tpu.memory_space<vmem>>, vector<1x16xf32>,
        %get3A_1054 = vector.shape_cast %get3A_1053 : vector<1x16xf32> to vector<16xf32>
        %get3A_1055 = arith.index_cast %scan3A_934 : i32 to index
        %get3A_1056 = arith.constant 112 : index
        %get3A_1057 = tpu.vector_load %arg12[%get3A_1055, %get3A_1056] {strides = array<i32>} : memref<40x128xf32, #tpu.memory_space<vmem>>, vector<1x16xf32>,
        %get3A_1058 = vector.shape_cast %get3A_1057 : vector<1x16xf32> to vector<16xf32>
        %add3A_1059 = arith.addf %get3A_1054, %get3A_1058 : vector<16xf32>
        %max3A_1060 = arith.constant 0.000000e+00 : f32
        %max3A_1061 = vector.broadcast %max3A_1060 : f32 to vector<16xf32>
        %max3A_1062 = arith.maximumf %add3A_1059, %max3A_1061 : vector<16xf32>
        %swap3A_1063 = arith.index_cast %scan3A_934 : i32 to index
        %swap3A_1064 = arith.constant 112 : index
        %swap3A_1065 = tpu.vector_load %arg15[%swap3A_1063, %swap3A_1064] {strides = array<i32>} : memref<40x128xf32, #tpu.memory_space<vmem>>, vector<1x16xf32>,
        %swap3A_1066 = vector.shape_cast %swap3A_1065 : vector<1x16xf32> to vector<16xf32>
        %swap3A_1067 = vector.shape_cast %max3A_1062 : vector<16xf32> to vector<1x16xf32>
        tpu.vector_store %arg15[%swap3A_1063, %swap3A_1064], %swap3A_1067 {strides = array<i32>} : memref<40x128xf32, #tpu.memory_space<vmem>>, vector<1x16xf32>,
      }
      %scan3A_846 = arith.constant 40 : i32
      %mul3A_847 = arith.constant 40 : i32
      %mul3A_848 = arith.muli %mul3A_4, %mul3A_847 : i32
      %dma_wait3A_849 = tpu.memref_slice %arg3[%mul3A_848] : memref<320000xi32, #tpu.memory_space<hbm>> -> memref<40xi32, #tpu.memory_space<hbm>>
      %dma_wait3A_850 = tpu.memref_slice %arg3[%mul3A_848] : memref<320000xi32, #tpu.memory_space<hbm>> -> memref<40xi32, #tpu.memory_space<hbm>>
      tpu.wait_dma2 semaphore(%arg40 : memref<!tpu.dma_semaphore, #tpu.memory_space<semaphore_mem>>) src(%dma_wait3A_850 : memref<40xi32, #tpu.memory_space<hbm>>) dst(%arg21 : memref<40xi32, #tpu.memory_space<vmem>>)
      %dma_start3A_851 = arith.constant 0 : i32
      %dma_start3A_852 = arith.constant 0 : i32
      %dma_start3A_853 = tpu.memref_slice %arg26[%dma_start3A_851, %dma_start3A_852] : memref<10112x128xf32, #tpu.memory_space<vmem_shared>> -> memref<10112x128xf32, #tpu.memory_space<vmem_shared>>
      tpu.enqueue_indirect_dma source(%arg15 : memref<40x128xf32, #tpu.memory_space<vmem>>) target(%dma_start3A_853 : memref<10112x128xf32, #tpu.memory_space<vmem_shared>>) offsets(%arg21 : memref<40xi32, #tpu.memory_space<vmem>>) semaphore(%arg34 : memref<!tpu.dma_semaphore, #tpu.memory_space<semaphore_mem>>) {add = true}
      %mul3A_854 = arith.constant 40 : i32
      %mul3A_855 = arith.muli %mul3A_4, %mul3A_854 : i32
      %dma_wait3A_856 = tpu.memref_slice %arg2[%mul3A_855] : memref<320000xi32, #tpu.memory_space<hbm>> -> memref<40xi32, #tpu.memory_space<hbm>>
      %dma_wait3A_857 = tpu.memref_slice %arg2[%mul3A_855] : memref<320000xi32, #tpu.memory_space<hbm>> -> memref<40xi32, #tpu.memory_space<hbm>>
      tpu.wait_dma2 semaphore(%arg37 : memref<!tpu.dma_semaphore, #tpu.memory_space<semaphore_mem>>) src(%dma_wait3A_857 : memref<40xi32, #tpu.memory_space<hbm>>) dst(%arg18 : memref<40xi32, #tpu.memory_space<vmem>>)
      %add3A_858 = arith.constant 3 : i32
      %add3A_859 = arith.addi %add3A_811, %add3A_858 : i32
      %add3A_860 = arith.addi %mul3A_4, %add3A_859 : i32
      %dma_start3A_861 = arith.constant 0 : i32
      %dma_start3A_862 = arith.constant 0 : i32
      %dma_start3A_863 = tpu.memref_slice %arg4[%add3A_860, %dma_start3A_861, %dma_start3A_862] : memref<8000x40x128xf32, #tpu.memory_space<hbm>> -> memref<1x40x128xf32, #tpu.memory_space<hbm>>
      %dma_start3A_864 = tpu.memref_squeeze %dma_start3A_863 : memref<1x40x128xf32, #tpu.memory_space<hbm>> -> memref<40x128xf32, #tpu.memory_space<hbm>>
      %dma_start3A_865 = arith.constant 0 : i32
      %dma_start3A_866 = arith.constant 0 : i32
      %dma_start3A_867 = tpu.memref_slice %arg4[%add3A_860, %dma_start3A_865, %dma_start3A_866] : memref<8000x40x128xf32, #tpu.memory_space<hbm>> -> memref<1x40x128xf32, #tpu.memory_space<hbm>>
      %dma_start3A_868 = tpu.memref_squeeze %dma_start3A_867 : memref<1x40x128xf32, #tpu.memory_space<hbm>> -> memref<40x128xf32, #tpu.memory_space<hbm>>
      tpu.enqueue_dma source(%dma_start3A_868 : memref<40x128xf32, #tpu.memory_space<hbm>>) target(%arg12 : memref<40x128xf32, #tpu.memory_space<vmem>>) target_semaphore(%arg31 : memref<!tpu.dma_semaphore, #tpu.memory_space<semaphore_mem>>)
      %dma_start3A_869 = arith.constant 0 : i32
      %dma_start3A_870 = arith.constant 0 : i32
      %dma_start3A_871 = tpu.memref_slice %arg5[%dma_start3A_869, %dma_start3A_870] : memref<10000x128xf32, #tpu.memory_space<hbm>> -> memref<10000x128xf32, #tpu.memory_space<hbm>>
      tpu.enqueue_indirect_dma source(%dma_start3A_871 : memref<10000x128xf32, #tpu.memory_space<hbm>>) target(%arg9 : memref<40x128xf32, #tpu.memory_space<vmem>>) offsets(%arg18 : memref<40xi32, #tpu.memory_space<vmem>>) semaphore(%arg28 : memref<!tpu.dma_semaphore, #tpu.memory_space<semaphore_mem>>)
      %add3A_872 = arith.constant 5 : i32
      %add3A_873 = arith.addi %add3A_561, %add3A_872 : i32
      %add3A_874 = arith.addi %mul3A_4, %add3A_873 : i32
      %dma_wait3A_875 = arith.constant 0 : i32
      %dma_wait3A_876 = arith.constant 0 : i32
      %dma_wait3A_877 = tpu.memref_slice %arg4[%add3A_874, %dma_wait3A_875, %dma_wait3A_876] : memref<8000x40x128xf32, #tpu.memory_space<hbm>> -> memref<1x40x128xf32, #tpu.memory_space<hbm>>
      %dma_wait3A_878 = tpu.memref_squeeze %dma_wait3A_877 : memref<1x40x128xf32, #tpu.memory_space<hbm>> -> memref<40x128xf32, #tpu.memory_space<hbm>>
      %dma_wait3A_879 = arith.constant 0 : i32
      %dma_wait3A_880 = arith.constant 0 : i32
      %dma_wait3A_881 = tpu.memref_slice %arg4[%add3A_874, %dma_wait3A_879, %dma_wait3A_880] : memref<8000x40x128xf32, #tpu.memory_space<hbm>> -> memref<1x40x128xf32, #tpu.memory_space<hbm>>
      %dma_wait3A_882 = tpu.memref_squeeze %dma_wait3A_881 : memref<1x40x128xf32, #tpu.memory_space<hbm>> -> memref<40x128xf32, #tpu.memory_space<hbm>>
      tpu.wait_dma2 semaphore(%arg32 : memref<!tpu.dma_semaphore, #tpu.memory_space<semaphore_mem>>) src(%dma_wait3A_882 : memref<40x128xf32, #tpu.memory_space<hbm>>) dst(%arg13 : memref<40x128xf32, #tpu.memory_space<vmem>>)
      %dma_wait3A_883 = arith.constant 0 : i32
      %dma_wait3A_884 = arith.constant 0 : i32
      %dma_wait3A_885 = tpu.memref_slice %arg5[%dma_wait3A_883, %dma_wait3A_884] : memref<10000x128xf32, #tpu.memory_space<hbm>> -> memref<10000x128xf32, #tpu.memory_space<hbm>>
      tpu.wait_indirect_dma semaphore(%arg29 : memref<!tpu.dma_semaphore, #tpu.memory_space<semaphore_mem>>) src(%dma_wait3A_885 : memref<10000x128xf32, #tpu.memory_space<hbm>>) dst(%arg10 : memref<40x128xf32, #tpu.memory_space<vmem>>)
      %add3A_886 = arith.constant 3 : i32
      %add3A_887 = arith.addi %add3A_873, %add3A_886 : i32
      %add3A_888 = arith.addi %mul3A_4, %add3A_887 : i32
      %mul3A_889 = arith.constant 40 : i32
      %mul3A_890 = arith.muli %add3A_888, %mul3A_889 : i32
      %dma_start3A_891 = tpu.memref_slice %arg2[%mul3A_890] : memref<320000xi32, #tpu.memory_space<hbm>> -> memref<40xi32, #tpu.memory_space<hbm>>
      %dma_start3A_892 = tpu.memref_slice %arg2[%mul3A_890] : memref<320000xi32, #tpu.memory_space<hbm>> -> memref<40xi32, #tpu.memory_space<hbm>>
      tpu.enqueue_dma source(%dma_start3A_892 : memref<40xi32, #tpu.memory_space<hbm>>) target(%arg19 : memref<40xi32, #tpu.memory_space<vmem>>) target_semaphore(%arg38 : memref<!tpu.dma_semaphore, #tpu.memory_space<semaphore_mem>>)
      %dma_wait3A_893 = arith.constant 0 : i32
      %dma_wait3A_894 = arith.constant 0 : i32
      %dma_wait3A_895 = tpu.memref_slice %arg26[%dma_wait3A_893, %dma_wait3A_894] : memref<10112x128xf32, #tpu.memory_space<vmem_shared>> -> memref<10112x128xf32, #tpu.memory_space<vmem_shared>>
      tpu.wait_indirect_dma semaphore(%arg35 : memref<!tpu.dma_semaphore, #tpu.memory_space<semaphore_mem>>) src(%arg16 : memref<40x128xf32, #tpu.memory_space<vmem>>) dst(%dma_wait3A_895 : memref<10112x128xf32, #tpu.memory_space<vmem_shared>>)
      %add3A_896 = arith.constant 3 : i32
      %add3A_897 = arith.addi %add3A_873, %add3A_896 : i32
      %add3A_898 = arith.addi %mul3A_4, %add3A_897 : i32
      %mul3A_899 = arith.constant 40 : i32
      %mul3A_900 = arith.muli %add3A_898, %mul3A_899 : i32
      %dma_start3A_901 = tpu.memref_slice %arg3[%mul3A_900] : memref<320000xi32, #tpu.memory_space<hbm>> -> memref<40xi32, #tpu.memory_space<hbm>>
      %dma_start3A_902 = tpu.memref_slice %arg3[%mul3A_900] : memref<320000xi32, #tpu.memory_space<hbm>> -> memref<40xi32, #tpu.memory_space<hbm>>
      tpu.enqueue_dma source(%dma_start3A_902 : memref<40xi32, #tpu.memory_space<hbm>>) target(%arg25 : memref<40xi32, #tpu.memory_space<vmem>>) target_semaphore(%arg44 : memref<!tpu.dma_semaphore, #tpu.memory_space<semaphore_mem>>)
      %scan3A_903 = arith.constant 0 : i32
      %scan3A_904 = arith.constant 0 : i32
      %scan3A_905 = arith.constant 40 : i32
      %scan3A_906 = arith.addi %scan3A_904, %scan3A_905 : i32
      %scan3A_907 = arith.constant 1 : i32
      scf.for %scan3A_934 = %scan3A_904 to %scan3A_906 step %scan3A_907  : i32 {
        %get3A = arith.index_cast %scan3A_934 : i32 to index
        %get3A_935 = arith.constant 0 : index
        %get3A_936 = tpu.vector_load %arg10[%get3A, %get3A_935] {strides = array<i32>} : memref<40x128xf32, #tpu.memory_space<vmem>>, vector<1x16xf32>,
        %get3A_937 = vector.shape_cast %get3A_936 : vector<1x16xf32> to vector<16xf32>
        %get3A_938 = arith.index_cast %scan3A_934 : i32 to index
        %get3A_939 = arith.constant 0 : index
        %get3A_940 = tpu.vector_load %arg13[%get3A_938, %get3A_939] {strides = array<i32>} : memref<40x128xf32, #tpu.memory_space<vmem>>, vector<1x16xf32>,
        %get3A_941 = vector.shape_cast %get3A_940 : vector<1x16xf32> to vector<16xf32>
        %add3A_942 = arith.addf %get3A_937, %get3A_941 : vector<16xf32>
        %max3A = arith.constant 0.000000e+00 : f32
        %max3A_943 = vector.broadcast %max3A : f32 to vector<16xf32>
        %max3A_944 = arith.maximumf %add3A_942, %max3A_943 : vector<16xf32>
        %swap3A = arith.index_cast %scan3A_934 : i32 to index
        %swap3A_945 = arith.constant 0 : index
        %swap3A_946 = tpu.vector_load %arg16[%swap3A, %swap3A_945] {strides = array<i32>} : memref<40x128xf32, #tpu.memory_space<vmem>>, vector<1x16xf32>,
        %swap3A_947 = vector.shape_cast %swap3A_946 : vector<1x16xf32> to vector<16xf32>
        %swap3A_948 = vector.shape_cast %max3A_944 : vector<16xf32> to vector<1x16xf32>
        tpu.vector_store %arg16[%swap3A, %swap3A_945], %swap3A_948 {strides = array<i32>} : memref<40x128xf32, #tpu.memory_space<vmem>>, vector<1x16xf32>,
        %get3A_949 = arith.index_cast %scan3A_934 : i32 to index
        %get3A_950 = arith.constant 16 : index
        %get3A_951 = tpu.vector_load %arg10[%get3A_949, %get3A_950] {strides = array<i32>} : memref<40x128xf32, #tpu.memory_space<vmem>>, vector<1x16xf32>,
        %get3A_952 = vector.shape_cast %get3A_951 : vector<1x16xf32> to vector<16xf32>
        %get3A_953 = arith.index_cast %scan3A_934 : i32 to index
        %get3A_954 = arith.constant 16 : index
        %get3A_955 = tpu.vector_load %arg13[%get3A_953, %get3A_954] {strides = array<i32>} : memref<40x128xf32, #tpu.memory_space<vmem>>, vector<1x16xf32>,
        %get3A_956 = vector.shape_cast %get3A_955 : vector<1x16xf32> to vector<16xf32>
        %add3A_957 = arith.addf %get3A_952, %get3A_956 : vector<16xf32>
        %max3A_958 = arith.constant 0.000000e+00 : f32
        %max3A_959 = vector.broadcast %max3A_958 : f32 to vector<16xf32>
        %max3A_960 = arith.maximumf %add3A_957, %max3A_959 : vector<16xf32>
        %swap3A_961 = arith.index_cast %scan3A_934 : i32 to index
        %swap3A_962 = arith.constant 16 : index
        %swap3A_963 = tpu.vector_load %arg16[%swap3A_961, %swap3A_962] {strides = array<i32>} : memref<40x128xf32, #tpu.memory_space<vmem>>, vector<1x16xf32>,
        %swap3A_964 = vector.shape_cast %swap3A_963 : vector<1x16xf32> to vector<16xf32>
        %swap3A_965 = vector.shape_cast %max3A_960 : vector<16xf32> to vector<1x16xf32>
        tpu.vector_store %arg16[%swap3A_961, %swap3A_962], %swap3A_965 {strides = array<i32>} : memref<40x128xf32, #tpu.memory_space<vmem>>, vector<1x16xf32>,
        %get3A_966 = arith.index_cast %scan3A_934 : i32 to index
        %get3A_967 = arith.constant 32 : index
        %get3A_968 = tpu.vector_load %arg10[%get3A_966, %get3A_967] {strides = array<i32>} : memref<40x128xf32, #tpu.memory_space<vmem>>, vector<1x16xf32>,
        %get3A_969 = vector.shape_cast %get3A_968 : vector<1x16xf32> to vector<16xf32>
        %get3A_970 = arith.index_cast %scan3A_934 : i32 to index
        %get3A_971 = arith.constant 32 : index
        %get3A_972 = tpu.vector_load %arg13[%get3A_970, %get3A_971] {strides = array<i32>} : memref<40x128xf32, #tpu.memory_space<vmem>>, vector<1x16xf32>,
        %get3A_973 = vector.shape_cast %get3A_972 : vector<1x16xf32> to vector<16xf32>
        %add3A_974 = arith.addf %get3A_969, %get3A_973 : vector<16xf32>
        %max3A_975 = arith.constant 0.000000e+00 : f32
        %max3A_976 = vector.broadcast %max3A_975 : f32 to vector<16xf32>
        %max3A_977 = arith.maximumf %add3A_974, %max3A_976 : vector<16xf32>
        %swap3A_978 = arith.index_cast %scan3A_934 : i32 to index
        %swap3A_979 = arith.constant 32 : index
        %swap3A_980 = tpu.vector_load %arg16[%swap3A_978, %swap3A_979] {strides = array<i32>} : memref<40x128xf32, #tpu.memory_space<vmem>>, vector<1x16xf32>,
        %swap3A_981 = vector.shape_cast %swap3A_980 : vector<1x16xf32> to vector<16xf32>
        %swap3A_982 = vector.shape_cast %max3A_977 : vector<16xf32> to vector<1x16xf32>
        tpu.vector_store %arg16[%swap3A_978, %swap3A_979], %swap3A_982 {strides = array<i32>} : memref<40x128xf32, #tpu.memory_space<vmem>>, vector<1x16xf32>,
        %get3A_983 = arith.index_cast %scan3A_934 : i32 to index
        %get3A_984 = arith.constant 48 : index
        %get3A_985 = tpu.vector_load %arg10[%get3A_983, %get3A_984] {strides = array<i32>} : memref<40x128xf32, #tpu.memory_space<vmem>>, vector<1x16xf32>,
        %get3A_986 = vector.shape_cast %get3A_985 : vector<1x16xf32> to vector<16xf32>
        %get3A_987 = arith.index_cast %scan3A_934 : i32 to index
        %get3A_988 = arith.constant 48 : index
        %get3A_989 = tpu.vector_load %arg13[%get3A_987, %get3A_988] {strides = array<i32>} : memref<40x128xf32, #tpu.memory_space<vmem>>, vector<1x16xf32>,
        %get3A_990 = vector.shape_cast %get3A_989 : vector<1x16xf32> to vector<16xf32>
        %add3A_991 = arith.addf %get3A_986, %get3A_990 : vector<16xf32>
        %max3A_992 = arith.constant 0.000000e+00 : f32
        %max3A_993 = vector.broadcast %max3A_992 : f32 to vector<16xf32>
        %max3A_994 = arith.maximumf %add3A_991, %max3A_993 : vector<16xf32>
        %swap3A_995 = arith.index_cast %scan3A_934 : i32 to index
        %swap3A_996 = arith.constant 48 : index
        %swap3A_997 = tpu.vector_load %arg16[%swap3A_995, %swap3A_996] {strides = array<i32>} : memref<40x128xf32, #tpu.memory_space<vmem>>, vector<1x16xf32>,
        %swap3A_998 = vector.shape_cast %swap3A_997 : vector<1x16xf32> to vector<16xf32>
        %swap3A_999 = vector.shape_cast %max3A_994 : vector<16xf32> to vector<1x16xf32>
        tpu.vector_store %arg16[%swap3A_995, %swap3A_996], %swap3A_999 {strides = array<i32>} : memref<40x128xf32, #tpu.memory_space<vmem>>, vector<1x16xf32>,
        %get3A_1000 = arith.index_cast %scan3A_934 : i32 to index
        %get3A_1001 = arith.constant 64 : index
        %get3A_1002 = tpu.vector_load %arg10[%get3A_1000, %get3A_1001] {strides = array<i32>} : memref<40x128xf32, #tpu.memory_space<vmem>>, vector<1x16xf32>,
        %get3A_1003 = vector.shape_cast %get3A_1002 : vector<1x16xf32> to vector<16xf32>
        %get3A_1004 = arith.index_cast %scan3A_934 : i32 to index
        %get3A_1005 = arith.constant 64 : index
        %get3A_1006 = tpu.vector_load %arg13[%get3A_1004, %get3A_1005] {strides = array<i32>} : memref<40x128xf32, #tpu.memory_space<vmem>>, vector<1x16xf32>,
        %get3A_1007 = vector.shape_cast %get3A_1006 : vector<1x16xf32> to vector<16xf32>
        %add3A_1008 = arith.addf %get3A_1003, %get3A_1007 : vector<16xf32>
        %max3A_1009 = arith.constant 0.000000e+00 : f32
        %max3A_1010 = vector.broadcast %max3A_1009 : f32 to vector<16xf32>
        %max3A_1011 = arith.maximumf %add3A_1008, %max3A_1010 : vector<16xf32>
        %swap3A_1012 = arith.index_cast %scan3A_934 : i32 to index
        %swap3A_1013 = arith.constant 64 : index
        %swap3A_1014 = tpu.vector_load %arg16[%swap3A_1012, %swap3A_1013] {strides = array<i32>} : memref<40x128xf32, #tpu.memory_space<vmem>>, vector<1x16xf32>,
        %swap3A_1015 = vector.shape_cast %swap3A_1014 : vector<1x16xf32> to vector<16xf32>
        %swap3A_1016 = vector.shape_cast %max3A_1011 : vector<16xf32> to vector<1x16xf32>
        tpu.vector_store %arg16[%swap3A_1012, %swap3A_1013], %swap3A_1016 {strides = array<i32>} : memref<40x128xf32, #tpu.memory_space<vmem>>, vector<1x16xf32>,
        %get3A_1017 = arith.index_cast %scan3A_934 : i32 to index
        %get3A_1018 = arith.constant 80 : index
        %get3A_1019 = tpu.vector_load %arg10[%get3A_1017, %get3A_1018] {strides = array<i32>} : memref<40x128xf32, #tpu.memory_space<vmem>>, vector<1x16xf32>,
        %get3A_1020 = vector.shape_cast %get3A_1019 : vector<1x16xf32> to vector<16xf32>
        %get3A_1021 = arith.index_cast %scan3A_934 : i32 to index
        %get3A_1022 = arith.constant 80 : index
        %get3A_1023 = tpu.vector_load %arg13[%get3A_1021, %get3A_1022] {strides = array<i32>} : memref<40x128xf32, #tpu.memory_space<vmem>>, vector<1x16xf32>,
        %get3A_1024 = vector.shape_cast %get3A_1023 : vector<1x16xf32> to vector<16xf32>
        %add3A_1025 = arith.addf %get3A_1020, %get3A_1024 : vector<16xf32>
        %max3A_1026 = arith.constant 0.000000e+00 : f32
        %max3A_1027 = vector.broadcast %max3A_1026 : f32 to vector<16xf32>
        %max3A_1028 = arith.maximumf %add3A_1025, %max3A_1027 : vector<16xf32>
        %swap3A_1029 = arith.index_cast %scan3A_934 : i32 to index
        %swap3A_1030 = arith.constant 80 : index
        %swap3A_1031 = tpu.vector_load %arg16[%swap3A_1029, %swap3A_1030] {strides = array<i32>} : memref<40x128xf32, #tpu.memory_space<vmem>>, vector<1x16xf32>,
        %swap3A_1032 = vector.shape_cast %swap3A_1031 : vector<1x16xf32> to vector<16xf32>
        %swap3A_1033 = vector.shape_cast %max3A_1028 : vector<16xf32> to vector<1x16xf32>
        tpu.vector_store %arg16[%swap3A_1029, %swap3A_1030], %swap3A_1033 {strides = array<i32>} : memref<40x128xf32, #tpu.memory_space<vmem>>, vector<1x16xf32>,
        %get3A_1034 = arith.index_cast %scan3A_934 : i32 to index
        %get3A_1035 = arith.constant 96 : index
        %get3A_1036 = tpu.vector_load %arg10[%get3A_1034, %get3A_1035] {strides = array<i32>} : memref<40x128xf32, #tpu.memory_space<vmem>>, vector<1x16xf32>,
        %get3A_1037 = vector.shape_cast %get3A_1036 : vector<1x16xf32> to vector<16xf32>
        %get3A_1038 = arith.index_cast %scan3A_934 : i32 to index
        %get3A_1039 = arith.constant 96 : index
        %get3A_1040 = tpu.vector_load %arg13[%get3A_1038, %get3A_1039] {strides = array<i32>} : memref<40x128xf32, #tpu.memory_space<vmem>>, vector<1x16xf32>,
        %get3A_1041 = vector.shape_cast %get3A_1040 : vector<1x16xf32> to vector<16xf32>
        %add3A_1042 = arith.addf %get3A_1037, %get3A_1041 : vector<16xf32>
        %max3A_1043 = arith.constant 0.000000e+00 : f32
        %max3A_1044 = vector.broadcast %max3A_1043 : f32 to vector<16xf32>
        %max3A_1045 = arith.maximumf %add3A_1042, %max3A_1044 : vector<16xf32>
        %swap3A_1046 = arith.index_cast %scan3A_934 : i32 to index
        %swap3A_1047 = arith.constant 96 : index
        %swap3A_1048 = tpu.vector_load %arg16[%swap3A_1046, %swap3A_1047] {strides = array<i32>} : memref<40x128xf32, #tpu.memory_space<vmem>>, vector<1x16xf32>,
        %swap3A_1049 = vector.shape_cast %swap3A_1048 : vector<1x16xf32> to vector<16xf32>
        %swap3A_1050 = vector.shape_cast %max3A_1045 : vector<16xf32> to vector<1x16xf32>
        tpu.vector_store %arg16[%swap3A_1046, %swap3A_1047], %swap3A_1050 {strides = array<i32>} : memref<40x128xf32, #tpu.memory_space<vmem>>, vector<1x16xf32>,
        %get3A_1051 = arith.index_cast %scan3A_934 : i32 to index
        %get3A_1052 = arith.constant 112 : index
        %get3A_1053 = tpu.vector_load %arg10[%get3A_1051, %get3A_1052] {strides = array<i32>} : memref<40x128xf32, #tpu.memory_space<vmem>>, vector<1x16xf32>,
        %get3A_1054 = vector.shape_cast %get3A_1053 : vector<1x16xf32> to vector<16xf32>
        %get3A_1055 = arith.index_cast %scan3A_934 : i32 to index
        %get3A_1056 = arith.constant 112 : index
        %get3A_1057 = tpu.vector_load %arg13[%get3A_1055, %get3A_1056] {strides = array<i32>} : memref<40x128xf32, #tpu.memory_space<vmem>>, vector<1x16xf32>,
        %get3A_1058 = vector.shape_cast %get3A_1057 : vector<1x16xf32> to vector<16xf32>
        %add3A_1059 = arith.addf %get3A_1054, %get3A_1058 : vector<16xf32>
        %max3A_1060 = arith.constant 0.000000e+00 : f32
        %max3A_1061 = vector.broadcast %max3A_1060 : f32 to vector<16xf32>
        %max3A_1062 = arith.maximumf %add3A_1059, %max3A_1061 : vector<16xf32>
        %swap3A_1063 = arith.index_cast %scan3A_934 : i32 to index
        %swap3A_1064 = arith.constant 112 : index
        %swap3A_1065 = tpu.vector_load %arg16[%swap3A_1063, %swap3A_1064] {strides = array<i32>} : memref<40x128xf32, #tpu.memory_space<vmem>>, vector<1x16xf32>,
        %swap3A_1066 = vector.shape_cast %swap3A_1065 : vector<1x16xf32> to vector<16xf32>
        %swap3A_1067 = vector.shape_cast %max3A_1062 : vector<16xf32> to vector<1x16xf32>
        tpu.vector_store %arg16[%swap3A_1063, %swap3A_1064], %swap3A_1067 {strides = array<i32>} : memref<40x128xf32, #tpu.memory_space<vmem>>, vector<1x16xf32>,
      }
      %scan3A_908 = arith.constant 40 : i32
      %mul3A_909 = arith.constant 40 : i32
      %mul3A_910 = arith.muli %mul3A_4, %mul3A_909 : i32
      %dma_wait3A_911 = tpu.memref_slice %arg3[%mul3A_910] : memref<320000xi32, #tpu.memory_space<hbm>> -> memref<40xi32, #tpu.memory_space<hbm>>
      %dma_wait3A_912 = tpu.memref_slice %arg3[%mul3A_910] : memref<320000xi32, #tpu.memory_space<hbm>> -> memref<40xi32, #tpu.memory_space<hbm>>
      tpu.wait_dma2 semaphore(%arg41 : memref<!tpu.dma_semaphore, #tpu.memory_space<semaphore_mem>>) src(%dma_wait3A_912 : memref<40xi32, #tpu.memory_space<hbm>>) dst(%arg22 : memref<40xi32, #tpu.memory_space<vmem>>)
      %dma_start3A_913 = arith.constant 0 : i32
      %dma_start3A_914 = arith.constant 0 : i32
      %dma_start3A_915 = tpu.memref_slice %arg26[%dma_start3A_913, %dma_start3A_914] : memref<10112x128xf32, #tpu.memory_space<vmem_shared>> -> memref<10112x128xf32, #tpu.memory_space<vmem_shared>>
      tpu.enqueue_indirect_dma source(%arg16 : memref<40x128xf32, #tpu.memory_space<vmem>>) target(%dma_start3A_915 : memref<10112x128xf32, #tpu.memory_space<vmem_shared>>) offsets(%arg22 : memref<40xi32, #tpu.memory_space<vmem>>) semaphore(%arg35 : memref<!tpu.dma_semaphore, #tpu.memory_space<semaphore_mem>>) {add = true}
      %mul3A_916 = arith.constant 40 : i32
      %mul3A_917 = arith.muli %mul3A_4, %mul3A_916 : i32
      %dma_wait3A_918 = tpu.memref_slice %arg2[%mul3A_917] : memref<320000xi32, #tpu.memory_space<hbm>> -> memref<40xi32, #tpu.memory_space<hbm>>
      %dma_wait3A_919 = tpu.memref_slice %arg2[%mul3A_917] : memref<320000xi32, #tpu.memory_space<hbm>> -> memref<40xi32, #tpu.memory_space<hbm>>
      tpu.wait_dma2 semaphore(%arg38 : memref<!tpu.dma_semaphore, #tpu.memory_space<semaphore_mem>>) src(%dma_wait3A_919 : memref<40xi32, #tpu.memory_space<hbm>>) dst(%arg19 : memref<40xi32, #tpu.memory_space<vmem>>)
      %add3A_920 = arith.constant 3 : i32
      %add3A_921 = arith.addi %add3A_873, %add3A_920 : i32
      %add3A_922 = arith.addi %mul3A_4, %add3A_921 : i32
      %dma_start3A_923 = arith.constant 0 : i32
      %dma_start3A_924 = arith.constant 0 : i32
      %dma_start3A_925 = tpu.memref_slice %arg4[%add3A_922, %dma_start3A_923, %dma_start3A_924] : memref<8000x40x128xf32, #tpu.memory_space<hbm>> -> memref<1x40x128xf32, #tpu.memory_space<hbm>>
      %dma_start3A_926 = tpu.memref_squeeze %dma_start3A_925 : memref<1x40x128xf32, #tpu.memory_space<hbm>> -> memref<40x128xf32, #tpu.memory_space<hbm>>
      %dma_start3A_927 = arith.constant 0 : i32
      %dma_start3A_928 = arith.constant 0 : i32
      %dma_start3A_929 = tpu.memref_slice %arg4[%add3A_922, %dma_start3A_927, %dma_start3A_928] : memref<8000x40x128xf32, #tpu.memory_space<hbm>> -> memref<1x40x128xf32, #tpu.memory_space<hbm>>
      %dma_start3A_930 = tpu.memref_squeeze %dma_start3A_929 : memref<1x40x128xf32, #tpu.memory_space<hbm>> -> memref<40x128xf32, #tpu.memory_space<hbm>>
      tpu.enqueue_dma source(%dma_start3A_930 : memref<40x128xf32, #tpu.memory_space<hbm>>) target(%arg13 : memref<40x128xf32, #tpu.memory_space<vmem>>) target_semaphore(%arg32 : memref<!tpu.dma_semaphore, #tpu.memory_space<semaphore_mem>>)
      %dma_start3A_931 = arith.constant 0 : i32
      %dma_start3A_932 = arith.constant 0 : i32
      %dma_start3A_933 = tpu.memref_slice %arg5[%dma_start3A_931, %dma_start3A_932] : memref<10000x128xf32, #tpu.memory_space<hbm>> -> memref<10000x128xf32, #tpu.memory_space<hbm>>
      tpu.enqueue_indirect_dma source(%dma_start3A_933 : memref<10000x128xf32, #tpu.memory_space<hbm>>) target(%arg10 : memref<40x128xf32, #tpu.memory_space<vmem>>) offsets(%arg19 : memref<40xi32, #tpu.memory_space<vmem>>) semaphore(%arg29 : memref<!tpu.dma_semaphore, #tpu.memory_space<semaphore_mem>>)
    }
    %scan3A_223 = arith.constant 40 : i32
    %add3A_224 = arith.constant 243 : i32
    %add3A_225 = arith.addi %mul3A_4, %add3A_224 : i32
    %dma_wait3A_226 = arith.constant 0 : i32
    %dma_wait3A_227 = arith.constant 0 : i32
    %dma_wait3A_228 = tpu.memref_slice %arg4[%add3A_225, %dma_wait3A_226, %dma_wait3A_227] : memref<8000x40x128xf32, #tpu.memory_space<hbm>> -> memref<1x40x128xf32, #tpu.memory_space<hbm>>
    %dma_wait3A_229 = tpu.memref_squeeze %dma_wait3A_228 : memref<1x40x128xf32, #tpu.memory_space<hbm>> -> memref<40x128xf32, #tpu.memory_space<hbm>>
    %dma_wait3A_230 = arith.constant 0 : i32
    %dma_wait3A_231 = arith.constant 0 : i32
    %dma_wait3A_232 = tpu.memref_slice %arg4[%add3A_225, %dma_wait3A_230, %dma_wait3A_231] : memref<8000x40x128xf32, #tpu.memory_space<hbm>> -> memref<1x40x128xf32, #tpu.memory_space<hbm>>
    %dma_wait3A_233 = tpu.memref_squeeze %dma_wait3A_232 : memref<1x40x128xf32, #tpu.memory_space<hbm>> -> memref<40x128xf32, #tpu.memory_space<hbm>>
    tpu.wait_dma2 semaphore(%arg30 : memref<!tpu.dma_semaphore, #tpu.memory_space<semaphore_mem>>) src(%dma_wait3A_233 : memref<40x128xf32, #tpu.memory_space<hbm>>) dst(%arg11 : memref<40x128xf32, #tpu.memory_space<vmem>>)
    %dma_wait3A_234 = arith.constant 0 : i32
    %dma_wait3A_235 = arith.constant 0 : i32
    %dma_wait3A_236 = tpu.memref_slice %arg5[%dma_wait3A_234, %dma_wait3A_235] : memref<10000x128xf32, #tpu.memory_space<hbm>> -> memref<10000x128xf32, #tpu.memory_space<hbm>>
    tpu.wait_indirect_dma semaphore(%arg27 : memref<!tpu.dma_semaphore, #tpu.memory_space<semaphore_mem>>) src(%dma_wait3A_236 : memref<10000x128xf32, #tpu.memory_space<hbm>>) dst(%arg8 : memref<40x128xf32, #tpu.memory_space<vmem>>)
    %add3A_237 = arith.constant 246 : i32
    %add3A_238 = arith.addi %mul3A_4, %add3A_237 : i32
    %mul3A_239 = arith.constant 40 : i32
    %mul3A_240 = arith.muli %add3A_238, %mul3A_239 : i32
    %dma_start3A_241 = tpu.memref_slice %arg2[%mul3A_240] : memref<320000xi32, #tpu.memory_space<hbm>> -> memref<40xi32, #tpu.memory_space<hbm>>
    %dma_start3A_242 = tpu.memref_slice %arg2[%mul3A_240] : memref<320000xi32, #tpu.memory_space<hbm>> -> memref<40xi32, #tpu.memory_space<hbm>>
    tpu.enqueue_dma source(%dma_start3A_242 : memref<40xi32, #tpu.memory_space<hbm>>) target(%arg17 : memref<40xi32, #tpu.memory_space<vmem>>) target_semaphore(%arg36 : memref<!tpu.dma_semaphore, #tpu.memory_space<semaphore_mem>>)
    %dma_wait3A_243 = arith.constant 0 : i32
    %dma_wait3A_244 = arith.constant 0 : i32
    %dma_wait3A_245 = tpu.memref_slice %arg26[%dma_wait3A_243, %dma_wait3A_244] : memref<10112x128xf32, #tpu.memory_space<vmem_shared>> -> memref<10112x128xf32, #tpu.memory_space<vmem_shared>>
    tpu.wait_indirect_dma semaphore(%arg33 : memref<!tpu.dma_semaphore, #tpu.memory_space<semaphore_mem>>) src(%arg14 : memref<40x128xf32, #tpu.memory_space<vmem>>) dst(%dma_wait3A_245 : memref<10112x128xf32, #tpu.memory_space<vmem_shared>>)
    %add3A_246 = arith.constant 246 : i32
    %add3A_247 = arith.addi %mul3A_4, %add3A_246 : i32
    %mul3A_248 = arith.constant 40 : i32
    %mul3A_249 = arith.muli %add3A_247, %mul3A_248 : i32
    %dma_start3A_250 = tpu.memref_slice %arg3[%mul3A_249] : memref<320000xi32, #tpu.memory_space<hbm>> -> memref<40xi32, #tpu.memory_space<hbm>>
    %dma_start3A_251 = tpu.memref_slice %arg3[%mul3A_249] : memref<320000xi32, #tpu.memory_space<hbm>> -> memref<40xi32, #tpu.memory_space<hbm>>
    tpu.enqueue_dma source(%dma_start3A_251 : memref<40xi32, #tpu.memory_space<hbm>>) target(%arg20 : memref<40xi32, #tpu.memory_space<vmem>>) target_semaphore(%arg39 : memref<!tpu.dma_semaphore, #tpu.memory_space<semaphore_mem>>)
    %scan3A_252 = arith.constant 0 : i32
    %scan3A_253 = arith.constant 0 : i32
    %scan3A_254 = arith.constant 40 : i32
    %scan3A_255 = arith.addi %scan3A_253, %scan3A_254 : i32
    %scan3A_256 = arith.constant 1 : i32
    scf.for %scan3A_557 = %scan3A_253 to %scan3A_255 step %scan3A_256  : i32 {
      %get3A = arith.index_cast %scan3A_557 : i32 to index
      %get3A_558 = arith.constant 0 : index
      %get3A_559 = tpu.vector_load %arg8[%get3A, %get3A_558] {strides = array<i32>} : memref<40x128xf32, #tpu.memory_space<vmem>>, vector<1x16xf32>,
      %get3A_560 = vector.shape_cast %get3A_559 : vector<1x16xf32> to vector<16xf32>
      %get3A_561 = arith.index_cast %scan3A_557 : i32 to index
      %get3A_562 = arith.constant 0 : index
      %get3A_563 = tpu.vector_load %arg11[%get3A_561, %get3A_562] {strides = array<i32>} : memref<40x128xf32, #tpu.memory_space<vmem>>, vector<1x16xf32>,
      %get3A_564 = vector.shape_cast %get3A_563 : vector<1x16xf32> to vector<16xf32>
      %add3A_565 = arith.addf %get3A_560, %get3A_564 : vector<16xf32>
      %max3A = arith.constant 0.000000e+00 : f32
      %max3A_566 = vector.broadcast %max3A : f32 to vector<16xf32>
      %max3A_567 = arith.maximumf %add3A_565, %max3A_566 : vector<16xf32>
      %swap3A = arith.index_cast %scan3A_557 : i32 to index
      %swap3A_568 = arith.constant 0 : index
      %swap3A_569 = tpu.vector_load %arg14[%swap3A, %swap3A_568] {strides = array<i32>} : memref<40x128xf32, #tpu.memory_space<vmem>>, vector<1x16xf32>,
      %swap3A_570 = vector.shape_cast %swap3A_569 : vector<1x16xf32> to vector<16xf32>
      %swap3A_571 = vector.shape_cast %max3A_567 : vector<16xf32> to vector<1x16xf32>
      tpu.vector_store %arg14[%swap3A, %swap3A_568], %swap3A_571 {strides = array<i32>} : memref<40x128xf32, #tpu.memory_space<vmem>>, vector<1x16xf32>,
      %get3A_572 = arith.index_cast %scan3A_557 : i32 to index
      %get3A_573 = arith.constant 16 : index
      %get3A_574 = tpu.vector_load %arg8[%get3A_572, %get3A_573] {strides = array<i32>} : memref<40x128xf32, #tpu.memory_space<vmem>>, vector<1x16xf32>,
      %get3A_575 = vector.shape_cast %get3A_574 : vector<1x16xf32> to vector<16xf32>
      %get3A_576 = arith.index_cast %scan3A_557 : i32 to index
      %get3A_577 = arith.constant 16 : index
      %get3A_578 = tpu.vector_load %arg11[%get3A_576, %get3A_577] {strides = array<i32>} : memref<40x128xf32, #tpu.memory_space<vmem>>, vector<1x16xf32>,
      %get3A_579 = vector.shape_cast %get3A_578 : vector<1x16xf32> to vector<16xf32>
      %add3A_580 = arith.addf %get3A_575, %get3A_579 : vector<16xf32>
      %max3A_581 = arith.constant 0.000000e+00 : f32
      %max3A_582 = vector.broadcast %max3A_581 : f32 to vector<16xf32>
      %max3A_583 = arith.maximumf %add3A_580, %max3A_582 : vector<16xf32>
      %swap3A_584 = arith.index_cast %scan3A_557 : i32 to index
      %swap3A_585 = arith.constant 16 : index
      %swap3A_586 = tpu.vector_load %arg14[%swap3A_584, %swap3A_585] {strides = array<i32>} : memref<40x128xf32, #tpu.memory_space<vmem>>, vector<1x16xf32>,
      %swap3A_587 = vector.shape_cast %swap3A_586 : vector<1x16xf32> to vector<16xf32>
      %swap3A_588 = vector.shape_cast %max3A_583 : vector<16xf32> to vector<1x16xf32>
      tpu.vector_store %arg14[%swap3A_584, %swap3A_585], %swap3A_588 {strides = array<i32>} : memref<40x128xf32, #tpu.memory_space<vmem>>, vector<1x16xf32>,
      %get3A_589 = arith.index_cast %scan3A_557 : i32 to index
      %get3A_590 = arith.constant 32 : index
      %get3A_591 = tpu.vector_load %arg8[%get3A_589, %get3A_590] {strides = array<i32>} : memref<40x128xf32, #tpu.memory_space<vmem>>, vector<1x16xf32>,
      %get3A_592 = vector.shape_cast %get3A_591 : vector<1x16xf32> to vector<16xf32>
      %get3A_593 = arith.index_cast %scan3A_557 : i32 to index
      %get3A_594 = arith.constant 32 : index
      %get3A_595 = tpu.vector_load %arg11[%get3A_593, %get3A_594] {strides = array<i32>} : memref<40x128xf32, #tpu.memory_space<vmem>>, vector<1x16xf32>,
      %get3A_596 = vector.shape_cast %get3A_595 : vector<1x16xf32> to vector<16xf32>
      %add3A_597 = arith.addf %get3A_592, %get3A_596 : vector<16xf32>
      %max3A_598 = arith.constant 0.000000e+00 : f32
      %max3A_599 = vector.broadcast %max3A_598 : f32 to vector<16xf32>
      %max3A_600 = arith.maximumf %add3A_597, %max3A_599 : vector<16xf32>
      %swap3A_601 = arith.index_cast %scan3A_557 : i32 to index
      %swap3A_602 = arith.constant 32 : index
      %swap3A_603 = tpu.vector_load %arg14[%swap3A_601, %swap3A_602] {strides = array<i32>} : memref<40x128xf32, #tpu.memory_space<vmem>>, vector<1x16xf32>,
      %swap3A_604 = vector.shape_cast %swap3A_603 : vector<1x16xf32> to vector<16xf32>
      %swap3A_605 = vector.shape_cast %max3A_600 : vector<16xf32> to vector<1x16xf32>
      tpu.vector_store %arg14[%swap3A_601, %swap3A_602], %swap3A_605 {strides = array<i32>} : memref<40x128xf32, #tpu.memory_space<vmem>>, vector<1x16xf32>,
      %get3A_606 = arith.index_cast %scan3A_557 : i32 to index
      %get3A_607 = arith.constant 48 : index
      %get3A_608 = tpu.vector_load %arg8[%get3A_606, %get3A_607] {strides = array<i32>} : memref<40x128xf32, #tpu.memory_space<vmem>>, vector<1x16xf32>,
      %get3A_609 = vector.shape_cast %get3A_608 : vector<1x16xf32> to vector<16xf32>
      %get3A_610 = arith.index_cast %scan3A_557 : i32 to index
      %get3A_611 = arith.constant 48 : index
      %get3A_612 = tpu.vector_load %arg11[%get3A_610, %get3A_611] {strides = array<i32>} : memref<40x128xf32, #tpu.memory_space<vmem>>, vector<1x16xf32>,
      %get3A_613 = vector.shape_cast %get3A_612 : vector<1x16xf32> to vector<16xf32>
      %add3A_614 = arith.addf %get3A_609, %get3A_613 : vector<16xf32>
      %max3A_615 = arith.constant 0.000000e+00 : f32
      %max3A_616 = vector.broadcast %max3A_615 : f32 to vector<16xf32>
      %max3A_617 = arith.maximumf %add3A_614, %max3A_616 : vector<16xf32>
      %swap3A_618 = arith.index_cast %scan3A_557 : i32 to index
      %swap3A_619 = arith.constant 48 : index
      %swap3A_620 = tpu.vector_load %arg14[%swap3A_618, %swap3A_619] {strides = array<i32>} : memref<40x128xf32, #tpu.memory_space<vmem>>, vector<1x16xf32>,
      %swap3A_621 = vector.shape_cast %swap3A_620 : vector<1x16xf32> to vector<16xf32>
      %swap3A_622 = vector.shape_cast %max3A_617 : vector<16xf32> to vector<1x16xf32>
      tpu.vector_store %arg14[%swap3A_618, %swap3A_619], %swap3A_622 {strides = array<i32>} : memref<40x128xf32, #tpu.memory_space<vmem>>, vector<1x16xf32>,
      %get3A_623 = arith.index_cast %scan3A_557 : i32 to index
      %get3A_624 = arith.constant 64 : index
      %get3A_625 = tpu.vector_load %arg8[%get3A_623, %get3A_624] {strides = array<i32>} : memref<40x128xf32, #tpu.memory_space<vmem>>, vector<1x16xf32>,
      %get3A_626 = vector.shape_cast %get3A_625 : vector<1x16xf32> to vector<16xf32>
      %get3A_627 = arith.index_cast %scan3A_557 : i32 to index
      %get3A_628 = arith.constant 64 : index
      %get3A_629 = tpu.vector_load %arg11[%get3A_627, %get3A_628] {strides = array<i32>} : memref<40x128xf32, #tpu.memory_space<vmem>>, vector<1x16xf32>,
      %get3A_630 = vector.shape_cast %get3A_629 : vector<1x16xf32> to vector<16xf32>
      %add3A_631 = arith.addf %get3A_626, %get3A_630 : vector<16xf32>
      %max3A_632 = arith.constant 0.000000e+00 : f32
      %max3A_633 = vector.broadcast %max3A_632 : f32 to vector<16xf32>
      %max3A_634 = arith.maximumf %add3A_631, %max3A_633 : vector<16xf32>
      %swap3A_635 = arith.index_cast %scan3A_557 : i32 to index
      %swap3A_636 = arith.constant 64 : index
      %swap3A_637 = tpu.vector_load %arg14[%swap3A_635, %swap3A_636] {strides = array<i32>} : memref<40x128xf32, #tpu.memory_space<vmem>>, vector<1x16xf32>,
      %swap3A_638 = vector.shape_cast %swap3A_637 : vector<1x16xf32> to vector<16xf32>
      %swap3A_639 = vector.shape_cast %max3A_634 : vector<16xf32> to vector<1x16xf32>
      tpu.vector_store %arg14[%swap3A_635, %swap3A_636], %swap3A_639 {strides = array<i32>} : memref<40x128xf32, #tpu.memory_space<vmem>>, vector<1x16xf32>,
      %get3A_640 = arith.index_cast %scan3A_557 : i32 to index
      %get3A_641 = arith.constant 80 : index
      %get3A_642 = tpu.vector_load %arg8[%get3A_640, %get3A_641] {strides = array<i32>} : memref<40x128xf32, #tpu.memory_space<vmem>>, vector<1x16xf32>,
      %get3A_643 = vector.shape_cast %get3A_642 : vector<1x16xf32> to vector<16xf32>
      %get3A_644 = arith.index_cast %scan3A_557 : i32 to index
      %get3A_645 = arith.constant 80 : index
      %get3A_646 = tpu.vector_load %arg11[%get3A_644, %get3A_645] {strides = array<i32>} : memref<40x128xf32, #tpu.memory_space<vmem>>, vector<1x16xf32>,
      %get3A_647 = vector.shape_cast %get3A_646 : vector<1x16xf32> to vector<16xf32>
      %add3A_648 = arith.addf %get3A_643, %get3A_647 : vector<16xf32>
      %max3A_649 = arith.constant 0.000000e+00 : f32
      %max3A_650 = vector.broadcast %max3A_649 : f32 to vector<16xf32>
      %max3A_651 = arith.maximumf %add3A_648, %max3A_650 : vector<16xf32>
      %swap3A_652 = arith.index_cast %scan3A_557 : i32 to index
      %swap3A_653 = arith.constant 80 : index
      %swap3A_654 = tpu.vector_load %arg14[%swap3A_652, %swap3A_653] {strides = array<i32>} : memref<40x128xf32, #tpu.memory_space<vmem>>, vector<1x16xf32>,
      %swap3A_655 = vector.shape_cast %swap3A_654 : vector<1x16xf32> to vector<16xf32>
      %swap3A_656 = vector.shape_cast %max3A_651 : vector<16xf32> to vector<1x16xf32>
      tpu.vector_store %arg14[%swap3A_652, %swap3A_653], %swap3A_656 {strides = array<i32>} : memref<40x128xf32, #tpu.memory_space<vmem>>, vector<1x16xf32>,
      %get3A_657 = arith.index_cast %scan3A_557 : i32 to index
      %get3A_658 = arith.constant 96 : index
      %get3A_659 = tpu.vector_load %arg8[%get3A_657, %get3A_658] {strides = array<i32>} : memref<40x128xf32, #tpu.memory_space<vmem>>, vector<1x16xf32>,
      %get3A_660 = vector.shape_cast %get3A_659 : vector<1x16xf32> to vector<16xf32>
      %get3A_661 = arith.index_cast %scan3A_557 : i32 to index
      %get3A_662 = arith.constant 96 : index
      %get3A_663 = tpu.vector_load %arg11[%get3A_661, %get3A_662] {strides = array<i32>} : memref<40x128xf32, #tpu.memory_space<vmem>>, vector<1x16xf32>,
      %get3A_664 = vector.shape_cast %get3A_663 : vector<1x16xf32> to vector<16xf32>
      %add3A_665 = arith.addf %get3A_660, %get3A_664 : vector<16xf32>
      %max3A_666 = arith.constant 0.000000e+00 : f32
      %max3A_667 = vector.broadcast %max3A_666 : f32 to vector<16xf32>
      %max3A_668 = arith.maximumf %add3A_665, %max3A_667 : vector<16xf32>
      %swap3A_669 = arith.index_cast %scan3A_557 : i32 to index
      %swap3A_670 = arith.constant 96 : index
      %swap3A_671 = tpu.vector_load %arg14[%swap3A_669, %swap3A_670] {strides = array<i32>} : memref<40x128xf32, #tpu.memory_space<vmem>>, vector<1x16xf32>,
      %swap3A_672 = vector.shape_cast %swap3A_671 : vector<1x16xf32> to vector<16xf32>
      %swap3A_673 = vector.shape_cast %max3A_668 : vector<16xf32> to vector<1x16xf32>
      tpu.vector_store %arg14[%swap3A_669, %swap3A_670], %swap3A_673 {strides = array<i32>} : memref<40x128xf32, #tpu.memory_space<vmem>>, vector<1x16xf32>,
      %get3A_674 = arith.index_cast %scan3A_557 : i32 to index
      %get3A_675 = arith.constant 112 : index
      %get3A_676 = tpu.vector_load %arg8[%get3A_674, %get3A_675] {strides = array<i32>} : memref<40x128xf32, #tpu.memory_space<vmem>>, vector<1x16xf32>,
      %get3A_677 = vector.shape_cast %get3A_676 : vector<1x16xf32> to vector<16xf32>
      %get3A_678 = arith.index_cast %scan3A_557 : i32 to index
      %get3A_679 = arith.constant 112 : index
      %get3A_680 = tpu.vector_load %arg11[%get3A_678, %get3A_679] {strides = array<i32>} : memref<40x128xf32, #tpu.memory_space<vmem>>, vector<1x16xf32>,
      %get3A_681 = vector.shape_cast %get3A_680 : vector<1x16xf32> to vector<16xf32>
      %add3A_682 = arith.addf %get3A_677, %get3A_681 : vector<16xf32>
      %max3A_683 = arith.constant 0.000000e+00 : f32
      %max3A_684 = vector.broadcast %max3A_683 : f32 to vector<16xf32>
      %max3A_685 = arith.maximumf %add3A_682, %max3A_684 : vector<16xf32>
      %swap3A_686 = arith.index_cast %scan3A_557 : i32 to index
      %swap3A_687 = arith.constant 112 : index
      %swap3A_688 = tpu.vector_load %arg14[%swap3A_686, %swap3A_687] {strides = array<i32>} : memref<40x128xf32, #tpu.memory_space<vmem>>, vector<1x16xf32>,
      %swap3A_689 = vector.shape_cast %swap3A_688 : vector<1x16xf32> to vector<16xf32>
      %swap3A_690 = vector.shape_cast %max3A_685 : vector<16xf32> to vector<1x16xf32>
      tpu.vector_store %arg14[%swap3A_686, %swap3A_687], %swap3A_690 {strides = array<i32>} : memref<40x128xf32, #tpu.memory_space<vmem>>, vector<1x16xf32>,
    }
    %scan3A_257 = arith.constant 40 : i32
    %mul3A_258 = arith.constant 40 : i32
    %mul3A_259 = arith.muli %mul3A_4, %mul3A_258 : i32
    %dma_wait3A_260 = tpu.memref_slice %arg3[%mul3A_259] : memref<320000xi32, #tpu.memory_space<hbm>> -> memref<40xi32, #tpu.memory_space<hbm>>
    %dma_wait3A_261 = tpu.memref_slice %arg3[%mul3A_259] : memref<320000xi32, #tpu.memory_space<hbm>> -> memref<40xi32, #tpu.memory_space<hbm>>
    tpu.wait_dma2 semaphore(%arg42 : memref<!tpu.dma_semaphore, #tpu.memory_space<semaphore_mem>>) src(%dma_wait3A_261 : memref<40xi32, #tpu.memory_space<hbm>>) dst(%arg23 : memref<40xi32, #tpu.memory_space<vmem>>)
    %dma_start3A_262 = arith.constant 0 : i32
    %dma_start3A_263 = arith.constant 0 : i32
    %dma_start3A_264 = tpu.memref_slice %arg26[%dma_start3A_262, %dma_start3A_263] : memref<10112x128xf32, #tpu.memory_space<vmem_shared>> -> memref<10112x128xf32, #tpu.memory_space<vmem_shared>>
    tpu.enqueue_indirect_dma source(%arg14 : memref<40x128xf32, #tpu.memory_space<vmem>>) target(%dma_start3A_264 : memref<10112x128xf32, #tpu.memory_space<vmem_shared>>) offsets(%arg23 : memref<40xi32, #tpu.memory_space<vmem>>) semaphore(%arg33 : memref<!tpu.dma_semaphore, #tpu.memory_space<semaphore_mem>>) {add = true}
    %mul3A_265 = arith.constant 40 : i32
    %mul3A_266 = arith.muli %mul3A_4, %mul3A_265 : i32
    %dma_wait3A_267 = tpu.memref_slice %arg2[%mul3A_266] : memref<320000xi32, #tpu.memory_space<hbm>> -> memref<40xi32, #tpu.memory_space<hbm>>
    %dma_wait3A_268 = tpu.memref_slice %arg2[%mul3A_266] : memref<320000xi32, #tpu.memory_space<hbm>> -> memref<40xi32, #tpu.memory_space<hbm>>
    tpu.wait_dma2 semaphore(%arg36 : memref<!tpu.dma_semaphore, #tpu.memory_space<semaphore_mem>>) src(%dma_wait3A_268 : memref<40xi32, #tpu.memory_space<hbm>>) dst(%arg17 : memref<40xi32, #tpu.memory_space<vmem>>)
    %add3A_269 = arith.constant 246 : i32
    %add3A_270 = arith.addi %mul3A_4, %add3A_269 : i32
    %dma_start3A_271 = arith.constant 0 : i32
    %dma_start3A_272 = arith.constant 0 : i32
    %dma_start3A_273 = tpu.memref_slice %arg4[%add3A_270, %dma_start3A_271, %dma_start3A_272] : memref<8000x40x128xf32, #tpu.memory_space<hbm>> -> memref<1x40x128xf32, #tpu.memory_space<hbm>>
    %dma_start3A_274 = tpu.memref_squeeze %dma_start3A_273 : memref<1x40x128xf32, #tpu.memory_space<hbm>> -> memref<40x128xf32, #tpu.memory_space<hbm>>
    %dma_start3A_275 = arith.constant 0 : i32
    %dma_start3A_276 = arith.constant 0 : i32
    %dma_start3A_277 = tpu.memref_slice %arg4[%add3A_270, %dma_start3A_275, %dma_start3A_276] : memref<8000x40x128xf32, #tpu.memory_space<hbm>> -> memref<1x40x128xf32, #tpu.memory_space<hbm>>
    %dma_start3A_278 = tpu.memref_squeeze %dma_start3A_277 : memref<1x40x128xf32, #tpu.memory_space<hbm>> -> memref<40x128xf32, #tpu.memory_space<hbm>>
    tpu.enqueue_dma source(%dma_start3A_278 : memref<40x128xf32, #tpu.memory_space<hbm>>) target(%arg11 : memref<40x128xf32, #tpu.memory_space<vmem>>) target_semaphore(%arg30 : memref<!tpu.dma_semaphore, #tpu.memory_space<semaphore_mem>>)
    %dma_start3A_279 = arith.constant 0 : i32
    %dma_start3A_280 = arith.constant 0 : i32
    %dma_start3A_281 = tpu.memref_slice %arg5[%dma_start3A_279, %dma_start3A_280] : memref<10000x128xf32, #tpu.memory_space<hbm>> -> memref<10000x128xf32, #tpu.memory_space<hbm>>
    tpu.enqueue_indirect_dma source(%dma_start3A_281 : memref<10000x128xf32, #tpu.memory_space<hbm>>) target(%arg8 : memref<40x128xf32, #tpu.memory_space<vmem>>) offsets(%arg17 : memref<40xi32, #tpu.memory_space<vmem>>) semaphore(%arg27 : memref<!tpu.dma_semaphore, #tpu.memory_space<semaphore_mem>>)
    %add3A_282 = arith.constant 244 : i32
    %add3A_283 = arith.addi %mul3A_4, %add3A_282 : i32
    %dma_wait3A_284 = arith.constant 0 : i32
    %dma_wait3A_285 = arith.constant 0 : i32
    %dma_wait3A_286 = tpu.memref_slice %arg4[%add3A_283, %dma_wait3A_284, %dma_wait3A_285] : memref<8000x40x128xf32, #tpu.memory_space<hbm>> -> memref<1x40x128xf32, #tpu.memory_space<hbm>>
    %dma_wait3A_287 = tpu.memref_squeeze %dma_wait3A_286 : memref<1x40x128xf32, #tpu.memory_space<hbm>> -> memref<40x128xf32, #tpu.memory_space<hbm>>
    %dma_wait3A_288 = arith.constant 0 : i32
    %dma_wait3A_289 = arith.constant 0 : i32
    %dma_wait3A_290 = tpu.memref_slice %arg4[%add3A_283, %dma_wait3A_288, %dma_wait3A_289] : memref<8000x40x128xf32, #tpu.memory_space<hbm>> -> memref<1x40x128xf32, #tpu.memory_space<hbm>>
    %dma_wait3A_291 = tpu.memref_squeeze %dma_wait3A_290 : memref<1x40x128xf32, #tpu.memory_space<hbm>> -> memref<40x128xf32, #tpu.memory_space<hbm>>
    tpu.wait_dma2 semaphore(%arg31 : memref<!tpu.dma_semaphore, #tpu.memory_space<semaphore_mem>>) src(%dma_wait3A_291 : memref<40x128xf32, #tpu.memory_space<hbm>>) dst(%arg12 : memref<40x128xf32, #tpu.memory_space<vmem>>)
    %dma_wait3A_292 = arith.constant 0 : i32
    %dma_wait3A_293 = arith.constant 0 : i32
    %dma_wait3A_294 = tpu.memref_slice %arg5[%dma_wait3A_292, %dma_wait3A_293] : memref<10000x128xf32, #tpu.memory_space<hbm>> -> memref<10000x128xf32, #tpu.memory_space<hbm>>
    tpu.wait_indirect_dma semaphore(%arg28 : memref<!tpu.dma_semaphore, #tpu.memory_space<semaphore_mem>>) src(%dma_wait3A_294 : memref<10000x128xf32, #tpu.memory_space<hbm>>) dst(%arg9 : memref<40x128xf32, #tpu.memory_space<vmem>>)
    %add3A_295 = arith.constant 247 : i32
    %add3A_296 = arith.addi %mul3A_4, %add3A_295 : i32
    %mul3A_297 = arith.constant 40 : i32
    %mul3A_298 = arith.muli %add3A_296, %mul3A_297 : i32
    %dma_start3A_299 = tpu.memref_slice %arg2[%mul3A_298] : memref<320000xi32, #tpu.memory_space<hbm>> -> memref<40xi32, #tpu.memory_space<hbm>>
    %dma_start3A_300 = tpu.memref_slice %arg2[%mul3A_298] : memref<320000xi32, #tpu.memory_space<hbm>> -> memref<40xi32, #tpu.memory_space<hbm>>
    tpu.enqueue_dma source(%dma_start3A_300 : memref<40xi32, #tpu.memory_space<hbm>>) target(%arg18 : memref<40xi32, #tpu.memory_space<vmem>>) target_semaphore(%arg37 : memref<!tpu.dma_semaphore, #tpu.memory_space<semaphore_mem>>)
    %dma_wait3A_301 = arith.constant 0 : i32
    %dma_wait3A_302 = arith.constant 0 : i32
    %dma_wait3A_303 = tpu.memref_slice %arg26[%dma_wait3A_301, %dma_wait3A_302] : memref<10112x128xf32, #tpu.memory_space<vmem_shared>> -> memref<10112x128xf32, #tpu.memory_space<vmem_shared>>
    tpu.wait_indirect_dma semaphore(%arg34 : memref<!tpu.dma_semaphore, #tpu.memory_space<semaphore_mem>>) src(%arg15 : memref<40x128xf32, #tpu.memory_space<vmem>>) dst(%dma_wait3A_303 : memref<10112x128xf32, #tpu.memory_space<vmem_shared>>)
    %add3A_304 = arith.constant 247 : i32
    %add3A_305 = arith.addi %mul3A_4, %add3A_304 : i32
    %mul3A_306 = arith.constant 40 : i32
    %mul3A_307 = arith.muli %add3A_305, %mul3A_306 : i32
    %dma_start3A_308 = tpu.memref_slice %arg3[%mul3A_307] : memref<320000xi32, #tpu.memory_space<hbm>> -> memref<40xi32, #tpu.memory_space<hbm>>
    %dma_start3A_309 = tpu.memref_slice %arg3[%mul3A_307] : memref<320000xi32, #tpu.memory_space<hbm>> -> memref<40xi32, #tpu.memory_space<hbm>>
    tpu.enqueue_dma source(%dma_start3A_309 : memref<40xi32, #tpu.memory_space<hbm>>) target(%arg21 : memref<40xi32, #tpu.memory_space<vmem>>) target_semaphore(%arg40 : memref<!tpu.dma_semaphore, #tpu.memory_space<semaphore_mem>>)
    %scan3A_310 = arith.constant 0 : i32
    %scan3A_311 = arith.constant 0 : i32
    %scan3A_312 = arith.constant 40 : i32
    %scan3A_313 = arith.addi %scan3A_311, %scan3A_312 : i32
    %scan3A_314 = arith.constant 1 : i32
    scf.for %scan3A_557 = %scan3A_311 to %scan3A_313 step %scan3A_314  : i32 {
      %get3A = arith.index_cast %scan3A_557 : i32 to index
      %get3A_558 = arith.constant 0 : index
      %get3A_559 = tpu.vector_load %arg9[%get3A, %get3A_558] {strides = array<i32>} : memref<40x128xf32, #tpu.memory_space<vmem>>, vector<1x16xf32>,
      %get3A_560 = vector.shape_cast %get3A_559 : vector<1x16xf32> to vector<16xf32>
      %get3A_561 = arith.index_cast %scan3A_557 : i32 to index
      %get3A_562 = arith.constant 0 : index
      %get3A_563 = tpu.vector_load %arg12[%get3A_561, %get3A_562] {strides = array<i32>} : memref<40x128xf32, #tpu.memory_space<vmem>>, vector<1x16xf32>,
      %get3A_564 = vector.shape_cast %get3A_563 : vector<1x16xf32> to vector<16xf32>
      %add3A_565 = arith.addf %get3A_560, %get3A_564 : vector<16xf32>
      %max3A = arith.constant 0.000000e+00 : f32
      %max3A_566 = vector.broadcast %max3A : f32 to vector<16xf32>
      %max3A_567 = arith.maximumf %add3A_565, %max3A_566 : vector<16xf32>
      %swap3A = arith.index_cast %scan3A_557 : i32 to index
      %swap3A_568 = arith.constant 0 : index
      %swap3A_569 = tpu.vector_load %arg15[%swap3A, %swap3A_568] {strides = array<i32>} : memref<40x128xf32, #tpu.memory_space<vmem>>, vector<1x16xf32>,
      %swap3A_570 = vector.shape_cast %swap3A_569 : vector<1x16xf32> to vector<16xf32>
      %swap3A_571 = vector.shape_cast %max3A_567 : vector<16xf32> to vector<1x16xf32>
      tpu.vector_store %arg15[%swap3A, %swap3A_568], %swap3A_571 {strides = array<i32>} : memref<40x128xf32, #tpu.memory_space<vmem>>, vector<1x16xf32>,
      %get3A_572 = arith.index_cast %scan3A_557 : i32 to index
      %get3A_573 = arith.constant 16 : index
      %get3A_574 = tpu.vector_load %arg9[%get3A_572, %get3A_573] {strides = array<i32>} : memref<40x128xf32, #tpu.memory_space<vmem>>, vector<1x16xf32>,
      %get3A_575 = vector.shape_cast %get3A_574 : vector<1x16xf32> to vector<16xf32>
      %get3A_576 = arith.index_cast %scan3A_557 : i32 to index
      %get3A_577 = arith.constant 16 : index
      %get3A_578 = tpu.vector_load %arg12[%get3A_576, %get3A_577] {strides = array<i32>} : memref<40x128xf32, #tpu.memory_space<vmem>>, vector<1x16xf32>,
      %get3A_579 = vector.shape_cast %get3A_578 : vector<1x16xf32> to vector<16xf32>
      %add3A_580 = arith.addf %get3A_575, %get3A_579 : vector<16xf32>
      %max3A_581 = arith.constant 0.000000e+00 : f32
      %max3A_582 = vector.broadcast %max3A_581 : f32 to vector<16xf32>
      %max3A_583 = arith.maximumf %add3A_580, %max3A_582 : vector<16xf32>
      %swap3A_584 = arith.index_cast %scan3A_557 : i32 to index
      %swap3A_585 = arith.constant 16 : index
      %swap3A_586 = tpu.vector_load %arg15[%swap3A_584, %swap3A_585] {strides = array<i32>} : memref<40x128xf32, #tpu.memory_space<vmem>>, vector<1x16xf32>,
      %swap3A_587 = vector.shape_cast %swap3A_586 : vector<1x16xf32> to vector<16xf32>
      %swap3A_588 = vector.shape_cast %max3A_583 : vector<16xf32> to vector<1x16xf32>
      tpu.vector_store %arg15[%swap3A_584, %swap3A_585], %swap3A_588 {strides = array<i32>} : memref<40x128xf32, #tpu.memory_space<vmem>>, vector<1x16xf32>,
      %get3A_589 = arith.index_cast %scan3A_557 : i32 to index
      %get3A_590 = arith.constant 32 : index
      %get3A_591 = tpu.vector_load %arg9[%get3A_589, %get3A_590] {strides = array<i32>} : memref<40x128xf32, #tpu.memory_space<vmem>>, vector<1x16xf32>,
      %get3A_592 = vector.shape_cast %get3A_591 : vector<1x16xf32> to vector<16xf32>
      %get3A_593 = arith.index_cast %scan3A_557 : i32 to index
      %get3A_594 = arith.constant 32 : index
      %get3A_595 = tpu.vector_load %arg12[%get3A_593, %get3A_594] {strides = array<i32>} : memref<40x128xf32, #tpu.memory_space<vmem>>, vector<1x16xf32>,
      %get3A_596 = vector.shape_cast %get3A_595 : vector<1x16xf32> to vector<16xf32>
      %add3A_597 = arith.addf %get3A_592, %get3A_596 : vector<16xf32>
      %max3A_598 = arith.constant 0.000000e+00 : f32
      %max3A_599 = vector.broadcast %max3A_598 : f32 to vector<16xf32>
      %max3A_600 = arith.maximumf %add3A_597, %max3A_599 : vector<16xf32>
      %swap3A_601 = arith.index_cast %scan3A_557 : i32 to index
      %swap3A_602 = arith.constant 32 : index
      %swap3A_603 = tpu.vector_load %arg15[%swap3A_601, %swap3A_602] {strides = array<i32>} : memref<40x128xf32, #tpu.memory_space<vmem>>, vector<1x16xf32>,
      %swap3A_604 = vector.shape_cast %swap3A_603 : vector<1x16xf32> to vector<16xf32>
      %swap3A_605 = vector.shape_cast %max3A_600 : vector<16xf32> to vector<1x16xf32>
      tpu.vector_store %arg15[%swap3A_601, %swap3A_602], %swap3A_605 {strides = array<i32>} : memref<40x128xf32, #tpu.memory_space<vmem>>, vector<1x16xf32>,
      %get3A_606 = arith.index_cast %scan3A_557 : i32 to index
      %get3A_607 = arith.constant 48 : index
      %get3A_608 = tpu.vector_load %arg9[%get3A_606, %get3A_607] {strides = array<i32>} : memref<40x128xf32, #tpu.memory_space<vmem>>, vector<1x16xf32>,
      %get3A_609 = vector.shape_cast %get3A_608 : vector<1x16xf32> to vector<16xf32>
      %get3A_610 = arith.index_cast %scan3A_557 : i32 to index
      %get3A_611 = arith.constant 48 : index
      %get3A_612 = tpu.vector_load %arg12[%get3A_610, %get3A_611] {strides = array<i32>} : memref<40x128xf32, #tpu.memory_space<vmem>>, vector<1x16xf32>,
      %get3A_613 = vector.shape_cast %get3A_612 : vector<1x16xf32> to vector<16xf32>
      %add3A_614 = arith.addf %get3A_609, %get3A_613 : vector<16xf32>
      %max3A_615 = arith.constant 0.000000e+00 : f32
      %max3A_616 = vector.broadcast %max3A_615 : f32 to vector<16xf32>
      %max3A_617 = arith.maximumf %add3A_614, %max3A_616 : vector<16xf32>
      %swap3A_618 = arith.index_cast %scan3A_557 : i32 to index
      %swap3A_619 = arith.constant 48 : index
      %swap3A_620 = tpu.vector_load %arg15[%swap3A_618, %swap3A_619] {strides = array<i32>} : memref<40x128xf32, #tpu.memory_space<vmem>>, vector<1x16xf32>,
      %swap3A_621 = vector.shape_cast %swap3A_620 : vector<1x16xf32> to vector<16xf32>
      %swap3A_622 = vector.shape_cast %max3A_617 : vector<16xf32> to vector<1x16xf32>
      tpu.vector_store %arg15[%swap3A_618, %swap3A_619], %swap3A_622 {strides = array<i32>} : memref<40x128xf32, #tpu.memory_space<vmem>>, vector<1x16xf32>,
      %get3A_623 = arith.index_cast %scan3A_557 : i32 to index
      %get3A_624 = arith.constant 64 : index
      %get3A_625 = tpu.vector_load %arg9[%get3A_623, %get3A_624] {strides = array<i32>} : memref<40x128xf32, #tpu.memory_space<vmem>>, vector<1x16xf32>,
      %get3A_626 = vector.shape_cast %get3A_625 : vector<1x16xf32> to vector<16xf32>
      %get3A_627 = arith.index_cast %scan3A_557 : i32 to index
      %get3A_628 = arith.constant 64 : index
      %get3A_629 = tpu.vector_load %arg12[%get3A_627, %get3A_628] {strides = array<i32>} : memref<40x128xf32, #tpu.memory_space<vmem>>, vector<1x16xf32>,
      %get3A_630 = vector.shape_cast %get3A_629 : vector<1x16xf32> to vector<16xf32>
      %add3A_631 = arith.addf %get3A_626, %get3A_630 : vector<16xf32>
      %max3A_632 = arith.constant 0.000000e+00 : f32
      %max3A_633 = vector.broadcast %max3A_632 : f32 to vector<16xf32>
      %max3A_634 = arith.maximumf %add3A_631, %max3A_633 : vector<16xf32>
      %swap3A_635 = arith.index_cast %scan3A_557 : i32 to index
      %swap3A_636 = arith.constant 64 : index
      %swap3A_637 = tpu.vector_load %arg15[%swap3A_635, %swap3A_636] {strides = array<i32>} : memref<40x128xf32, #tpu.memory_space<vmem>>, vector<1x16xf32>,
      %swap3A_638 = vector.shape_cast %swap3A_637 : vector<1x16xf32> to vector<16xf32>
      %swap3A_639 = vector.shape_cast %max3A_634 : vector<16xf32> to vector<1x16xf32>
      tpu.vector_store %arg15[%swap3A_635, %swap3A_636], %swap3A_639 {strides = array<i32>} : memref<40x128xf32, #tpu.memory_space<vmem>>, vector<1x16xf32>,
      %get3A_640 = arith.index_cast %scan3A_557 : i32 to index
      %get3A_641 = arith.constant 80 : index
      %get3A_642 = tpu.vector_load %arg9[%get3A_640, %get3A_641] {strides = array<i32>} : memref<40x128xf32, #tpu.memory_space<vmem>>, vector<1x16xf32>,
      %get3A_643 = vector.shape_cast %get3A_642 : vector<1x16xf32> to vector<16xf32>
      %get3A_644 = arith.index_cast %scan3A_557 : i32 to index
      %get3A_645 = arith.constant 80 : index
      %get3A_646 = tpu.vector_load %arg12[%get3A_644, %get3A_645] {strides = array<i32>} : memref<40x128xf32, #tpu.memory_space<vmem>>, vector<1x16xf32>,
      %get3A_647 = vector.shape_cast %get3A_646 : vector<1x16xf32> to vector<16xf32>
      %add3A_648 = arith.addf %get3A_643, %get3A_647 : vector<16xf32>
      %max3A_649 = arith.constant 0.000000e+00 : f32
      %max3A_650 = vector.broadcast %max3A_649 : f32 to vector<16xf32>
      %max3A_651 = arith.maximumf %add3A_648, %max3A_650 : vector<16xf32>
      %swap3A_652 = arith.index_cast %scan3A_557 : i32 to index
      %swap3A_653 = arith.constant 80 : index
      %swap3A_654 = tpu.vector_load %arg15[%swap3A_652, %swap3A_653] {strides = array<i32>} : memref<40x128xf32, #tpu.memory_space<vmem>>, vector<1x16xf32>,
      %swap3A_655 = vector.shape_cast %swap3A_654 : vector<1x16xf32> to vector<16xf32>
      %swap3A_656 = vector.shape_cast %max3A_651 : vector<16xf32> to vector<1x16xf32>
      tpu.vector_store %arg15[%swap3A_652, %swap3A_653], %swap3A_656 {strides = array<i32>} : memref<40x128xf32, #tpu.memory_space<vmem>>, vector<1x16xf32>,
      %get3A_657 = arith.index_cast %scan3A_557 : i32 to index
      %get3A_658 = arith.constant 96 : index
      %get3A_659 = tpu.vector_load %arg9[%get3A_657, %get3A_658] {strides = array<i32>} : memref<40x128xf32, #tpu.memory_space<vmem>>, vector<1x16xf32>,
      %get3A_660 = vector.shape_cast %get3A_659 : vector<1x16xf32> to vector<16xf32>
      %get3A_661 = arith.index_cast %scan3A_557 : i32 to index
      %get3A_662 = arith.constant 96 : index
      %get3A_663 = tpu.vector_load %arg12[%get3A_661, %get3A_662] {strides = array<i32>} : memref<40x128xf32, #tpu.memory_space<vmem>>, vector<1x16xf32>,
      %get3A_664 = vector.shape_cast %get3A_663 : vector<1x16xf32> to vector<16xf32>
      %add3A_665 = arith.addf %get3A_660, %get3A_664 : vector<16xf32>
      %max3A_666 = arith.constant 0.000000e+00 : f32
      %max3A_667 = vector.broadcast %max3A_666 : f32 to vector<16xf32>
      %max3A_668 = arith.maximumf %add3A_665, %max3A_667 : vector<16xf32>
      %swap3A_669 = arith.index_cast %scan3A_557 : i32 to index
      %swap3A_670 = arith.constant 96 : index
      %swap3A_671 = tpu.vector_load %arg15[%swap3A_669, %swap3A_670] {strides = array<i32>} : memref<40x128xf32, #tpu.memory_space<vmem>>, vector<1x16xf32>,
      %swap3A_672 = vector.shape_cast %swap3A_671 : vector<1x16xf32> to vector<16xf32>
      %swap3A_673 = vector.shape_cast %max3A_668 : vector<16xf32> to vector<1x16xf32>
      tpu.vector_store %arg15[%swap3A_669, %swap3A_670], %swap3A_673 {strides = array<i32>} : memref<40x128xf32, #tpu.memory_space<vmem>>, vector<1x16xf32>,
      %get3A_674 = arith.index_cast %scan3A_557 : i32 to index
      %get3A_675 = arith.constant 112 : index
      %get3A_676 = tpu.vector_load %arg9[%get3A_674, %get3A_675] {strides = array<i32>} : memref<40x128xf32, #tpu.memory_space<vmem>>, vector<1x16xf32>,
      %get3A_677 = vector.shape_cast %get3A_676 : vector<1x16xf32> to vector<16xf32>
      %get3A_678 = arith.index_cast %scan3A_557 : i32 to index
      %get3A_679 = arith.constant 112 : index
      %get3A_680 = tpu.vector_load %arg12[%get3A_678, %get3A_679] {strides = array<i32>} : memref<40x128xf32, #tpu.memory_space<vmem>>, vector<1x16xf32>,
      %get3A_681 = vector.shape_cast %get3A_680 : vector<1x16xf32> to vector<16xf32>
      %add3A_682 = arith.addf %get3A_677, %get3A_681 : vector<16xf32>
      %max3A_683 = arith.constant 0.000000e+00 : f32
      %max3A_684 = vector.broadcast %max3A_683 : f32 to vector<16xf32>
      %max3A_685 = arith.maximumf %add3A_682, %max3A_684 : vector<16xf32>
      %swap3A_686 = arith.index_cast %scan3A_557 : i32 to index
      %swap3A_687 = arith.constant 112 : index
      %swap3A_688 = tpu.vector_load %arg15[%swap3A_686, %swap3A_687] {strides = array<i32>} : memref<40x128xf32, #tpu.memory_space<vmem>>, vector<1x16xf32>,
      %swap3A_689 = vector.shape_cast %swap3A_688 : vector<1x16xf32> to vector<16xf32>
      %swap3A_690 = vector.shape_cast %max3A_685 : vector<16xf32> to vector<1x16xf32>
      tpu.vector_store %arg15[%swap3A_686, %swap3A_687], %swap3A_690 {strides = array<i32>} : memref<40x128xf32, #tpu.memory_space<vmem>>, vector<1x16xf32>,
    }
    %scan3A_315 = arith.constant 40 : i32
    %mul3A_316 = arith.constant 40 : i32
    %mul3A_317 = arith.muli %mul3A_4, %mul3A_316 : i32
    %dma_wait3A_318 = tpu.memref_slice %arg3[%mul3A_317] : memref<320000xi32, #tpu.memory_space<hbm>> -> memref<40xi32, #tpu.memory_space<hbm>>
    %dma_wait3A_319 = tpu.memref_slice %arg3[%mul3A_317] : memref<320000xi32, #tpu.memory_space<hbm>> -> memref<40xi32, #tpu.memory_space<hbm>>
    tpu.wait_dma2 semaphore(%arg43 : memref<!tpu.dma_semaphore, #tpu.memory_space<semaphore_mem>>) src(%dma_wait3A_319 : memref<40xi32, #tpu.memory_space<hbm>>) dst(%arg24 : memref<40xi32, #tpu.memory_space<vmem>>)
    %dma_start3A_320 = arith.constant 0 : i32
    %dma_start3A_321 = arith.constant 0 : i32
    %dma_start3A_322 = tpu.memref_slice %arg26[%dma_start3A_320, %dma_start3A_321] : memref<10112x128xf32, #tpu.memory_space<vmem_shared>> -> memref<10112x128xf32, #tpu.memory_space<vmem_shared>>
    tpu.enqueue_indirect_dma source(%arg15 : memref<40x128xf32, #tpu.memory_space<vmem>>) target(%dma_start3A_322 : memref<10112x128xf32, #tpu.memory_space<vmem_shared>>) offsets(%arg24 : memref<40xi32, #tpu.memory_space<vmem>>) semaphore(%arg34 : memref<!tpu.dma_semaphore, #tpu.memory_space<semaphore_mem>>) {add = true}
    %mul3A_323 = arith.constant 40 : i32
    %mul3A_324 = arith.muli %mul3A_4, %mul3A_323 : i32
    %dma_wait3A_325 = tpu.memref_slice %arg2[%mul3A_324] : memref<320000xi32, #tpu.memory_space<hbm>> -> memref<40xi32, #tpu.memory_space<hbm>>
    %dma_wait3A_326 = tpu.memref_slice %arg2[%mul3A_324] : memref<320000xi32, #tpu.memory_space<hbm>> -> memref<40xi32, #tpu.memory_space<hbm>>
    tpu.wait_dma2 semaphore(%arg37 : memref<!tpu.dma_semaphore, #tpu.memory_space<semaphore_mem>>) src(%dma_wait3A_326 : memref<40xi32, #tpu.memory_space<hbm>>) dst(%arg18 : memref<40xi32, #tpu.memory_space<vmem>>)
    %add3A_327 = arith.constant 247 : i32
    %add3A_328 = arith.addi %mul3A_4, %add3A_327 : i32
    %dma_start3A_329 = arith.constant 0 : i32
    %dma_start3A_330 = arith.constant 0 : i32
    %dma_start3A_331 = tpu.memref_slice %arg4[%add3A_328, %dma_start3A_329, %dma_start3A_330] : memref<8000x40x128xf32, #tpu.memory_space<hbm>> -> memref<1x40x128xf32, #tpu.memory_space<hbm>>
    %dma_start3A_332 = tpu.memref_squeeze %dma_start3A_331 : memref<1x40x128xf32, #tpu.memory_space<hbm>> -> memref<40x128xf32, #tpu.memory_space<hbm>>
    %dma_start3A_333 = arith.constant 0 : i32
    %dma_start3A_334 = arith.constant 0 : i32
    %dma_start3A_335 = tpu.memref_slice %arg4[%add3A_328, %dma_start3A_333, %dma_start3A_334] : memref<8000x40x128xf32, #tpu.memory_space<hbm>> -> memref<1x40x128xf32, #tpu.memory_space<hbm>>
    %dma_start3A_336 = tpu.memref_squeeze %dma_start3A_335 : memref<1x40x128xf32, #tpu.memory_space<hbm>> -> memref<40x128xf32, #tpu.memory_space<hbm>>
    tpu.enqueue_dma source(%dma_start3A_336 : memref<40x128xf32, #tpu.memory_space<hbm>>) target(%arg12 : memref<40x128xf32, #tpu.memory_space<vmem>>) target_semaphore(%arg31 : memref<!tpu.dma_semaphore, #tpu.memory_space<semaphore_mem>>)
    %dma_start3A_337 = arith.constant 0 : i32
    %dma_start3A_338 = arith.constant 0 : i32
    %dma_start3A_339 = tpu.memref_slice %arg5[%dma_start3A_337, %dma_start3A_338] : memref<10000x128xf32, #tpu.memory_space<hbm>> -> memref<10000x128xf32, #tpu.memory_space<hbm>>
    tpu.enqueue_indirect_dma source(%dma_start3A_339 : memref<10000x128xf32, #tpu.memory_space<hbm>>) target(%arg9 : memref<40x128xf32, #tpu.memory_space<vmem>>) offsets(%arg18 : memref<40xi32, #tpu.memory_space<vmem>>) semaphore(%arg28 : memref<!tpu.dma_semaphore, #tpu.memory_space<semaphore_mem>>)
    %add3A_340 = arith.constant 245 : i32
    %add3A_341 = arith.addi %mul3A_4, %add3A_340 : i32
    %dma_wait3A_342 = arith.constant 0 : i32
    %dma_wait3A_343 = arith.constant 0 : i32
    %dma_wait3A_344 = tpu.memref_slice %arg4[%add3A_341, %dma_wait3A_342, %dma_wait3A_343] : memref<8000x40x128xf32, #tpu.memory_space<hbm>> -> memref<1x40x128xf32, #tpu.memory_space<hbm>>
    %dma_wait3A_345 = tpu.memref_squeeze %dma_wait3A_344 : memref<1x40x128xf32, #tpu.memory_space<hbm>> -> memref<40x128xf32, #tpu.memory_space<hbm>>
    %dma_wait3A_346 = arith.constant 0 : i32
    %dma_wait3A_347 = arith.constant 0 : i32
    %dma_wait3A_348 = tpu.memref_slice %arg4[%add3A_341, %dma_wait3A_346, %dma_wait3A_347] : memref<8000x40x128xf32, #tpu.memory_space<hbm>> -> memref<1x40x128xf32, #tpu.memory_space<hbm>>
    %dma_wait3A_349 = tpu.memref_squeeze %dma_wait3A_348 : memref<1x40x128xf32, #tpu.memory_space<hbm>> -> memref<40x128xf32, #tpu.memory_space<hbm>>
    tpu.wait_dma2 semaphore(%arg32 : memref<!tpu.dma_semaphore, #tpu.memory_space<semaphore_mem>>) src(%dma_wait3A_349 : memref<40x128xf32, #tpu.memory_space<hbm>>) dst(%arg13 : memref<40x128xf32, #tpu.memory_space<vmem>>)
    %dma_wait3A_350 = arith.constant 0 : i32
    %dma_wait3A_351 = arith.constant 0 : i32
    %dma_wait3A_352 = tpu.memref_slice %arg5[%dma_wait3A_350, %dma_wait3A_351] : memref<10000x128xf32, #tpu.memory_space<hbm>> -> memref<10000x128xf32, #tpu.memory_space<hbm>>
    tpu.wait_indirect_dma semaphore(%arg29 : memref<!tpu.dma_semaphore, #tpu.memory_space<semaphore_mem>>) src(%dma_wait3A_352 : memref<10000x128xf32, #tpu.memory_space<hbm>>) dst(%arg10 : memref<40x128xf32, #tpu.memory_space<vmem>>)
    %add3A_353 = arith.constant 248 : i32
    %add3A_354 = arith.addi %mul3A_4, %add3A_353 : i32
    %mul3A_355 = arith.constant 40 : i32
    %mul3A_356 = arith.muli %add3A_354, %mul3A_355 : i32
    %dma_start3A_357 = tpu.memref_slice %arg2[%mul3A_356] : memref<320000xi32, #tpu.memory_space<hbm>> -> memref<40xi32, #tpu.memory_space<hbm>>
    %dma_start3A_358 = tpu.memref_slice %arg2[%mul3A_356] : memref<320000xi32, #tpu.memory_space<hbm>> -> memref<40xi32, #tpu.memory_space<hbm>>
    tpu.enqueue_dma source(%dma_start3A_358 : memref<40xi32, #tpu.memory_space<hbm>>) target(%arg19 : memref<40xi32, #tpu.memory_space<vmem>>) target_semaphore(%arg38 : memref<!tpu.dma_semaphore, #tpu.memory_space<semaphore_mem>>)
    %dma_wait3A_359 = arith.constant 0 : i32
    %dma_wait3A_360 = arith.constant 0 : i32
    %dma_wait3A_361 = tpu.memref_slice %arg26[%dma_wait3A_359, %dma_wait3A_360] : memref<10112x128xf32, #tpu.memory_space<vmem_shared>> -> memref<10112x128xf32, #tpu.memory_space<vmem_shared>>
    tpu.wait_indirect_dma semaphore(%arg35 : memref<!tpu.dma_semaphore, #tpu.memory_space<semaphore_mem>>) src(%arg16 : memref<40x128xf32, #tpu.memory_space<vmem>>) dst(%dma_wait3A_361 : memref<10112x128xf32, #tpu.memory_space<vmem_shared>>)
    %add3A_362 = arith.constant 248 : i32
    %add3A_363 = arith.addi %mul3A_4, %add3A_362 : i32
    %mul3A_364 = arith.constant 40 : i32
    %mul3A_365 = arith.muli %add3A_363, %mul3A_364 : i32
    %dma_start3A_366 = tpu.memref_slice %arg3[%mul3A_365] : memref<320000xi32, #tpu.memory_space<hbm>> -> memref<40xi32, #tpu.memory_space<hbm>>
    %dma_start3A_367 = tpu.memref_slice %arg3[%mul3A_365] : memref<320000xi32, #tpu.memory_space<hbm>> -> memref<40xi32, #tpu.memory_space<hbm>>
    tpu.enqueue_dma source(%dma_start3A_367 : memref<40xi32, #tpu.memory_space<hbm>>) target(%arg22 : memref<40xi32, #tpu.memory_space<vmem>>) target_semaphore(%arg41 : memref<!tpu.dma_semaphore, #tpu.memory_space<semaphore_mem>>)
    %scan3A_368 = arith.constant 0 : i32
    %scan3A_369 = arith.constant 0 : i32
    %scan3A_370 = arith.constant 40 : i32
    %scan3A_371 = arith.addi %scan3A_369, %scan3A_370 : i32
    %scan3A_372 = arith.constant 1 : i32
    scf.for %scan3A_557 = %scan3A_369 to %scan3A_371 step %scan3A_372  : i32 {
      %get3A = arith.index_cast %scan3A_557 : i32 to index
      %get3A_558 = arith.constant 0 : index
      %get3A_559 = tpu.vector_load %arg10[%get3A, %get3A_558] {strides = array<i32>} : memref<40x128xf32, #tpu.memory_space<vmem>>, vector<1x16xf32>,
      %get3A_560 = vector.shape_cast %get3A_559 : vector<1x16xf32> to vector<16xf32>
      %get3A_561 = arith.index_cast %scan3A_557 : i32 to index
      %get3A_562 = arith.constant 0 : index
      %get3A_563 = tpu.vector_load %arg13[%get3A_561, %get3A_562] {strides = array<i32>} : memref<40x128xf32, #tpu.memory_space<vmem>>, vector<1x16xf32>,
      %get3A_564 = vector.shape_cast %get3A_563 : vector<1x16xf32> to vector<16xf32>
      %add3A_565 = arith.addf %get3A_560, %get3A_564 : vector<16xf32>
      %max3A = arith.constant 0.000000e+00 : f32
      %max3A_566 = vector.broadcast %max3A : f32 to vector<16xf32>
      %max3A_567 = arith.maximumf %add3A_565, %max3A_566 : vector<16xf32>
      %swap3A = arith.index_cast %scan3A_557 : i32 to index
      %swap3A_568 = arith.constant 0 : index
      %swap3A_569 = tpu.vector_load %arg16[%swap3A, %swap3A_568] {strides = array<i32>} : memref<40x128xf32, #tpu.memory_space<vmem>>, vector<1x16xf32>,
      %swap3A_570 = vector.shape_cast %swap3A_569 : vector<1x16xf32> to vector<16xf32>
      %swap3A_571 = vector.shape_cast %max3A_567 : vector<16xf32> to vector<1x16xf32>
      tpu.vector_store %arg16[%swap3A, %swap3A_568], %swap3A_571 {strides = array<i32>} : memref<40x128xf32, #tpu.memory_space<vmem>>, vector<1x16xf32>,
      %get3A_572 = arith.index_cast %scan3A_557 : i32 to index
      %get3A_573 = arith.constant 16 : index
      %get3A_574 = tpu.vector_load %arg10[%get3A_572, %get3A_573] {strides = array<i32>} : memref<40x128xf32, #tpu.memory_space<vmem>>, vector<1x16xf32>,
      %get3A_575 = vector.shape_cast %get3A_574 : vector<1x16xf32> to vector<16xf32>
      %get3A_576 = arith.index_cast %scan3A_557 : i32 to index
      %get3A_577 = arith.constant 16 : index
      %get3A_578 = tpu.vector_load %arg13[%get3A_576, %get3A_577] {strides = array<i32>} : memref<40x128xf32, #tpu.memory_space<vmem>>, vector<1x16xf32>,
      %get3A_579 = vector.shape_cast %get3A_578 : vector<1x16xf32> to vector<16xf32>
      %add3A_580 = arith.addf %get3A_575, %get3A_579 : vector<16xf32>
      %max3A_581 = arith.constant 0.000000e+00 : f32
      %max3A_582 = vector.broadcast %max3A_581 : f32 to vector<16xf32>
      %max3A_583 = arith.maximumf %add3A_580, %max3A_582 : vector<16xf32>
      %swap3A_584 = arith.index_cast %scan3A_557 : i32 to index
      %swap3A_585 = arith.constant 16 : index
      %swap3A_586 = tpu.vector_load %arg16[%swap3A_584, %swap3A_585] {strides = array<i32>} : memref<40x128xf32, #tpu.memory_space<vmem>>, vector<1x16xf32>,
      %swap3A_587 = vector.shape_cast %swap3A_586 : vector<1x16xf32> to vector<16xf32>
      %swap3A_588 = vector.shape_cast %max3A_583 : vector<16xf32> to vector<1x16xf32>
      tpu.vector_store %arg16[%swap3A_584, %swap3A_585], %swap3A_588 {strides = array<i32>} : memref<40x128xf32, #tpu.memory_space<vmem>>, vector<1x16xf32>,
      %get3A_589 = arith.index_cast %scan3A_557 : i32 to index
      %get3A_590 = arith.constant 32 : index
      %get3A_591 = tpu.vector_load %arg10[%get3A_589, %get3A_590] {strides = array<i32>} : memref<40x128xf32, #tpu.memory_space<vmem>>, vector<1x16xf32>,
      %get3A_592 = vector.shape_cast %get3A_591 : vector<1x16xf32> to vector<16xf32>
      %get3A_593 = arith.index_cast %scan3A_557 : i32 to index
      %get3A_594 = arith.constant 32 : index
      %get3A_595 = tpu.vector_load %arg13[%get3A_593, %get3A_594] {strides = array<i32>} : memref<40x128xf32, #tpu.memory_space<vmem>>, vector<1x16xf32>,
      %get3A_596 = vector.shape_cast %get3A_595 : vector<1x16xf32> to vector<16xf32>
      %add3A_597 = arith.addf %get3A_592, %get3A_596 : vector<16xf32>
      %max3A_598 = arith.constant 0.000000e+00 : f32
      %max3A_599 = vector.broadcast %max3A_598 : f32 to vector<16xf32>
      %max3A_600 = arith.maximumf %add3A_597, %max3A_599 : vector<16xf32>
      %swap3A_601 = arith.index_cast %scan3A_557 : i32 to index
      %swap3A_602 = arith.constant 32 : index
      %swap3A_603 = tpu.vector_load %arg16[%swap3A_601, %swap3A_602] {strides = array<i32>} : memref<40x128xf32, #tpu.memory_space<vmem>>, vector<1x16xf32>,
      %swap3A_604 = vector.shape_cast %swap3A_603 : vector<1x16xf32> to vector<16xf32>
      %swap3A_605 = vector.shape_cast %max3A_600 : vector<16xf32> to vector<1x16xf32>
      tpu.vector_store %arg16[%swap3A_601, %swap3A_602], %swap3A_605 {strides = array<i32>} : memref<40x128xf32, #tpu.memory_space<vmem>>, vector<1x16xf32>,
      %get3A_606 = arith.index_cast %scan3A_557 : i32 to index
      %get3A_607 = arith.constant 48 : index
      %get3A_608 = tpu.vector_load %arg10[%get3A_606, %get3A_607] {strides = array<i32>} : memref<40x128xf32, #tpu.memory_space<vmem>>, vector<1x16xf32>,
      %get3A_609 = vector.shape_cast %get3A_608 : vector<1x16xf32> to vector<16xf32>
      %get3A_610 = arith.index_cast %scan3A_557 : i32 to index
      %get3A_611 = arith.constant 48 : index
      %get3A_612 = tpu.vector_load %arg13[%get3A_610, %get3A_611] {strides = array<i32>} : memref<40x128xf32, #tpu.memory_space<vmem>>, vector<1x16xf32>,
      %get3A_613 = vector.shape_cast %get3A_612 : vector<1x16xf32> to vector<16xf32>
      %add3A_614 = arith.addf %get3A_609, %get3A_613 : vector<16xf32>
      %max3A_615 = arith.constant 0.000000e+00 : f32
      %max3A_616 = vector.broadcast %max3A_615 : f32 to vector<16xf32>
      %max3A_617 = arith.maximumf %add3A_614, %max3A_616 : vector<16xf32>
      %swap3A_618 = arith.index_cast %scan3A_557 : i32 to index
      %swap3A_619 = arith.constant 48 : index
      %swap3A_620 = tpu.vector_load %arg16[%swap3A_618, %swap3A_619] {strides = array<i32>} : memref<40x128xf32, #tpu.memory_space<vmem>>, vector<1x16xf32>,
      %swap3A_621 = vector.shape_cast %swap3A_620 : vector<1x16xf32> to vector<16xf32>
      %swap3A_622 = vector.shape_cast %max3A_617 : vector<16xf32> to vector<1x16xf32>
      tpu.vector_store %arg16[%swap3A_618, %swap3A_619], %swap3A_622 {strides = array<i32>} : memref<40x128xf32, #tpu.memory_space<vmem>>, vector<1x16xf32>,
      %get3A_623 = arith.index_cast %scan3A_557 : i32 to index
      %get3A_624 = arith.constant 64 : index
      %get3A_625 = tpu.vector_load %arg10[%get3A_623, %get3A_624] {strides = array<i32>} : memref<40x128xf32, #tpu.memory_space<vmem>>, vector<1x16xf32>,
      %get3A_626 = vector.shape_cast %get3A_625 : vector<1x16xf32> to vector<16xf32>
      %get3A_627 = arith.index_cast %scan3A_557 : i32 to index
      %get3A_628 = arith.constant 64 : index
      %get3A_629 = tpu.vector_load %arg13[%get3A_627, %get3A_628] {strides = array<i32>} : memref<40x128xf32, #tpu.memory_space<vmem>>, vector<1x16xf32>,
      %get3A_630 = vector.shape_cast %get3A_629 : vector<1x16xf32> to vector<16xf32>
      %add3A_631 = arith.addf %get3A_626, %get3A_630 : vector<16xf32>
      %max3A_632 = arith.constant 0.000000e+00 : f32
      %max3A_633 = vector.broadcast %max3A_632 : f32 to vector<16xf32>
      %max3A_634 = arith.maximumf %add3A_631, %max3A_633 : vector<16xf32>
      %swap3A_635 = arith.index_cast %scan3A_557 : i32 to index
      %swap3A_636 = arith.constant 64 : index
      %swap3A_637 = tpu.vector_load %arg16[%swap3A_635, %swap3A_636] {strides = array<i32>} : memref<40x128xf32, #tpu.memory_space<vmem>>, vector<1x16xf32>,
      %swap3A_638 = vector.shape_cast %swap3A_637 : vector<1x16xf32> to vector<16xf32>
      %swap3A_639 = vector.shape_cast %max3A_634 : vector<16xf32> to vector<1x16xf32>
      tpu.vector_store %arg16[%swap3A_635, %swap3A_636], %swap3A_639 {strides = array<i32>} : memref<40x128xf32, #tpu.memory_space<vmem>>, vector<1x16xf32>,
      %get3A_640 = arith.index_cast %scan3A_557 : i32 to index
      %get3A_641 = arith.constant 80 : index
      %get3A_642 = tpu.vector_load %arg10[%get3A_640, %get3A_641] {strides = array<i32>} : memref<40x128xf32, #tpu.memory_space<vmem>>, vector<1x16xf32>,
      %get3A_643 = vector.shape_cast %get3A_642 : vector<1x16xf32> to vector<16xf32>
      %get3A_644 = arith.index_cast %scan3A_557 : i32 to index
      %get3A_645 = arith.constant 80 : index
      %get3A_646 = tpu.vector_load %arg13[%get3A_644, %get3A_645] {strides = array<i32>} : memref<40x128xf32, #tpu.memory_space<vmem>>, vector<1x16xf32>,
      %get3A_647 = vector.shape_cast %get3A_646 : vector<1x16xf32> to vector<16xf32>
      %add3A_648 = arith.addf %get3A_643, %get3A_647 : vector<16xf32>
      %max3A_649 = arith.constant 0.000000e+00 : f32
      %max3A_650 = vector.broadcast %max3A_649 : f32 to vector<16xf32>
      %max3A_651 = arith.maximumf %add3A_648, %max3A_650 : vector<16xf32>
      %swap3A_652 = arith.index_cast %scan3A_557 : i32 to index
      %swap3A_653 = arith.constant 80 : index
      %swap3A_654 = tpu.vector_load %arg16[%swap3A_652, %swap3A_653] {strides = array<i32>} : memref<40x128xf32, #tpu.memory_space<vmem>>, vector<1x16xf32>,
      %swap3A_655 = vector.shape_cast %swap3A_654 : vector<1x16xf32> to vector<16xf32>
      %swap3A_656 = vector.shape_cast %max3A_651 : vector<16xf32> to vector<1x16xf32>
      tpu.vector_store %arg16[%swap3A_652, %swap3A_653], %swap3A_656 {strides = array<i32>} : memref<40x128xf32, #tpu.memory_space<vmem>>, vector<1x16xf32>,
      %get3A_657 = arith.index_cast %scan3A_557 : i32 to index
      %get3A_658 = arith.constant 96 : index
      %get3A_659 = tpu.vector_load %arg10[%get3A_657, %get3A_658] {strides = array<i32>} : memref<40x128xf32, #tpu.memory_space<vmem>>, vector<1x16xf32>,
      %get3A_660 = vector.shape_cast %get3A_659 : vector<1x16xf32> to vector<16xf32>
      %get3A_661 = arith.index_cast %scan3A_557 : i32 to index
      %get3A_662 = arith.constant 96 : index
      %get3A_663 = tpu.vector_load %arg13[%get3A_661, %get3A_662] {strides = array<i32>} : memref<40x128xf32, #tpu.memory_space<vmem>>, vector<1x16xf32>,
      %get3A_664 = vector.shape_cast %get3A_663 : vector<1x16xf32> to vector<16xf32>
      %add3A_665 = arith.addf %get3A_660, %get3A_664 : vector<16xf32>
      %max3A_666 = arith.constant 0.000000e+00 : f32
      %max3A_667 = vector.broadcast %max3A_666 : f32 to vector<16xf32>
      %max3A_668 = arith.maximumf %add3A_665, %max3A_667 : vector<16xf32>
      %swap3A_669 = arith.index_cast %scan3A_557 : i32 to index
      %swap3A_670 = arith.constant 96 : index
      %swap3A_671 = tpu.vector_load %arg16[%swap3A_669, %swap3A_670] {strides = array<i32>} : memref<40x128xf32, #tpu.memory_space<vmem>>, vector<1x16xf32>,
      %swap3A_672 = vector.shape_cast %swap3A_671 : vector<1x16xf32> to vector<16xf32>
      %swap3A_673 = vector.shape_cast %max3A_668 : vector<16xf32> to vector<1x16xf32>
      tpu.vector_store %arg16[%swap3A_669, %swap3A_670], %swap3A_673 {strides = array<i32>} : memref<40x128xf32, #tpu.memory_space<vmem>>, vector<1x16xf32>,
      %get3A_674 = arith.index_cast %scan3A_557 : i32 to index
      %get3A_675 = arith.constant 112 : index
      %get3A_676 = tpu.vector_load %arg10[%get3A_674, %get3A_675] {strides = array<i32>} : memref<40x128xf32, #tpu.memory_space<vmem>>, vector<1x16xf32>,
      %get3A_677 = vector.shape_cast %get3A_676 : vector<1x16xf32> to vector<16xf32>
      %get3A_678 = arith.index_cast %scan3A_557 : i32 to index
      %get3A_679 = arith.constant 112 : index
      %get3A_680 = tpu.vector_load %arg13[%get3A_678, %get3A_679] {strides = array<i32>} : memref<40x128xf32, #tpu.memory_space<vmem>>, vector<1x16xf32>,
      %get3A_681 = vector.shape_cast %get3A_680 : vector<1x16xf32> to vector<16xf32>
      %add3A_682 = arith.addf %get3A_677, %get3A_681 : vector<16xf32>
      %max3A_683 = arith.constant 0.000000e+00 : f32
      %max3A_684 = vector.broadcast %max3A_683 : f32 to vector<16xf32>
      %max3A_685 = arith.maximumf %add3A_682, %max3A_684 : vector<16xf32>
      %swap3A_686 = arith.index_cast %scan3A_557 : i32 to index
      %swap3A_687 = arith.constant 112 : index
      %swap3A_688 = tpu.vector_load %arg16[%swap3A_686, %swap3A_687] {strides = array<i32>} : memref<40x128xf32, #tpu.memory_space<vmem>>, vector<1x16xf32>,
      %swap3A_689 = vector.shape_cast %swap3A_688 : vector<1x16xf32> to vector<16xf32>
      %swap3A_690 = vector.shape_cast %max3A_685 : vector<16xf32> to vector<1x16xf32>
      tpu.vector_store %arg16[%swap3A_686, %swap3A_687], %swap3A_690 {strides = array<i32>} : memref<40x128xf32, #tpu.memory_space<vmem>>, vector<1x16xf32>,
    }
    %scan3A_373 = arith.constant 40 : i32
    %mul3A_374 = arith.constant 40 : i32
    %mul3A_375 = arith.muli %mul3A_4, %mul3A_374 : i32
    %dma_wait3A_376 = tpu.memref_slice %arg3[%mul3A_375] : memref<320000xi32, #tpu.memory_space<hbm>> -> memref<40xi32, #tpu.memory_space<hbm>>
    %dma_wait3A_377 = tpu.memref_slice %arg3[%mul3A_375] : memref<320000xi32, #tpu.memory_space<hbm>> -> memref<40xi32, #tpu.memory_space<hbm>>
    tpu.wait_dma2 semaphore(%arg44 : memref<!tpu.dma_semaphore, #tpu.memory_space<semaphore_mem>>) src(%dma_wait3A_377 : memref<40xi32, #tpu.memory_space<hbm>>) dst(%arg25 : memref<40xi32, #tpu.memory_space<vmem>>)
    %dma_start3A_378 = arith.constant 0 : i32
    %dma_start3A_379 = arith.constant 0 : i32
    %dma_start3A_380 = tpu.memref_slice %arg26[%dma_start3A_378, %dma_start3A_379] : memref<10112x128xf32, #tpu.memory_space<vmem_shared>> -> memref<10112x128xf32, #tpu.memory_space<vmem_shared>>
    tpu.enqueue_indirect_dma source(%arg16 : memref<40x128xf32, #tpu.memory_space<vmem>>) target(%dma_start3A_380 : memref<10112x128xf32, #tpu.memory_space<vmem_shared>>) offsets(%arg25 : memref<40xi32, #tpu.memory_space<vmem>>) semaphore(%arg35 : memref<!tpu.dma_semaphore, #tpu.memory_space<semaphore_mem>>) {add = true}
    %mul3A_381 = arith.constant 40 : i32
    %mul3A_382 = arith.muli %mul3A_4, %mul3A_381 : i32
    %dma_wait3A_383 = tpu.memref_slice %arg2[%mul3A_382] : memref<320000xi32, #tpu.memory_space<hbm>> -> memref<40xi32, #tpu.memory_space<hbm>>
    %dma_wait3A_384 = tpu.memref_slice %arg2[%mul3A_382] : memref<320000xi32, #tpu.memory_space<hbm>> -> memref<40xi32, #tpu.memory_space<hbm>>
    tpu.wait_dma2 semaphore(%arg38 : memref<!tpu.dma_semaphore, #tpu.memory_space<semaphore_mem>>) src(%dma_wait3A_384 : memref<40xi32, #tpu.memory_space<hbm>>) dst(%arg19 : memref<40xi32, #tpu.memory_space<vmem>>)
    %add3A_385 = arith.constant 248 : i32
    %add3A_386 = arith.addi %mul3A_4, %add3A_385 : i32
    %dma_start3A_387 = arith.constant 0 : i32
    %dma_start3A_388 = arith.constant 0 : i32
    %dma_start3A_389 = tpu.memref_slice %arg4[%add3A_386, %dma_start3A_387, %dma_start3A_388] : memref<8000x40x128xf32, #tpu.memory_space<hbm>> -> memref<1x40x128xf32, #tpu.memory_space<hbm>>
    %dma_start3A_390 = tpu.memref_squeeze %dma_start3A_389 : memref<1x40x128xf32, #tpu.memory_space<hbm>> -> memref<40x128xf32, #tpu.memory_space<hbm>>
    %dma_start3A_391 = arith.constant 0 : i32
    %dma_start3A_392 = arith.constant 0 : i32
    %dma_start3A_393 = tpu.memref_slice %arg4[%add3A_386, %dma_start3A_391, %dma_start3A_392] : memref<8000x40x128xf32, #tpu.memory_space<hbm>> -> memref<1x40x128xf32, #tpu.memory_space<hbm>>
    %dma_start3A_394 = tpu.memref_squeeze %dma_start3A_393 : memref<1x40x128xf32, #tpu.memory_space<hbm>> -> memref<40x128xf32, #tpu.memory_space<hbm>>
    tpu.enqueue_dma source(%dma_start3A_394 : memref<40x128xf32, #tpu.memory_space<hbm>>) target(%arg13 : memref<40x128xf32, #tpu.memory_space<vmem>>) target_semaphore(%arg32 : memref<!tpu.dma_semaphore, #tpu.memory_space<semaphore_mem>>)
    %dma_start3A_395 = arith.constant 0 : i32
    %dma_start3A_396 = arith.constant 0 : i32
    %dma_start3A_397 = tpu.memref_slice %arg5[%dma_start3A_395, %dma_start3A_396] : memref<10000x128xf32, #tpu.memory_space<hbm>> -> memref<10000x128xf32, #tpu.memory_space<hbm>>
    tpu.enqueue_indirect_dma source(%dma_start3A_397 : memref<10000x128xf32, #tpu.memory_space<hbm>>) target(%arg10 : memref<40x128xf32, #tpu.memory_space<vmem>>) offsets(%arg19 : memref<40xi32, #tpu.memory_space<vmem>>) semaphore(%arg29 : memref<!tpu.dma_semaphore, #tpu.memory_space<semaphore_mem>>)
    %add3A_398 = arith.constant 246 : i32
    %add3A_399 = arith.addi %mul3A_4, %add3A_398 : i32
    %dma_wait3A_400 = arith.constant 0 : i32
    %dma_wait3A_401 = arith.constant 0 : i32
    %dma_wait3A_402 = tpu.memref_slice %arg4[%add3A_399, %dma_wait3A_400, %dma_wait3A_401] : memref<8000x40x128xf32, #tpu.memory_space<hbm>> -> memref<1x40x128xf32, #tpu.memory_space<hbm>>
    %dma_wait3A_403 = tpu.memref_squeeze %dma_wait3A_402 : memref<1x40x128xf32, #tpu.memory_space<hbm>> -> memref<40x128xf32, #tpu.memory_space<hbm>>
    %dma_wait3A_404 = arith.constant 0 : i32
    %dma_wait3A_405 = arith.constant 0 : i32
    %dma_wait3A_406 = tpu.memref_slice %arg4[%add3A_399, %dma_wait3A_404, %dma_wait3A_405] : memref<8000x40x128xf32, #tpu.memory_space<hbm>> -> memref<1x40x128xf32, #tpu.memory_space<hbm>>
    %dma_wait3A_407 = tpu.memref_squeeze %dma_wait3A_406 : memref<1x40x128xf32, #tpu.memory_space<hbm>> -> memref<40x128xf32, #tpu.memory_space<hbm>>
    tpu.wait_dma2 semaphore(%arg30 : memref<!tpu.dma_semaphore, #tpu.memory_space<semaphore_mem>>) src(%dma_wait3A_407 : memref<40x128xf32, #tpu.memory_space<hbm>>) dst(%arg11 : memref<40x128xf32, #tpu.memory_space<vmem>>)
    %dma_wait3A_408 = arith.constant 0 : i32
    %dma_wait3A_409 = arith.constant 0 : i32
    %dma_wait3A_410 = tpu.memref_slice %arg5[%dma_wait3A_408, %dma_wait3A_409] : memref<10000x128xf32, #tpu.memory_space<hbm>> -> memref<10000x128xf32, #tpu.memory_space<hbm>>
    tpu.wait_indirect_dma semaphore(%arg27 : memref<!tpu.dma_semaphore, #tpu.memory_space<semaphore_mem>>) src(%dma_wait3A_410 : memref<10000x128xf32, #tpu.memory_space<hbm>>) dst(%arg8 : memref<40x128xf32, #tpu.memory_space<vmem>>)
    %add3A_411 = arith.constant 249 : i32
    %add3A_412 = arith.addi %mul3A_4, %add3A_411 : i32
    %mul3A_413 = arith.constant 40 : i32
    %mul3A_414 = arith.muli %add3A_412, %mul3A_413 : i32
    %dma_start3A_415 = tpu.memref_slice %arg2[%mul3A_414] : memref<320000xi32, #tpu.memory_space<hbm>> -> memref<40xi32, #tpu.memory_space<hbm>>
    %dma_start3A_416 = tpu.memref_slice %arg2[%mul3A_414] : memref<320000xi32, #tpu.memory_space<hbm>> -> memref<40xi32, #tpu.memory_space<hbm>>
    tpu.enqueue_dma source(%dma_start3A_416 : memref<40xi32, #tpu.memory_space<hbm>>) target(%arg17 : memref<40xi32, #tpu.memory_space<vmem>>) target_semaphore(%arg36 : memref<!tpu.dma_semaphore, #tpu.memory_space<semaphore_mem>>)
    %dma_wait3A_417 = arith.constant 0 : i32
    %dma_wait3A_418 = arith.constant 0 : i32
    %dma_wait3A_419 = tpu.memref_slice %arg26[%dma_wait3A_417, %dma_wait3A_418] : memref<10112x128xf32, #tpu.memory_space<vmem_shared>> -> memref<10112x128xf32, #tpu.memory_space<vmem_shared>>
    tpu.wait_indirect_dma semaphore(%arg33 : memref<!tpu.dma_semaphore, #tpu.memory_space<semaphore_mem>>) src(%arg14 : memref<40x128xf32, #tpu.memory_space<vmem>>) dst(%dma_wait3A_419 : memref<10112x128xf32, #tpu.memory_space<vmem_shared>>)
    %add3A_420 = arith.constant 249 : i32
    %add3A_421 = arith.addi %mul3A_4, %add3A_420 : i32
    %mul3A_422 = arith.constant 40 : i32
    %mul3A_423 = arith.muli %add3A_421, %mul3A_422 : i32
    %dma_start3A_424 = tpu.memref_slice %arg3[%mul3A_423] : memref<320000xi32, #tpu.memory_space<hbm>> -> memref<40xi32, #tpu.memory_space<hbm>>
    %dma_start3A_425 = tpu.memref_slice %arg3[%mul3A_423] : memref<320000xi32, #tpu.memory_space<hbm>> -> memref<40xi32, #tpu.memory_space<hbm>>
    tpu.enqueue_dma source(%dma_start3A_425 : memref<40xi32, #tpu.memory_space<hbm>>) target(%arg23 : memref<40xi32, #tpu.memory_space<vmem>>) target_semaphore(%arg42 : memref<!tpu.dma_semaphore, #tpu.memory_space<semaphore_mem>>)
    %scan3A_426 = arith.constant 0 : i32
    %scan3A_427 = arith.constant 0 : i32
    %scan3A_428 = arith.constant 40 : i32
    %scan3A_429 = arith.addi %scan3A_427, %scan3A_428 : i32
    %scan3A_430 = arith.constant 1 : i32
    scf.for %scan3A_557 = %scan3A_427 to %scan3A_429 step %scan3A_430  : i32 {
      %get3A = arith.index_cast %scan3A_557 : i32 to index
      %get3A_558 = arith.constant 0 : index
      %get3A_559 = tpu.vector_load %arg8[%get3A, %get3A_558] {strides = array<i32>} : memref<40x128xf32, #tpu.memory_space<vmem>>, vector<1x16xf32>,
      %get3A_560 = vector.shape_cast %get3A_559 : vector<1x16xf32> to vector<16xf32>
      %get3A_561 = arith.index_cast %scan3A_557 : i32 to index
      %get3A_562 = arith.constant 0 : index
      %get3A_563 = tpu.vector_load %arg11[%get3A_561, %get3A_562] {strides = array<i32>} : memref<40x128xf32, #tpu.memory_space<vmem>>, vector<1x16xf32>,
      %get3A_564 = vector.shape_cast %get3A_563 : vector<1x16xf32> to vector<16xf32>
      %add3A_565 = arith.addf %get3A_560, %get3A_564 : vector<16xf32>
      %max3A = arith.constant 0.000000e+00 : f32
      %max3A_566 = vector.broadcast %max3A : f32 to vector<16xf32>
      %max3A_567 = arith.maximumf %add3A_565, %max3A_566 : vector<16xf32>
      %swap3A = arith.index_cast %scan3A_557 : i32 to index
      %swap3A_568 = arith.constant 0 : index
      %swap3A_569 = tpu.vector_load %arg14[%swap3A, %swap3A_568] {strides = array<i32>} : memref<40x128xf32, #tpu.memory_space<vmem>>, vector<1x16xf32>,
      %swap3A_570 = vector.shape_cast %swap3A_569 : vector<1x16xf32> to vector<16xf32>
      %swap3A_571 = vector.shape_cast %max3A_567 : vector<16xf32> to vector<1x16xf32>
      tpu.vector_store %arg14[%swap3A, %swap3A_568], %swap3A_571 {strides = array<i32>} : memref<40x128xf32, #tpu.memory_space<vmem>>, vector<1x16xf32>,
      %get3A_572 = arith.index_cast %scan3A_557 : i32 to index
      %get3A_573 = arith.constant 16 : index
      %get3A_574 = tpu.vector_load %arg8[%get3A_572, %get3A_573] {strides = array<i32>} : memref<40x128xf32, #tpu.memory_space<vmem>>, vector<1x16xf32>,
      %get3A_575 = vector.shape_cast %get3A_574 : vector<1x16xf32> to vector<16xf32>
      %get3A_576 = arith.index_cast %scan3A_557 : i32 to index
      %get3A_577 = arith.constant 16 : index
      %get3A_578 = tpu.vector_load %arg11[%get3A_576, %get3A_577] {strides = array<i32>} : memref<40x128xf32, #tpu.memory_space<vmem>>, vector<1x16xf32>,
      %get3A_579 = vector.shape_cast %get3A_578 : vector<1x16xf32> to vector<16xf32>
      %add3A_580 = arith.addf %get3A_575, %get3A_579 : vector<16xf32>
      %max3A_581 = arith.constant 0.000000e+00 : f32
      %max3A_582 = vector.broadcast %max3A_581 : f32 to vector<16xf32>
      %max3A_583 = arith.maximumf %add3A_580, %max3A_582 : vector<16xf32>
      %swap3A_584 = arith.index_cast %scan3A_557 : i32 to index
      %swap3A_585 = arith.constant 16 : index
      %swap3A_586 = tpu.vector_load %arg14[%swap3A_584, %swap3A_585] {strides = array<i32>} : memref<40x128xf32, #tpu.memory_space<vmem>>, vector<1x16xf32>,
      %swap3A_587 = vector.shape_cast %swap3A_586 : vector<1x16xf32> to vector<16xf32>
      %swap3A_588 = vector.shape_cast %max3A_583 : vector<16xf32> to vector<1x16xf32>
      tpu.vector_store %arg14[%swap3A_584, %swap3A_585], %swap3A_588 {strides = array<i32>} : memref<40x128xf32, #tpu.memory_space<vmem>>, vector<1x16xf32>,
      %get3A_589 = arith.index_cast %scan3A_557 : i32 to index
      %get3A_590 = arith.constant 32 : index
      %get3A_591 = tpu.vector_load %arg8[%get3A_589, %get3A_590] {strides = array<i32>} : memref<40x128xf32, #tpu.memory_space<vmem>>, vector<1x16xf32>,
      %get3A_592 = vector.shape_cast %get3A_591 : vector<1x16xf32> to vector<16xf32>
      %get3A_593 = arith.index_cast %scan3A_557 : i32 to index
      %get3A_594 = arith.constant 32 : index
      %get3A_595 = tpu.vector_load %arg11[%get3A_593, %get3A_594] {strides = array<i32>} : memref<40x128xf32, #tpu.memory_space<vmem>>, vector<1x16xf32>,
      %get3A_596 = vector.shape_cast %get3A_595 : vector<1x16xf32> to vector<16xf32>
      %add3A_597 = arith.addf %get3A_592, %get3A_596 : vector<16xf32>
      %max3A_598 = arith.constant 0.000000e+00 : f32
      %max3A_599 = vector.broadcast %max3A_598 : f32 to vector<16xf32>
      %max3A_600 = arith.maximumf %add3A_597, %max3A_599 : vector<16xf32>
      %swap3A_601 = arith.index_cast %scan3A_557 : i32 to index
      %swap3A_602 = arith.constant 32 : index
      %swap3A_603 = tpu.vector_load %arg14[%swap3A_601, %swap3A_602] {strides = array<i32>} : memref<40x128xf32, #tpu.memory_space<vmem>>, vector<1x16xf32>,
      %swap3A_604 = vector.shape_cast %swap3A_603 : vector<1x16xf32> to vector<16xf32>
      %swap3A_605 = vector.shape_cast %max3A_600 : vector<16xf32> to vector<1x16xf32>
      tpu.vector_store %arg14[%swap3A_601, %swap3A_602], %swap3A_605 {strides = array<i32>} : memref<40x128xf32, #tpu.memory_space<vmem>>, vector<1x16xf32>,
      %get3A_606 = arith.index_cast %scan3A_557 : i32 to index
      %get3A_607 = arith.constant 48 : index
      %get3A_608 = tpu.vector_load %arg8[%get3A_606, %get3A_607] {strides = array<i32>} : memref<40x128xf32, #tpu.memory_space<vmem>>, vector<1x16xf32>,
      %get3A_609 = vector.shape_cast %get3A_608 : vector<1x16xf32> to vector<16xf32>
      %get3A_610 = arith.index_cast %scan3A_557 : i32 to index
      %get3A_611 = arith.constant 48 : index
      %get3A_612 = tpu.vector_load %arg11[%get3A_610, %get3A_611] {strides = array<i32>} : memref<40x128xf32, #tpu.memory_space<vmem>>, vector<1x16xf32>,
      %get3A_613 = vector.shape_cast %get3A_612 : vector<1x16xf32> to vector<16xf32>
      %add3A_614 = arith.addf %get3A_609, %get3A_613 : vector<16xf32>
      %max3A_615 = arith.constant 0.000000e+00 : f32
      %max3A_616 = vector.broadcast %max3A_615 : f32 to vector<16xf32>
      %max3A_617 = arith.maximumf %add3A_614, %max3A_616 : vector<16xf32>
      %swap3A_618 = arith.index_cast %scan3A_557 : i32 to index
      %swap3A_619 = arith.constant 48 : index
      %swap3A_620 = tpu.vector_load %arg14[%swap3A_618, %swap3A_619] {strides = array<i32>} : memref<40x128xf32, #tpu.memory_space<vmem>>, vector<1x16xf32>,
      %swap3A_621 = vector.shape_cast %swap3A_620 : vector<1x16xf32> to vector<16xf32>
      %swap3A_622 = vector.shape_cast %max3A_617 : vector<16xf32> to vector<1x16xf32>
      tpu.vector_store %arg14[%swap3A_618, %swap3A_619], %swap3A_622 {strides = array<i32>} : memref<40x128xf32, #tpu.memory_space<vmem>>, vector<1x16xf32>,
      %get3A_623 = arith.index_cast %scan3A_557 : i32 to index
      %get3A_624 = arith.constant 64 : index
      %get3A_625 = tpu.vector_load %arg8[%get3A_623, %get3A_624] {strides = array<i32>} : memref<40x128xf32, #tpu.memory_space<vmem>>, vector<1x16xf32>,
      %get3A_626 = vector.shape_cast %get3A_625 : vector<1x16xf32> to vector<16xf32>
      %get3A_627 = arith.index_cast %scan3A_557 : i32 to index
      %get3A_628 = arith.constant 64 : index
      %get3A_629 = tpu.vector_load %arg11[%get3A_627, %get3A_628] {strides = array<i32>} : memref<40x128xf32, #tpu.memory_space<vmem>>, vector<1x16xf32>,
      %get3A_630 = vector.shape_cast %get3A_629 : vector<1x16xf32> to vector<16xf32>
      %add3A_631 = arith.addf %get3A_626, %get3A_630 : vector<16xf32>
      %max3A_632 = arith.constant 0.000000e+00 : f32
      %max3A_633 = vector.broadcast %max3A_632 : f32 to vector<16xf32>
      %max3A_634 = arith.maximumf %add3A_631, %max3A_633 : vector<16xf32>
      %swap3A_635 = arith.index_cast %scan3A_557 : i32 to index
      %swap3A_636 = arith.constant 64 : index
      %swap3A_637 = tpu.vector_load %arg14[%swap3A_635, %swap3A_636] {strides = array<i32>} : memref<40x128xf32, #tpu.memory_space<vmem>>, vector<1x16xf32>,
      %swap3A_638 = vector.shape_cast %swap3A_637 : vector<1x16xf32> to vector<16xf32>
      %swap3A_639 = vector.shape_cast %max3A_634 : vector<16xf32> to vector<1x16xf32>
      tpu.vector_store %arg14[%swap3A_635, %swap3A_636], %swap3A_639 {strides = array<i32>} : memref<40x128xf32, #tpu.memory_space<vmem>>, vector<1x16xf32>,
      %get3A_640 = arith.index_cast %scan3A_557 : i32 to index
      %get3A_641 = arith.constant 80 : index
      %get3A_642 = tpu.vector_load %arg8[%get3A_640, %get3A_641] {strides = array<i32>} : memref<40x128xf32, #tpu.memory_space<vmem>>, vector<1x16xf32>,
      %get3A_643 = vector.shape_cast %get3A_642 : vector<1x16xf32> to vector<16xf32>
      %get3A_644 = arith.index_cast %scan3A_557 : i32 to index
      %get3A_645 = arith.constant 80 : index
      %get3A_646 = tpu.vector_load %arg11[%get3A_644, %get3A_645] {strides = array<i32>} : memref<40x128xf32, #tpu.memory_space<vmem>>, vector<1x16xf32>,
      %get3A_647 = vector.shape_cast %get3A_646 : vector<1x16xf32> to vector<16xf32>
      %add3A_648 = arith.addf %get3A_643, %get3A_647 : vector<16xf32>
      %max3A_649 = arith.constant 0.000000e+00 : f32
      %max3A_650 = vector.broadcast %max3A_649 : f32 to vector<16xf32>
      %max3A_651 = arith.maximumf %add3A_648, %max3A_650 : vector<16xf32>
      %swap3A_652 = arith.index_cast %scan3A_557 : i32 to index
      %swap3A_653 = arith.constant 80 : index
      %swap3A_654 = tpu.vector_load %arg14[%swap3A_652, %swap3A_653] {strides = array<i32>} : memref<40x128xf32, #tpu.memory_space<vmem>>, vector<1x16xf32>,
      %swap3A_655 = vector.shape_cast %swap3A_654 : vector<1x16xf32> to vector<16xf32>
      %swap3A_656 = vector.shape_cast %max3A_651 : vector<16xf32> to vector<1x16xf32>
      tpu.vector_store %arg14[%swap3A_652, %swap3A_653], %swap3A_656 {strides = array<i32>} : memref<40x128xf32, #tpu.memory_space<vmem>>, vector<1x16xf32>,
      %get3A_657 = arith.index_cast %scan3A_557 : i32 to index
      %get3A_658 = arith.constant 96 : index
      %get3A_659 = tpu.vector_load %arg8[%get3A_657, %get3A_658] {strides = array<i32>} : memref<40x128xf32, #tpu.memory_space<vmem>>, vector<1x16xf32>,
      %get3A_660 = vector.shape_cast %get3A_659 : vector<1x16xf32> to vector<16xf32>
      %get3A_661 = arith.index_cast %scan3A_557 : i32 to index
      %get3A_662 = arith.constant 96 : index
      %get3A_663 = tpu.vector_load %arg11[%get3A_661, %get3A_662] {strides = array<i32>} : memref<40x128xf32, #tpu.memory_space<vmem>>, vector<1x16xf32>,
      %get3A_664 = vector.shape_cast %get3A_663 : vector<1x16xf32> to vector<16xf32>
      %add3A_665 = arith.addf %get3A_660, %get3A_664 : vector<16xf32>
      %max3A_666 = arith.constant 0.000000e+00 : f32
      %max3A_667 = vector.broadcast %max3A_666 : f32 to vector<16xf32>
      %max3A_668 = arith.maximumf %add3A_665, %max3A_667 : vector<16xf32>
      %swap3A_669 = arith.index_cast %scan3A_557 : i32 to index
      %swap3A_670 = arith.constant 96 : index
      %swap3A_671 = tpu.vector_load %arg14[%swap3A_669, %swap3A_670] {strides = array<i32>} : memref<40x128xf32, #tpu.memory_space<vmem>>, vector<1x16xf32>,
      %swap3A_672 = vector.shape_cast %swap3A_671 : vector<1x16xf32> to vector<16xf32>
      %swap3A_673 = vector.shape_cast %max3A_668 : vector<16xf32> to vector<1x16xf32>
      tpu.vector_store %arg14[%swap3A_669, %swap3A_670], %swap3A_673 {strides = array<i32>} : memref<40x128xf32, #tpu.memory_space<vmem>>, vector<1x16xf32>,
      %get3A_674 = arith.index_cast %scan3A_557 : i32 to index
      %get3A_675 = arith.constant 112 : index
      %get3A_676 = tpu.vector_load %arg8[%get3A_674, %get3A_675] {strides = array<i32>} : memref<40x128xf32, #tpu.memory_space<vmem>>, vector<1x16xf32>,
      %get3A_677 = vector.shape_cast %get3A_676 : vector<1x16xf32> to vector<16xf32>
      %get3A_678 = arith.index_cast %scan3A_557 : i32 to index
      %get3A_679 = arith.constant 112 : index
      %get3A_680 = tpu.vector_load %arg11[%get3A_678, %get3A_679] {strides = array<i32>} : memref<40x128xf32, #tpu.memory_space<vmem>>, vector<1x16xf32>,
      %get3A_681 = vector.shape_cast %get3A_680 : vector<1x16xf32> to vector<16xf32>
      %add3A_682 = arith.addf %get3A_677, %get3A_681 : vector<16xf32>
      %max3A_683 = arith.constant 0.000000e+00 : f32
      %max3A_684 = vector.broadcast %max3A_683 : f32 to vector<16xf32>
      %max3A_685 = arith.maximumf %add3A_682, %max3A_684 : vector<16xf32>
      %swap3A_686 = arith.index_cast %scan3A_557 : i32 to index
      %swap3A_687 = arith.constant 112 : index
      %swap3A_688 = tpu.vector_load %arg14[%swap3A_686, %swap3A_687] {strides = array<i32>} : memref<40x128xf32, #tpu.memory_space<vmem>>, vector<1x16xf32>,
      %swap3A_689 = vector.shape_cast %swap3A_688 : vector<1x16xf32> to vector<16xf32>
      %swap3A_690 = vector.shape_cast %max3A_685 : vector<16xf32> to vector<1x16xf32>
      tpu.vector_store %arg14[%swap3A_686, %swap3A_687], %swap3A_690 {strides = array<i32>} : memref<40x128xf32, #tpu.memory_space<vmem>>, vector<1x16xf32>,
    }
    %scan3A_431 = arith.constant 40 : i32
    %mul3A_432 = arith.constant 40 : i32
    %mul3A_433 = arith.muli %mul3A_4, %mul3A_432 : i32
    %dma_wait3A_434 = tpu.memref_slice %arg3[%mul3A_433] : memref<320000xi32, #tpu.memory_space<hbm>> -> memref<40xi32, #tpu.memory_space<hbm>>
    %dma_wait3A_435 = tpu.memref_slice %arg3[%mul3A_433] : memref<320000xi32, #tpu.memory_space<hbm>> -> memref<40xi32, #tpu.memory_space<hbm>>
    tpu.wait_dma2 semaphore(%arg39 : memref<!tpu.dma_semaphore, #tpu.memory_space<semaphore_mem>>) src(%dma_wait3A_435 : memref<40xi32, #tpu.memory_space<hbm>>) dst(%arg20 : memref<40xi32, #tpu.memory_space<vmem>>)
    %dma_start3A_436 = arith.constant 0 : i32
    %dma_start3A_437 = arith.constant 0 : i32
    %dma_start3A_438 = tpu.memref_slice %arg26[%dma_start3A_436, %dma_start3A_437] : memref<10112x128xf32, #tpu.memory_space<vmem_shared>> -> memref<10112x128xf32, #tpu.memory_space<vmem_shared>>
    tpu.enqueue_indirect_dma source(%arg14 : memref<40x128xf32, #tpu.memory_space<vmem>>) target(%dma_start3A_438 : memref<10112x128xf32, #tpu.memory_space<vmem_shared>>) offsets(%arg20 : memref<40xi32, #tpu.memory_space<vmem>>) semaphore(%arg33 : memref<!tpu.dma_semaphore, #tpu.memory_space<semaphore_mem>>) {add = true}
    %mul3A_439 = arith.constant 40 : i32
    %mul3A_440 = arith.muli %mul3A_4, %mul3A_439 : i32
    %dma_wait3A_441 = tpu.memref_slice %arg2[%mul3A_440] : memref<320000xi32, #tpu.memory_space<hbm>> -> memref<40xi32, #tpu.memory_space<hbm>>
    %dma_wait3A_442 = tpu.memref_slice %arg2[%mul3A_440] : memref<320000xi32, #tpu.memory_space<hbm>> -> memref<40xi32, #tpu.memory_space<hbm>>
    tpu.wait_dma2 semaphore(%arg36 : memref<!tpu.dma_semaphore, #tpu.memory_space<semaphore_mem>>) src(%dma_wait3A_442 : memref<40xi32, #tpu.memory_space<hbm>>) dst(%arg17 : memref<40xi32, #tpu.memory_space<vmem>>)
    %add3A_443 = arith.constant 249 : i32
    %add3A_444 = arith.addi %mul3A_4, %add3A_443 : i32
    %dma_start3A_445 = arith.constant 0 : i32
    %dma_start3A_446 = arith.constant 0 : i32
    %dma_start3A_447 = tpu.memref_slice %arg4[%add3A_444, %dma_start3A_445, %dma_start3A_446] : memref<8000x40x128xf32, #tpu.memory_space<hbm>> -> memref<1x40x128xf32, #tpu.memory_space<hbm>>
    %dma_start3A_448 = tpu.memref_squeeze %dma_start3A_447 : memref<1x40x128xf32, #tpu.memory_space<hbm>> -> memref<40x128xf32, #tpu.memory_space<hbm>>
    %dma_start3A_449 = arith.constant 0 : i32
    %dma_start3A_450 = arith.constant 0 : i32
    %dma_start3A_451 = tpu.memref_slice %arg4[%add3A_444, %dma_start3A_449, %dma_start3A_450] : memref<8000x40x128xf32, #tpu.memory_space<hbm>> -> memref<1x40x128xf32, #tpu.memory_space<hbm>>
    %dma_start3A_452 = tpu.memref_squeeze %dma_start3A_451 : memref<1x40x128xf32, #tpu.memory_space<hbm>> -> memref<40x128xf32, #tpu.memory_space<hbm>>
    tpu.enqueue_dma source(%dma_start3A_452 : memref<40x128xf32, #tpu.memory_space<hbm>>) target(%arg11 : memref<40x128xf32, #tpu.memory_space<vmem>>) target_semaphore(%arg30 : memref<!tpu.dma_semaphore, #tpu.memory_space<semaphore_mem>>)
    %dma_start3A_453 = arith.constant 0 : i32
    %dma_start3A_454 = arith.constant 0 : i32
    %dma_start3A_455 = tpu.memref_slice %arg5[%dma_start3A_453, %dma_start3A_454] : memref<10000x128xf32, #tpu.memory_space<hbm>> -> memref<10000x128xf32, #tpu.memory_space<hbm>>
    tpu.enqueue_indirect_dma source(%dma_start3A_455 : memref<10000x128xf32, #tpu.memory_space<hbm>>) target(%arg8 : memref<40x128xf32, #tpu.memory_space<vmem>>) offsets(%arg17 : memref<40xi32, #tpu.memory_space<vmem>>) semaphore(%arg27 : memref<!tpu.dma_semaphore, #tpu.memory_space<semaphore_mem>>)
    %add3A_456 = arith.constant 247 : i32
    %add3A_457 = arith.addi %mul3A_4, %add3A_456 : i32
    %dma_wait3A_458 = arith.constant 0 : i32
    %dma_wait3A_459 = arith.constant 0 : i32
    %dma_wait3A_460 = tpu.memref_slice %arg4[%add3A_457, %dma_wait3A_458, %dma_wait3A_459] : memref<8000x40x128xf32, #tpu.memory_space<hbm>> -> memref<1x40x128xf32, #tpu.memory_space<hbm>>
    %dma_wait3A_461 = tpu.memref_squeeze %dma_wait3A_460 : memref<1x40x128xf32, #tpu.memory_space<hbm>> -> memref<40x128xf32, #tpu.memory_space<hbm>>
    %dma_wait3A_462 = arith.constant 0 : i32
    %dma_wait3A_463 = arith.constant 0 : i32
    %dma_wait3A_464 = tpu.memref_slice %arg4[%add3A_457, %dma_wait3A_462, %dma_wait3A_463] : memref<8000x40x128xf32, #tpu.memory_space<hbm>> -> memref<1x40x128xf32, #tpu.memory_space<hbm>>
    %dma_wait3A_465 = tpu.memref_squeeze %dma_wait3A_464 : memref<1x40x128xf32, #tpu.memory_space<hbm>> -> memref<40x128xf32, #tpu.memory_space<hbm>>
    tpu.wait_dma2 semaphore(%arg31 : memref<!tpu.dma_semaphore, #tpu.memory_space<semaphore_mem>>) src(%dma_wait3A_465 : memref<40x128xf32, #tpu.memory_space<hbm>>) dst(%arg12 : memref<40x128xf32, #tpu.memory_space<vmem>>)
    %dma_wait3A_466 = arith.constant 0 : i32
    %dma_wait3A_467 = arith.constant 0 : i32
    %dma_wait3A_468 = tpu.memref_slice %arg5[%dma_wait3A_466, %dma_wait3A_467] : memref<10000x128xf32, #tpu.memory_space<hbm>> -> memref<10000x128xf32, #tpu.memory_space<hbm>>
    tpu.wait_indirect_dma semaphore(%arg28 : memref<!tpu.dma_semaphore, #tpu.memory_space<semaphore_mem>>) src(%dma_wait3A_468 : memref<10000x128xf32, #tpu.memory_space<hbm>>) dst(%arg9 : memref<40x128xf32, #tpu.memory_space<vmem>>)
    %dma_wait3A_469 = arith.constant 0 : i32
    %dma_wait3A_470 = arith.constant 0 : i32
    %dma_wait3A_471 = tpu.memref_slice %arg26[%dma_wait3A_469, %dma_wait3A_470] : memref<10112x128xf32, #tpu.memory_space<vmem_shared>> -> memref<10112x128xf32, #tpu.memory_space<vmem_shared>>
    tpu.wait_indirect_dma semaphore(%arg34 : memref<!tpu.dma_semaphore, #tpu.memory_space<semaphore_mem>>) src(%arg15 : memref<40x128xf32, #tpu.memory_space<vmem>>) dst(%dma_wait3A_471 : memref<10112x128xf32, #tpu.memory_space<vmem_shared>>)
    %scan3A_472 = arith.constant 0 : i32
    %scan3A_473 = arith.constant 0 : i32
    %scan3A_474 = arith.constant 40 : i32
    %scan3A_475 = arith.addi %scan3A_473, %scan3A_474 : i32
    %scan3A_476 = arith.constant 1 : i32
    scf.for %scan3A_557 = %scan3A_473 to %scan3A_475 step %scan3A_476  : i32 {
      %get3A = arith.index_cast %scan3A_557 : i32 to index
      %get3A_558 = arith.constant 0 : index
      %get3A_559 = tpu.vector_load %arg9[%get3A, %get3A_558] {strides = array<i32>} : memref<40x128xf32, #tpu.memory_space<vmem>>, vector<1x16xf32>,
      %get3A_560 = vector.shape_cast %get3A_559 : vector<1x16xf32> to vector<16xf32>
      %get3A_561 = arith.index_cast %scan3A_557 : i32 to index
      %get3A_562 = arith.constant 0 : index
      %get3A_563 = tpu.vector_load %arg12[%get3A_561, %get3A_562] {strides = array<i32>} : memref<40x128xf32, #tpu.memory_space<vmem>>, vector<1x16xf32>,
      %get3A_564 = vector.shape_cast %get3A_563 : vector<1x16xf32> to vector<16xf32>
      %add3A_565 = arith.addf %get3A_560, %get3A_564 : vector<16xf32>
      %max3A = arith.constant 0.000000e+00 : f32
      %max3A_566 = vector.broadcast %max3A : f32 to vector<16xf32>
      %max3A_567 = arith.maximumf %add3A_565, %max3A_566 : vector<16xf32>
      %swap3A = arith.index_cast %scan3A_557 : i32 to index
      %swap3A_568 = arith.constant 0 : index
      %swap3A_569 = tpu.vector_load %arg15[%swap3A, %swap3A_568] {strides = array<i32>} : memref<40x128xf32, #tpu.memory_space<vmem>>, vector<1x16xf32>,
      %swap3A_570 = vector.shape_cast %swap3A_569 : vector<1x16xf32> to vector<16xf32>
      %swap3A_571 = vector.shape_cast %max3A_567 : vector<16xf32> to vector<1x16xf32>
      tpu.vector_store %arg15[%swap3A, %swap3A_568], %swap3A_571 {strides = array<i32>} : memref<40x128xf32, #tpu.memory_space<vmem>>, vector<1x16xf32>,
      %get3A_572 = arith.index_cast %scan3A_557 : i32 to index
      %get3A_573 = arith.constant 16 : index
      %get3A_574 = tpu.vector_load %arg9[%get3A_572, %get3A_573] {strides = array<i32>} : memref<40x128xf32, #tpu.memory_space<vmem>>, vector<1x16xf32>,
      %get3A_575 = vector.shape_cast %get3A_574 : vector<1x16xf32> to vector<16xf32>
      %get3A_576 = arith.index_cast %scan3A_557 : i32 to index
      %get3A_577 = arith.constant 16 : index
      %get3A_578 = tpu.vector_load %arg12[%get3A_576, %get3A_577] {strides = array<i32>} : memref<40x128xf32, #tpu.memory_space<vmem>>, vector<1x16xf32>,
      %get3A_579 = vector.shape_cast %get3A_578 : vector<1x16xf32> to vector<16xf32>
      %add3A_580 = arith.addf %get3A_575, %get3A_579 : vector<16xf32>
      %max3A_581 = arith.constant 0.000000e+00 : f32
      %max3A_582 = vector.broadcast %max3A_581 : f32 to vector<16xf32>
      %max3A_583 = arith.maximumf %add3A_580, %max3A_582 : vector<16xf32>
      %swap3A_584 = arith.index_cast %scan3A_557 : i32 to index
      %swap3A_585 = arith.constant 16 : index
      %swap3A_586 = tpu.vector_load %arg15[%swap3A_584, %swap3A_585] {strides = array<i32>} : memref<40x128xf32, #tpu.memory_space<vmem>>, vector<1x16xf32>,
      %swap3A_587 = vector.shape_cast %swap3A_586 : vector<1x16xf32> to vector<16xf32>
      %swap3A_588 = vector.shape_cast %max3A_583 : vector<16xf32> to vector<1x16xf32>
      tpu.vector_store %arg15[%swap3A_584, %swap3A_585], %swap3A_588 {strides = array<i32>} : memref<40x128xf32, #tpu.memory_space<vmem>>, vector<1x16xf32>,
      %get3A_589 = arith.index_cast %scan3A_557 : i32 to index
      %get3A_590 = arith.constant 32 : index
      %get3A_591 = tpu.vector_load %arg9[%get3A_589, %get3A_590] {strides = array<i32>} : memref<40x128xf32, #tpu.memory_space<vmem>>, vector<1x16xf32>,
      %get3A_592 = vector.shape_cast %get3A_591 : vector<1x16xf32> to vector<16xf32>
      %get3A_593 = arith.index_cast %scan3A_557 : i32 to index
      %get3A_594 = arith.constant 32 : index
      %get3A_595 = tpu.vector_load %arg12[%get3A_593, %get3A_594] {strides = array<i32>} : memref<40x128xf32, #tpu.memory_space<vmem>>, vector<1x16xf32>,
      %get3A_596 = vector.shape_cast %get3A_595 : vector<1x16xf32> to vector<16xf32>
      %add3A_597 = arith.addf %get3A_592, %get3A_596 : vector<16xf32>
      %max3A_598 = arith.constant 0.000000e+00 : f32
      %max3A_599 = vector.broadcast %max3A_598 : f32 to vector<16xf32>
      %max3A_600 = arith.maximumf %add3A_597, %max3A_599 : vector<16xf32>
      %swap3A_601 = arith.index_cast %scan3A_557 : i32 to index
      %swap3A_602 = arith.constant 32 : index
      %swap3A_603 = tpu.vector_load %arg15[%swap3A_601, %swap3A_602] {strides = array<i32>} : memref<40x128xf32, #tpu.memory_space<vmem>>, vector<1x16xf32>,
      %swap3A_604 = vector.shape_cast %swap3A_603 : vector<1x16xf32> to vector<16xf32>
      %swap3A_605 = vector.shape_cast %max3A_600 : vector<16xf32> to vector<1x16xf32>
      tpu.vector_store %arg15[%swap3A_601, %swap3A_602], %swap3A_605 {strides = array<i32>} : memref<40x128xf32, #tpu.memory_space<vmem>>, vector<1x16xf32>,
      %get3A_606 = arith.index_cast %scan3A_557 : i32 to index
      %get3A_607 = arith.constant 48 : index
      %get3A_608 = tpu.vector_load %arg9[%get3A_606, %get3A_607] {strides = array<i32>} : memref<40x128xf32, #tpu.memory_space<vmem>>, vector<1x16xf32>,
      %get3A_609 = vector.shape_cast %get3A_608 : vector<1x16xf32> to vector<16xf32>
      %get3A_610 = arith.index_cast %scan3A_557 : i32 to index
      %get3A_611 = arith.constant 48 : index
      %get3A_612 = tpu.vector_load %arg12[%get3A_610, %get3A_611] {strides = array<i32>} : memref<40x128xf32, #tpu.memory_space<vmem>>, vector<1x16xf32>,
      %get3A_613 = vector.shape_cast %get3A_612 : vector<1x16xf32> to vector<16xf32>
      %add3A_614 = arith.addf %get3A_609, %get3A_613 : vector<16xf32>
      %max3A_615 = arith.constant 0.000000e+00 : f32
      %max3A_616 = vector.broadcast %max3A_615 : f32 to vector<16xf32>
      %max3A_617 = arith.maximumf %add3A_614, %max3A_616 : vector<16xf32>
      %swap3A_618 = arith.index_cast %scan3A_557 : i32 to index
      %swap3A_619 = arith.constant 48 : index
      %swap3A_620 = tpu.vector_load %arg15[%swap3A_618, %swap3A_619] {strides = array<i32>} : memref<40x128xf32, #tpu.memory_space<vmem>>, vector<1x16xf32>,
      %swap3A_621 = vector.shape_cast %swap3A_620 : vector<1x16xf32> to vector<16xf32>
      %swap3A_622 = vector.shape_cast %max3A_617 : vector<16xf32> to vector<1x16xf32>
      tpu.vector_store %arg15[%swap3A_618, %swap3A_619], %swap3A_622 {strides = array<i32>} : memref<40x128xf32, #tpu.memory_space<vmem>>, vector<1x16xf32>,
      %get3A_623 = arith.index_cast %scan3A_557 : i32 to index
      %get3A_624 = arith.constant 64 : index
      %get3A_625 = tpu.vector_load %arg9[%get3A_623, %get3A_624] {strides = array<i32>} : memref<40x128xf32, #tpu.memory_space<vmem>>, vector<1x16xf32>,
      %get3A_626 = vector.shape_cast %get3A_625 : vector<1x16xf32> to vector<16xf32>
      %get3A_627 = arith.index_cast %scan3A_557 : i32 to index
      %get3A_628 = arith.constant 64 : index
      %get3A_629 = tpu.vector_load %arg12[%get3A_627, %get3A_628] {strides = array<i32>} : memref<40x128xf32, #tpu.memory_space<vmem>>, vector<1x16xf32>,
      %get3A_630 = vector.shape_cast %get3A_629 : vector<1x16xf32> to vector<16xf32>
      %add3A_631 = arith.addf %get3A_626, %get3A_630 : vector<16xf32>
      %max3A_632 = arith.constant 0.000000e+00 : f32
      %max3A_633 = vector.broadcast %max3A_632 : f32 to vector<16xf32>
      %max3A_634 = arith.maximumf %add3A_631, %max3A_633 : vector<16xf32>
      %swap3A_635 = arith.index_cast %scan3A_557 : i32 to index
      %swap3A_636 = arith.constant 64 : index
      %swap3A_637 = tpu.vector_load %arg15[%swap3A_635, %swap3A_636] {strides = array<i32>} : memref<40x128xf32, #tpu.memory_space<vmem>>, vector<1x16xf32>,
      %swap3A_638 = vector.shape_cast %swap3A_637 : vector<1x16xf32> to vector<16xf32>
      %swap3A_639 = vector.shape_cast %max3A_634 : vector<16xf32> to vector<1x16xf32>
      tpu.vector_store %arg15[%swap3A_635, %swap3A_636], %swap3A_639 {strides = array<i32>} : memref<40x128xf32, #tpu.memory_space<vmem>>, vector<1x16xf32>,
      %get3A_640 = arith.index_cast %scan3A_557 : i32 to index
      %get3A_641 = arith.constant 80 : index
      %get3A_642 = tpu.vector_load %arg9[%get3A_640, %get3A_641] {strides = array<i32>} : memref<40x128xf32, #tpu.memory_space<vmem>>, vector<1x16xf32>,
      %get3A_643 = vector.shape_cast %get3A_642 : vector<1x16xf32> to vector<16xf32>
      %get3A_644 = arith.index_cast %scan3A_557 : i32 to index
      %get3A_645 = arith.constant 80 : index
      %get3A_646 = tpu.vector_load %arg12[%get3A_644, %get3A_645] {strides = array<i32>} : memref<40x128xf32, #tpu.memory_space<vmem>>, vector<1x16xf32>,
      %get3A_647 = vector.shape_cast %get3A_646 : vector<1x16xf32> to vector<16xf32>
      %add3A_648 = arith.addf %get3A_643, %get3A_647 : vector<16xf32>
      %max3A_649 = arith.constant 0.000000e+00 : f32
      %max3A_650 = vector.broadcast %max3A_649 : f32 to vector<16xf32>
      %max3A_651 = arith.maximumf %add3A_648, %max3A_650 : vector<16xf32>
      %swap3A_652 = arith.index_cast %scan3A_557 : i32 to index
      %swap3A_653 = arith.constant 80 : index
      %swap3A_654 = tpu.vector_load %arg15[%swap3A_652, %swap3A_653] {strides = array<i32>} : memref<40x128xf32, #tpu.memory_space<vmem>>, vector<1x16xf32>,
      %swap3A_655 = vector.shape_cast %swap3A_654 : vector<1x16xf32> to vector<16xf32>
      %swap3A_656 = vector.shape_cast %max3A_651 : vector<16xf32> to vector<1x16xf32>
      tpu.vector_store %arg15[%swap3A_652, %swap3A_653], %swap3A_656 {strides = array<i32>} : memref<40x128xf32, #tpu.memory_space<vmem>>, vector<1x16xf32>,
      %get3A_657 = arith.index_cast %scan3A_557 : i32 to index
      %get3A_658 = arith.constant 96 : index
      %get3A_659 = tpu.vector_load %arg9[%get3A_657, %get3A_658] {strides = array<i32>} : memref<40x128xf32, #tpu.memory_space<vmem>>, vector<1x16xf32>,
      %get3A_660 = vector.shape_cast %get3A_659 : vector<1x16xf32> to vector<16xf32>
      %get3A_661 = arith.index_cast %scan3A_557 : i32 to index
      %get3A_662 = arith.constant 96 : index
      %get3A_663 = tpu.vector_load %arg12[%get3A_661, %get3A_662] {strides = array<i32>} : memref<40x128xf32, #tpu.memory_space<vmem>>, vector<1x16xf32>,
      %get3A_664 = vector.shape_cast %get3A_663 : vector<1x16xf32> to vector<16xf32>
      %add3A_665 = arith.addf %get3A_660, %get3A_664 : vector<16xf32>
      %max3A_666 = arith.constant 0.000000e+00 : f32
      %max3A_667 = vector.broadcast %max3A_666 : f32 to vector<16xf32>
      %max3A_668 = arith.maximumf %add3A_665, %max3A_667 : vector<16xf32>
      %swap3A_669 = arith.index_cast %scan3A_557 : i32 to index
      %swap3A_670 = arith.constant 96 : index
      %swap3A_671 = tpu.vector_load %arg15[%swap3A_669, %swap3A_670] {strides = array<i32>} : memref<40x128xf32, #tpu.memory_space<vmem>>, vector<1x16xf32>,
      %swap3A_672 = vector.shape_cast %swap3A_671 : vector<1x16xf32> to vector<16xf32>
      %swap3A_673 = vector.shape_cast %max3A_668 : vector<16xf32> to vector<1x16xf32>
      tpu.vector_store %arg15[%swap3A_669, %swap3A_670], %swap3A_673 {strides = array<i32>} : memref<40x128xf32, #tpu.memory_space<vmem>>, vector<1x16xf32>,
      %get3A_674 = arith.index_cast %scan3A_557 : i32 to index
      %get3A_675 = arith.constant 112 : index
      %get3A_676 = tpu.vector_load %arg9[%get3A_674, %get3A_675] {strides = array<i32>} : memref<40x128xf32, #tpu.memory_space<vmem>>, vector<1x16xf32>,
      %get3A_677 = vector.shape_cast %get3A_676 : vector<1x16xf32> to vector<16xf32>
      %get3A_678 = arith.index_cast %scan3A_557 : i32 to index
      %get3A_679 = arith.constant 112 : index
      %get3A_680 = tpu.vector_load %arg12[%get3A_678, %get3A_679] {strides = array<i32>} : memref<40x128xf32, #tpu.memory_space<vmem>>, vector<1x16xf32>,
      %get3A_681 = vector.shape_cast %get3A_680 : vector<1x16xf32> to vector<16xf32>
      %add3A_682 = arith.addf %get3A_677, %get3A_681 : vector<16xf32>
      %max3A_683 = arith.constant 0.000000e+00 : f32
      %max3A_684 = vector.broadcast %max3A_683 : f32 to vector<16xf32>
      %max3A_685 = arith.maximumf %add3A_682, %max3A_684 : vector<16xf32>
      %swap3A_686 = arith.index_cast %scan3A_557 : i32 to index
      %swap3A_687 = arith.constant 112 : index
      %swap3A_688 = tpu.vector_load %arg15[%swap3A_686, %swap3A_687] {strides = array<i32>} : memref<40x128xf32, #tpu.memory_space<vmem>>, vector<1x16xf32>,
      %swap3A_689 = vector.shape_cast %swap3A_688 : vector<1x16xf32> to vector<16xf32>
      %swap3A_690 = vector.shape_cast %max3A_685 : vector<16xf32> to vector<1x16xf32>
      tpu.vector_store %arg15[%swap3A_686, %swap3A_687], %swap3A_690 {strides = array<i32>} : memref<40x128xf32, #tpu.memory_space<vmem>>, vector<1x16xf32>,
    }
    %scan3A_477 = arith.constant 40 : i32
    %mul3A_478 = arith.constant 40 : i32
    %mul3A_479 = arith.muli %mul3A_4, %mul3A_478 : i32
    %dma_wait3A_480 = tpu.memref_slice %arg3[%mul3A_479] : memref<320000xi32, #tpu.memory_space<hbm>> -> memref<40xi32, #tpu.memory_space<hbm>>
    %dma_wait3A_481 = tpu.memref_slice %arg3[%mul3A_479] : memref<320000xi32, #tpu.memory_space<hbm>> -> memref<40xi32, #tpu.memory_space<hbm>>
    tpu.wait_dma2 semaphore(%arg40 : memref<!tpu.dma_semaphore, #tpu.memory_space<semaphore_mem>>) src(%dma_wait3A_481 : memref<40xi32, #tpu.memory_space<hbm>>) dst(%arg21 : memref<40xi32, #tpu.memory_space<vmem>>)
    %dma_start3A_482 = arith.constant 0 : i32
    %dma_start3A_483 = arith.constant 0 : i32
    %dma_start3A_484 = tpu.memref_slice %arg26[%dma_start3A_482, %dma_start3A_483] : memref<10112x128xf32, #tpu.memory_space<vmem_shared>> -> memref<10112x128xf32, #tpu.memory_space<vmem_shared>>
    tpu.enqueue_indirect_dma source(%arg15 : memref<40x128xf32, #tpu.memory_space<vmem>>) target(%dma_start3A_484 : memref<10112x128xf32, #tpu.memory_space<vmem_shared>>) offsets(%arg21 : memref<40xi32, #tpu.memory_space<vmem>>) semaphore(%arg34 : memref<!tpu.dma_semaphore, #tpu.memory_space<semaphore_mem>>) {add = true}
    %add3A_485 = arith.constant 248 : i32
    %add3A_486 = arith.addi %mul3A_4, %add3A_485 : i32
    %dma_wait3A_487 = arith.constant 0 : i32
    %dma_wait3A_488 = arith.constant 0 : i32
    %dma_wait3A_489 = tpu.memref_slice %arg4[%add3A_486, %dma_wait3A_487, %dma_wait3A_488] : memref<8000x40x128xf32, #tpu.memory_space<hbm>> -> memref<1x40x128xf32, #tpu.memory_space<hbm>>
    %dma_wait3A_490 = tpu.memref_squeeze %dma_wait3A_489 : memref<1x40x128xf32, #tpu.memory_space<hbm>> -> memref<40x128xf32, #tpu.memory_space<hbm>>
    %dma_wait3A_491 = arith.constant 0 : i32
    %dma_wait3A_492 = arith.constant 0 : i32
    %dma_wait3A_493 = tpu.memref_slice %arg4[%add3A_486, %dma_wait3A_491, %dma_wait3A_492] : memref<8000x40x128xf32, #tpu.memory_space<hbm>> -> memref<1x40x128xf32, #tpu.memory_space<hbm>>
    %dma_wait3A_494 = tpu.memref_squeeze %dma_wait3A_493 : memref<1x40x128xf32, #tpu.memory_space<hbm>> -> memref<40x128xf32, #tpu.memory_space<hbm>>
    tpu.wait_dma2 semaphore(%arg32 : memref<!tpu.dma_semaphore, #tpu.memory_space<semaphore_mem>>) src(%dma_wait3A_494 : memref<40x128xf32, #tpu.memory_space<hbm>>) dst(%arg13 : memref<40x128xf32, #tpu.memory_space<vmem>>)
    %dma_wait3A_495 = arith.constant 0 : i32
    %dma_wait3A_496 = arith.constant 0 : i32
    %dma_wait3A_497 = tpu.memref_slice %arg5[%dma_wait3A_495, %dma_wait3A_496] : memref<10000x128xf32, #tpu.memory_space<hbm>> -> memref<10000x128xf32, #tpu.memory_space<hbm>>
    tpu.wait_indirect_dma semaphore(%arg29 : memref<!tpu.dma_semaphore, #tpu.memory_space<semaphore_mem>>) src(%dma_wait3A_497 : memref<10000x128xf32, #tpu.memory_space<hbm>>) dst(%arg10 : memref<40x128xf32, #tpu.memory_space<vmem>>)
    %dma_wait3A_498 = arith.constant 0 : i32
    %dma_wait3A_499 = arith.constant 0 : i32
    %dma_wait3A_500 = tpu.memref_slice %arg26[%dma_wait3A_498, %dma_wait3A_499] : memref<10112x128xf32, #tpu.memory_space<vmem_shared>> -> memref<10112x128xf32, #tpu.memory_space<vmem_shared>>
    tpu.wait_indirect_dma semaphore(%arg35 : memref<!tpu.dma_semaphore, #tpu.memory_space<semaphore_mem>>) src(%arg16 : memref<40x128xf32, #tpu.memory_space<vmem>>) dst(%dma_wait3A_500 : memref<10112x128xf32, #tpu.memory_space<vmem_shared>>)
    %scan3A_501 = arith.constant 0 : i32
    %scan3A_502 = arith.constant 0 : i32
    %scan3A_503 = arith.constant 40 : i32
    %scan3A_504 = arith.addi %scan3A_502, %scan3A_503 : i32
    %scan3A_505 = arith.constant 1 : i32
    scf.for %scan3A_557 = %scan3A_502 to %scan3A_504 step %scan3A_505  : i32 {
      %get3A = arith.index_cast %scan3A_557 : i32 to index
      %get3A_558 = arith.constant 0 : index
      %get3A_559 = tpu.vector_load %arg10[%get3A, %get3A_558] {strides = array<i32>} : memref<40x128xf32, #tpu.memory_space<vmem>>, vector<1x16xf32>,
      %get3A_560 = vector.shape_cast %get3A_559 : vector<1x16xf32> to vector<16xf32>
      %get3A_561 = arith.index_cast %scan3A_557 : i32 to index
      %get3A_562 = arith.constant 0 : index
      %get3A_563 = tpu.vector_load %arg13[%get3A_561, %get3A_562] {strides = array<i32>} : memref<40x128xf32, #tpu.memory_space<vmem>>, vector<1x16xf32>,
      %get3A_564 = vector.shape_cast %get3A_563 : vector<1x16xf32> to vector<16xf32>
      %add3A_565 = arith.addf %get3A_560, %get3A_564 : vector<16xf32>
      %max3A = arith.constant 0.000000e+00 : f32
      %max3A_566 = vector.broadcast %max3A : f32 to vector<16xf32>
      %max3A_567 = arith.maximumf %add3A_565, %max3A_566 : vector<16xf32>
      %swap3A = arith.index_cast %scan3A_557 : i32 to index
      %swap3A_568 = arith.constant 0 : index
      %swap3A_569 = tpu.vector_load %arg16[%swap3A, %swap3A_568] {strides = array<i32>} : memref<40x128xf32, #tpu.memory_space<vmem>>, vector<1x16xf32>,
      %swap3A_570 = vector.shape_cast %swap3A_569 : vector<1x16xf32> to vector<16xf32>
      %swap3A_571 = vector.shape_cast %max3A_567 : vector<16xf32> to vector<1x16xf32>
      tpu.vector_store %arg16[%swap3A, %swap3A_568], %swap3A_571 {strides = array<i32>} : memref<40x128xf32, #tpu.memory_space<vmem>>, vector<1x16xf32>,
      %get3A_572 = arith.index_cast %scan3A_557 : i32 to index
      %get3A_573 = arith.constant 16 : index
      %get3A_574 = tpu.vector_load %arg10[%get3A_572, %get3A_573] {strides = array<i32>} : memref<40x128xf32, #tpu.memory_space<vmem>>, vector<1x16xf32>,
      %get3A_575 = vector.shape_cast %get3A_574 : vector<1x16xf32> to vector<16xf32>
      %get3A_576 = arith.index_cast %scan3A_557 : i32 to index
      %get3A_577 = arith.constant 16 : index
      %get3A_578 = tpu.vector_load %arg13[%get3A_576, %get3A_577] {strides = array<i32>} : memref<40x128xf32, #tpu.memory_space<vmem>>, vector<1x16xf32>,
      %get3A_579 = vector.shape_cast %get3A_578 : vector<1x16xf32> to vector<16xf32>
      %add3A_580 = arith.addf %get3A_575, %get3A_579 : vector<16xf32>
      %max3A_581 = arith.constant 0.000000e+00 : f32
      %max3A_582 = vector.broadcast %max3A_581 : f32 to vector<16xf32>
      %max3A_583 = arith.maximumf %add3A_580, %max3A_582 : vector<16xf32>
      %swap3A_584 = arith.index_cast %scan3A_557 : i32 to index
      %swap3A_585 = arith.constant 16 : index
      %swap3A_586 = tpu.vector_load %arg16[%swap3A_584, %swap3A_585] {strides = array<i32>} : memref<40x128xf32, #tpu.memory_space<vmem>>, vector<1x16xf32>,
      %swap3A_587 = vector.shape_cast %swap3A_586 : vector<1x16xf32> to vector<16xf32>
      %swap3A_588 = vector.shape_cast %max3A_583 : vector<16xf32> to vector<1x16xf32>
      tpu.vector_store %arg16[%swap3A_584, %swap3A_585], %swap3A_588 {strides = array<i32>} : memref<40x128xf32, #tpu.memory_space<vmem>>, vector<1x16xf32>,
      %get3A_589 = arith.index_cast %scan3A_557 : i32 to index
      %get3A_590 = arith.constant 32 : index
      %get3A_591 = tpu.vector_load %arg10[%get3A_589, %get3A_590] {strides = array<i32>} : memref<40x128xf32, #tpu.memory_space<vmem>>, vector<1x16xf32>,
      %get3A_592 = vector.shape_cast %get3A_591 : vector<1x16xf32> to vector<16xf32>
      %get3A_593 = arith.index_cast %scan3A_557 : i32 to index
      %get3A_594 = arith.constant 32 : index
      %get3A_595 = tpu.vector_load %arg13[%get3A_593, %get3A_594] {strides = array<i32>} : memref<40x128xf32, #tpu.memory_space<vmem>>, vector<1x16xf32>,
      %get3A_596 = vector.shape_cast %get3A_595 : vector<1x16xf32> to vector<16xf32>
      %add3A_597 = arith.addf %get3A_592, %get3A_596 : vector<16xf32>
      %max3A_598 = arith.constant 0.000000e+00 : f32
      %max3A_599 = vector.broadcast %max3A_598 : f32 to vector<16xf32>
      %max3A_600 = arith.maximumf %add3A_597, %max3A_599 : vector<16xf32>
      %swap3A_601 = arith.index_cast %scan3A_557 : i32 to index
      %swap3A_602 = arith.constant 32 : index
      %swap3A_603 = tpu.vector_load %arg16[%swap3A_601, %swap3A_602] {strides = array<i32>} : memref<40x128xf32, #tpu.memory_space<vmem>>, vector<1x16xf32>,
      %swap3A_604 = vector.shape_cast %swap3A_603 : vector<1x16xf32> to vector<16xf32>
      %swap3A_605 = vector.shape_cast %max3A_600 : vector<16xf32> to vector<1x16xf32>
      tpu.vector_store %arg16[%swap3A_601, %swap3A_602], %swap3A_605 {strides = array<i32>} : memref<40x128xf32, #tpu.memory_space<vmem>>, vector<1x16xf32>,
      %get3A_606 = arith.index_cast %scan3A_557 : i32 to index
      %get3A_607 = arith.constant 48 : index
      %get3A_608 = tpu.vector_load %arg10[%get3A_606, %get3A_607] {strides = array<i32>} : memref<40x128xf32, #tpu.memory_space<vmem>>, vector<1x16xf32>,
      %get3A_609 = vector.shape_cast %get3A_608 : vector<1x16xf32> to vector<16xf32>
      %get3A_610 = arith.index_cast %scan3A_557 : i32 to index
      %get3A_611 = arith.constant 48 : index
      %get3A_612 = tpu.vector_load %arg13[%get3A_610, %get3A_611] {strides = array<i32>} : memref<40x128xf32, #tpu.memory_space<vmem>>, vector<1x16xf32>,
      %get3A_613 = vector.shape_cast %get3A_612 : vector<1x16xf32> to vector<16xf32>
      %add3A_614 = arith.addf %get3A_609, %get3A_613 : vector<16xf32>
      %max3A_615 = arith.constant 0.000000e+00 : f32
      %max3A_616 = vector.broadcast %max3A_615 : f32 to vector<16xf32>
      %max3A_617 = arith.maximumf %add3A_614, %max3A_616 : vector<16xf32>
      %swap3A_618 = arith.index_cast %scan3A_557 : i32 to index
      %swap3A_619 = arith.constant 48 : index
      %swap3A_620 = tpu.vector_load %arg16[%swap3A_618, %swap3A_619] {strides = array<i32>} : memref<40x128xf32, #tpu.memory_space<vmem>>, vector<1x16xf32>,
      %swap3A_621 = vector.shape_cast %swap3A_620 : vector<1x16xf32> to vector<16xf32>
      %swap3A_622 = vector.shape_cast %max3A_617 : vector<16xf32> to vector<1x16xf32>
      tpu.vector_store %arg16[%swap3A_618, %swap3A_619], %swap3A_622 {strides = array<i32>} : memref<40x128xf32, #tpu.memory_space<vmem>>, vector<1x16xf32>,
      %get3A_623 = arith.index_cast %scan3A_557 : i32 to index
      %get3A_624 = arith.constant 64 : index
      %get3A_625 = tpu.vector_load %arg10[%get3A_623, %get3A_624] {strides = array<i32>} : memref<40x128xf32, #tpu.memory_space<vmem>>, vector<1x16xf32>,
      %get3A_626 = vector.shape_cast %get3A_625 : vector<1x16xf32> to vector<16xf32>
      %get3A_627 = arith.index_cast %scan3A_557 : i32 to index
      %get3A_628 = arith.constant 64 : index
      %get3A_629 = tpu.vector_load %arg13[%get3A_627, %get3A_628] {strides = array<i32>} : memref<40x128xf32, #tpu.memory_space<vmem>>, vector<1x16xf32>,
      %get3A_630 = vector.shape_cast %get3A_629 : vector<1x16xf32> to vector<16xf32>
      %add3A_631 = arith.addf %get3A_626, %get3A_630 : vector<16xf32>
      %max3A_632 = arith.constant 0.000000e+00 : f32
      %max3A_633 = vector.broadcast %max3A_632 : f32 to vector<16xf32>
      %max3A_634 = arith.maximumf %add3A_631, %max3A_633 : vector<16xf32>
      %swap3A_635 = arith.index_cast %scan3A_557 : i32 to index
      %swap3A_636 = arith.constant 64 : index
      %swap3A_637 = tpu.vector_load %arg16[%swap3A_635, %swap3A_636] {strides = array<i32>} : memref<40x128xf32, #tpu.memory_space<vmem>>, vector<1x16xf32>,
      %swap3A_638 = vector.shape_cast %swap3A_637 : vector<1x16xf32> to vector<16xf32>
      %swap3A_639 = vector.shape_cast %max3A_634 : vector<16xf32> to vector<1x16xf32>
      tpu.vector_store %arg16[%swap3A_635, %swap3A_636], %swap3A_639 {strides = array<i32>} : memref<40x128xf32, #tpu.memory_space<vmem>>, vector<1x16xf32>,
      %get3A_640 = arith.index_cast %scan3A_557 : i32 to index
      %get3A_641 = arith.constant 80 : index
      %get3A_642 = tpu.vector_load %arg10[%get3A_640, %get3A_641] {strides = array<i32>} : memref<40x128xf32, #tpu.memory_space<vmem>>, vector<1x16xf32>,
      %get3A_643 = vector.shape_cast %get3A_642 : vector<1x16xf32> to vector<16xf32>
      %get3A_644 = arith.index_cast %scan3A_557 : i32 to index
      %get3A_645 = arith.constant 80 : index
      %get3A_646 = tpu.vector_load %arg13[%get3A_644, %get3A_645] {strides = array<i32>} : memref<40x128xf32, #tpu.memory_space<vmem>>, vector<1x16xf32>,
      %get3A_647 = vector.shape_cast %get3A_646 : vector<1x16xf32> to vector<16xf32>
      %add3A_648 = arith.addf %get3A_643, %get3A_647 : vector<16xf32>
      %max3A_649 = arith.constant 0.000000e+00 : f32
      %max3A_650 = vector.broadcast %max3A_649 : f32 to vector<16xf32>
      %max3A_651 = arith.maximumf %add3A_648, %max3A_650 : vector<16xf32>
      %swap3A_652 = arith.index_cast %scan3A_557 : i32 to index
      %swap3A_653 = arith.constant 80 : index
      %swap3A_654 = tpu.vector_load %arg16[%swap3A_652, %swap3A_653] {strides = array<i32>} : memref<40x128xf32, #tpu.memory_space<vmem>>, vector<1x16xf32>,
      %swap3A_655 = vector.shape_cast %swap3A_654 : vector<1x16xf32> to vector<16xf32>
      %swap3A_656 = vector.shape_cast %max3A_651 : vector<16xf32> to vector<1x16xf32>
      tpu.vector_store %arg16[%swap3A_652, %swap3A_653], %swap3A_656 {strides = array<i32>} : memref<40x128xf32, #tpu.memory_space<vmem>>, vector<1x16xf32>,
      %get3A_657 = arith.index_cast %scan3A_557 : i32 to index
      %get3A_658 = arith.constant 96 : index
      %get3A_659 = tpu.vector_load %arg10[%get3A_657, %get3A_658] {strides = array<i32>} : memref<40x128xf32, #tpu.memory_space<vmem>>, vector<1x16xf32>,
      %get3A_660 = vector.shape_cast %get3A_659 : vector<1x16xf32> to vector<16xf32>
      %get3A_661 = arith.index_cast %scan3A_557 : i32 to index
      %get3A_662 = arith.constant 96 : index
      %get3A_663 = tpu.vector_load %arg13[%get3A_661, %get3A_662] {strides = array<i32>} : memref<40x128xf32, #tpu.memory_space<vmem>>, vector<1x16xf32>,
      %get3A_664 = vector.shape_cast %get3A_663 : vector<1x16xf32> to vector<16xf32>
      %add3A_665 = arith.addf %get3A_660, %get3A_664 : vector<16xf32>
      %max3A_666 = arith.constant 0.000000e+00 : f32
      %max3A_667 = vector.broadcast %max3A_666 : f32 to vector<16xf32>
      %max3A_668 = arith.maximumf %add3A_665, %max3A_667 : vector<16xf32>
      %swap3A_669 = arith.index_cast %scan3A_557 : i32 to index
      %swap3A_670 = arith.constant 96 : index
      %swap3A_671 = tpu.vector_load %arg16[%swap3A_669, %swap3A_670] {strides = array<i32>} : memref<40x128xf32, #tpu.memory_space<vmem>>, vector<1x16xf32>,
      %swap3A_672 = vector.shape_cast %swap3A_671 : vector<1x16xf32> to vector<16xf32>
      %swap3A_673 = vector.shape_cast %max3A_668 : vector<16xf32> to vector<1x16xf32>
      tpu.vector_store %arg16[%swap3A_669, %swap3A_670], %swap3A_673 {strides = array<i32>} : memref<40x128xf32, #tpu.memory_space<vmem>>, vector<1x16xf32>,
      %get3A_674 = arith.index_cast %scan3A_557 : i32 to index
      %get3A_675 = arith.constant 112 : index
      %get3A_676 = tpu.vector_load %arg10[%get3A_674, %get3A_675] {strides = array<i32>} : memref<40x128xf32, #tpu.memory_space<vmem>>, vector<1x16xf32>,
      %get3A_677 = vector.shape_cast %get3A_676 : vector<1x16xf32> to vector<16xf32>
      %get3A_678 = arith.index_cast %scan3A_557 : i32 to index
      %get3A_679 = arith.constant 112 : index
      %get3A_680 = tpu.vector_load %arg13[%get3A_678, %get3A_679] {strides = array<i32>} : memref<40x128xf32, #tpu.memory_space<vmem>>, vector<1x16xf32>,
      %get3A_681 = vector.shape_cast %get3A_680 : vector<1x16xf32> to vector<16xf32>
      %add3A_682 = arith.addf %get3A_677, %get3A_681 : vector<16xf32>
      %max3A_683 = arith.constant 0.000000e+00 : f32
      %max3A_684 = vector.broadcast %max3A_683 : f32 to vector<16xf32>
      %max3A_685 = arith.maximumf %add3A_682, %max3A_684 : vector<16xf32>
      %swap3A_686 = arith.index_cast %scan3A_557 : i32 to index
      %swap3A_687 = arith.constant 112 : index
      %swap3A_688 = tpu.vector_load %arg16[%swap3A_686, %swap3A_687] {strides = array<i32>} : memref<40x128xf32, #tpu.memory_space<vmem>>, vector<1x16xf32>,
      %swap3A_689 = vector.shape_cast %swap3A_688 : vector<1x16xf32> to vector<16xf32>
      %swap3A_690 = vector.shape_cast %max3A_685 : vector<16xf32> to vector<1x16xf32>
      tpu.vector_store %arg16[%swap3A_686, %swap3A_687], %swap3A_690 {strides = array<i32>} : memref<40x128xf32, #tpu.memory_space<vmem>>, vector<1x16xf32>,
    }
    %scan3A_506 = arith.constant 40 : i32
    %mul3A_507 = arith.constant 40 : i32
    %mul3A_508 = arith.muli %mul3A_4, %mul3A_507 : i32
    %dma_wait3A_509 = tpu.memref_slice %arg3[%mul3A_508] : memref<320000xi32, #tpu.memory_space<hbm>> -> memref<40xi32, #tpu.memory_space<hbm>>
    %dma_wait3A_510 = tpu.memref_slice %arg3[%mul3A_508] : memref<320000xi32, #tpu.memory_space<hbm>> -> memref<40xi32, #tpu.memory_space<hbm>>
    tpu.wait_dma2 semaphore(%arg41 : memref<!tpu.dma_semaphore, #tpu.memory_space<semaphore_mem>>) src(%dma_wait3A_510 : memref<40xi32, #tpu.memory_space<hbm>>) dst(%arg22 : memref<40xi32, #tpu.memory_space<vmem>>)
    %dma_start3A_511 = arith.constant 0 : i32
    %dma_start3A_512 = arith.constant 0 : i32
    %dma_start3A_513 = tpu.memref_slice %arg26[%dma_start3A_511, %dma_start3A_512] : memref<10112x128xf32, #tpu.memory_space<vmem_shared>> -> memref<10112x128xf32, #tpu.memory_space<vmem_shared>>
    tpu.enqueue_indirect_dma source(%arg16 : memref<40x128xf32, #tpu.memory_space<vmem>>) target(%dma_start3A_513 : memref<10112x128xf32, #tpu.memory_space<vmem_shared>>) offsets(%arg22 : memref<40xi32, #tpu.memory_space<vmem>>) semaphore(%arg35 : memref<!tpu.dma_semaphore, #tpu.memory_space<semaphore_mem>>) {add = true}
    %add3A_514 = arith.constant 249 : i32
    %add3A_515 = arith.addi %mul3A_4, %add3A_514 : i32
    %dma_wait3A_516 = arith.constant 0 : i32
    %dma_wait3A_517 = arith.constant 0 : i32
    %dma_wait3A_518 = tpu.memref_slice %arg4[%add3A_515, %dma_wait3A_516, %dma_wait3A_517] : memref<8000x40x128xf32, #tpu.memory_space<hbm>> -> memref<1x40x128xf32, #tpu.memory_space<hbm>>
    %dma_wait3A_519 = tpu.memref_squeeze %dma_wait3A_518 : memref<1x40x128xf32, #tpu.memory_space<hbm>> -> memref<40x128xf32, #tpu.memory_space<hbm>>
    %dma_wait3A_520 = arith.constant 0 : i32
    %dma_wait3A_521 = arith.constant 0 : i32
    %dma_wait3A_522 = tpu.memref_slice %arg4[%add3A_515, %dma_wait3A_520, %dma_wait3A_521] : memref<8000x40x128xf32, #tpu.memory_space<hbm>> -> memref<1x40x128xf32, #tpu.memory_space<hbm>>
    %dma_wait3A_523 = tpu.memref_squeeze %dma_wait3A_522 : memref<1x40x128xf32, #tpu.memory_space<hbm>> -> memref<40x128xf32, #tpu.memory_space<hbm>>
    tpu.wait_dma2 semaphore(%arg30 : memref<!tpu.dma_semaphore, #tpu.memory_space<semaphore_mem>>) src(%dma_wait3A_523 : memref<40x128xf32, #tpu.memory_space<hbm>>) dst(%arg11 : memref<40x128xf32, #tpu.memory_space<vmem>>)
    %dma_wait3A_524 = arith.constant 0 : i32
    %dma_wait3A_525 = arith.constant 0 : i32
    %dma_wait3A_526 = tpu.memref_slice %arg5[%dma_wait3A_524, %dma_wait3A_525] : memref<10000x128xf32, #tpu.memory_space<hbm>> -> memref<10000x128xf32, #tpu.memory_space<hbm>>
    tpu.wait_indirect_dma semaphore(%arg27 : memref<!tpu.dma_semaphore, #tpu.memory_space<semaphore_mem>>) src(%dma_wait3A_526 : memref<10000x128xf32, #tpu.memory_space<hbm>>) dst(%arg8 : memref<40x128xf32, #tpu.memory_space<vmem>>)
    %dma_wait3A_527 = arith.constant 0 : i32
    %dma_wait3A_528 = arith.constant 0 : i32
    %dma_wait3A_529 = tpu.memref_slice %arg26[%dma_wait3A_527, %dma_wait3A_528] : memref<10112x128xf32, #tpu.memory_space<vmem_shared>> -> memref<10112x128xf32, #tpu.memory_space<vmem_shared>>
    tpu.wait_indirect_dma semaphore(%arg33 : memref<!tpu.dma_semaphore, #tpu.memory_space<semaphore_mem>>) src(%arg14 : memref<40x128xf32, #tpu.memory_space<vmem>>) dst(%dma_wait3A_529 : memref<10112x128xf32, #tpu.memory_space<vmem_shared>>)
    %scan3A_530 = arith.constant 0 : i32
    %scan3A_531 = arith.constant 0 : i32
    %scan3A_532 = arith.constant 40 : i32
    %scan3A_533 = arith.addi %scan3A_531, %scan3A_532 : i32
    %scan3A_534 = arith.constant 1 : i32
    scf.for %scan3A_557 = %scan3A_531 to %scan3A_533 step %scan3A_534  : i32 {
      %get3A = arith.index_cast %scan3A_557 : i32 to index
      %get3A_558 = arith.constant 0 : index
      %get3A_559 = tpu.vector_load %arg8[%get3A, %get3A_558] {strides = array<i32>} : memref<40x128xf32, #tpu.memory_space<vmem>>, vector<1x16xf32>,
      %get3A_560 = vector.shape_cast %get3A_559 : vector<1x16xf32> to vector<16xf32>
      %get3A_561 = arith.index_cast %scan3A_557 : i32 to index
      %get3A_562 = arith.constant 0 : index
      %get3A_563 = tpu.vector_load %arg11[%get3A_561, %get3A_562] {strides = array<i32>} : memref<40x128xf32, #tpu.memory_space<vmem>>, vector<1x16xf32>,
      %get3A_564 = vector.shape_cast %get3A_563 : vector<1x16xf32> to vector<16xf32>
      %add3A_565 = arith.addf %get3A_560, %get3A_564 : vector<16xf32>
      %max3A = arith.constant 0.000000e+00 : f32
      %max3A_566 = vector.broadcast %max3A : f32 to vector<16xf32>
      %max3A_567 = arith.maximumf %add3A_565, %max3A_566 : vector<16xf32>
      %swap3A = arith.index_cast %scan3A_557 : i32 to index
      %swap3A_568 = arith.constant 0 : index
      %swap3A_569 = tpu.vector_load %arg14[%swap3A, %swap3A_568] {strides = array<i32>} : memref<40x128xf32, #tpu.memory_space<vmem>>, vector<1x16xf32>,
      %swap3A_570 = vector.shape_cast %swap3A_569 : vector<1x16xf32> to vector<16xf32>
      %swap3A_571 = vector.shape_cast %max3A_567 : vector<16xf32> to vector<1x16xf32>
      tpu.vector_store %arg14[%swap3A, %swap3A_568], %swap3A_571 {strides = array<i32>} : memref<40x128xf32, #tpu.memory_space<vmem>>, vector<1x16xf32>,
      %get3A_572 = arith.index_cast %scan3A_557 : i32 to index
      %get3A_573 = arith.constant 16 : index
      %get3A_574 = tpu.vector_load %arg8[%get3A_572, %get3A_573] {strides = array<i32>} : memref<40x128xf32, #tpu.memory_space<vmem>>, vector<1x16xf32>,
      %get3A_575 = vector.shape_cast %get3A_574 : vector<1x16xf32> to vector<16xf32>
      %get3A_576 = arith.index_cast %scan3A_557 : i32 to index
      %get3A_577 = arith.constant 16 : index
      %get3A_578 = tpu.vector_load %arg11[%get3A_576, %get3A_577] {strides = array<i32>} : memref<40x128xf32, #tpu.memory_space<vmem>>, vector<1x16xf32>,
      %get3A_579 = vector.shape_cast %get3A_578 : vector<1x16xf32> to vector<16xf32>
      %add3A_580 = arith.addf %get3A_575, %get3A_579 : vector<16xf32>
      %max3A_581 = arith.constant 0.000000e+00 : f32
      %max3A_582 = vector.broadcast %max3A_581 : f32 to vector<16xf32>
      %max3A_583 = arith.maximumf %add3A_580, %max3A_582 : vector<16xf32>
      %swap3A_584 = arith.index_cast %scan3A_557 : i32 to index
      %swap3A_585 = arith.constant 16 : index
      %swap3A_586 = tpu.vector_load %arg14[%swap3A_584, %swap3A_585] {strides = array<i32>} : memref<40x128xf32, #tpu.memory_space<vmem>>, vector<1x16xf32>,
      %swap3A_587 = vector.shape_cast %swap3A_586 : vector<1x16xf32> to vector<16xf32>
      %swap3A_588 = vector.shape_cast %max3A_583 : vector<16xf32> to vector<1x16xf32>
      tpu.vector_store %arg14[%swap3A_584, %swap3A_585], %swap3A_588 {strides = array<i32>} : memref<40x128xf32, #tpu.memory_space<vmem>>, vector<1x16xf32>,
      %get3A_589 = arith.index_cast %scan3A_557 : i32 to index
      %get3A_590 = arith.constant 32 : index
      %get3A_591 = tpu.vector_load %arg8[%get3A_589, %get3A_590] {strides = array<i32>} : memref<40x128xf32, #tpu.memory_space<vmem>>, vector<1x16xf32>,
      %get3A_592 = vector.shape_cast %get3A_591 : vector<1x16xf32> to vector<16xf32>
      %get3A_593 = arith.index_cast %scan3A_557 : i32 to index
      %get3A_594 = arith.constant 32 : index
      %get3A_595 = tpu.vector_load %arg11[%get3A_593, %get3A_594] {strides = array<i32>} : memref<40x128xf32, #tpu.memory_space<vmem>>, vector<1x16xf32>,
      %get3A_596 = vector.shape_cast %get3A_595 : vector<1x16xf32> to vector<16xf32>
      %add3A_597 = arith.addf %get3A_592, %get3A_596 : vector<16xf32>
      %max3A_598 = arith.constant 0.000000e+00 : f32
      %max3A_599 = vector.broadcast %max3A_598 : f32 to vector<16xf32>
      %max3A_600 = arith.maximumf %add3A_597, %max3A_599 : vector<16xf32>
      %swap3A_601 = arith.index_cast %scan3A_557 : i32 to index
      %swap3A_602 = arith.constant 32 : index
      %swap3A_603 = tpu.vector_load %arg14[%swap3A_601, %swap3A_602] {strides = array<i32>} : memref<40x128xf32, #tpu.memory_space<vmem>>, vector<1x16xf32>,
      %swap3A_604 = vector.shape_cast %swap3A_603 : vector<1x16xf32> to vector<16xf32>
      %swap3A_605 = vector.shape_cast %max3A_600 : vector<16xf32> to vector<1x16xf32>
      tpu.vector_store %arg14[%swap3A_601, %swap3A_602], %swap3A_605 {strides = array<i32>} : memref<40x128xf32, #tpu.memory_space<vmem>>, vector<1x16xf32>,
      %get3A_606 = arith.index_cast %scan3A_557 : i32 to index
      %get3A_607 = arith.constant 48 : index
      %get3A_608 = tpu.vector_load %arg8[%get3A_606, %get3A_607] {strides = array<i32>} : memref<40x128xf32, #tpu.memory_space<vmem>>, vector<1x16xf32>,
      %get3A_609 = vector.shape_cast %get3A_608 : vector<1x16xf32> to vector<16xf32>
      %get3A_610 = arith.index_cast %scan3A_557 : i32 to index
      %get3A_611 = arith.constant 48 : index
      %get3A_612 = tpu.vector_load %arg11[%get3A_610, %get3A_611] {strides = array<i32>} : memref<40x128xf32, #tpu.memory_space<vmem>>, vector<1x16xf32>,
      %get3A_613 = vector.shape_cast %get3A_612 : vector<1x16xf32> to vector<16xf32>
      %add3A_614 = arith.addf %get3A_609, %get3A_613 : vector<16xf32>
      %max3A_615 = arith.constant 0.000000e+00 : f32
      %max3A_616 = vector.broadcast %max3A_615 : f32 to vector<16xf32>
      %max3A_617 = arith.maximumf %add3A_614, %max3A_616 : vector<16xf32>
      %swap3A_618 = arith.index_cast %scan3A_557 : i32 to index
      %swap3A_619 = arith.constant 48 : index
      %swap3A_620 = tpu.vector_load %arg14[%swap3A_618, %swap3A_619] {strides = array<i32>} : memref<40x128xf32, #tpu.memory_space<vmem>>, vector<1x16xf32>,
      %swap3A_621 = vector.shape_cast %swap3A_620 : vector<1x16xf32> to vector<16xf32>
      %swap3A_622 = vector.shape_cast %max3A_617 : vector<16xf32> to vector<1x16xf32>
      tpu.vector_store %arg14[%swap3A_618, %swap3A_619], %swap3A_622 {strides = array<i32>} : memref<40x128xf32, #tpu.memory_space<vmem>>, vector<1x16xf32>,
      %get3A_623 = arith.index_cast %scan3A_557 : i32 to index
      %get3A_624 = arith.constant 64 : index
      %get3A_625 = tpu.vector_load %arg8[%get3A_623, %get3A_624] {strides = array<i32>} : memref<40x128xf32, #tpu.memory_space<vmem>>, vector<1x16xf32>,
      %get3A_626 = vector.shape_cast %get3A_625 : vector<1x16xf32> to vector<16xf32>
      %get3A_627 = arith.index_cast %scan3A_557 : i32 to index
      %get3A_628 = arith.constant 64 : index
      %get3A_629 = tpu.vector_load %arg11[%get3A_627, %get3A_628] {strides = array<i32>} : memref<40x128xf32, #tpu.memory_space<vmem>>, vector<1x16xf32>,
      %get3A_630 = vector.shape_cast %get3A_629 : vector<1x16xf32> to vector<16xf32>
      %add3A_631 = arith.addf %get3A_626, %get3A_630 : vector<16xf32>
      %max3A_632 = arith.constant 0.000000e+00 : f32
      %max3A_633 = vector.broadcast %max3A_632 : f32 to vector<16xf32>
      %max3A_634 = arith.maximumf %add3A_631, %max3A_633 : vector<16xf32>
      %swap3A_635 = arith.index_cast %scan3A_557 : i32 to index
      %swap3A_636 = arith.constant 64 : index
      %swap3A_637 = tpu.vector_load %arg14[%swap3A_635, %swap3A_636] {strides = array<i32>} : memref<40x128xf32, #tpu.memory_space<vmem>>, vector<1x16xf32>,
      %swap3A_638 = vector.shape_cast %swap3A_637 : vector<1x16xf32> to vector<16xf32>
      %swap3A_639 = vector.shape_cast %max3A_634 : vector<16xf32> to vector<1x16xf32>
      tpu.vector_store %arg14[%swap3A_635, %swap3A_636], %swap3A_639 {strides = array<i32>} : memref<40x128xf32, #tpu.memory_space<vmem>>, vector<1x16xf32>,
      %get3A_640 = arith.index_cast %scan3A_557 : i32 to index
      %get3A_641 = arith.constant 80 : index
      %get3A_642 = tpu.vector_load %arg8[%get3A_640, %get3A_641] {strides = array<i32>} : memref<40x128xf32, #tpu.memory_space<vmem>>, vector<1x16xf32>,
      %get3A_643 = vector.shape_cast %get3A_642 : vector<1x16xf32> to vector<16xf32>
      %get3A_644 = arith.index_cast %scan3A_557 : i32 to index
      %get3A_645 = arith.constant 80 : index
      %get3A_646 = tpu.vector_load %arg11[%get3A_644, %get3A_645] {strides = array<i32>} : memref<40x128xf32, #tpu.memory_space<vmem>>, vector<1x16xf32>,
      %get3A_647 = vector.shape_cast %get3A_646 : vector<1x16xf32> to vector<16xf32>
      %add3A_648 = arith.addf %get3A_643, %get3A_647 : vector<16xf32>
      %max3A_649 = arith.constant 0.000000e+00 : f32
      %max3A_650 = vector.broadcast %max3A_649 : f32 to vector<16xf32>
      %max3A_651 = arith.maximumf %add3A_648, %max3A_650 : vector<16xf32>
      %swap3A_652 = arith.index_cast %scan3A_557 : i32 to index
      %swap3A_653 = arith.constant 80 : index
      %swap3A_654 = tpu.vector_load %arg14[%swap3A_652, %swap3A_653] {strides = array<i32>} : memref<40x128xf32, #tpu.memory_space<vmem>>, vector<1x16xf32>,
      %swap3A_655 = vector.shape_cast %swap3A_654 : vector<1x16xf32> to vector<16xf32>
      %swap3A_656 = vector.shape_cast %max3A_651 : vector<16xf32> to vector<1x16xf32>
      tpu.vector_store %arg14[%swap3A_652, %swap3A_653], %swap3A_656 {strides = array<i32>} : memref<40x128xf32, #tpu.memory_space<vmem>>, vector<1x16xf32>,
      %get3A_657 = arith.index_cast %scan3A_557 : i32 to index
      %get3A_658 = arith.constant 96 : index
      %get3A_659 = tpu.vector_load %arg8[%get3A_657, %get3A_658] {strides = array<i32>} : memref<40x128xf32, #tpu.memory_space<vmem>>, vector<1x16xf32>,
      %get3A_660 = vector.shape_cast %get3A_659 : vector<1x16xf32> to vector<16xf32>
      %get3A_661 = arith.index_cast %scan3A_557 : i32 to index
      %get3A_662 = arith.constant 96 : index
      %get3A_663 = tpu.vector_load %arg11[%get3A_661, %get3A_662] {strides = array<i32>} : memref<40x128xf32, #tpu.memory_space<vmem>>, vector<1x16xf32>,
      %get3A_664 = vector.shape_cast %get3A_663 : vector<1x16xf32> to vector<16xf32>
      %add3A_665 = arith.addf %get3A_660, %get3A_664 : vector<16xf32>
      %max3A_666 = arith.constant 0.000000e+00 : f32
      %max3A_667 = vector.broadcast %max3A_666 : f32 to vector<16xf32>
      %max3A_668 = arith.maximumf %add3A_665, %max3A_667 : vector<16xf32>
      %swap3A_669 = arith.index_cast %scan3A_557 : i32 to index
      %swap3A_670 = arith.constant 96 : index
      %swap3A_671 = tpu.vector_load %arg14[%swap3A_669, %swap3A_670] {strides = array<i32>} : memref<40x128xf32, #tpu.memory_space<vmem>>, vector<1x16xf32>,
      %swap3A_672 = vector.shape_cast %swap3A_671 : vector<1x16xf32> to vector<16xf32>
      %swap3A_673 = vector.shape_cast %max3A_668 : vector<16xf32> to vector<1x16xf32>
      tpu.vector_store %arg14[%swap3A_669, %swap3A_670], %swap3A_673 {strides = array<i32>} : memref<40x128xf32, #tpu.memory_space<vmem>>, vector<1x16xf32>,
      %get3A_674 = arith.index_cast %scan3A_557 : i32 to index
      %get3A_675 = arith.constant 112 : index
      %get3A_676 = tpu.vector_load %arg8[%get3A_674, %get3A_675] {strides = array<i32>} : memref<40x128xf32, #tpu.memory_space<vmem>>, vector<1x16xf32>,
      %get3A_677 = vector.shape_cast %get3A_676 : vector<1x16xf32> to vector<16xf32>
      %get3A_678 = arith.index_cast %scan3A_557 : i32 to index
      %get3A_679 = arith.constant 112 : index
      %get3A_680 = tpu.vector_load %arg11[%get3A_678, %get3A_679] {strides = array<i32>} : memref<40x128xf32, #tpu.memory_space<vmem>>, vector<1x16xf32>,
      %get3A_681 = vector.shape_cast %get3A_680 : vector<1x16xf32> to vector<16xf32>
      %add3A_682 = arith.addf %get3A_677, %get3A_681 : vector<16xf32>
      %max3A_683 = arith.constant 0.000000e+00 : f32
      %max3A_684 = vector.broadcast %max3A_683 : f32 to vector<16xf32>
      %max3A_685 = arith.maximumf %add3A_682, %max3A_684 : vector<16xf32>
      %swap3A_686 = arith.index_cast %scan3A_557 : i32 to index
      %swap3A_687 = arith.constant 112 : index
      %swap3A_688 = tpu.vector_load %arg14[%swap3A_686, %swap3A_687] {strides = array<i32>} : memref<40x128xf32, #tpu.memory_space<vmem>>, vector<1x16xf32>,
      %swap3A_689 = vector.shape_cast %swap3A_688 : vector<1x16xf32> to vector<16xf32>
      %swap3A_690 = vector.shape_cast %max3A_685 : vector<16xf32> to vector<1x16xf32>
      tpu.vector_store %arg14[%swap3A_686, %swap3A_687], %swap3A_690 {strides = array<i32>} : memref<40x128xf32, #tpu.memory_space<vmem>>, vector<1x16xf32>,
    }
    %scan3A_535 = arith.constant 40 : i32
    %mul3A_536 = arith.constant 40 : i32
    %mul3A_537 = arith.muli %mul3A_4, %mul3A_536 : i32
    %dma_wait3A_538 = tpu.memref_slice %arg3[%mul3A_537] : memref<320000xi32, #tpu.memory_space<hbm>> -> memref<40xi32, #tpu.memory_space<hbm>>
    %dma_wait3A_539 = tpu.memref_slice %arg3[%mul3A_537] : memref<320000xi32, #tpu.memory_space<hbm>> -> memref<40xi32, #tpu.memory_space<hbm>>
    tpu.wait_dma2 semaphore(%arg42 : memref<!tpu.dma_semaphore, #tpu.memory_space<semaphore_mem>>) src(%dma_wait3A_539 : memref<40xi32, #tpu.memory_space<hbm>>) dst(%arg23 : memref<40xi32, #tpu.memory_space<vmem>>)
    %dma_start3A_540 = arith.constant 0 : i32
    %dma_start3A_541 = arith.constant 0 : i32
    %dma_start3A_542 = tpu.memref_slice %arg26[%dma_start3A_540, %dma_start3A_541] : memref<10112x128xf32, #tpu.memory_space<vmem_shared>> -> memref<10112x128xf32, #tpu.memory_space<vmem_shared>>
    tpu.enqueue_indirect_dma source(%arg14 : memref<40x128xf32, #tpu.memory_space<vmem>>) target(%dma_start3A_542 : memref<10112x128xf32, #tpu.memory_space<vmem_shared>>) offsets(%arg23 : memref<40xi32, #tpu.memory_space<vmem>>) semaphore(%arg33 : memref<!tpu.dma_semaphore, #tpu.memory_space<semaphore_mem>>) {add = true}
    %dma_wait3A_543 = arith.constant 0 : i32
    %dma_wait3A_544 = arith.constant 0 : i32
    %dma_wait3A_545 = tpu.memref_slice %arg26[%dma_wait3A_543, %dma_wait3A_544] : memref<10112x128xf32, #tpu.memory_space<vmem_shared>> -> memref<10112x128xf32, #tpu.memory_space<vmem_shared>>
    tpu.wait_indirect_dma semaphore(%arg34 : memref<!tpu.dma_semaphore, #tpu.memory_space<semaphore_mem>>) src(%arg15 : memref<40x128xf32, #tpu.memory_space<vmem>>) dst(%dma_wait3A_545 : memref<10112x128xf32, #tpu.memory_space<vmem_shared>>)
    %dma_wait3A_546 = arith.constant 0 : i32
    %dma_wait3A_547 = arith.constant 0 : i32
    %dma_wait3A_548 = tpu.memref_slice %arg26[%dma_wait3A_546, %dma_wait3A_547] : memref<10112x128xf32, #tpu.memory_space<vmem_shared>> -> memref<10112x128xf32, #tpu.memory_space<vmem_shared>>
    tpu.wait_indirect_dma semaphore(%arg35 : memref<!tpu.dma_semaphore, #tpu.memory_space<semaphore_mem>>) src(%arg16 : memref<40x128xf32, #tpu.memory_space<vmem>>) dst(%dma_wait3A_548 : memref<10112x128xf32, #tpu.memory_space<vmem_shared>>)
    %dma_wait3A_549 = arith.constant 0 : i32
    %dma_wait3A_550 = arith.constant 0 : i32
    %dma_wait3A_551 = tpu.memref_slice %arg26[%dma_wait3A_549, %dma_wait3A_550] : memref<10112x128xf32, #tpu.memory_space<vmem_shared>> -> memref<10112x128xf32, #tpu.memory_space<vmem_shared>>
    tpu.wait_indirect_dma semaphore(%arg33 : memref<!tpu.dma_semaphore, #tpu.memory_space<semaphore_mem>>) src(%arg14 : memref<40x128xf32, #tpu.memory_space<vmem>>) dst(%dma_wait3A_551 : memref<10112x128xf32, #tpu.memory_space<vmem_shared>>)
    %barrier3A_552 = arith.constant 0 : index
    tpu.barrier barrier_id(%barrier3A_552)
    %mul3A_553 = arith.constant 632 : i32
    %mul3A_554 = arith.muli %arg1, %mul3A_553 : i32
    %mul3A_555 = arith.constant 632 : i32
    %mul3A_556 = arith.muli %arg1, %mul3A_555 : i32
    "tpu.region"() ({
      %run_scoped3A = tpu.sem_alloc : memref<!tpu.dma_semaphore, #tpu.memory_space<semaphore_mem>>
      %dma_start3A_557 = arith.constant 0 : i32
      %dma_start3A_558 = tpu.memref_slice %arg7[%arg0, %mul3A_556, %dma_start3A_557] : memref<2x10112x128xf32, #tpu.memory_space<hbm>> -> memref<1x632x128xf32, #tpu.memory_space<hbm>>
      %dma_start3A_559 = tpu.memref_squeeze %dma_start3A_558 : memref<1x632x128xf32, #tpu.memory_space<hbm>> -> memref<632x128xf32, #tpu.memory_space<hbm>>
      %dma_start3A_560 = arith.constant 0 : i32
      %dma_start3A_561 = tpu.memref_slice %arg26[%mul3A_554, %dma_start3A_560] : memref<10112x128xf32, #tpu.memory_space<vmem_shared>> -> memref<632x128xf32, #tpu.memory_space<vmem_shared>>
      tpu.enqueue_dma source(%dma_start3A_561 : memref<632x128xf32, #tpu.memory_space<vmem_shared>>) target(%dma_start3A_559 : memref<632x128xf32, #tpu.memory_space<hbm>>) target_semaphore(%run_scoped3A : memref<!tpu.dma_semaphore, #tpu.memory_space<semaphore_mem>>)
      %dma_wait3A_562 = arith.constant 0 : i32
      %dma_wait3A_563 = tpu.memref_slice %arg7[%arg0, %mul3A_556, %dma_wait3A_562] : memref<2x10112x128xf32, #tpu.memory_space<hbm>> -> memref<1x632x128xf32, #tpu.memory_space<hbm>>
      %dma_wait3A_564 = tpu.memref_squeeze %dma_wait3A_563 : memref<1x632x128xf32, #tpu.memory_space<hbm>> -> memref<632x128xf32, #tpu.memory_space<hbm>>
      %dma_wait3A_565 = arith.constant 0 : i32
      %dma_wait3A_566 = tpu.memref_slice %arg26[%mul3A_554, %dma_wait3A_565] : memref<10112x128xf32, #tpu.memory_space<vmem_shared>> -> memref<632x128xf32, #tpu.memory_space<vmem_shared>>
      tpu.wait_dma2 semaphore(%run_scoped3A : memref<!tpu.dma_semaphore, #tpu.memory_space<semaphore_mem>>) src(%dma_wait3A_566 : memref<632x128xf32, #tpu.memory_space<vmem_shared>>) dst(%dma_wait3A_564 : memref<632x128xf32, #tpu.memory_space<hbm>>)
      tpu.yield
    }) : () -> ()
    return
  }
}

module attributes {stable_mosaic.version = 14 : i64} {
  func.func @_y_body(%arg0: i32, %arg1: memref<1000x128xf32, #tpu.memory_space<vmem>>, %arg2: memref<128x128xf32, #tpu.memory_space<vmem>>, %arg3: memref<1000x128xf32, #tpu.memory_space<vmem>>) attributes {dimension_semantics = [#tpu.dimension_semantics<arbitrary>], iteration_bounds = array<i64: 10>, scalar_prefetch = 0 : i64, scratch_operands = 0 : i64, tpu.core_type = #tpu.core_type<tc>, window_params = [{transform_indices = @transform_0, window_bounds = array<i64: 1000, 128>}, {pipeline_mode = #tpu.pipeline_mode<synchronous>, transform_indices = @transform_1, window_bounds = array<i64: 128, 128>}, {transform_indices = @transform_2, window_bounds = array<i64: 1000, 128>}]} {
    %get3A = arith.constant 0 : index
    %get3A_0 = arith.constant 0 : index
    %get3A_1 = vector.load %arg1[%get3A, %get3A_0] : memref<1000x128xf32, #tpu.memory_space<vmem>>, vector<1000x128xf32>
    %get3A_2 = arith.constant 0 : index
    %get3A_3 = arith.constant 0 : index
    %get3A_4 = vector.load %arg2[%get3A_2, %get3A_3] : memref<128x128xf32, #tpu.memory_space<vmem>>, vector<128x128xf32>
    %dot_general3A = arith.constant dense<0.000000e+00> : vector<1000x128xf32>
    %dot_general3A_5 = tpu.matmul %get3A_1, %get3A_4, %dot_general3A {dimension_numbers = #tpu.dot_dimension_numbers<[1], [1], [0], [0], [0, 0, 1, 0], [], []>, transpose_lhs_hint = false} : vector<1000x128xf32>, vector<128x128xf32>, vector<1000x128xf32> -> vector<1000x128xf32>
    %swap3A = arith.constant 0 : index
    %swap3A_6 = arith.constant 0 : index
    %swap3A_7 = vector.load %arg3[%swap3A, %swap3A_6] : memref<1000x128xf32, #tpu.memory_space<vmem>>, vector<1000x128xf32>
    tpu.vector_store %arg3[%swap3A, %swap3A_6], %dot_general3A_5 {strides = array<i32>} : memref<1000x128xf32, #tpu.memory_space<vmem>>, vector<1000x128xf32>,
    return
  }
  func.func @transform_0(%arg0: i32) -> (i32, i32) {
    %c0_i32 = arith.constant 0 : i32
    %c0_i32_0 = arith.constant 0 : i32
    return %arg0, %c0_i32 : i32, i32
  }
  func.func @transform_1(%arg0: i32) -> (i32, i32) {
    %c0_i32 = arith.constant 0 : i32
    %c0_i32_0 = arith.constant 0 : i32
    %c0_i32_1 = arith.constant 0 : i32
    return %c0_i32, %c0_i32_0 : i32, i32
  }
  func.func @transform_2(%arg0: i32) -> (i32, i32) {
    %c0_i32 = arith.constant 0 : i32
    %c0_i32_0 = arith.constant 0 : i32
    return %arg0, %c0_i32 : i32, i32
  }
}

module attributes {stable_mosaic.version = 14 : i64} {
  func.func @_e_body(%arg0: i32, %arg1: memref<3200x16xf32, #tpu.memory_space<vmem>>, %arg2: memref<128x16xf32, #tpu.memory_space<vmem>>, %arg3: memref<1x128xf32, #tpu.memory_space<vmem>>, %arg4: memref<3200x128xf32, #tpu.memory_space<vmem>>) attributes {dimension_semantics = [#tpu.dimension_semantics<arbitrary>], iteration_bounds = array<i64: 100>, scalar_prefetch = 0 : i64, scratch_operands = 0 : i64, tpu.core_type = #tpu.core_type<tc>, window_params = [{transform_indices = @transform_0, window_bounds = array<i64: 3200, 16>}, {pipeline_mode = #tpu.pipeline_mode<synchronous>, transform_indices = @transform_1, window_bounds = array<i64: 128, 16>}, {pipeline_mode = #tpu.pipeline_mode<synchronous>, transform_indices = @transform_2, window_bounds = array<i64: 1, 128>}, {transform_indices = @transform_3, window_bounds = array<i64: 3200, 128>}]} {
    %get3A = arith.constant 0 : index
    %get3A_0 = arith.constant 0 : index
    %get3A_1 = vector.load %arg1[%get3A, %get3A_0] : memref<3200x16xf32, #tpu.memory_space<vmem>>, vector<3200x16xf32>
    %get3A_2 = arith.constant 0 : index
    %get3A_3 = arith.constant 0 : index
    %get3A_4 = vector.load %arg2[%get3A_2, %get3A_3] : memref<128x16xf32, #tpu.memory_space<vmem>>, vector<128x16xf32>
    %dot_general3A = arith.constant dense<0.000000e+00> : vector<3200x128xf32>
    %dot_general3A_5 = tpu.matmul %get3A_1, %get3A_4, %dot_general3A {dimension_numbers = #tpu.dot_dimension_numbers<[1], [1], [0], [0], [0, 0, 1, 0], [], []>, transpose_lhs_hint = false} : vector<3200x16xf32>, vector<128x16xf32>, vector<3200x128xf32> -> vector<3200x128xf32>
    %get3A_6 = arith.constant 0 : index
    %get3A_7 = arith.constant 0 : index
    %get3A_8 = vector.load %arg3[%get3A_6, %get3A_7] : memref<1x128xf32, #tpu.memory_space<vmem>>, vector<1x128xf32>
    %add3A = vector.broadcast %get3A_8 : vector<1x128xf32> to vector<3200x128xf32>
    %add3A_9 = arith.addf %dot_general3A_5, %add3A : vector<3200x128xf32>
    %swap3A = arith.constant 0 : index
    %swap3A_10 = arith.constant 0 : index
    %swap3A_11 = vector.load %arg4[%swap3A, %swap3A_10] : memref<3200x128xf32, #tpu.memory_space<vmem>>, vector<3200x128xf32>
    tpu.vector_store %arg4[%swap3A, %swap3A_10], %add3A_9 {strides = array<i32>} : memref<3200x128xf32, #tpu.memory_space<vmem>>, vector<3200x128xf32>,
    return
  }
  func.func @transform_0(%arg0: i32) -> (i32, i32) {
    %c0_i32 = arith.constant 0 : i32
    %c0_i32_0 = arith.constant 0 : i32
    return %arg0, %c0_i32 : i32, i32
  }
  func.func @transform_1(%arg0: i32) -> (i32, i32) {
    %c0_i32 = arith.constant 0 : i32
    %c0_i32_0 = arith.constant 0 : i32
    %c0_i32_1 = arith.constant 0 : i32
    return %c0_i32, %c0_i32_0 : i32, i32
  }
  func.func @transform_2(%arg0: i32) -> (i32, i32) {
    %c0_i32 = arith.constant 0 : i32
    %c0_i32_0 = arith.constant 0 : i32
    %c0_i32_1 = arith.constant 0 : i32
    return %c0_i32, %c0_i32_0 : i32, i32
  }
  func.func @transform_3(%arg0: i32) -> (i32, i32) {
    %c0_i32 = arith.constant 0 : i32
    %c0_i32_0 = arith.constant 0 : i32
    return %arg0, %c0_i32 : i32, i32
  }
}

module attributes {stable_mosaic.version = 14 : i64} {
  func.func @_node_body(%arg0: i32, %arg1: memref<1000x128xf32, #tpu.memory_space<vmem>>, %arg2: memref<2x1000x128xf32, #tpu.memory_space<vmem>>, %arg3: memref<1x1x1000xi32, #tpu.memory_space<vmem>>, %arg4: memref<8x64xf32, #tpu.memory_space<vmem>>, %arg5: memref<128x320xf32, #tpu.memory_space<vmem>>, %arg6: memref<1x128xf32, #tpu.memory_space<vmem>>, %arg7: memref<1000x128xf32, #tpu.memory_space<vmem>>) attributes {dimension_semantics = [#tpu.dimension_semantics<arbitrary>], iteration_bounds = array<i64: 10>, scalar_prefetch = 0 : i64, scratch_operands = 0 : i64, tpu.core_type = #tpu.core_type<tc>, window_params = [{transform_indices = @transform_0, window_bounds = array<i64: 1000, 128>}, {transform_indices = @transform_1, window_bounds = array<i64: 2, 1000, 128>}, {transform_indices = @transform_2, window_bounds = array<i64: 1, 1, 1000>}, {pipeline_mode = #tpu.pipeline_mode<synchronous>, transform_indices = @transform_3, window_bounds = array<i64: 8, 64>}, {pipeline_mode = #tpu.pipeline_mode<synchronous>, transform_indices = @transform_4, window_bounds = array<i64: 128, 320>}, {pipeline_mode = #tpu.pipeline_mode<synchronous>, transform_indices = @transform_5, window_bounds = array<i64: 1, 128>}, {transform_indices = @transform_6, window_bounds = array<i64: 1000, 128>}]} {
    %get3A = arith.constant 0 : index
    %get3A_0 = arith.constant 0 : index
    %get3A_1 = vector.load %arg5[%get3A, %get3A_0] : memref<128x320xf32, #tpu.memory_space<vmem>>, vector<128x320xf32>
    %get3A_2 = arith.constant 0 : index
    %get3A_3 = arith.constant 0 : index
    %get3A_4 = arith.constant 0 : index
    %get3A_5 = vector.load %arg2[%get3A_2, %get3A_3, %get3A_4] : memref<2x1000x128xf32, #tpu.memory_space<vmem>>, vector<2x1000x128xf32>
    %slice3A = vector.extract_strided_slice %get3A_5 {offsets = [0, 0, 0], sizes = [1, 1000, 128], strides = [1, 1, 1]} : vector<2x1000x128xf32> to vector<1x1000x128xf32>
    %squeeze3A = vector.shape_cast %slice3A : vector<1x1000x128xf32> to vector<1000x128xf32>
    %slice3A_6 = vector.extract_strided_slice %get3A_5 {offsets = [1, 0, 0], sizes = [1, 1000, 128], strides = [1, 1, 1]} : vector<2x1000x128xf32> to vector<1x1000x128xf32>
    %squeeze3A_7 = vector.shape_cast %slice3A_6 : vector<1x1000x128xf32> to vector<1000x128xf32>
    %add3A = arith.addf %squeeze3A, %squeeze3A_7 : vector<1000x128xf32>
    %get3A_8 = arith.constant 0 : index
    %get3A_9 = arith.constant 0 : index
    %get3A_10 = vector.load %arg1[%get3A_8, %get3A_9] : memref<1000x128xf32, #tpu.memory_space<vmem>>, vector<1000x128xf32>
    %slice3A_11 = vector.extract_strided_slice %get3A_1 {offsets = [0, 0], sizes = [128, 128], strides = [1, 1]} : vector<128x320xf32> to vector<128x128xf32>
    %dot_general3A = arith.constant dense<0.000000e+00> : vector<1000x128xf32>
    %dot_general3A_12 = tpu.matmul %get3A_10, %slice3A_11, %dot_general3A {dimension_numbers = #tpu.dot_dimension_numbers<[1], [1], [0], [0], [0, 0, 1, 0], [], []>, transpose_lhs_hint = false} : vector<1000x128xf32>, vector<128x128xf32>, vector<1000x128xf32> -> vector<1000x128xf32>
    %slice3A_13 = vector.extract_strided_slice %get3A_1 {offsets = [0, 128], sizes = [128, 128], strides = [1, 1]} : vector<128x320xf32> to vector<128x128xf32>
    %dot_general3A_14 = arith.constant dense<0.000000e+00> : vector<1000x128xf32>
    %dot_general3A_15 = tpu.matmul %add3A, %slice3A_13, %dot_general3A_14 {dimension_numbers = #tpu.dot_dimension_numbers<[1], [1], [0], [0], [0, 0, 1, 0], [], []>, transpose_lhs_hint = false} : vector<1000x128xf32>, vector<128x128xf32>, vector<1000x128xf32> -> vector<1000x128xf32>
    %add3A_16 = arith.addf %dot_general3A_12, %dot_general3A_15 : vector<1000x128xf32>
    %get3A_17 = arith.constant 0 : index
    %get3A_18 = arith.constant 0 : index
    %get3A_19 = vector.load %arg4[%get3A_17, %get3A_18] : memref<8x64xf32, #tpu.memory_space<vmem>>, vector<8x64xf32>
    %slice3A_20 = vector.extract_strided_slice %get3A_1 {offsets = [0, 256], sizes = [128, 64], strides = [1, 1]} : vector<128x320xf32> to vector<128x64xf32>
    %dot_general3A_21 = arith.constant dense<0.000000e+00> : vector<8x128xf32>
    %dot_general3A_22 = tpu.matmul %get3A_19, %slice3A_20, %dot_general3A_21 {dimension_numbers = #tpu.dot_dimension_numbers<[1], [1], [0], [0], [0, 0, 1, 0], [], []>, transpose_lhs_hint = false} : vector<8x64xf32>, vector<128x64xf32>, vector<8x128xf32> -> vector<8x128xf32>
    %get3A_23 = arith.constant 0 : index
    %get3A_24 = arith.constant 0 : index
    %get3A_25 = arith.constant 0 : index
    %get3A_26 = vector.load %arg3[%get3A_23, %get3A_24, %get3A_25] : memref<1x1x1000xi32, #tpu.memory_space<vmem>>, vector<1x1x1000xi32>
    %reshape3A = vector.shape_cast %get3A_26 : vector<1x1x1000xi32> to vector<1000xi32>
    %broadcast_in_dim3A = vector.shape_cast %reshape3A : vector<1000xi32> to vector<1000x1xi32>
    %iota3A = tpu.iota {dimensions = array<i32: 1>} : vector<1000x8xi32>
    %eq3A = vector.broadcast %broadcast_in_dim3A : vector<1000x1xi32> to vector<1000x8xi32>
    %eq3A_27 = arith.cmpi eq, %eq3A, %iota3A : vector<1000x8xi32>
    %convert_element_type3A = arith.extui %eq3A_27 : vector<1000x8xi1> to vector<1000x8xi32>
    %convert_element_type3A_28 = arith.sitofp %convert_element_type3A : vector<1000x8xi32> to vector<1000x8xf32>
    %dot_general3A_29 = arith.constant dense<0.000000e+00> : vector<1000x128xf32>
    %dot_general3A_30 = tpu.matmul %convert_element_type3A_28, %dot_general3A_22, %dot_general3A_29 {dimension_numbers = #tpu.dot_dimension_numbers<[1], [0], [0], [1], [0, 0, 1, 1], [], []>, transpose_lhs_hint = false} : vector<1000x8xf32>, vector<8x128xf32>, vector<1000x128xf32> -> vector<1000x128xf32>
    %add3A_31 = arith.addf %add3A_16, %dot_general3A_30 : vector<1000x128xf32>
    %get3A_32 = arith.constant 0 : index
    %get3A_33 = arith.constant 0 : index
    %get3A_34 = vector.load %arg6[%get3A_32, %get3A_33] : memref<1x128xf32, #tpu.memory_space<vmem>>, vector<1x128xf32>
    %add3A_35 = vector.broadcast %get3A_34 : vector<1x128xf32> to vector<1000x128xf32>
    %add3A_36 = arith.addf %add3A_31, %add3A_35 : vector<1000x128xf32>
    %max3A = arith.constant 0.000000e+00 : f32
    %max3A_37 = vector.broadcast %max3A : f32 to vector<1000x128xf32>
    %max3A_38 = arith.maximumf %add3A_36, %max3A_37 : vector<1000x128xf32>
    %swap3A = arith.constant 0 : index
    %swap3A_39 = arith.constant 0 : index
    %swap3A_40 = vector.load %arg7[%swap3A, %swap3A_39] : memref<1000x128xf32, #tpu.memory_space<vmem>>, vector<1000x128xf32>
    tpu.vector_store %arg7[%swap3A, %swap3A_39], %max3A_38 {strides = array<i32>} : memref<1000x128xf32, #tpu.memory_space<vmem>>, vector<1000x128xf32>,
    return
  }
  func.func @transform_0(%arg0: i32) -> (i32, i32) {
    %c0_i32 = arith.constant 0 : i32
    %c0_i32_0 = arith.constant 0 : i32
    return %arg0, %c0_i32 : i32, i32
  }
  func.func @transform_1(%arg0: i32) -> (i32, i32, i32) {
    %c0_i32 = arith.constant 0 : i32
    %c0_i32_0 = arith.constant 0 : i32
    %c0_i32_1 = arith.constant 0 : i32
    return %c0_i32, %arg0, %c0_i32_0 : i32, i32, i32
  }
  func.func @transform_2(%arg0: i32) -> (i32, i32, i32) {
    %c0_i32 = arith.constant 0 : i32
    %c0_i32_0 = arith.constant 0 : i32
    %c0_i32_1 = arith.constant 0 : i32
    return %arg0, %c0_i32, %c0_i32_0 : i32, i32, i32
  }
  func.func @transform_3(%arg0: i32) -> (i32, i32) {
    %c0_i32 = arith.constant 0 : i32
    %c0_i32_0 = arith.constant 0 : i32
    %c0_i32_1 = arith.constant 0 : i32
    return %c0_i32, %c0_i32_0 : i32, i32
  }
  func.func @transform_4(%arg0: i32) -> (i32, i32) {
    %c0_i32 = arith.constant 0 : i32
    %c0_i32_0 = arith.constant 0 : i32
    %c0_i32_1 = arith.constant 0 : i32
    return %c0_i32, %c0_i32_0 : i32, i32
  }
  func.func @transform_5(%arg0: i32) -> (i32, i32) {
    %c0_i32 = arith.constant 0 : i32
    %c0_i32_0 = arith.constant 0 : i32
    %c0_i32_1 = arith.constant 0 : i32
    return %c0_i32, %c0_i32_0 : i32, i32
  }
  func.func @transform_6(%arg0: i32) -> (i32, i32) {
    %c0_i32 = arith.constant 0 : i32
    %c0_i32_0 = arith.constant 0 : i32
    return %arg0, %c0_i32 : i32, i32
  }
}

</mosaic_0001>

<sc_bundles>
// kernel: kernel.6.cloned.1.call-start
scs
__scs_entry_jumppad:
0x0: {  	(pc) =	sbr.rel $0x88, $3  }
0x1: {  	(tag) =	ssettag $0x0;
	lr =	simm.s32 $0x1  }
0x2: {  	[smem:$0x3F98] =	sst lr;
	_ =	strace $0xD0000000  }
0x3: {  	_ = 	snop  }
0x4: {  	_ = 	snop  }
0x5: {  	_ = 	snop  }
0x6: {  	_ = 	snop  }
0x7: {  	_ = 	snop  }
__scs_overlays_trampoline_lowered:
0x8: {  	[smem:$0x3FA7] =	sst s0  }
0x9: {  	[smem:$0x3FA8] =	sst s1  }
0xa: {  	[smem:$0x3FA9] =	sst s2  }
0xb: {  	[smem:$0x3FAA] =	sst s3  }
0xc: {  	[smem:$0x3FAB] =	sst s4  }
0xd: {  	[smem:$0x3FAC] =	sst s5  }
0xe: {  	[smem:$0x3FAD] =	sst s6  }
0xf: {  	[smem:$0x3FAE] =	sst s7  }
0x10: {  	[smem:$0x3FAF] =	sst s8  }
0x11: {  	[smem:$0x3FB0] =	sst s9;
	s0 =	simm.s32 @!p0 $0x0  }
0x12: {  	s1 =	sld [smem:$0x3F96];
	s0 =	simm.s32 @p0 $0x1  }
0x13: {  	[smem:$0x3FB1] =	sst s0;
	s0 =	simm.s32 @!p1 $0x0  }
0x14: {  	s2 =	sld [smem:$0x3F95];
	s0 =	simm.s32 @p1 $0x1  }
0x15: {  	[smem:$0x3FB2] =	sst s0;
	s0 =	simm.s32 @!p2 $0x0  }
0x16: {  	s3 =	sld [smem:$0x3FDB];
	s0 =	simm.s32 @p2 $0x1  }
0x17: {  	s4 =	simm.s32 $0x1BF5;
	[smem:$0x3FB4] =	sst s0  }
0x18: {  	s0 =	sld [smem:$0x3F97];
	_ =	swait.ge [sflag:s4], $0x0  }
0x19: {  	s7 =	sld [smem:$0x3F98]  }
0x1a: {  	s8 =	sadd.s32 $0xFFFFE003, lr  }
0x1b: {  	s9 =	sadd.s32 $0xFFFFFEF7, lr;
	s5 =	simm.s32 $0xFFFFFFFF;
	p2 =	slt.u32 s8, $0xFFFFF086  }
0x1c: {  	p1 =	slt.u32 s9, $0xF7A;
	s5 =	simm.s32 @!p2 $0x0  }
0x1d: {  	s5 =	simm.s32 @p1 $0x1;
	p0 =	seq.s32 s7, s2  }
0x1e: {  	s7 =	smul.u32 @!p0 $0xF7A, s2;
	p2 =	seq.s32 @!p0 s5, $0x0  }
0x1f: {  	s9 =	smul.u32 $0xF7A, s1;
	s8 =	simm.s32 @!p0 $0x1BF5;
	p2 =	por !p2, p0  }
0x20: {  	[sflag:s8] =	ssyncset.s32 @!p0 $0xFFFFF086;
	s6 =	sadd.s32 @!p0 s3, s7;
	s7 =	simm.s32 @!p0 $0x108  }
0x21: {  	s3 =	sadd.s32 s3, s9;
	s6 =	sadd.s32 @!p0 $0x88, s6;
	s7 =	simm.s32 @p2 $0x1082  }
0x22: {  	[simem:s7], [sflag:s8] =	dma.local @!p0 [hbm:s6], $0xF7A  }
0x23: {  	s9 =	sor.u32 $0xD0000000, s2;
	s6 =	simm.s32 $0x108;
	_ =	swait.ge @!p0 [sflag:s8], $0x0  }
0x24: {  	s3 =	sadd.s32 $0x88, s3;
	s6 =	simm.s32 @!p1 $0x1082;
	[sflag:s4] =	ssyncset.s32 $0xFFFFF086  }
0x25: {  	[simem:s6], [sflag:s4] =	dma.local [hbm:s3], $0xF7A  }
0x26: {  	[smem:$0x3F98] =	sst s1;
	(tag) =	ssettag s2;
	_ =	strace s9  }
0x27: {  	s1 =	sld [smem:$0x3FA8]  }
0x28: {  	s2 =	sld [smem:$0x3FA9]  }
0x29: {  	s4 =	sld [smem:$0x3FAB]  }
0x2a: {  	p0 =	seq.s32 s5, $0x0;
	s5 =	sld [smem:$0x3FAC]  }
0x2b: {  	s6 =	sld [smem:$0x3FAD]  }
0x2c: {  	s7 =	sld [smem:$0x3FAE]  }
0x2d: {  	s3 =	simm.s32 $0x108;
	s8 =	sld [smem:$0x3FAF]  }
0x2e: {  	s3 =	simm.s32 @!p0 $0x1082;
	s9 =	sld [smem:$0x3FB0]  }
0x2f: {  	lr =	sadd.s32 s0, s3;
	s0 =	sld [smem:$0x3FA7]  }
0x30: {  	s3 =	sld [smem:$0x3FAA]  }
0x31: {  	[smem:$0x3FB3] =	sst s10  }
0x32: {  	s10 =	sld [smem:$0x3FB1];
	_ =	sdelay $0x3  }
0x33: {  	p0 =	seq.s32 s10, $0x1;
	s10 =	sld [smem:$0x3FB3];
	_ =	sdelay $0x3  }
0x34: {  	[smem:$0x3FB3] =	sst s10  }
0x35: {  	s10 =	sld [smem:$0x3FB2];
	_ =	sdelay $0x3  }
0x36: {  	p1 =	seq.s32 s10, $0x1;
	s10 =	sld [smem:$0x3FB3];
	_ =	sdelay $0x3  }
0x37: {  	[smem:$0x3FB3] =	sst s10  }
0x38: {  	s10 =	sld [smem:$0x3FB4]  }
0x39: {  	_ = 	snop;
	(pc) =	sbr.ind lr, $3  }
0x3a: {  	_ = 	snop  }
0x3b: {  	_ = 	snop  }
0x3c: {  	p2 =	seq.s32 s10, $0x1;
	s10 =	sld [smem:$0x3FB3]  }
0x3d: {  	_ =	shalt  }
0x3e: {  	_ =	shalt  }
0x3f: {  	_ =	shalt  }
0x40: {  	_ =	shalt  }
0x41: {  	_ =	shalt  }
0x42: {  	_ =	shalt  }
0x43: {  	_ =	shalt  }
0x44: {  	_ =	shalt  }
0x45: {  	_ =	shalt  }
0x46: {  	_ =	shalt  }
0x47: {  	_ =	shalt  }
0x48: {  	_ =	shalt  }
0x49: {  	_ =	shalt  }
0x4a: {  	_ =	shalt  }
0x4b: {  	_ =	shalt  }
0x4c: {  	_ =	shalt  }
0x4d: {  	_ =	shalt  }
0x4e: {  	_ =	shalt  }
0x4f: {  	_ =	shalt  }
0x50: {  	_ =	shalt  }
0x51: {  	_ =	shalt  }
0x52: {  	_ =	shalt  }
0x53: {  	_ =	shalt  }
0x54: {  	_ =	shalt  }
0x55: {  	_ =	shalt  }
0x56: {  	_ =	shalt  }
0x57: {  	_ =	shalt  }
0x58: {  	_ =	shalt  }
0x59: {  	_ =	shalt  }
0x5a: {  	_ =	shalt  }
0x5b: {  	_ =	shalt  }
0x5c: {  	_ =	shalt  }
0x5d: {  	_ =	shalt  }
0x5e: {  	_ =	shalt  }
0x5f: {  	_ =	shalt  }
0x60: {  	_ =	shalt  }
0x61: {  	_ =	shalt  }
0x62: {  	_ =	shalt  }
0x63: {  	_ =	shalt  }
0x64: {  	_ =	shalt  }
0x65: {  	_ =	shalt  }
0x66: {  	_ =	shalt  }
0x67: {  	_ =	shalt  }
0x68: {  	_ =	shalt  }
0x69: {  	_ =	shalt  }
0x6a: {  	_ =	shalt  }
0x6b: {  	_ =	shalt  }
0x6c: {  	_ =	shalt  }
0x6d: {  	_ =	shalt  }
0x6e: {  	_ =	shalt  }
0x6f: {  	_ =	shalt  }
0x70: {  	_ =	shalt  }
0x71: {  	_ =	shalt  }
0x72: {  	_ =	shalt  }
0x73: {  	_ =	shalt  }
0x74: {  	_ =	shalt  }
0x75: {  	_ =	shalt  }
0x76: {  	_ =	shalt  }
0x77: {  	_ =	shalt  }
0x78: {  	_ =	shalt  }
0x79: {  	_ =	shalt  }
0x7a: {  	_ =	shalt  }
0x7b: {  	_ =	shalt  }
0x7c: {  	_ =	shalt  }
0x7d: {  	_ =	shalt  }
0x7e: {  	_ =	shalt  }
0x7f: {  	_ =	shalt  }
0x80: {  	_ =	shalt  }
0x81: {  	_ =	shalt  }
0x82: {  	_ =	shalt  }
0x83: {  	_ =	shalt  }
0x84: {  	_ =	shalt  }
0x85: {  	_ =	shalt  }
0x86: {  	_ =	shalt  }
0x87: {  	_ =	shalt  }
.Lfunc_end0:
.L_simem_size_0:
called_computation_lowered:
.L_overlay_start_0:
0x88: {  	s2 =	sld [smem:$0x3FD9]  }
0x89: {  	s3 =	sld [smem:$0x3FFE];
	_ =	sdelay $0x1  }
0x8a: {  	s1 =	srdreg.scid  }
0x8b: {  	s0 =	sand.u32 $0x1, s1  }
0x8c: {  	s17 =	sshll.u32 s0, $0xA;
	s2 =	sadd.s32 s3, s2  }
0x8d: {  	s2 =	sadd.s32 s2, s17  }
0x8e: {  	[smem:$0x3FBF] =	sst s2  }
0x8f: {  	_ = 	snop  }
0x90: {  	s2 =	sld [smem:$0x3FD0];
	(tm) =	ssettm $0x1  }
0x91: {  	s18 =	sld [smem:$0x3FFB];
	_ =	sdelay $0x3  }
0x92: {  	_ =	strace s18  }
0x93: {  	s3 =	sld [smem:$0x3FFC];
	_ =	sdelay $0x3  }
0x94: {  	_ =	strace s3  }
0x95: {  	s3 =	sld [smem:$0x3FFD];
	_ =	sdelay $0x3  }
0x96: {  	_ =	strace s3  }
0x97: {  	_ =	strace $0x8FFFFFFF  }
0x98: {  	s19 =	sld [smem:$0x3FDB];
	_ =	sdelay $0x1  }
0x99: {  	s4 =	simm.s32 $_scs_section_size  }
0x9a: {  	s5 =	simm.s32 $_size__tile_overlayer_lowered;
	s6 =	simm.s32 $_tile_overlayer_lowered  }
0x9b: {  	s22 =	simm.s32 $0x1BFF;
	s21 =	sshll.u32 s6, $0x1;
	s3 =	sadd.s32 s4, s19  }
0x9c: {  	s7 =	simm.s32 $0x0;
	s20 =	sshll.u32 s5, $0x1;
	s5 =	sadd.s32 s21, s3  }
0x9d: {  	[timem:s7], [sflag:s22] =	dma.local [hbm:s5], s20  }
0x9e: {  	_ =	swait.ge [sflag:s22], s20  }
0x9f: {  	s4 =	ssub.s32 $0x0, s20;
	[sflag:s22] =	ssyncset.done $0x0  }
0xa0: {  	[sflag:s22] =	ssyncadd.s32 s4;
	_ =	sdelay $0x1  }
0xa1: {  	s23 =	simm.s32 $0x1B8B  }
0xa2: {  	_ =	swait.ge [sflag:s23], $0x1  }
0xa3: {  	[sflag:s23] =	ssyncset.done $0x0  }
0xa4: {  	s25 =	simm.s32 $0x1B8E;
	s24 =	sld [smem:$0x3FFE];
	[sflag:s23] =	ssyncadd.s32 $0xFFFFFFFF  }
0xa5: {  	s26 =	simm.s32 $execute0_lowered;
	[smem:$0x3FD2] =	sst s25  }
0xa6: {  	s5 =	sshll.u32 s26, $0x1;
	_ =	strace $0x80000046;
	[dreg:$0x1] =	wrdreg $0xFFFFFFFF  }
0xa7: {  	s28 =	simm.s32 $_size_execute0_lowered;
	s3 =	sadd.s32 s3, s5;
	[dreg:$0x0] =	wrdreg $0x0  }
0xa8: {  	s5 =	sshll.u32 s28, $0x1;
	[dreg:$0x2] =	wrdreg s3  }
0xa9: {  	[dreg:$0x3] =	wrdreg s5  }
0xaa: {  	[dreg:$0x4] =	wrdreg $0xC0  }
0xab: {  	_ =	task [dreg:s7], $0x5FFFF  }
0xac: {  	[dreg:$0x1] =	wrdreg $0xFFFFFFFF  }
0xad: {  	[dreg:$0x0] =	wrdreg $0x60  }
0xae: {  	[dreg:$0x2] =	wrdreg s24  }
0xaf: {  	[dreg:$0x3] =	wrdreg s2  }
0xb0: {  	[dreg:$0x4] =	wrdreg $0xB8800  }
0xb1: {  	[dreg:$0x5] =	wrdreg $0x9  }
0xb2: {  	_ =	task.clear_ibuf [dreg:s7], $0x6FFFF;
	_ =	strace $0x90000046  }
0xb3: {  	s29 =	simm.s32 $0x9;
	_ =	strace $0x80000048  }
0xb4: {  	_ =	swait.ge [sflag:s29], $0x1  }
0xb5: {  	[sflag:s29] =	ssyncadd.s32 $0xFFFFFFFF  }
0xb6: {  	_ =	strace $0x90000048  }
0xb7: {  	_ =	sfence  }
0xb8: {  	s30 =	sld [smem:$0x0];
	_ =	sdelay $0x2  }
0xb9: {  	s31 =	sshll.u32 s1, $0xD;
	s1 =	sshrl.u32 s1, $0x2  }
0xba: {  	s3 =	sand.u32 $0x4000, s31;
	s1 =	sadd.s32 s1, s30  }
0xbb: {  	s0 =	sor.u32 s3, s0;
	s1 =	sshll.u32 s1, $0x11  }
0xbc: {  	s0 =	sor.u32 s1, s0  }
0xbd: {  	s0 =	sadd.s32 $0x8F2B, s0  }
0xbe: {  	[sflag:s0] =	ssyncadd.remote.s32 $0x1  }
0xbf: {  	_ =	sfence.sel $0xFFFF  }
0xc0: {  	[dreg:$0x0] =	wrdreg $0xFFFFFFFF;
	(pc) =	sbr.abs _section_cstart, $3  }
0xc1: {  	[dreg:$0x1] =	wrdreg $0xFFFFFFFF  }
0xc2: {  	_ =	task.clear_ibuf [dreg:s7], $0x2FFFF;
	_ =	strace $0x9FFFFFFF  }
0xc3: {  	(tm) =	ssettm $0x7FFFFFFF  }
tec
execute0_lowered:
.L_overlay_start_1:
0x0: {  	(tag) =	ssettag $0x1  }
0x1: {  	s0 =	rddreg [dreg:$0x0]  }
0x2: {  	s1 =	rddreg [dreg:$0x1]  }
0x3: {  	s2 =	rddreg [dreg:$0x2]  }
0x4: {  	s4 =	simm.s32 $0x0;
	s3 =	srdreg.scid;
	s16 =	stileid.u32  }
0x5: {  	[smem:$0x7FF] =	sst s4;
	s3 =	sand.u32 $0x1, s3;
	s8 =	smul.u32 $0x13C00, s16  }
0x6: {  	s5 =	sadd.s32 $0xBA00, s0;
	s6 =	sadd.s32 $0x1C00, s0;
	s21 =	smul.u32 $0x4F000, s16  }
0x7: {  	s10 =	sadd.s32 $0x15800, s0;
	s23 =	sshll.u32 s16, $0x6;
	s20 =	smul.u32 $0x13C000, s3  }
0x8: {  	_ =	strace $0x80000047;
	s7 =	sshll.u32 s3, $0x4;
	[dreg:$0x4] =	wrdreg s10  }
0x9: {  	s3 =	ssub.s32 $0x2, s3;
	s9 =	sor.u32 s16, s7;
	s7 =	sadd.s32 $0x4F7800, s0  }
0xa: {  	s13 =	sshrl.u32 s3, $0x1;
	s4 =	sadd.s32 s8, s20;
	s8 =	smul.u32 $0xFA, s9  }
0xb: {  	s10 =	sshrl.u32 s21, $0x2;
	s16 =	sor.u32 $0x1C13, s23;
	s11 =	smul.u32 $0x4E2, s9  }
0xc: {  	s3 =	ssub.s32 s3, s13;
	s10 =	sadd.s32 s10, s2;
	[dreg:$0x6] =	wrdreg s16  }
0xd: {  	s9 =	smul.u32 $0x27100, s9;
	[dreg:$0x5] =	wrdreg s10;
	s21 =	sadd.s32 $0x6, s8  }
0xe: {  	s4 =	sshrl.u32 s4, $0x3;
	s23 =	sadd.s32 $0x8, s8;
	[dreg:$0x14] =	wrdreg s21  }
0xf: {  	s9 =	sadd.s32 s7, s9;
	s17 =	sadd.s32 $0x14, s11;
	[dreg:$0x16] =	wrdreg s23  }
0x10: {  	s19 =	sadd.s32 $0x19, s11;
	s18 =	sadd.s32 s5, s17;
	[dreg:$0xb] =	wrdreg s9  }
0x11: {  	s0 =	sadd.s32 s4, s0;
	s20 =	sadd.s32 s5, s19;
	[dreg:$0x10] =	wrdreg s18  }
0x12: {  	s12 =	sor.u32 $0x1, s8;
	s0 =	sadd.s32 $0x18000, s0;
	[dreg:$0x12] =	wrdreg s20  }
0x13: {  	s14 =	smul.u32 $0x5, s12;
	s21 =	smax.u32 s3, $0x1;
	[smem:$0x7F5] =	sst s0  }
0x14: {  	s15 =	sadd.s32 $0x2, s8;
	s23 =	sadd.s32 $0xA00, s9;
	[smem:$0x7F6] =	sst s21  }
0x15: {  	s22 =	smul.u32 $0x5, s15;
	[smem:$0x7F8] =	sst s23;
	s25 =	sadd.s32 s5, s14  }
0x16: {  	s26 =	sadd.s32 s6, s14;
	[dreg:$0x7] =	wrdreg s25  }
0x17: {  	s24 =	smul.u32 $0x280, s12;
	s31 =	sadd.s32 s5, s22;
	[dreg:$0x8] =	wrdreg s26  }
0x18: {  	s30 =	smul.u32 $0x280, s15;
	s4 =	sadd.s32 s6, s22;
	[dreg:$0x9] =	wrdreg s31  }
0x19: {  	s10 =	sadd.s32 s7, s24;
	[dreg:$0xa] =	wrdreg s4  }
0x1a: {  	s13 =	sadd.s32 s7, s30;
	[dreg:$0xc] =	wrdreg s10  }
0x1b: {  	s28 =	simm.s32 $0x3;
	s22 =	sadd.s32 $0x7, s8;
	[dreg:$0xd] =	wrdreg s13  }
0x1c: {  	s14 =	sadd.s32 $0xF, s11;
	s24 =	sadd.s32 $0x9, s8;
	[dreg:$0x15] =	wrdreg s22  }
0x1d: {  	s29 =	simm.s32 $0x7;
	s15 =	sadd.s32 s5, s14;
	[dreg:$0x17] =	wrdreg s24  }
0x1e: {  	s3 =	simm.s32 $0x2;
	s4 =	sadd.s32 s6, s14;
	[dreg:$0xe] =	wrdreg s15  }
0x1f: {  	s23 =	simm.s32 $0x1;
	s25 =	sadd.s32 $0xA, s8;
	[dreg:$0xf] =	wrdreg s4  }
0x20: {  	s30 =	sadd.s32 $0x4CE, s11;
	s26 =	sadd.s32 $0xB, s8;
	[dreg:$0x18] =	wrdreg s25  }
0x21: {  	s21 =	simm.s32 $0x9;
	s31 =	sadd.s32 s5, s30;
	[dreg:$0x19] =	wrdreg s26  }
0x22: {  	s10 =	sadd.s32 $0x4D3, s11;
	s13 =	sadd.s32 s5, s11;
	[dreg:$0x1a] =	wrdreg s31  }
0x23: {  	s14 =	sadd.s32 s6, s11;
	s22 =	sadd.s32 $0x780, s9;
	[dreg:$0x1e] =	wrdreg s13  }
0x24: {  	s24 =	sadd.s32 $0xC80, s9;
	s8 =	simm.s32 $0xB400;
	[dreg:$0x1f] =	wrdreg s14  }
0x25: {  	s4 =	sadd.s32 s6, s17;
	s12 =	sadd.s32 s5, s10;
	[smem:$0x7F7] =	sst s22  }
0x26: {  	s15 =	sadd.s32 $0x4D8, s11;
	s17 =	sadd.s32 $0x4DD, s11;
	[smem:$0x7F9] =	sst s24  }
0x27: {  	s25 =	sadd.s32 $0x26700, s9;
	s26 =	sadd.s32 $0x26980, s9;
	[dreg:$0x11] =	wrdreg s4  }
0x28: {  	s31 =	sadd.s32 $0x26E80, s9;
	s11 =	simm.s32 $0xB480;
	[dreg:$0x1c] =	wrdreg s12  }
0x29: {  	s13 =	simm.s32 $0xB500;
	s22 =	simm.s32 $0x4;
	[smem:$0x7FA] =	sst s25  }
0x2a: {  	s14 =	simm.s32 $0x0;
	s4 =	sadd.s32 s6, s19;
	[smem:$0x7FB] =	sst s26  }
0x2b: {  	s18 =	sadd.s32 s5, s15;
	s19 =	sadd.s32 s5, s17;
	[smem:$0x7FD] =	sst s31  }
0x2c: {  	s20 =	sadd.s32 s6, s17;
	s17 =	simm.s32 $0x28;
	[dreg:$0x13] =	wrdreg s4  }
0x2d: {  	s25 =	simm.s32 $0xB;
	s26 =	simm.s32 $0x6;
	[smem:$0x7F1] =	sst s18  }
0x2e: {  	s12 =	simm.s32 $0xF;
	s4 =	sadd.s32 s6, s30;
	[smem:$0x7F3] =	sst s19  }
0x2f: {  	[smem:$0x7F4] =	sst s20;
	s30 =	sadd.s32 $0x26C00, s9;
	s20 =	simm.s32 $0x13  }
0x30: {  	s9 =	simm.s32 $0xB700;
	s18 =	simm.s32 $0x10;
	[dreg:$0x1b] =	wrdreg s4  }
0x31: {  	s19 =	simm.s32 $0x8;
	s4 =	sadd.s32 s6, s10;
	[smem:$0x7FC] =	sst s30  }
0x32: {  	s10 =	simm.s32 $0x5;
	[dreg:$0x1d] =	wrdreg s4;
	s4 =	sadd.s32 s6, s15  }
0x33: {  	s15 =	simm.s32 $0xA;
	[smem:$0x7F2] =	sst s4;
	s4 =	simm.s32 $0xC  }
.LBB2_1:
0x34: {  	[smem:$0x7EF] =	sst s14  }
0x35: {  	s0 =	rddreg [dreg:$0x5]  }
0x36: {  	s31 =	rddreg [dreg:$0x4];
	s30 =	sshrl.u32 s0, $0x3  }
0x37: {  	[smem:$0x7F0] =	sst s30  }
0x38: {  	[spmem:s30], [sflag:s16] =	dma.local [hbm:s31], $0x2780  }
0x39: {  	_ =	swait.ge [sflag:s20], $0x2780  }
0x3a: {  	[sflag:s20] =	ssyncset.done $0x0  }
0x3b: {  	[sflag:s20] =	ssyncadd.s32 $0xFFFFD880  }
0x3c: {  	[bflag:$0x0] =	sbarrier.arrive $0xFFFF  }
0x3d: {  	s0 =	simm.s32 $0x0;
	s24 =	rddreg [dreg:$0x1e]  }
0x3e: {  	[tilespmem:s8], [sflag:$0x13] =	stream.linear.gather [hbm4b:s24+s0], $0x28, $0x38;
	[tilespmem:$0x1F480] =	vst v63  }
0x3f: {  	_ =	swait.ge [sflag:s20], $0x28  }
0x40: {  	[sflag:s20] =	ssyncset.done $0x0  }
0x41: {  	s31 =	simm.s32 $0xB580;
	s30 =	rddreg [dreg:$0x1f];
	[sflag:s20] =	ssyncadd.s32 $0xFFFFFFD8  }
0x42: {  	[tilespmem:s31], [sflag:$0x13] =	stream.linear.gather [hbm4b:s30+s0], $0x28, $0x38;
	[tilespmem:$0x1F480] =	vst v63  }
0x43: {  	_ =	swait.ge [sflag:s20], $0x28  }
0x44: {  	[sflag:s20] =	ssyncset.done $0x0  }
0x45: {  	s24 =	rddreg [dreg:$0x7];
	[sflag:s20] =	ssyncadd.s32 $0xFFFFFFD8  }
0x46: {  	[tilespmem:s11], [sflag:$0x13] =	stream.linear.gather [hbm4b:s24+s0], $0x28, $0x38;
	[tilespmem:$0x1F480] =	vst v63  }
0x47: {  	_ =	swait.ge [sflag:s20], $0x28  }
0x48: {  	[sflag:s20] =	ssyncset.done $0x0  }
0x49: {  	s31 =	simm.s32 $0xB600;
	s30 =	rddreg [dreg:$0x8];
	[sflag:s20] =	ssyncadd.s32 $0xFFFFFFD8  }
0x4a: {  	[tilespmem:s31], [sflag:$0x13] =	stream.linear.gather [hbm4b:s30+s0], $0x28, $0x38;
	[tilespmem:$0x1F480] =	vst v63  }
0x4b: {  	_ =	swait.ge [sflag:s20], $0x28  }
0x4c: {  	[sflag:s20] =	ssyncset.done $0x0  }
0x4d: {  	s24 =	rddreg [dreg:$0x9];
	[sflag:s20] =	ssyncadd.s32 $0xFFFFFFD8  }
0x4e: {  	[tilespmem:s13], [sflag:$0x13] =	stream.linear.gather [hbm4b:s24+s0], $0x28, $0x38;
	[tilespmem:$0x1F480] =	vst v63  }
0x4f: {  	_ =	swait.ge [sflag:s20], $0x28  }
0x50: {  	[sflag:s20] =	ssyncset.done $0x0  }
0x51: {  	s31 =	simm.s32 $0xB680;
	s30 =	rddreg [dreg:$0xa];
	[sflag:s20] =	ssyncadd.s32 $0xFFFFFFD8  }
0x52: {  	[tilespmem:s31], [sflag:$0x13] =	stream.linear.gather [hbm4b:s30+s0], $0x28, $0x38;
	[tilespmem:$0x1F480] =	vst v63  }
0x53: {  	_ =	swait.ge [sflag:s20], $0x28  }
0x54: {  	[sflag:s20] =	ssyncset.done $0x0  }
0x55: {  	s16 =	rddreg [dreg:$0xb];
	[sflag:s20] =	ssyncadd.s32 $0xFFFFFFD8;
	s20 =	simm.s32 $0x3C00  }
0x56: {  	[tilespmem:s20], [sflag:$0x4] =	stream.linear.gather [hbm4b:s16+s0], $0x1400, $0x38;
	[tilespmem:$0x1F480] =	vst v63  }
0x57: {  	_ = 	snop  }
0x58: {  	[tilespmem:s0], [sflag:$0x1] =	stream.indirect.gather [hbm4b:s1+s17], $0x80, s8, s17, $0xb8;
	[tilespmem:$0x1F480] =	vst v63  }
0x59: {  	s30 =	simm.s32 $0x5000;
	s24 =	rddreg [dreg:$0xc]  }
0x5a: {  	[tilespmem:s30], [sflag:$0x5] =	stream.linear.gather [hbm4b:s24+s0], $0x1400, $0x38;
	[tilespmem:$0x1F480] =	vst v63  }
0x5b: {  	s31 =	simm.s32 $0x1400  }
0x5c: {  	[tilespmem:s31], [sflag:$0x2] =	stream.indirect.gather [hbm4b:s1+s17], $0x80, s11, s17, $0xb8;
	[tilespmem:$0x1F480] =	vst v63  }
0x5d: {  	s16 =	rddreg [dreg:$0xd];
	s20 =	simm.s32 $0x6400  }
0x5e: {  	[tilespmem:s20], [sflag:$0x6] =	stream.linear.gather [hbm4b:s16+s0], $0x1400, $0x38;
	[tilespmem:$0x1F480] =	vst v63  }
0x5f: {  	s24 =	simm.s32 $0x2800  }
0x60: {  	[tilespmem:s24], [sflag:$0x3] =	stream.indirect.gather [hbm4b:s1+s17], $0x80, s13, s17, $0xb8;
	[tilespmem:$0x1F480] =	vst v63  }
0x61: {  	_ =	swait.ge [sflag:s22], $0x1400  }
0x62: {  	[sflag:s22] =	ssyncset.done $0x0  }
0x63: {  	[sflag:s22] =	ssyncadd.s32 $0xFFFFEC00  }
0x64: {  	_ =	swait.ge [sflag:s23], $0x1400  }
0x65: {  	[sflag:s23] =	ssyncset.done $0x0  }
0x66: {  	s30 =	rddreg [dreg:$0xe];
	[sflag:s23] =	ssyncadd.s32 $0xFFFFEC00  }
0x67: {  	[tilespmem:s8], [sflag:$0xA] =	stream.linear.gather [hbm4b:s30+s0], $0x28, $0x38;
	[tilespmem:$0x1F480] =	vst v63  }
0x68: {  	s31 =	rddreg [dreg:$0xf]  }
0x69: {  	[tilespmem:s9], [sflag:$0x10] =	stream.linear.gather [hbm4b:s31+s0], $0x28, $0x38;
	[tilespmem:$0x1F480] =	vst v63  }
0x6a: {  	s0 =	simm.s32 $0x0  }
0x6b: {  	v0 =	vld [tilespmem:s0+$0x70]  }
0x6c: {  	v1 =	vld [tilespmem:s0+$0x3C70]  }
0x6d: {  	v2 =	vld [tilespmem:s0+$0x0]  }
0x6e: {  	v3 =	vld [tilespmem:s0+$0x3C00]  }
0x6f: {  	v4 =	vld [tilespmem:s0+$0x10]  }
0x70: {  	v5 =	vld [tilespmem:s0+$0x3C10]  }
0x71: {  	v6 =	vld [tilespmem:s0+$0x20]  }
0x72: {  	v0 =	vadd.f32 v1, v0;
	v1 =	vld [tilespmem:s0+$0x3C20]  }
0x73: {  	v7 =	vld [tilespmem:s0+$0x30]  }
0x74: {  	v8 =	vld [tilespmem:s0+$0x3C30];
	v2 =	vadd.f32 v3, v2  }
0x75: {  	v9 =	vld [tilespmem:s0+$0x40];
	v0 =	vmax.f32 v0, $0.0e+00  }
0x76: {  	[tilespmem:s0+$0x7870] =	vst v0;
	v0 =	vmax.f32 v2, $0.0e+00;
	v2 =	vadd.f32 v5, v4;
	v5 =	vld [tilespmem:s0+$0x3C40]  }
0x77: {  	v3 =	vld [tilespmem:s0+$0x3C50];
	v1 =	vadd.f32 v1, v6  }
0x78: {  	[tilespmem:s0+$0x7800] =	vst v0;
	v0 =	vld [tilespmem:s0+$0x50];
	v2 =	vmax.f32 v2, $0.0e+00  }
0x79: {  	v4 =	vld [tilespmem:s0+$0x3C60];
	v6 =	vadd.f32 v8, v7;
	[tilespmem:s0+$0x7810] =	vst v2;
	v2 =	vmax.f32 v1, $0.0e+00  }
0x7a: {  	s14 =	simm.s32 $0x80;
	v1 =	vld [tilespmem:s0+$0x60];
	[tilespmem:s0+$0x7820] =	vst v2  }
0x7b: {  	s16 =	simm.s32 $0x400;
	v6 =	vmax.f32 v6, $0.0e+00;
	v5 =	vadd.f32 v5, v9;
	v2 =	vld [tilespmem:s14+$0x70]  }
.LBB2_2:
0x7c: {  	p0 =	sne.s32 s16, $0x4E00;
	v7 =	vld [tilespmem:s14+$0x3C70];
	[tilespmem:s0+$0x7830] =	vst v6  }
0x7d: {  	v6 =	vld [tilespmem:s14+$0x0];
	v5 =	vmax.f32 v5, $0.0e+00;
	v0 =	vadd.f32 v3, v0  }
0x7e: {  	v3 =	vld [tilespmem:s14+$0x3C00];
	[tilespmem:s0+$0x7840] =	vst v5  }
0x7f: {  	v5 =	vld [tilespmem:s14+$0x10];
	v0 =	vmax.f32 v0, $0.0e+00;
	v1 =	vadd.f32 v4, v1  }
0x80: {  	v4 =	vld [tilespmem:s14+$0x3C10];
	[tilespmem:s0+$0x7850] =	vst v0  }
0x81: {  	v0 =	vld [tilespmem:s14+$0x20];
	v2 =	vadd.f32 v7, v2;
	v1 =	vmax.f32 v1, $0.0e+00  }
0x82: {  	v7 =	vld [tilespmem:s14+$0x3C20];
	[tilespmem:s0+$0x7860] =	vst v1;
	s0 =	smov.u32 s14  }
0x83: {  	v1 =	vadd.f32 v3, v6;
	v6 =	vld [tilespmem:s0+$0x30];
	v2 =	vmax.f32 v2, $0.0e+00  }
0x84: {  	v8 =	vld [tilespmem:s0+$0x3C30];
	[tilespmem:s0+$0x7870] =	vst v2  }
0x85: {  	v1 =	vmax.f32 v1, $0.0e+00;
	v2 =	vadd.f32 v4, v5;
	v5 =	vld [tilespmem:s0+$0x40]  }
0x86: {  	[tilespmem:s0+$0x7800] =	vst v1;
	v9 =	vld [tilespmem:s0+$0x3C40]  }
.Ltmp0:
0x87: {  	v1 =	vmax.f32 v2, $0.0e+00;
	v2 =	vadd.f32 v7, v0;
	v0 =	vld [tilespmem:s0+$0x50];
	(pc) =	sbr.rel @p0 .LBB2_2-.Ltmp0, $4  }
0x88: {  	[tilespmem:s0+$0x7810] =	vst v1;
	v3 =	vld [tilespmem:s0+$0x3C50]  }
0x89: {  	v2 =	vmax.f32 v2, $0.0e+00;
	v6 =	vadd.f32 v8, v6;
	v1 =	vld [tilespmem:s0+$0x60]  }
0x8a: {  	s14 =	sshra.s32 s16, $0x2;
	[tilespmem:s0+$0x7820] =	vst v2;
	v4 =	vld [tilespmem:s0+$0x3C60]  }
0x8b: {  	s16 =	sadd.s32 $0x200, s16;
	v2 =	vld [tilespmem:s14+$0x70];
	v6 =	vmax.f32 v6, $0.0e+00;
	v5 =	vadd.f32 v9, v5  }
0x8c: {  	v7 =	vld [tilespmem:s14+$0x3C70];
	[tilespmem:s0+$0x7830] =	vst v6  }
0x8d: {  	v6 =	vld [tilespmem:s14+$0x0];
	v5 =	vmax.f32 v5, $0.0e+00;
	v0 =	vadd.f32 v3, v0  }
0x8e: {  	v8 =	vld [tilespmem:s14+$0x3C00];
	[tilespmem:s0+$0x7840] =	vst v5  }
0x8f: {  	v3 =	vld [tilespmem:s14+$0x10];
	v0 =	vmax.f32 v0, $0.0e+00;
	v1 =	vadd.f32 v4, v1  }
0x90: {  	v5 =	vld [tilespmem:s14+$0x3C10];
	[tilespmem:s0+$0x7850] =	vst v0  }
0x91: {  	v0 =	vld [tilespmem:s14+$0x20];
	v1 =	vmax.f32 v1, $0.0e+00  }
0x92: {  	v4 =	vld [tilespmem:s14+$0x3C20];
	v2 =	vadd.f32 v7, v2;
	[tilespmem:s0+$0x7860] =	vst v1  }
0x93: {  	v6 =	vadd.f32 v8, v6;
	v1 =	vld [tilespmem:s14+$0x30]  }
0x94: {  	v2 =	vmax.f32 v2, $0.0e+00;
	v7 =	vld [tilespmem:s14+$0x3C30]  }
0x95: {  	[tilespmem:s14+$0x7870] =	vst v2;
	v2 =	vmax.f32 v6, $0.0e+00;
	v6 =	vld [tilespmem:s14+$0x40]  }
0x96: {  	v3 =	vadd.f32 v5, v3;
	v5 =	vld [tilespmem:s14+$0x50]  }
0x97: {  	[tilespmem:s14+$0x7800] =	vst v2;
	v2 =	vld [tilespmem:s14+$0x3C40];
	v0 =	vadd.f32 v4, v0  }
0x98: {  	v3 =	vmax.f32 v3, $0.0e+00;
	v4 =	vld [tilespmem:s14+$0x60]  }
0x99: {  	[tilespmem:s14+$0x7810] =	vst v3;
	v3 =	vld [tilespmem:s14+$0x3C50];
	v0 =	vmax.f32 v0, $0.0e+00  }
0x9a: {  	[tilespmem:s14+$0x7820] =	vst v0;
	v0 =	vld [tilespmem:s14+$0x3C60];
	_ =	sdelay $0x1  }
0x9b: {  	v1 =	vadd.f32 v7, v1  }
0x9c: {  	v2 =	vadd.f32 v2, v6  }
0x9d: {  	v1 =	vmax.f32 v1, $0.0e+00;
	v3 =	vadd.f32 v3, v5  }
0x9e: {  	[tilespmem:s14+$0x7830] =	vst v1;
	v1 =	vmax.f32 v2, $0.0e+00;
	v0 =	vadd.f32 v0, v4  }
0x9f: {  	[tilespmem:s14+$0x7840] =	vst v1;
	v1 =	vmax.f32 v3, $0.0e+00  }
0xa0: {  	[tilespmem:s14+$0x7850] =	vst v1;
	v0 =	vmax.f32 v0, $0.0e+00  }
0xa1: {  	s31 =	simm.s32 $0xB580;
	s9 =	simm.s32 $0x7800;
	[tilespmem:s14+$0x7860] =	vst v0  }
0xa2: {  	[spmem:s2] =	stream.indirect.scatter.add.f32 [tilespmem:s9], [sflag:$0x7], $0x80, s31, s17, $0xb8;
	[tilespmem:$0x1F480] =	vst v63  }
0xa3: {  	_ =	swait.ge [sflag:s15], $0x28  }
0xa4: {  	s20 =	sld [smem:$0x7F7]  }
0xa5: {  	[sflag:s15] =	ssyncset.done $0x0  }
0xa6: {  	s16 =	simm.s32 $0x3C00;
	s9 =	simm.s32 $0x0;
	[sflag:s15] =	ssyncadd.s32 $0xFFFFFFD8  }
0xa7: {  	[tilespmem:s16], [sflag:$0x4] =	stream.linear.gather [hbm4b:s20+s9], $0x1400, $0x38;
	[tilespmem:$0x1F480] =	vst v63  }
0xa8: {  	_ = 	snop  }
0xa9: {  	[tilespmem:s9], [sflag:$0x1] =	stream.indirect.gather [hbm4b:s1+s17], $0x80, s8, s17, $0xb8;
	[tilespmem:$0x1F480] =	vst v63  }
0xaa: {  	_ =	swait.ge [sflag:s10], $0x1400  }
0xab: {  	[sflag:s10] =	ssyncset.done $0x0  }
0xac: {  	[sflag:s10] =	ssyncadd.s32 $0xFFFFEC00  }
0xad: {  	_ =	swait.ge [sflag:s3], $0x1400  }
0xae: {  	[sflag:s3] =	ssyncset.done $0x0  }
0xaf: {  	s24 =	rddreg [dreg:$0x10];
	[sflag:s3] =	ssyncadd.s32 $0xFFFFEC00  }
0xb0: {  	[tilespmem:s11], [sflag:$0xB] =	stream.linear.gather [hbm4b:s24+s9], $0x28, $0x38;
	[tilespmem:$0x1F480] =	vst v63  }
0xb1: {  	s0 =	simm.s32 $0x0;
	s31 =	simm.s32 $0xB780;
	s30 =	rddreg [dreg:$0x11]  }
0xb2: {  	[tilespmem:s31], [sflag:$0x11] =	stream.linear.gather [hbm4b:s30+s9], $0x28, $0x38;
	[tilespmem:$0x1F480] =	vst v63  }
0xb3: {  	v0 =	vld [tilespmem:s0+$0x1470]  }
0xb4: {  	v1 =	vld [tilespmem:s0+$0x5070]  }
0xb5: {  	v2 =	vld [tilespmem:s0+$0x1400]  }
0xb6: {  	v3 =	vld [tilespmem:s0+$0x5000]  }
0xb7: {  	v4 =	vld [tilespmem:s0+$0x1410]  }
0xb8: {  	v5 =	vld [tilespmem:s0+$0x5010]  }
0xb9: {  	v6 =	vld [tilespmem:s0+$0x1420]  }
0xba: {  	v0 =	vadd.f32 v1, v0;
	v1 =	vld [tilespmem:s0+$0x5020]  }
0xbb: {  	v7 =	vld [tilespmem:s0+$0x1430]  }
0xbc: {  	v8 =	vld [tilespmem:s0+$0x5030];
	v2 =	vadd.f32 v3, v2  }
0xbd: {  	v9 =	vld [tilespmem:s0+$0x1440];
	v0 =	vmax.f32 v0, $0.0e+00  }
0xbe: {  	[tilespmem:s0+$0x8C70] =	vst v0;
	v0 =	vmax.f32 v2, $0.0e+00;
	v2 =	vadd.f32 v5, v4;
	v5 =	vld [tilespmem:s0+$0x5040]  }
0xbf: {  	v3 =	vld [tilespmem:s0+$0x5050];
	v1 =	vadd.f32 v1, v6  }
0xc0: {  	[tilespmem:s0+$0x8C00] =	vst v0;
	v0 =	vld [tilespmem:s0+$0x1450];
	v2 =	vmax.f32 v2, $0.0e+00  }
0xc1: {  	v4 =	vld [tilespmem:s0+$0x5060];
	v6 =	vadd.f32 v8, v7;
	[tilespmem:s0+$0x8C10] =	vst v2;
	v2 =	vmax.f32 v1, $0.0e+00  }
0xc2: {  	s14 =	simm.s32 $0x80;
	v1 =	vld [tilespmem:s0+$0x1460];
	[tilespmem:s0+$0x8C20] =	vst v2  }
0xc3: {  	s16 =	simm.s32 $0x400;
	v6 =	vmax.f32 v6, $0.0e+00;
	v5 =	vadd.f32 v5, v9;
	v2 =	vld [tilespmem:s14+$0x1470]  }
.LBB2_4:
0xc4: {  	p0 =	sne.s32 s16, $0x4E00;
	v7 =	vld [tilespmem:s14+$0x5070];
	[tilespmem:s0+$0x8C30] =	vst v6  }
0xc5: {  	v6 =	vld [tilespmem:s14+$0x1400];
	v5 =	vmax.f32 v5, $0.0e+00;
	v0 =	vadd.f32 v3, v0  }
0xc6: {  	v3 =	vld [tilespmem:s14+$0x5000];
	[tilespmem:s0+$0x8C40] =	vst v5  }
0xc7: {  	v5 =	vld [tilespmem:s14+$0x1410];
	v0 =	vmax.f32 v0, $0.0e+00;
	v1 =	vadd.f32 v4, v1  }
0xc8: {  	v4 =	vld [tilespmem:s14+$0x5010];
	[tilespmem:s0+$0x8C50] =	vst v0  }
0xc9: {  	v0 =	vld [tilespmem:s14+$0x1420];
	v2 =	vadd.f32 v7, v2;
	v1 =	vmax.f32 v1, $0.0e+00  }
0xca: {  	v7 =	vld [tilespmem:s14+$0x5020];
	[tilespmem:s0+$0x8C60] =	vst v1;
	s0 =	smov.u32 s14  }
0xcb: {  	v1 =	vadd.f32 v3, v6;
	v6 =	vld [tilespmem:s0+$0x1430];
	v2 =	vmax.f32 v2, $0.0e+00  }
0xcc: {  	v8 =	vld [tilespmem:s0+$0x5030];
	[tilespmem:s0+$0x8C70] =	vst v2  }
0xcd: {  	v1 =	vmax.f32 v1, $0.0e+00;
	v2 =	vadd.f32 v4, v5;
	v5 =	vld [tilespmem:s0+$0x1440]  }
0xce: {  	[tilespmem:s0+$0x8C00] =	vst v1;
	v9 =	vld [tilespmem:s0+$0x5040]  }
.Ltmp1:
0xcf: {  	v1 =	vmax.f32 v2, $0.0e+00;
	v2 =	vadd.f32 v7, v0;
	v0 =	vld [tilespmem:s0+$0x1450];
	(pc) =	sbr.rel @p0 .LBB2_4-.Ltmp1, $4  }
0xd0: {  	[tilespmem:s0+$0x8C10] =	vst v1;
	v3 =	vld [tilespmem:s0+$0x5050]  }
0xd1: {  	v2 =	vmax.f32 v2, $0.0e+00;
	v6 =	vadd.f32 v8, v6;
	v1 =	vld [tilespmem:s0+$0x1460]  }
0xd2: {  	s14 =	sshra.s32 s16, $0x2;
	[tilespmem:s0+$0x8C20] =	vst v2;
	v4 =	vld [tilespmem:s0+$0x5060]  }
0xd3: {  	s16 =	sadd.s32 $0x200, s16;
	v2 =	vld [tilespmem:s14+$0x1470];
	v6 =	vmax.f32 v6, $0.0e+00;
	v5 =	vadd.f32 v9, v5  }
0xd4: {  	v7 =	vld [tilespmem:s14+$0x5070];
	[tilespmem:s0+$0x8C30] =	vst v6  }
0xd5: {  	v6 =	vld [tilespmem:s14+$0x1400];
	v5 =	vmax.f32 v5, $0.0e+00;
	v0 =	vadd.f32 v3, v0  }
0xd6: {  	v8 =	vld [tilespmem:s14+$0x5000];
	[tilespmem:s0+$0x8C40] =	vst v5  }
0xd7: {  	v3 =	vld [tilespmem:s14+$0x1410];
	v0 =	vmax.f32 v0, $0.0e+00;
	v1 =	vadd.f32 v4, v1  }
0xd8: {  	v5 =	vld [tilespmem:s14+$0x5010];
	[tilespmem:s0+$0x8C50] =	vst v0  }
0xd9: {  	v0 =	vld [tilespmem:s14+$0x1420];
	v1 =	vmax.f32 v1, $0.0e+00  }
0xda: {  	v4 =	vld [tilespmem:s14+$0x5020];
	v2 =	vadd.f32 v7, v2;
	[tilespmem:s0+$0x8C60] =	vst v1  }
0xdb: {  	v6 =	vadd.f32 v8, v6;
	v1 =	vld [tilespmem:s14+$0x1430]  }
0xdc: {  	v2 =	vmax.f32 v2, $0.0e+00;
	v7 =	vld [tilespmem:s14+$0x5030]  }
0xdd: {  	[tilespmem:s14+$0x8C70] =	vst v2;
	v2 =	vmax.f32 v6, $0.0e+00;
	v6 =	vld [tilespmem:s14+$0x1440]  }
0xde: {  	v3 =	vadd.f32 v5, v3;
	v5 =	vld [tilespmem:s14+$0x1450]  }
0xdf: {  	[tilespmem:s14+$0x8C00] =	vst v2;
	v2 =	vld [tilespmem:s14+$0x5040];
	v0 =	vadd.f32 v4, v0  }
0xe0: {  	v3 =	vmax.f32 v3, $0.0e+00;
	v4 =	vld [tilespmem:s14+$0x1460]  }
0xe1: {  	[tilespmem:s14+$0x8C10] =	vst v3;
	v3 =	vld [tilespmem:s14+$0x5050];
	v0 =	vmax.f32 v0, $0.0e+00  }
0xe2: {  	[tilespmem:s14+$0x8C20] =	vst v0;
	v0 =	vld [tilespmem:s14+$0x5060];
	_ =	sdelay $0x1  }
0xe3: {  	v1 =	vadd.f32 v7, v1  }
0xe4: {  	v2 =	vadd.f32 v2, v6  }
0xe5: {  	v1 =	vmax.f32 v1, $0.0e+00;
	v3 =	vadd.f32 v3, v5  }
0xe6: {  	[tilespmem:s14+$0x8C30] =	vst v1;
	v1 =	vmax.f32 v2, $0.0e+00;
	v0 =	vadd.f32 v0, v4  }
0xe7: {  	[tilespmem:s14+$0x8C40] =	vst v1;
	v1 =	vmax.f32 v3, $0.0e+00  }
0xe8: {  	[tilespmem:s14+$0x8C50] =	vst v1;
	v0 =	vmax.f32 v0, $0.0e+00  }
0xe9: {  	s24 =	simm.s32 $0xB600;
	s30 =	simm.s32 $0x8C00;
	[tilespmem:s14+$0x8C60] =	vst v0  }
0xea: {  	[spmem:s2] =	stream.indirect.scatter.add.f32 [tilespmem:s30], [sflag:$0x8], $0x80, s24, s17, $0xb8;
	[tilespmem:$0x1F480] =	vst v63  }
0xeb: {  	_ =	swait.ge [sflag:s25], $0x28  }
0xec: {  	s31 =	sld [smem:$0x7F8]  }
0xed: {  	[sflag:s25] =	ssyncset.done $0x0  }
0xee: {  	s16 =	simm.s32 $0x5000;
	s0 =	simm.s32 $0x0;
	[sflag:s25] =	ssyncadd.s32 $0xFFFFFFD8  }
0xef: {  	[tilespmem:s16], [sflag:$0x5] =	stream.linear.gather [hbm4b:s31+s0], $0x1400, $0x38;
	[tilespmem:$0x1F480] =	vst v63  }
0xf0: {  	s20 =	simm.s32 $0x1400  }
0xf1: {  	[tilespmem:s20], [sflag:$0x2] =	stream.indirect.gather [hbm4b:s1+s17], $0x80, s11, s17, $0xb8;
	[tilespmem:$0x1F480] =	vst v63  }
0xf2: {  	_ =	swait.ge [sflag:s26], $0x1400  }
0xf3: {  	[sflag:s26] =	ssyncset.done $0x0  }
0xf4: {  	[sflag:s26] =	ssyncadd.s32 $0xFFFFEC00  }
0xf5: {  	_ =	swait.ge [sflag:s28], $0x1400  }
0xf6: {  	[sflag:s28] =	ssyncset.done $0x0  }
0xf7: {  	s24 =	rddreg [dreg:$0x12];
	[sflag:s28] =	ssyncadd.s32 $0xFFFFEC00  }
0xf8: {  	[tilespmem:s13], [sflag:$0xC] =	stream.linear.gather [hbm4b:s24+s0], $0x28, $0x38;
	[tilespmem:$0x1F480] =	vst v63  }
0xf9: {  	s31 =	simm.s32 $0xB800;
	s30 =	rddreg [dreg:$0x13]  }
0xfa: {  	[tilespmem:s31], [sflag:$0x12] =	stream.linear.gather [hbm4b:s30+s0], $0x28, $0x38;
	[tilespmem:$0x1F480] =	vst v63  }
0xfb: {  	s0 =	simm.s32 $0x0  }
0xfc: {  	v0 =	vld [tilespmem:s0+$0x2870]  }
0xfd: {  	v1 =	vld [tilespmem:s0+$0x6470]  }
0xfe: {  	v2 =	vld [tilespmem:s0+$0x2800]  }
0xff: {  	v3 =	vld [tilespmem:s0+$0x6400]  }
0x100: {  	v4 =	vld [tilespmem:s0+$0x2810]  }
0x101: {  	v5 =	vld [tilespmem:s0+$0x6410]  }
0x102: {  	v6 =	vld [tilespmem:s0+$0x2820]  }
0x103: {  	v0 =	vadd.f32 v1, v0;
	v1 =	vld [tilespmem:s0+$0x6420]  }
0x104: {  	v7 =	vld [tilespmem:s0+$0x2830]  }
0x105: {  	v8 =	vld [tilespmem:s0+$0x6430];
	v2 =	vadd.f32 v3, v2  }
0x106: {  	v9 =	vld [tilespmem:s0+$0x2840];
	v0 =	vmax.f32 v0, $0.0e+00  }
0x107: {  	[tilespmem:s0+$0xA070] =	vst v0;
	v0 =	vmax.f32 v2, $0.0e+00;
	v2 =	vadd.f32 v5, v4;
	v5 =	vld [tilespmem:s0+$0x6440]  }
0x108: {  	v3 =	vld [tilespmem:s0+$0x6450];
	v1 =	vadd.f32 v1, v6  }
0x109: {  	[tilespmem:s0+$0xA000] =	vst v0;
	v0 =	vld [tilespmem:s0+$0x2850];
	v2 =	vmax.f32 v2, $0.0e+00  }
0x10a: {  	v4 =	vld [tilespmem:s0+$0x6460];
	v6 =	vadd.f32 v8, v7;
	[tilespmem:s0+$0xA010] =	vst v2;
	v2 =	vmax.f32 v1, $0.0e+00  }
0x10b: {  	s14 =	simm.s32 $0x80;
	v1 =	vld [tilespmem:s0+$0x2860];
	[tilespmem:s0+$0xA020] =	vst v2  }
0x10c: {  	s9 =	simm.s32 $0xB700;
	s16 =	simm.s32 $0x400;
	v6 =	vmax.f32 v6, $0.0e+00;
	v5 =	vadd.f32 v5, v9;
	v2 =	vld [tilespmem:s14+$0x2870]  }
.LBB2_6:
0x10d: {  	p0 =	sne.s32 s16, $0x4E00;
	v7 =	vld [tilespmem:s14+$0x6470];
	[tilespmem:s0+$0xA030] =	vst v6  }
0x10e: {  	v6 =	vld [tilespmem:s14+$0x2800];
	v5 =	vmax.f32 v5, $0.0e+00;
	v0 =	vadd.f32 v3, v0  }
0x10f: {  	v3 =	vld [tilespmem:s14+$0x6400];
	[tilespmem:s0+$0xA040] =	vst v5  }
0x110: {  	v5 =	vld [tilespmem:s14+$0x2810];
	v0 =	vmax.f32 v0, $0.0e+00;
	v1 =	vadd.f32 v4, v1  }
0x111: {  	v4 =	vld [tilespmem:s14+$0x6410];
	[tilespmem:s0+$0xA050] =	vst v0  }
0x112: {  	v0 =	vld [tilespmem:s14+$0x2820];
	v2 =	vadd.f32 v7, v2;
	v1 =	vmax.f32 v1, $0.0e+00  }
0x113: {  	v7 =	vld [tilespmem:s14+$0x6420];
	[tilespmem:s0+$0xA060] =	vst v1;
	s0 =	smov.u32 s14  }
0x114: {  	v1 =	vadd.f32 v3, v6;
	v6 =	vld [tilespmem:s0+$0x2830];
	v2 =	vmax.f32 v2, $0.0e+00  }
0x115: {  	v8 =	vld [tilespmem:s0+$0x6430];
	[tilespmem:s0+$0xA070] =	vst v2  }
0x116: {  	v1 =	vmax.f32 v1, $0.0e+00;
	v2 =	vadd.f32 v4, v5;
	v5 =	vld [tilespmem:s0+$0x2840]  }
0x117: {  	[tilespmem:s0+$0xA000] =	vst v1;
	v9 =	vld [tilespmem:s0+$0x6440]  }
.Ltmp2:
0x118: {  	v1 =	vmax.f32 v2, $0.0e+00;
	v2 =	vadd.f32 v7, v0;
	v0 =	vld [tilespmem:s0+$0x2850];
	(pc) =	sbr.rel @p0 .LBB2_6-.Ltmp2, $4  }
0x119: {  	[tilespmem:s0+$0xA010] =	vst v1;
	v3 =	vld [tilespmem:s0+$0x6450]  }
0x11a: {  	v2 =	vmax.f32 v2, $0.0e+00;
	v6 =	vadd.f32 v8, v6;
	v1 =	vld [tilespmem:s0+$0x2860]  }
0x11b: {  	s14 =	sshra.s32 s16, $0x2;
	[tilespmem:s0+$0xA020] =	vst v2;
	v4 =	vld [tilespmem:s0+$0x6460]  }
0x11c: {  	s16 =	sadd.s32 $0x200, s16;
	v2 =	vld [tilespmem:s14+$0x2870];
	v6 =	vmax.f32 v6, $0.0e+00;
	v5 =	vadd.f32 v9, v5  }
0x11d: {  	v7 =	vld [tilespmem:s14+$0x6470];
	[tilespmem:s0+$0xA030] =	vst v6  }
0x11e: {  	v6 =	vld [tilespmem:s14+$0x2800];
	v5 =	vmax.f32 v5, $0.0e+00;
	v0 =	vadd.f32 v3, v0  }
0x11f: {  	v8 =	vld [tilespmem:s14+$0x6400];
	[tilespmem:s0+$0xA040] =	vst v5  }
0x120: {  	v52 =	vld [tilespmem:s14+$0x2810];
	v0 =	vmax.f32 v0, $0.0e+00;
	v1 =	vadd.f32 v4, v1  }
0x121: {  	v5 =	vld [tilespmem:s14+$0x6410];
	[tilespmem:s0+$0xA050] =	vst v0  }
0x122: {  	v0 =	vld [tilespmem:s14+$0x2820];
	v1 =	vmax.f32 v1, $0.0e+00  }
0x123: {  	v53 =	vld [tilespmem:s14+$0x6420];
	[tilespmem:s0+$0xA060] =	vst v1  }
0x124: {  	v1 =	vld [tilespmem:s14+$0x2830]  }
0x125: {  	v54 =	vld [tilespmem:s14+$0x6430]  }
0x126: {  	v56 =	vld [tilespmem:s14+$0x2840]  }
0x127: {  	v57 =	vld [tilespmem:s14+$0x6440]  }
0x128: {  	v58 =	vld [tilespmem:s14+$0x2850]  }
0x129: {  	v2 =	vadd.f32 v7, v2;
	v59 =	vld [tilespmem:s14+$0x6450]  }
0x12a: {  	v6 =	vadd.f32 v8, v6;
	v60 =	vld [tilespmem:s14+$0x2860]  }
0x12b: {  	v2 =	vmax.f32 v2, $0.0e+00;
	v61 =	vld [tilespmem:s14+$0x6460];
	v3 =	vadd.f32 v5, v52  }
0x12c: {  	[tilespmem:s14+$0xA070] =	vst v2;
	v55 =	vmax.f32 v6, $0.0e+00;
	v0 =	vadd.f32 v53, v0  }
0x12d: {  	[tilespmem:s14+$0xA000] =	vst v55;
	v3 =	vmax.f32 v3, $0.0e+00;
	v1 =	vadd.f32 v54, v1  }
0x12e: {  	[tilespmem:s14+$0xA010] =	vst v3;
	v0 =	vmax.f32 v0, $0.0e+00;
	v2 =	vadd.f32 v57, v56  }
0x12f: {  	v3 =	vadd.f32 v59, v58;
	[tilespmem:s14+$0xA020] =	vst v0;
	v1 =	vmax.f32 v1, $0.0e+00  }
0x130: {  	v0 =	vadd.f32 v61, v60;
	v62 =	vmax.f32 v2, $0.0e+00;
	[tilespmem:s14+$0xA030] =	vst v1  }
0x131: {  	v63 =	vmax.f32 v3, $0.0e+00;
	[tilespmem:s14+$0xA040] =	vst v62  }
0x132: {  	[tilespmem:s14+$0xA050] =	vst v63;
	v0 =	vmax.f32 v0, $0.0e+00  }
0x133: {  	s20 =	simm.s32 $0xB680;
	s24 =	simm.s32 $0xA000;
	[tilespmem:s14+$0xA060] =	vst v0  }
0x134: {  	[spmem:s2] =	stream.indirect.scatter.add.f32 [tilespmem:s24], [sflag:$0x9], $0x80, s20, s17, $0xb8;
	[tilespmem:$0x1F480] =	vst v63  }
0x135: {  	_ =	swait.ge [sflag:s4], $0x28  }
0x136: {  	s30 =	sld [smem:$0x7F9]  }
0x137: {  	[sflag:s4] =	ssyncset.done $0x0  }
0x138: {  	s16 =	simm.s32 $0x6400;
	s14 =	simm.s32 $0x0;
	[sflag:s4] =	ssyncadd.s32 $0xFFFFFFD8  }
0x139: {  	[tilespmem:s16], [sflag:$0x6] =	stream.linear.gather [hbm4b:s30+s14], $0x1400, $0x38;
	[tilespmem:$0x1F480] =	vst v63  }
0x13a: {  	s31 =	simm.s32 $0x2800;
	s16 =	simm.s32 $0x0  }
0x13b: {  	[tilespmem:s31], [sflag:$0x3] =	stream.indirect.gather [hbm4b:s1+s17], $0x80, s13, s17, $0xb8;
	[tilespmem:$0x1F480] =	vst v63  }
.LBB2_8:
0x13c: {  	s31 =	smul.u32 $0x6, s16;
	_ =	swait.ge [sflag:s22], $0x1400  }
0x13d: {  	[sflag:s22] =	ssyncset.done $0x0;
	s0 =	rddreg [dreg:$0x14]  }
0x13e: {  	[sflag:s22] =	ssyncadd.s32 $0xFFFFEC00;
	s0 =	sadd.s32 s31, s0  }
0x13f: {  	_ =	swait.ge [sflag:s23], $0x1400;
	s20 =	smul.u32 $0x5, s0  }
0x140: {  	[sflag:s23] =	ssyncset.done $0x0  }
0x141: {  	[sflag:s23] =	ssyncadd.s32 $0xFFFFEC00;
	s24 =	sadd.s32 s5, s20  }
0x142: {  	[tilespmem:s8], [sflag:$0xA] =	stream.linear.gather [hbm4b:s24+s14], $0x28, $0x38;
	[tilespmem:$0x1F480] =	vst v63  }
0x143: {  	_ =	swait.ge [sflag:s29], $0x1400  }
0x144: {  	[sflag:s29] =	ssyncset.done $0x0  }
0x145: {  	s20 =	sadd.s32 s6, s20;
	s24 =	simm.s32 $0xB580;
	[sflag:s29] =	ssyncadd.s32 $0xFFFFEC00  }
0x146: {  	[tilespmem:s24], [sflag:$0xD] =	stream.linear.gather [hbm4b:s20+s14], $0x28, $0x38;
	[tilespmem:$0x1F480] =	vst v63  }
0x147: {  	s20 =	simm.s32 $0x0  }
0x148: {  	v0 =	vld [tilespmem:s20+$0x70]  }
0x149: {  	v1 =	vld [tilespmem:s20+$0x3C70]  }
0x14a: {  	v2 =	vld [tilespmem:s20+$0x0]  }
0x14b: {  	v3 =	vld [tilespmem:s20+$0x3C00]  }
0x14c: {  	v4 =	vld [tilespmem:s20+$0x10]  }
0x14d: {  	v5 =	vld [tilespmem:s20+$0x3C10]  }
0x14e: {  	v6 =	vld [tilespmem:s20+$0x20]  }
0x14f: {  	v0 =	vadd.f32 v1, v0;
	v1 =	vld [tilespmem:s20+$0x3C20]  }
0x150: {  	v7 =	vld [tilespmem:s20+$0x30]  }
0x151: {  	v8 =	vld [tilespmem:s20+$0x3C30];
	v2 =	vadd.f32 v3, v2  }
0x152: {  	v9 =	vld [tilespmem:s20+$0x40];
	v0 =	vmax.f32 v0, $0.0e+00  }
0x153: {  	[tilespmem:s20+$0x7870] =	vst v0;
	v0 =	vmax.f32 v2, $0.0e+00;
	v2 =	vadd.f32 v5, v4;
	v5 =	vld [tilespmem:s20+$0x3C40]  }
0x154: {  	v3 =	vld [tilespmem:s20+$0x3C50];
	v1 =	vadd.f32 v1, v6  }
0x155: {  	[tilespmem:s20+$0x7800] =	vst v0;
	v0 =	vld [tilespmem:s20+$0x50];
	v2 =	vmax.f32 v2, $0.0e+00  }
0x156: {  	v4 =	vld [tilespmem:s20+$0x3C60];
	v6 =	vadd.f32 v8, v7;
	[tilespmem:s20+$0x7810] =	vst v2;
	v2 =	vmax.f32 v1, $0.0e+00  }
0x157: {  	s24 =	simm.s32 $0x80;
	v1 =	vld [tilespmem:s20+$0x60];
	[tilespmem:s20+$0x7820] =	vst v2  }
0x158: {  	s30 =	simm.s32 $0x400;
	v6 =	vmax.f32 v6, $0.0e+00;
	v5 =	vadd.f32 v5, v9;
	v2 =	vld [tilespmem:s24+$0x70]  }
.LBB2_9:
0x159: {  	p0 =	sne.s32 s30, $0x4E00;
	v7 =	vld [tilespmem:s24+$0x3C70];
	[tilespmem:s20+$0x7830] =	vst v6  }
0x15a: {  	v6 =	vld [tilespmem:s24+$0x0];
	v5 =	vmax.f32 v5, $0.0e+00;
	v0 =	vadd.f32 v3, v0  }
0x15b: {  	v3 =	vld [tilespmem:s24+$0x3C00];
	[tilespmem:s20+$0x7840] =	vst v5  }
0x15c: {  	v5 =	vld [tilespmem:s24+$0x10];
	v0 =	vmax.f32 v0, $0.0e+00;
	v1 =	vadd.f32 v4, v1  }
0x15d: {  	v4 =	vld [tilespmem:s24+$0x3C10];
	[tilespmem:s20+$0x7850] =	vst v0  }
0x15e: {  	v0 =	vld [tilespmem:s24+$0x20];
	v2 =	vadd.f32 v7, v2;
	v1 =	vmax.f32 v1, $0.0e+00  }
0x15f: {  	v7 =	vld [tilespmem:s24+$0x3C20];
	[tilespmem:s20+$0x7860] =	vst v1;
	s20 =	smov.u32 s24  }
0x160: {  	v1 =	vadd.f32 v3, v6;
	v6 =	vld [tilespmem:s20+$0x30];
	v2 =	vmax.f32 v2, $0.0e+00  }
0x161: {  	v8 =	vld [tilespmem:s20+$0x3C30];
	[tilespmem:s20+$0x7870] =	vst v2  }
0x162: {  	v1 =	vmax.f32 v1, $0.0e+00;
	v2 =	vadd.f32 v4, v5;
	v5 =	vld [tilespmem:s20+$0x40]  }
0x163: {  	[tilespmem:s20+$0x7800] =	vst v1;
	v9 =	vld [tilespmem:s20+$0x3C40]  }
.Ltmp3:
0x164: {  	v1 =	vmax.f32 v2, $0.0e+00;
	v2 =	vadd.f32 v7, v0;
	v0 =	vld [tilespmem:s20+$0x50];
	(pc) =	sbr.rel @p0 .LBB2_9-.Ltmp3, $4  }
0x165: {  	[tilespmem:s20+$0x7810] =	vst v1;
	v3 =	vld [tilespmem:s20+$0x3C50]  }
0x166: {  	v2 =	vmax.f32 v2, $0.0e+00;
	v6 =	vadd.f32 v8, v6;
	v1 =	vld [tilespmem:s20+$0x60]  }
0x167: {  	s24 =	sshra.s32 s30, $0x2;
	[tilespmem:s20+$0x7820] =	vst v2;
	v4 =	vld [tilespmem:s20+$0x3C60]  }
0x168: {  	s30 =	sadd.s32 $0x200, s30;
	v2 =	vld [tilespmem:s24+$0x70];
	v6 =	vmax.f32 v6, $0.0e+00;
	v5 =	vadd.f32 v9, v5  }
0x169: {  	v7 =	vld [tilespmem:s24+$0x3C70];
	[tilespmem:s20+$0x7830] =	vst v6  }
0x16a: {  	v6 =	vld [tilespmem:s24+$0x0];
	v5 =	vmax.f32 v5, $0.0e+00;
	v0 =	vadd.f32 v3, v0  }
0x16b: {  	v8 =	vld [tilespmem:s24+$0x3C00];
	[tilespmem:s20+$0x7840] =	vst v5  }
0x16c: {  	v3 =	vld [tilespmem:s24+$0x10];
	v0 =	vmax.f32 v0, $0.0e+00;
	v1 =	vadd.f32 v4, v1  }
0x16d: {  	v5 =	vld [tilespmem:s24+$0x3C10];
	[tilespmem:s20+$0x7850] =	vst v0  }
0x16e: {  	v0 =	vld [tilespmem:s24+$0x20];
	v1 =	vmax.f32 v1, $0.0e+00  }
0x16f: {  	v4 =	vld [tilespmem:s24+$0x3C20];
	v2 =	vadd.f32 v7, v2;
	[tilespmem:s20+$0x7860] =	vst v1  }
0x170: {  	v6 =	vadd.f32 v8, v6;
	v1 =	vld [tilespmem:s24+$0x30]  }
0x171: {  	v2 =	vmax.f32 v2, $0.0e+00;
	v7 =	vld [tilespmem:s24+$0x3C30]  }
0x172: {  	[tilespmem:s24+$0x7870] =	vst v2;
	v2 =	vmax.f32 v6, $0.0e+00;
	v6 =	vld [tilespmem:s24+$0x40]  }
0x173: {  	v3 =	vadd.f32 v5, v3;
	v5 =	vld [tilespmem:s24+$0x50]  }
0x174: {  	[tilespmem:s24+$0x7800] =	vst v2;
	v2 =	vld [tilespmem:s24+$0x3C40];
	v0 =	vadd.f32 v4, v0  }
0x175: {  	v3 =	vmax.f32 v3, $0.0e+00;
	v4 =	vld [tilespmem:s24+$0x60]  }
0x176: {  	[tilespmem:s24+$0x7810] =	vst v3;
	v3 =	vld [tilespmem:s24+$0x3C50];
	v0 =	vmax.f32 v0, $0.0e+00  }
0x177: {  	[tilespmem:s24+$0x7820] =	vst v0;
	v0 =	vld [tilespmem:s24+$0x3C60];
	_ =	sdelay $0x1  }
0x178: {  	v1 =	vadd.f32 v7, v1  }
0x179: {  	v2 =	vadd.f32 v2, v6  }
0x17a: {  	v1 =	vmax.f32 v1, $0.0e+00;
	v3 =	vadd.f32 v3, v5  }
0x17b: {  	[tilespmem:s24+$0x7830] =	vst v1;
	v1 =	vmax.f32 v2, $0.0e+00;
	v0 =	vadd.f32 v0, v4  }
0x17c: {  	[tilespmem:s24+$0x7840] =	vst v1;
	v1 =	vmax.f32 v3, $0.0e+00  }
0x17d: {  	[tilespmem:s24+$0x7850] =	vst v1;
	v0 =	vmax.f32 v0, $0.0e+00  }
0x17e: {  	[tilespmem:s24+$0x7860] =	vst v0  }
0x17f: {  	_ =	swait.ge [sflag:s18], $0x28  }
0x180: {  	[sflag:s18] =	ssyncset.done $0x0  }
0x181: {  	s0 =	smul.u32 $0x280, s0;
	s24 =	simm.s32 $0x7800;
	[sflag:s18] =	ssyncadd.s32 $0xFFFFFFD8  }
0x182: {  	[spmem:s2] =	stream.indirect.scatter.add.f32 [tilespmem:s24], [sflag:$0x7], $0x80, s9, s17, $0xb8;
	[tilespmem:$0x1F480] =	vst v63  }
0x183: {  	_ =	swait.ge [sflag:s15], $0x28  }
0x184: {  	s0 =	sadd.s32 s7, s0;
	[sflag:s15] =	ssyncset.done $0x0  }
0x185: {  	s20 =	simm.s32 $0x0;
	s24 =	simm.s32 $0x3C00;
	[sflag:s15] =	ssyncadd.s32 $0xFFFFFFD8  }
0x186: {  	[tilespmem:s24], [sflag:$0x4] =	stream.linear.gather [hbm4b:s0+s20], $0x1400, $0x38;
	[tilespmem:$0x1F480] =	vst v63  }
0x187: {  	_ = 	snop  }
0x188: {  	[tilespmem:s20], [sflag:$0x1] =	stream.indirect.gather [hbm4b:s1+s17], $0x80, s8, s17, $0xb8;
	[tilespmem:$0x1F480] =	vst v63  }
0x189: {  	_ =	swait.ge [sflag:s10], $0x1400  }
0x18a: {  	[sflag:s10] =	ssyncset.done $0x0;
	s24 =	rddreg [dreg:$0x15]  }
0x18b: {  	[sflag:s10] =	ssyncadd.s32 $0xFFFFEC00;
	s0 =	sadd.s32 s31, s24  }
0x18c: {  	_ =	swait.ge [sflag:s3], $0x1400;
	s24 =	smul.u32 $0x5, s0  }
0x18d: {  	[sflag:s3] =	ssyncset.done $0x0  }
0x18e: {  	[sflag:s3] =	ssyncadd.s32 $0xFFFFEC00;
	s30 =	sadd.s32 s5, s24  }
0x18f: {  	[tilespmem:s11], [sflag:$0xB] =	stream.linear.gather [hbm4b:s30+s20], $0x28, $0x38;
	[tilespmem:$0x1F480] =	vst v63  }
0x190: {  	_ =	swait.ge [sflag:s19], $0x1400  }
0x191: {  	[sflag:s19] =	ssyncset.done $0x0  }
0x192: {  	s24 =	sadd.s32 s6, s24;
	s30 =	simm.s32 $0xB600;
	[sflag:s19] =	ssyncadd.s32 $0xFFFFEC00  }
0x193: {  	[tilespmem:s30], [sflag:$0xE] =	stream.linear.gather [hbm4b:s24+s20], $0x28, $0x38;
	[tilespmem:$0x1F480] =	vst v63  }
0x194: {  	s20 =	simm.s32 $0x0  }
0x195: {  	v0 =	vld [tilespmem:s20+$0x1470]  }
0x196: {  	v1 =	vld [tilespmem:s20+$0x5070]  }
0x197: {  	v2 =	vld [tilespmem:s20+$0x1400]  }
0x198: {  	v3 =	vld [tilespmem:s20+$0x5000]  }
0x199: {  	v4 =	vld [tilespmem:s20+$0x1410]  }
0x19a: {  	v5 =	vld [tilespmem:s20+$0x5010]  }
0x19b: {  	v6 =	vld [tilespmem:s20+$0x1420]  }
0x19c: {  	v0 =	vadd.f32 v1, v0;
	v1 =	vld [tilespmem:s20+$0x5020]  }
0x19d: {  	v7 =	vld [tilespmem:s20+$0x1430]  }
0x19e: {  	v8 =	vld [tilespmem:s20+$0x5030];
	v2 =	vadd.f32 v3, v2  }
0x19f: {  	v9 =	vld [tilespmem:s20+$0x1440];
	v0 =	vmax.f32 v0, $0.0e+00  }
0x1a0: {  	[tilespmem:s20+$0x8C70] =	vst v0;
	v0 =	vmax.f32 v2, $0.0e+00;
	v2 =	vadd.f32 v5, v4;
	v5 =	vld [tilespmem:s20+$0x5040]  }
0x1a1: {  	v3 =	vld [tilespmem:s20+$0x5050];
	v1 =	vadd.f32 v1, v6  }
0x1a2: {  	[tilespmem:s20+$0x8C00] =	vst v0;
	v0 =	vld [tilespmem:s20+$0x1450];
	v2 =	vmax.f32 v2, $0.0e+00  }
0x1a3: {  	v4 =	vld [tilespmem:s20+$0x5060];
	v6 =	vadd.f32 v8, v7;
	[tilespmem:s20+$0x8C10] =	vst v2;
	v2 =	vmax.f32 v1, $0.0e+00  }
0x1a4: {  	s24 =	simm.s32 $0x80;
	v1 =	vld [tilespmem:s20+$0x1460];
	[tilespmem:s20+$0x8C20] =	vst v2  }
0x1a5: {  	s30 =	simm.s32 $0x400;
	v6 =	vmax.f32 v6, $0.0e+00;
	v5 =	vadd.f32 v5, v9;
	v2 =	vld [tilespmem:s24+$0x1470]  }
.LBB2_11:
0x1a6: {  	p0 =	sne.s32 s30, $0x4E00;
	v7 =	vld [tilespmem:s24+$0x5070];
	[tilespmem:s20+$0x8C30] =	vst v6  }
0x1a7: {  	v6 =	vld [tilespmem:s24+$0x1400];
	v5 =	vmax.f32 v5, $0.0e+00;
	v0 =	vadd.f32 v3, v0  }
0x1a8: {  	v3 =	vld [tilespmem:s24+$0x5000];
	[tilespmem:s20+$0x8C40] =	vst v5  }
0x1a9: {  	v5 =	vld [tilespmem:s24+$0x1410];
	v0 =	vmax.f32 v0, $0.0e+00;
	v1 =	vadd.f32 v4, v1  }
0x1aa: {  	v4 =	vld [tilespmem:s24+$0x5010];
	[tilespmem:s20+$0x8C50] =	vst v0  }
0x1ab: {  	v0 =	vld [tilespmem:s24+$0x1420];
	v2 =	vadd.f32 v7, v2;
	v1 =	vmax.f32 v1, $0.0e+00  }
0x1ac: {  	v7 =	vld [tilespmem:s24+$0x5020];
	[tilespmem:s20+$0x8C60] =	vst v1;
	s20 =	smov.u32 s24  }
0x1ad: {  	v1 =	vadd.f32 v3, v6;
	v6 =	vld [tilespmem:s20+$0x1430];
	v2 =	vmax.f32 v2, $0.0e+00  }
0x1ae: {  	v8 =	vld [tilespmem:s20+$0x5030];
	[tilespmem:s20+$0x8C70] =	vst v2  }
0x1af: {  	v1 =	vmax.f32 v1, $0.0e+00;
	v2 =	vadd.f32 v4, v5;
	v5 =	vld [tilespmem:s20+$0x1440]  }
0x1b0: {  	[tilespmem:s20+$0x8C00] =	vst v1;
	v9 =	vld [tilespmem:s20+$0x5040]  }
.Ltmp4:
0x1b1: {  	v1 =	vmax.f32 v2, $0.0e+00;
	v2 =	vadd.f32 v7, v0;
	v0 =	vld [tilespmem:s20+$0x1450];
	(pc) =	sbr.rel @p0 .LBB2_11-.Ltmp4, $4  }
0x1b2: {  	[tilespmem:s20+$0x8C10] =	vst v1;
	v3 =	vld [tilespmem:s20+$0x5050]  }
0x1b3: {  	v2 =	vmax.f32 v2, $0.0e+00;
	v6 =	vadd.f32 v8, v6;
	v1 =	vld [tilespmem:s20+$0x1460]  }
0x1b4: {  	s24 =	sshra.s32 s30, $0x2;
	[tilespmem:s20+$0x8C20] =	vst v2;
	v4 =	vld [tilespmem:s20+$0x5060]  }
0x1b5: {  	s30 =	sadd.s32 $0x200, s30;
	v2 =	vld [tilespmem:s24+$0x1470];
	v6 =	vmax.f32 v6, $0.0e+00;
	v5 =	vadd.f32 v9, v5  }
0x1b6: {  	v7 =	vld [tilespmem:s24+$0x5070];
	[tilespmem:s20+$0x8C30] =	vst v6  }
0x1b7: {  	v6 =	vld [tilespmem:s24+$0x1400];
	v5 =	vmax.f32 v5, $0.0e+00;
	v0 =	vadd.f32 v3, v0  }
0x1b8: {  	v8 =	vld [tilespmem:s24+$0x5000];
	[tilespmem:s20+$0x8C40] =	vst v5  }
0x1b9: {  	v3 =	vld [tilespmem:s24+$0x1410];
	v0 =	vmax.f32 v0, $0.0e+00;
	v1 =	vadd.f32 v4, v1  }
0x1ba: {  	v5 =	vld [tilespmem:s24+$0x5010];
	[tilespmem:s20+$0x8C50] =	vst v0  }
0x1bb: {  	v0 =	vld [tilespmem:s24+$0x1420];
	v1 =	vmax.f32 v1, $0.0e+00  }
0x1bc: {  	v4 =	vld [tilespmem:s24+$0x5020];
	v2 =	vadd.f32 v7, v2;
	[tilespmem:s20+$0x8C60] =	vst v1  }
0x1bd: {  	v6 =	vadd.f32 v8, v6;
	v1 =	vld [tilespmem:s24+$0x1430]  }
0x1be: {  	v2 =	vmax.f32 v2, $0.0e+00;
	v7 =	vld [tilespmem:s24+$0x5030]  }
0x1bf: {  	[tilespmem:s24+$0x8C70] =	vst v2;
	v2 =	vmax.f32 v6, $0.0e+00;
	v6 =	vld [tilespmem:s24+$0x1440]  }
0x1c0: {  	v3 =	vadd.f32 v5, v3;
	v5 =	vld [tilespmem:s24+$0x1450]  }
0x1c1: {  	[tilespmem:s24+$0x8C00] =	vst v2;
	v2 =	vld [tilespmem:s24+$0x5040];
	v0 =	vadd.f32 v4, v0  }
0x1c2: {  	v3 =	vmax.f32 v3, $0.0e+00;
	v4 =	vld [tilespmem:s24+$0x1460]  }
0x1c3: {  	[tilespmem:s24+$0x8C10] =	vst v3;
	v3 =	vld [tilespmem:s24+$0x5050];
	v0 =	vmax.f32 v0, $0.0e+00  }
0x1c4: {  	[tilespmem:s24+$0x8C20] =	vst v0;
	v0 =	vld [tilespmem:s24+$0x5060];
	_ =	sdelay $0x1  }
0x1c5: {  	v1 =	vadd.f32 v7, v1  }
0x1c6: {  	v2 =	vadd.f32 v2, v6  }
0x1c7: {  	v1 =	vmax.f32 v1, $0.0e+00;
	v3 =	vadd.f32 v3, v5  }
0x1c8: {  	[tilespmem:s24+$0x8C30] =	vst v1;
	v1 =	vmax.f32 v2, $0.0e+00;
	v0 =	vadd.f32 v0, v4  }
0x1c9: {  	[tilespmem:s24+$0x8C40] =	vst v1;
	v1 =	vmax.f32 v3, $0.0e+00  }
0x1ca: {  	[tilespmem:s24+$0x8C50] =	vst v1;
	v0 =	vmax.f32 v0, $0.0e+00  }
0x1cb: {  	[tilespmem:s24+$0x8C60] =	vst v0;
	s24 =	simm.s32 $0x11  }
0x1cc: {  	_ =	swait.ge [sflag:s24], $0x28  }
0x1cd: {  	s0 =	smul.u32 $0x280, s0;
	[sflag:s24] =	ssyncset.done $0x0  }
0x1ce: {  	s20 =	simm.s32 $0xB780;
	[sflag:s24] =	ssyncadd.s32 $0xFFFFFFD8;
	s24 =	simm.s32 $0x8C00  }
0x1cf: {  	[spmem:s2] =	stream.indirect.scatter.add.f32 [tilespmem:s24], [sflag:$0x8], $0x80, s20, s17, $0xb8;
	[tilespmem:$0x1F480] =	vst v63  }
0x1d0: {  	_ =	swait.ge [sflag:s25], $0x28  }
0x1d1: {  	s0 =	sadd.s32 s7, s0;
	[sflag:s25] =	ssyncset.done $0x0  }
0x1d2: {  	s20 =	simm.s32 $0x0;
	s24 =	simm.s32 $0x5000;
	[sflag:s25] =	ssyncadd.s32 $0xFFFFFFD8  }
0x1d3: {  	[tilespmem:s24], [sflag:$0x5] =	stream.linear.gather [hbm4b:s0+s20], $0x1400, $0x38;
	[tilespmem:$0x1F480] =	vst v63  }
0x1d4: {  	s24 =	simm.s32 $0x1400  }
0x1d5: {  	[tilespmem:s24], [sflag:$0x2] =	stream.indirect.gather [hbm4b:s1+s17], $0x80, s11, s17, $0xb8;
	[tilespmem:$0x1F480] =	vst v63  }
0x1d6: {  	_ =	swait.ge [sflag:s26], $0x1400  }
0x1d7: {  	[sflag:s26] =	ssyncset.done $0x0;
	s24 =	rddreg [dreg:$0x16]  }
0x1d8: {  	[sflag:s26] =	ssyncadd.s32 $0xFFFFEC00;
	s0 =	sadd.s32 s31, s24  }
0x1d9: {  	_ =	swait.ge [sflag:s28], $0x1400;
	s24 =	smul.u32 $0x5, s0  }
0x1da: {  	[sflag:s28] =	ssyncset.done $0x0  }
0x1db: {  	[sflag:s28] =	ssyncadd.s32 $0xFFFFEC00;
	s30 =	sadd.s32 s5, s24  }
0x1dc: {  	[tilespmem:s13], [sflag:$0xC] =	stream.linear.gather [hbm4b:s30+s20], $0x28, $0x38;
	[tilespmem:$0x1F480] =	vst v63  }
0x1dd: {  	_ =	swait.ge [sflag:s21], $0x1400  }
0x1de: {  	[sflag:s21] =	ssyncset.done $0x0  }
0x1df: {  	s24 =	sadd.s32 s6, s24;
	s30 =	simm.s32 $0xB680;
	[sflag:s21] =	ssyncadd.s32 $0xFFFFEC00  }
0x1e0: {  	[tilespmem:s30], [sflag:$0xF] =	stream.linear.gather [hbm4b:s24+s20], $0x28, $0x38;
	[tilespmem:$0x1F480] =	vst v63  }
0x1e1: {  	s20 =	simm.s32 $0x0  }
0x1e2: {  	v0 =	vld [tilespmem:s20+$0x2870]  }
0x1e3: {  	v1 =	vld [tilespmem:s20+$0x6470]  }
0x1e4: {  	v2 =	vld [tilespmem:s20+$0x2800]  }
0x1e5: {  	v3 =	vld [tilespmem:s20+$0x6400]  }
0x1e6: {  	v4 =	vld [tilespmem:s20+$0x2810]  }
0x1e7: {  	v5 =	vld [tilespmem:s20+$0x6410]  }
0x1e8: {  	v6 =	vld [tilespmem:s20+$0x2820]  }
0x1e9: {  	v0 =	vadd.f32 v1, v0;
	v1 =	vld [tilespmem:s20+$0x6420]  }
0x1ea: {  	v7 =	vld [tilespmem:s20+$0x2830]  }
0x1eb: {  	v8 =	vld [tilespmem:s20+$0x6430];
	v2 =	vadd.f32 v3, v2  }
0x1ec: {  	v9 =	vld [tilespmem:s20+$0x2840];
	v0 =	vmax.f32 v0, $0.0e+00  }
0x1ed: {  	[tilespmem:s20+$0xA070] =	vst v0;
	v0 =	vmax.f32 v2, $0.0e+00;
	v2 =	vadd.f32 v5, v4;
	v5 =	vld [tilespmem:s20+$0x6440]  }
0x1ee: {  	v3 =	vld [tilespmem:s20+$0x6450];
	v1 =	vadd.f32 v1, v6  }
0x1ef: {  	[tilespmem:s20+$0xA000] =	vst v0;
	v0 =	vld [tilespmem:s20+$0x2850];
	v2 =	vmax.f32 v2, $0.0e+00  }
0x1f0: {  	v4 =	vld [tilespmem:s20+$0x6460];
	v6 =	vadd.f32 v8, v7;
	[tilespmem:s20+$0xA010] =	vst v2;
	v2 =	vmax.f32 v1, $0.0e+00  }
0x1f1: {  	s24 =	simm.s32 $0x80;
	v1 =	vld [tilespmem:s20+$0x2860];
	[tilespmem:s20+$0xA020] =	vst v2  }
0x1f2: {  	s30 =	simm.s32 $0x400;
	v6 =	vmax.f32 v6, $0.0e+00;
	v5 =	vadd.f32 v5, v9;
	v2 =	vld [tilespmem:s24+$0x2870]  }
.LBB2_13:
0x1f3: {  	p0 =	sne.s32 s30, $0x4E00;
	v7 =	vld [tilespmem:s24+$0x6470];
	[tilespmem:s20+$0xA030] =	vst v6  }
0x1f4: {  	v6 =	vld [tilespmem:s24+$0x2800];
	v5 =	vmax.f32 v5, $0.0e+00;
	v0 =	vadd.f32 v3, v0  }
0x1f5: {  	v3 =	vld [tilespmem:s24+$0x6400];
	[tilespmem:s20+$0xA040] =	vst v5  }
0x1f6: {  	v5 =	vld [tilespmem:s24+$0x2810];
	v0 =	vmax.f32 v0, $0.0e+00;
	v1 =	vadd.f32 v4, v1  }
0x1f7: {  	v4 =	vld [tilespmem:s24+$0x6410];
	[tilespmem:s20+$0xA050] =	vst v0  }
0x1f8: {  	v0 =	vld [tilespmem:s24+$0x2820];
	v2 =	vadd.f32 v7, v2;
	v1 =	vmax.f32 v1, $0.0e+00  }
0x1f9: {  	v7 =	vld [tilespmem:s24+$0x6420];
	[tilespmem:s20+$0xA060] =	vst v1;
	s20 =	smov.u32 s24  }
0x1fa: {  	v1 =	vadd.f32 v3, v6;
	v6 =	vld [tilespmem:s20+$0x2830];
	v2 =	vmax.f32 v2, $0.0e+00  }
0x1fb: {  	v8 =	vld [tilespmem:s20+$0x6430];
	[tilespmem:s20+$0xA070] =	vst v2  }
0x1fc: {  	v1 =	vmax.f32 v1, $0.0e+00;
	v2 =	vadd.f32 v4, v5;
	v5 =	vld [tilespmem:s20+$0x2840]  }
0x1fd: {  	[tilespmem:s20+$0xA000] =	vst v1;
	v9 =	vld [tilespmem:s20+$0x6440]  }
.Ltmp5:
0x1fe: {  	v1 =	vmax.f32 v2, $0.0e+00;
	v2 =	vadd.f32 v7, v0;
	v0 =	vld [tilespmem:s20+$0x2850];
	(pc) =	sbr.rel @p0 .LBB2_13-.Ltmp5, $4  }
0x1ff: {  	[tilespmem:s20+$0xA010] =	vst v1;
	v3 =	vld [tilespmem:s20+$0x6450]  }
0x200: {  	v2 =	vmax.f32 v2, $0.0e+00;
	v6 =	vadd.f32 v8, v6;
	v1 =	vld [tilespmem:s20+$0x2860]  }
0x201: {  	s24 =	sshra.s32 s30, $0x2;
	[tilespmem:s20+$0xA020] =	vst v2;
	v4 =	vld [tilespmem:s20+$0x6460]  }
0x202: {  	s30 =	sadd.s32 $0x200, s30;
	v2 =	vld [tilespmem:s24+$0x2870];
	v6 =	vmax.f32 v6, $0.0e+00;
	v5 =	vadd.f32 v9, v5  }
0x203: {  	v7 =	vld [tilespmem:s24+$0x6470];
	[tilespmem:s20+$0xA030] =	vst v6  }
0x204: {  	v6 =	vld [tilespmem:s24+$0x2800];
	v5 =	vmax.f32 v5, $0.0e+00;
	v0 =	vadd.f32 v3, v0  }
0x205: {  	v8 =	vld [tilespmem:s24+$0x6400];
	[tilespmem:s20+$0xA040] =	vst v5  }
0x206: {  	v3 =	vld [tilespmem:s24+$0x2810];
	v0 =	vmax.f32 v0, $0.0e+00;
	v1 =	vadd.f32 v4, v1  }
0x207: {  	v5 =	vld [tilespmem:s24+$0x6410];
	[tilespmem:s20+$0xA050] =	vst v0  }
0x208: {  	v0 =	vld [tilespmem:s24+$0x2820];
	v1 =	vmax.f32 v1, $0.0e+00  }
0x209: {  	v4 =	vld [tilespmem:s24+$0x6420];
	v2 =	vadd.f32 v7, v2;
	[tilespmem:s20+$0xA060] =	vst v1  }
0x20a: {  	v6 =	vadd.f32 v8, v6;
	v1 =	vld [tilespmem:s24+$0x2830]  }
0x20b: {  	v2 =	vmax.f32 v2, $0.0e+00;
	v7 =	vld [tilespmem:s24+$0x6430]  }
0x20c: {  	[tilespmem:s24+$0xA070] =	vst v2;
	v2 =	vmax.f32 v6, $0.0e+00;
	v6 =	vld [tilespmem:s24+$0x2840]  }
0x20d: {  	v3 =	vadd.f32 v5, v3;
	v5 =	vld [tilespmem:s24+$0x2850]  }
0x20e: {  	[tilespmem:s24+$0xA000] =	vst v2;
	v2 =	vld [tilespmem:s24+$0x6440];
	v0 =	vadd.f32 v4, v0  }
0x20f: {  	v3 =	vmax.f32 v3, $0.0e+00;
	v4 =	vld [tilespmem:s24+$0x2860]  }
0x210: {  	[tilespmem:s24+$0xA010] =	vst v3;
	v3 =	vld [tilespmem:s24+$0x6450];
	v0 =	vmax.f32 v0, $0.0e+00  }
0x211: {  	[tilespmem:s24+$0xA020] =	vst v0;
	v0 =	vld [tilespmem:s24+$0x6460];
	_ =	sdelay $0x1  }
0x212: {  	v1 =	vadd.f32 v7, v1  }
0x213: {  	v2 =	vadd.f32 v2, v6  }
0x214: {  	v1 =	vmax.f32 v1, $0.0e+00;
	v3 =	vadd.f32 v3, v5  }
0x215: {  	[tilespmem:s24+$0xA030] =	vst v1;
	v1 =	vmax.f32 v2, $0.0e+00;
	v0 =	vadd.f32 v0, v4  }
0x216: {  	[tilespmem:s24+$0xA040] =	vst v1;
	v1 =	vmax.f32 v3, $0.0e+00  }
0x217: {  	[tilespmem:s24+$0xA050] =	vst v1;
	v0 =	vmax.f32 v0, $0.0e+00  }
0x218: {  	[tilespmem:s24+$0xA060] =	vst v0;
	s24 =	simm.s32 $0x12  }
0x219: {  	_ =	swait.ge [sflag:s24], $0x28  }
0x21a: {  	s0 =	smul.u32 $0x280, s0;
	[sflag:s24] =	ssyncset.done $0x0  }
0x21b: {  	s20 =	simm.s32 $0xB800;
	[sflag:s24] =	ssyncadd.s32 $0xFFFFFFD8;
	s24 =	simm.s32 $0xA000  }
0x21c: {  	[spmem:s2] =	stream.indirect.scatter.add.f32 [tilespmem:s24], [sflag:$0x9], $0x80, s20, s17, $0xb8;
	[tilespmem:$0x1F480] =	vst v63  }
0x21d: {  	_ =	swait.ge [sflag:s4], $0x28  }
0x21e: {  	s0 =	sadd.s32 s7, s0;
	[sflag:s4] =	ssyncset.done $0x0  }
0x21f: {  	s20 =	simm.s32 $0x0;
	s24 =	simm.s32 $0x6400;
	[sflag:s4] =	ssyncadd.s32 $0xFFFFFFD8  }
0x220: {  	[tilespmem:s24], [sflag:$0x6] =	stream.linear.gather [hbm4b:s0+s20], $0x1400, $0x38;
	[tilespmem:$0x1F480] =	vst v63  }
0x221: {  	s24 =	simm.s32 $0x2800  }
0x222: {  	[tilespmem:s24], [sflag:$0x3] =	stream.indirect.gather [hbm4b:s1+s17], $0x80, s13, s17, $0xb8;
	[tilespmem:$0x1F480] =	vst v63  }
0x223: {  	_ =	swait.ge [sflag:s22], $0x1400  }
0x224: {  	[sflag:s22] =	ssyncset.done $0x0;
	s24 =	rddreg [dreg:$0x17]  }
0x225: {  	[sflag:s22] =	ssyncadd.s32 $0xFFFFEC00;
	s0 =	sadd.s32 s31, s24  }
0x226: {  	_ =	swait.ge [sflag:s23], $0x1400;
	s24 =	smul.u32 $0x5, s0  }
0x227: {  	[sflag:s23] =	ssyncset.done $0x0  }
0x228: {  	[sflag:s23] =	ssyncadd.s32 $0xFFFFEC00;
	s30 =	sadd.s32 s5, s24  }
0x229: {  	[tilespmem:s8], [sflag:$0xA] =	stream.linear.gather [hbm4b:s30+s20], $0x28, $0x38;
	[tilespmem:$0x1F480] =	vst v63  }
0x22a: {  	_ =	swait.ge [sflag:s29], $0x1400  }
0x22b: {  	[sflag:s29] =	ssyncset.done $0x0  }
0x22c: {  	s24 =	sadd.s32 s6, s24;
	[sflag:s29] =	ssyncadd.s32 $0xFFFFEC00  }
0x22d: {  	[tilespmem:s9], [sflag:$0x10] =	stream.linear.gather [hbm4b:s24+s20], $0x28, $0x38;
	[tilespmem:$0x1F480] =	vst v63  }
0x22e: {  	s20 =	simm.s32 $0x0  }
0x22f: {  	v0 =	vld [tilespmem:s20+$0x70]  }
0x230: {  	v1 =	vld [tilespmem:s20+$0x3C70]  }
0x231: {  	v2 =	vld [tilespmem:s20+$0x0]  }
0x232: {  	v3 =	vld [tilespmem:s20+$0x3C00]  }
0x233: {  	v4 =	vld [tilespmem:s20+$0x10]  }
0x234: {  	v5 =	vld [tilespmem:s20+$0x3C10]  }
0x235: {  	v6 =	vld [tilespmem:s20+$0x20]  }
0x236: {  	v0 =	vadd.f32 v1, v0;
	v1 =	vld [tilespmem:s20+$0x3C20]  }
0x237: {  	v7 =	vld [tilespmem:s20+$0x30]  }
0x238: {  	v8 =	vld [tilespmem:s20+$0x3C30];
	v2 =	vadd.f32 v3, v2  }
0x239: {  	v9 =	vld [tilespmem:s20+$0x40];
	v0 =	vmax.f32 v0, $0.0e+00  }
0x23a: {  	[tilespmem:s20+$0x7870] =	vst v0;
	v0 =	vmax.f32 v2, $0.0e+00;
	v2 =	vadd.f32 v5, v4;
	v5 =	vld [tilespmem:s20+$0x3C40]  }
0x23b: {  	v3 =	vld [tilespmem:s20+$0x3C50];
	v1 =	vadd.f32 v1, v6  }
0x23c: {  	[tilespmem:s20+$0x7800] =	vst v0;
	v0 =	vld [tilespmem:s20+$0x50];
	v2 =	vmax.f32 v2, $0.0e+00  }
0x23d: {  	v4 =	vld [tilespmem:s20+$0x3C60];
	v6 =	vadd.f32 v8, v7;
	[tilespmem:s20+$0x7810] =	vst v2;
	v2 =	vmax.f32 v1, $0.0e+00  }
0x23e: {  	s24 =	simm.s32 $0x80;
	v1 =	vld [tilespmem:s20+$0x60];
	[tilespmem:s20+$0x7820] =	vst v2  }
0x23f: {  	s30 =	simm.s32 $0x400;
	v6 =	vmax.f32 v6, $0.0e+00;
	v5 =	vadd.f32 v5, v9;
	v2 =	vld [tilespmem:s24+$0x70]  }
.LBB2_15:
0x240: {  	p0 =	sne.s32 s30, $0x4E00;
	v7 =	vld [tilespmem:s24+$0x3C70];
	[tilespmem:s20+$0x7830] =	vst v6  }
0x241: {  	v6 =	vld [tilespmem:s24+$0x0];
	v5 =	vmax.f32 v5, $0.0e+00;
	v0 =	vadd.f32 v3, v0  }
0x242: {  	v3 =	vld [tilespmem:s24+$0x3C00];
	[tilespmem:s20+$0x7840] =	vst v5  }
0x243: {  	v5 =	vld [tilespmem:s24+$0x10];
	v0 =	vmax.f32 v0, $0.0e+00;
	v1 =	vadd.f32 v4, v1  }
0x244: {  	v4 =	vld [tilespmem:s24+$0x3C10];
	[tilespmem:s20+$0x7850] =	vst v0  }
0x245: {  	v0 =	vld [tilespmem:s24+$0x20];
	v2 =	vadd.f32 v7, v2;
	v1 =	vmax.f32 v1, $0.0e+00  }
0x246: {  	v7 =	vld [tilespmem:s24+$0x3C20];
	[tilespmem:s20+$0x7860] =	vst v1;
	s20 =	smov.u32 s24  }
0x247: {  	v1 =	vadd.f32 v3, v6;
	v6 =	vld [tilespmem:s20+$0x30];
	v2 =	vmax.f32 v2, $0.0e+00  }
0x248: {  	v8 =	vld [tilespmem:s20+$0x3C30];
	[tilespmem:s20+$0x7870] =	vst v2  }
0x249: {  	v1 =	vmax.f32 v1, $0.0e+00;
	v2 =	vadd.f32 v4, v5;
	v5 =	vld [tilespmem:s20+$0x40]  }
0x24a: {  	[tilespmem:s20+$0x7800] =	vst v1;
	v9 =	vld [tilespmem:s20+$0x3C40]  }
.Ltmp6:
0x24b: {  	v1 =	vmax.f32 v2, $0.0e+00;
	v2 =	vadd.f32 v7, v0;
	v0 =	vld [tilespmem:s20+$0x50];
	(pc) =	sbr.rel @p0 .LBB2_15-.Ltmp6, $4  }
0x24c: {  	[tilespmem:s20+$0x7810] =	vst v1;
	v3 =	vld [tilespmem:s20+$0x3C50]  }
0x24d: {  	v2 =	vmax.f32 v2, $0.0e+00;
	v6 =	vadd.f32 v8, v6;
	v1 =	vld [tilespmem:s20+$0x60]  }
0x24e: {  	s24 =	sshra.s32 s30, $0x2;
	[tilespmem:s20+$0x7820] =	vst v2;
	v4 =	vld [tilespmem:s20+$0x3C60]  }
0x24f: {  	s30 =	sadd.s32 $0x200, s30;
	v2 =	vld [tilespmem:s24+$0x70];
	v6 =	vmax.f32 v6, $0.0e+00;
	v5 =	vadd.f32 v9, v5  }
0x250: {  	v7 =	vld [tilespmem:s24+$0x3C70];
	[tilespmem:s20+$0x7830] =	vst v6  }
0x251: {  	v6 =	vld [tilespmem:s24+$0x0];
	v5 =	vmax.f32 v5, $0.0e+00;
	v0 =	vadd.f32 v3, v0  }
0x252: {  	v8 =	vld [tilespmem:s24+$0x3C00];
	[tilespmem:s20+$0x7840] =	vst v5  }
0x253: {  	v3 =	vld [tilespmem:s24+$0x10];
	v0 =	vmax.f32 v0, $0.0e+00;
	v1 =	vadd.f32 v4, v1  }
0x254: {  	v5 =	vld [tilespmem:s24+$0x3C10];
	[tilespmem:s20+$0x7850] =	vst v0  }
0x255: {  	v0 =	vld [tilespmem:s24+$0x20];
	v1 =	vmax.f32 v1, $0.0e+00  }
0x256: {  	v4 =	vld [tilespmem:s24+$0x3C20];
	v2 =	vadd.f32 v7, v2;
	[tilespmem:s20+$0x7860] =	vst v1  }
0x257: {  	v6 =	vadd.f32 v8, v6;
	v1 =	vld [tilespmem:s24+$0x30]  }
0x258: {  	v2 =	vmax.f32 v2, $0.0e+00;
	v7 =	vld [tilespmem:s24+$0x3C30]  }
0x259: {  	[tilespmem:s24+$0x7870] =	vst v2;
	v2 =	vmax.f32 v6, $0.0e+00;
	v6 =	vld [tilespmem:s24+$0x40]  }
0x25a: {  	v3 =	vadd.f32 v5, v3;
	v5 =	vld [tilespmem:s24+$0x50]  }
0x25b: {  	[tilespmem:s24+$0x7800] =	vst v2;
	v2 =	vld [tilespmem:s24+$0x3C40];
	v0 =	vadd.f32 v4, v0  }
0x25c: {  	v3 =	vmax.f32 v3, $0.0e+00;
	v4 =	vld [tilespmem:s24+$0x60]  }
0x25d: {  	[tilespmem:s24+$0x7810] =	vst v3;
	v3 =	vld [tilespmem:s24+$0x3C50];
	v0 =	vmax.f32 v0, $0.0e+00  }
0x25e: {  	[tilespmem:s24+$0x7820] =	vst v0;
	v0 =	vld [tilespmem:s24+$0x3C60];
	_ =	sdelay $0x1  }
0x25f: {  	v1 =	vadd.f32 v7, v1  }
0x260: {  	v2 =	vadd.f32 v2, v6  }
0x261: {  	v1 =	vmax.f32 v1, $0.0e+00;
	v3 =	vadd.f32 v3, v5  }
0x262: {  	[tilespmem:s24+$0x7830] =	vst v1;
	v1 =	vmax.f32 v2, $0.0e+00;
	v0 =	vadd.f32 v0, v4  }
0x263: {  	[tilespmem:s24+$0x7840] =	vst v1;
	v1 =	vmax.f32 v3, $0.0e+00  }
0x264: {  	[tilespmem:s24+$0x7850] =	vst v1;
	v0 =	vmax.f32 v0, $0.0e+00  }
0x265: {  	[tilespmem:s24+$0x7860] =	vst v0;
	s24 =	simm.s32 $0xD  }
0x266: {  	_ =	swait.ge [sflag:s24], $0x28  }
0x267: {  	s0 =	smul.u32 $0x280, s0;
	[sflag:s24] =	ssyncset.done $0x0  }
0x268: {  	s20 =	simm.s32 $0xB580;
	[sflag:s24] =	ssyncadd.s32 $0xFFFFFFD8;
	s24 =	simm.s32 $0x7800  }
0x269: {  	[spmem:s2] =	stream.indirect.scatter.add.f32 [tilespmem:s24], [sflag:$0x7], $0x80, s20, s17, $0xb8;
	[tilespmem:$0x1F480] =	vst v63  }
0x26a: {  	_ =	swait.ge [sflag:s15], $0x28  }
0x26b: {  	s0 =	sadd.s32 s7, s0;
	[sflag:s15] =	ssyncset.done $0x0  }
0x26c: {  	s20 =	simm.s32 $0x0;
	s24 =	simm.s32 $0x3C00;
	[sflag:s15] =	ssyncadd.s32 $0xFFFFFFD8  }
0x26d: {  	[tilespmem:s24], [sflag:$0x4] =	stream.linear.gather [hbm4b:s0+s20], $0x1400, $0x38;
	[tilespmem:$0x1F480] =	vst v63  }
0x26e: {  	_ = 	snop  }
0x26f: {  	[tilespmem:s20], [sflag:$0x1] =	stream.indirect.gather [hbm4b:s1+s17], $0x80, s8, s17, $0xb8;
	[tilespmem:$0x1F480] =	vst v63  }
0x270: {  	_ =	swait.ge [sflag:s10], $0x1400  }
0x271: {  	[sflag:s10] =	ssyncset.done $0x0;
	s24 =	rddreg [dreg:$0x18]  }
0x272: {  	[sflag:s10] =	ssyncadd.s32 $0xFFFFEC00;
	s0 =	sadd.s32 s31, s24  }
0x273: {  	_ =	swait.ge [sflag:s3], $0x1400;
	s24 =	smul.u32 $0x5, s0  }
0x274: {  	[sflag:s3] =	ssyncset.done $0x0  }
0x275: {  	[sflag:s3] =	ssyncadd.s32 $0xFFFFEC00;
	s30 =	sadd.s32 s5, s24  }
0x276: {  	[tilespmem:s11], [sflag:$0xB] =	stream.linear.gather [hbm4b:s30+s20], $0x28, $0x38;
	[tilespmem:$0x1F480] =	vst v63  }
0x277: {  	_ =	swait.ge [sflag:s19], $0x1400  }
0x278: {  	[sflag:s19] =	ssyncset.done $0x0  }
0x279: {  	s24 =	sadd.s32 s6, s24;
	s30 =	simm.s32 $0xB780;
	[sflag:s19] =	ssyncadd.s32 $0xFFFFEC00  }
0x27a: {  	[tilespmem:s30], [sflag:$0x11] =	stream.linear.gather [hbm4b:s24+s20], $0x28, $0x38;
	[tilespmem:$0x1F480] =	vst v63  }
0x27b: {  	s20 =	simm.s32 $0x0  }
0x27c: {  	v0 =	vld [tilespmem:s20+$0x1470]  }
0x27d: {  	v1 =	vld [tilespmem:s20+$0x5070]  }
0x27e: {  	v2 =	vld [tilespmem:s20+$0x1400]  }
0x27f: {  	v3 =	vld [tilespmem:s20+$0x5000]  }
0x280: {  	v4 =	vld [tilespmem:s20+$0x1410]  }
0x281: {  	v5 =	vld [tilespmem:s20+$0x5010]  }
0x282: {  	v6 =	vld [tilespmem:s20+$0x1420]  }
0x283: {  	v0 =	vadd.f32 v1, v0;
	v1 =	vld [tilespmem:s20+$0x5020]  }
0x284: {  	v7 =	vld [tilespmem:s20+$0x1430]  }
0x285: {  	v8 =	vld [tilespmem:s20+$0x5030];
	v2 =	vadd.f32 v3, v2  }
0x286: {  	v9 =	vld [tilespmem:s20+$0x1440];
	v0 =	vmax.f32 v0, $0.0e+00  }
0x287: {  	[tilespmem:s20+$0x8C70] =	vst v0;
	v0 =	vmax.f32 v2, $0.0e+00;
	v2 =	vadd.f32 v5, v4;
	v5 =	vld [tilespmem:s20+$0x5040]  }
0x288: {  	v3 =	vld [tilespmem:s20+$0x5050];
	v1 =	vadd.f32 v1, v6  }
0x289: {  	[tilespmem:s20+$0x8C00] =	vst v0;
	v0 =	vld [tilespmem:s20+$0x1450];
	v2 =	vmax.f32 v2, $0.0e+00  }
0x28a: {  	v4 =	vld [tilespmem:s20+$0x5060];
	v6 =	vadd.f32 v8, v7;
	[tilespmem:s20+$0x8C10] =	vst v2;
	v2 =	vmax.f32 v1, $0.0e+00  }
0x28b: {  	s24 =	simm.s32 $0x80;
	v1 =	vld [tilespmem:s20+$0x1460];
	[tilespmem:s20+$0x8C20] =	vst v2  }
0x28c: {  	s30 =	simm.s32 $0x400;
	v6 =	vmax.f32 v6, $0.0e+00;
	v5 =	vadd.f32 v5, v9;
	v2 =	vld [tilespmem:s24+$0x1470]  }
.LBB2_17:
0x28d: {  	p0 =	sne.s32 s30, $0x4E00;
	v7 =	vld [tilespmem:s24+$0x5070];
	[tilespmem:s20+$0x8C30] =	vst v6  }
0x28e: {  	v6 =	vld [tilespmem:s24+$0x1400];
	v5 =	vmax.f32 v5, $0.0e+00;
	v0 =	vadd.f32 v3, v0  }
0x28f: {  	v3 =	vld [tilespmem:s24+$0x5000];
	[tilespmem:s20+$0x8C40] =	vst v5  }
0x290: {  	v5 =	vld [tilespmem:s24+$0x1410];
	v0 =	vmax.f32 v0, $0.0e+00;
	v1 =	vadd.f32 v4, v1  }
0x291: {  	v4 =	vld [tilespmem:s24+$0x5010];
	[tilespmem:s20+$0x8C50] =	vst v0  }
0x292: {  	v0 =	vld [tilespmem:s24+$0x1420];
	v2 =	vadd.f32 v7, v2;
	v1 =	vmax.f32 v1, $0.0e+00  }
0x293: {  	v7 =	vld [tilespmem:s24+$0x5020];
	[tilespmem:s20+$0x8C60] =	vst v1;
	s20 =	smov.u32 s24  }
0x294: {  	v1 =	vadd.f32 v3, v6;
	v6 =	vld [tilespmem:s20+$0x1430];
	v2 =	vmax.f32 v2, $0.0e+00  }
0x295: {  	v8 =	vld [tilespmem:s20+$0x5030];
	[tilespmem:s20+$0x8C70] =	vst v2  }
0x296: {  	v1 =	vmax.f32 v1, $0.0e+00;
	v2 =	vadd.f32 v4, v5;
	v5 =	vld [tilespmem:s20+$0x1440]  }
0x297: {  	[tilespmem:s20+$0x8C00] =	vst v1;
	v9 =	vld [tilespmem:s20+$0x5040]  }
.Ltmp7:
0x298: {  	v1 =	vmax.f32 v2, $0.0e+00;
	v2 =	vadd.f32 v7, v0;
	v0 =	vld [tilespmem:s20+$0x1450];
	(pc) =	sbr.rel @p0 .LBB2_17-.Ltmp7, $4  }
0x299: {  	[tilespmem:s20+$0x8C10] =	vst v1;
	v3 =	vld [tilespmem:s20+$0x5050]  }
0x29a: {  	v2 =	vmax.f32 v2, $0.0e+00;
	v6 =	vadd.f32 v8, v6;
	v1 =	vld [tilespmem:s20+$0x1460]  }
0x29b: {  	s24 =	sshra.s32 s30, $0x2;
	[tilespmem:s20+$0x8C20] =	vst v2;
	v4 =	vld [tilespmem:s20+$0x5060]  }
0x29c: {  	s30 =	sadd.s32 $0x200, s30;
	v2 =	vld [tilespmem:s24+$0x1470];
	v6 =	vmax.f32 v6, $0.0e+00;
	v5 =	vadd.f32 v9, v5  }
0x29d: {  	v7 =	vld [tilespmem:s24+$0x5070];
	[tilespmem:s20+$0x8C30] =	vst v6  }
0x29e: {  	v6 =	vld [tilespmem:s24+$0x1400];
	v5 =	vmax.f32 v5, $0.0e+00;
	v0 =	vadd.f32 v3, v0  }
0x29f: {  	v8 =	vld [tilespmem:s24+$0x5000];
	[tilespmem:s20+$0x8C40] =	vst v5  }
0x2a0: {  	v3 =	vld [tilespmem:s24+$0x1410];
	v0 =	vmax.f32 v0, $0.0e+00;
	v1 =	vadd.f32 v4, v1  }
0x2a1: {  	v5 =	vld [tilespmem:s24+$0x5010];
	[tilespmem:s20+$0x8C50] =	vst v0  }
0x2a2: {  	v0 =	vld [tilespmem:s24+$0x1420];
	v1 =	vmax.f32 v1, $0.0e+00  }
0x2a3: {  	v4 =	vld [tilespmem:s24+$0x5020];
	v2 =	vadd.f32 v7, v2;
	[tilespmem:s20+$0x8C60] =	vst v1  }
0x2a4: {  	v6 =	vadd.f32 v8, v6;
	v1 =	vld [tilespmem:s24+$0x1430]  }
0x2a5: {  	v2 =	vmax.f32 v2, $0.0e+00;
	v7 =	vld [tilespmem:s24+$0x5030]  }
0x2a6: {  	[tilespmem:s24+$0x8C70] =	vst v2;
	v2 =	vmax.f32 v6, $0.0e+00;
	v6 =	vld [tilespmem:s24+$0x1440]  }
0x2a7: {  	v3 =	vadd.f32 v5, v3;
	v5 =	vld [tilespmem:s24+$0x1450]  }
0x2a8: {  	[tilespmem:s24+$0x8C00] =	vst v2;
	v2 =	vld [tilespmem:s24+$0x5040];
	v0 =	vadd.f32 v4, v0  }
0x2a9: {  	v3 =	vmax.f32 v3, $0.0e+00;
	v4 =	vld [tilespmem:s24+$0x1460]  }
0x2aa: {  	[tilespmem:s24+$0x8C10] =	vst v3;
	v3 =	vld [tilespmem:s24+$0x5050];
	v0 =	vmax.f32 v0, $0.0e+00  }
0x2ab: {  	[tilespmem:s24+$0x8C20] =	vst v0;
	v0 =	vld [tilespmem:s24+$0x5060];
	_ =	sdelay $0x1  }
0x2ac: {  	v1 =	vadd.f32 v7, v1  }
0x2ad: {  	v2 =	vadd.f32 v2, v6  }
0x2ae: {  	v1 =	vmax.f32 v1, $0.0e+00;
	v3 =	vadd.f32 v3, v5  }
0x2af: {  	[tilespmem:s24+$0x8C30] =	vst v1;
	v1 =	vmax.f32 v2, $0.0e+00;
	v0 =	vadd.f32 v0, v4  }
0x2b0: {  	[tilespmem:s24+$0x8C40] =	vst v1;
	v1 =	vmax.f32 v3, $0.0e+00  }
0x2b1: {  	[tilespmem:s24+$0x8C50] =	vst v1;
	v0 =	vmax.f32 v0, $0.0e+00  }
0x2b2: {  	[tilespmem:s24+$0x8C60] =	vst v0;
	s24 =	simm.s32 $0xE  }
0x2b3: {  	_ =	swait.ge [sflag:s24], $0x28  }
0x2b4: {  	s0 =	smul.u32 $0x280, s0;
	[sflag:s24] =	ssyncset.done $0x0  }
0x2b5: {  	s20 =	simm.s32 $0xB600;
	[sflag:s24] =	ssyncadd.s32 $0xFFFFFFD8;
	s24 =	simm.s32 $0x8C00  }
0x2b6: {  	[spmem:s2] =	stream.indirect.scatter.add.f32 [tilespmem:s24], [sflag:$0x8], $0x80, s20, s17, $0xb8;
	[tilespmem:$0x1F480] =	vst v63  }
0x2b7: {  	_ =	swait.ge [sflag:s25], $0x28  }
0x2b8: {  	s0 =	sadd.s32 s7, s0;
	[sflag:s25] =	ssyncset.done $0x0  }
0x2b9: {  	s20 =	simm.s32 $0x0;
	s24 =	simm.s32 $0x5000;
	[sflag:s25] =	ssyncadd.s32 $0xFFFFFFD8  }
0x2ba: {  	[tilespmem:s24], [sflag:$0x5] =	stream.linear.gather [hbm4b:s0+s20], $0x1400, $0x38;
	[tilespmem:$0x1F480] =	vst v63  }
0x2bb: {  	s24 =	simm.s32 $0x1400  }
0x2bc: {  	[tilespmem:s24], [sflag:$0x2] =	stream.indirect.gather [hbm4b:s1+s17], $0x80, s11, s17, $0xb8;
	[tilespmem:$0x1F480] =	vst v63  }
0x2bd: {  	_ =	swait.ge [sflag:s26], $0x1400  }
0x2be: {  	[sflag:s26] =	ssyncset.done $0x0;
	s24 =	rddreg [dreg:$0x19]  }
0x2bf: {  	[sflag:s26] =	ssyncadd.s32 $0xFFFFEC00;
	s0 =	sadd.s32 s31, s24  }
0x2c0: {  	_ =	swait.ge [sflag:s28], $0x1400;
	s31 =	smul.u32 $0x5, s0  }
0x2c1: {  	[sflag:s28] =	ssyncset.done $0x0  }
0x2c2: {  	[sflag:s28] =	ssyncadd.s32 $0xFFFFEC00;
	s30 =	sadd.s32 s5, s31  }
0x2c3: {  	[tilespmem:s13], [sflag:$0xC] =	stream.linear.gather [hbm4b:s30+s20], $0x28, $0x38;
	[tilespmem:$0x1F480] =	vst v63  }
0x2c4: {  	_ =	swait.ge [sflag:s21], $0x1400  }
0x2c5: {  	[sflag:s21] =	ssyncset.done $0x0  }
0x2c6: {  	s24 =	sadd.s32 s6, s31;
	s30 =	simm.s32 $0xB800;
	[sflag:s21] =	ssyncadd.s32 $0xFFFFEC00  }
0x2c7: {  	[tilespmem:s30], [sflag:$0x12] =	stream.linear.gather [hbm4b:s24+s20], $0x28, $0x38;
	[tilespmem:$0x1F480] =	vst v63  }
0x2c8: {  	s20 =	simm.s32 $0x0  }
0x2c9: {  	v0 =	vld [tilespmem:s20+$0x2870]  }
0x2ca: {  	v1 =	vld [tilespmem:s20+$0x6470]  }
0x2cb: {  	v2 =	vld [tilespmem:s20+$0x2800]  }
0x2cc: {  	v3 =	vld [tilespmem:s20+$0x6400]  }
0x2cd: {  	v4 =	vld [tilespmem:s20+$0x2810]  }
0x2ce: {  	v5 =	vld [tilespmem:s20+$0x6410]  }
0x2cf: {  	v6 =	vld [tilespmem:s20+$0x2820]  }
0x2d0: {  	v0 =	vadd.f32 v1, v0;
	v1 =	vld [tilespmem:s20+$0x6420]  }
0x2d1: {  	v7 =	vld [tilespmem:s20+$0x2830]  }
0x2d2: {  	v8 =	vld [tilespmem:s20+$0x6430];
	v2 =	vadd.f32 v3, v2  }
0x2d3: {  	v9 =	vld [tilespmem:s20+$0x2840];
	v0 =	vmax.f32 v0, $0.0e+00  }
0x2d4: {  	[tilespmem:s20+$0xA070] =	vst v0;
	v0 =	vmax.f32 v2, $0.0e+00;
	v2 =	vadd.f32 v5, v4;
	v5 =	vld [tilespmem:s20+$0x6440]  }
0x2d5: {  	v3 =	vld [tilespmem:s20+$0x6450];
	v1 =	vadd.f32 v1, v6  }
0x2d6: {  	[tilespmem:s20+$0xA000] =	vst v0;
	v0 =	vld [tilespmem:s20+$0x2850];
	v2 =	vmax.f32 v2, $0.0e+00  }
0x2d7: {  	v4 =	vld [tilespmem:s20+$0x6460];
	v6 =	vadd.f32 v8, v7;
	[tilespmem:s20+$0xA010] =	vst v2;
	v2 =	vmax.f32 v1, $0.0e+00  }
0x2d8: {  	s24 =	simm.s32 $0x80;
	v1 =	vld [tilespmem:s20+$0x2860];
	[tilespmem:s20+$0xA020] =	vst v2  }
0x2d9: {  	s30 =	simm.s32 $0x400;
	v6 =	vmax.f32 v6, $0.0e+00;
	v5 =	vadd.f32 v5, v9;
	v2 =	vld [tilespmem:s24+$0x2870]  }
.LBB2_19:
0x2da: {  	p0 =	sne.s32 s30, $0x4E00;
	v7 =	vld [tilespmem:s24+$0x6470];
	[tilespmem:s20+$0xA030] =	vst v6  }
0x2db: {  	v6 =	vld [tilespmem:s24+$0x2800];
	v5 =	vmax.f32 v5, $0.0e+00;
	v0 =	vadd.f32 v3, v0  }
0x2dc: {  	v3 =	vld [tilespmem:s24+$0x6400];
	[tilespmem:s20+$0xA040] =	vst v5  }
0x2dd: {  	v5 =	vld [tilespmem:s24+$0x2810];
	v0 =	vmax.f32 v0, $0.0e+00;
	v1 =	vadd.f32 v4, v1  }
0x2de: {  	v4 =	vld [tilespmem:s24+$0x6410];
	[tilespmem:s20+$0xA050] =	vst v0  }
0x2df: {  	v0 =	vld [tilespmem:s24+$0x2820];
	v2 =	vadd.f32 v7, v2;
	v1 =	vmax.f32 v1, $0.0e+00  }
0x2e0: {  	v7 =	vld [tilespmem:s24+$0x6420];
	[tilespmem:s20+$0xA060] =	vst v1;
	s20 =	smov.u32 s24  }
0x2e1: {  	v1 =	vadd.f32 v3, v6;
	v6 =	vld [tilespmem:s20+$0x2830];
	v2 =	vmax.f32 v2, $0.0e+00  }
0x2e2: {  	v8 =	vld [tilespmem:s20+$0x6430];
	[tilespmem:s20+$0xA070] =	vst v2  }
0x2e3: {  	v1 =	vmax.f32 v1, $0.0e+00;
	v2 =	vadd.f32 v4, v5;
	v5 =	vld [tilespmem:s20+$0x2840]  }
0x2e4: {  	[tilespmem:s20+$0xA000] =	vst v1;
	v9 =	vld [tilespmem:s20+$0x6440]  }
.Ltmp8:
0x2e5: {  	v1 =	vmax.f32 v2, $0.0e+00;
	v2 =	vadd.f32 v7, v0;
	v0 =	vld [tilespmem:s20+$0x2850];
	(pc) =	sbr.rel @p0 .LBB2_19-.Ltmp8, $4  }
0x2e6: {  	[tilespmem:s20+$0xA010] =	vst v1;
	v3 =	vld [tilespmem:s20+$0x6450]  }
0x2e7: {  	v2 =	vmax.f32 v2, $0.0e+00;
	v6 =	vadd.f32 v8, v6;
	v1 =	vld [tilespmem:s20+$0x2860]  }
0x2e8: {  	s24 =	sshra.s32 s30, $0x2;
	[tilespmem:s20+$0xA020] =	vst v2;
	v4 =	vld [tilespmem:s20+$0x6460]  }
0x2e9: {  	s30 =	sadd.s32 $0x200, s30;
	v2 =	vld [tilespmem:s24+$0x2870];
	v6 =	vmax.f32 v6, $0.0e+00;
	v5 =	vadd.f32 v9, v5  }
0x2ea: {  	v7 =	vld [tilespmem:s24+$0x6470];
	[tilespmem:s20+$0xA030] =	vst v6  }
0x2eb: {  	v6 =	vld [tilespmem:s24+$0x2800];
	v5 =	vmax.f32 v5, $0.0e+00;
	v0 =	vadd.f32 v3, v0  }
0x2ec: {  	v8 =	vld [tilespmem:s24+$0x6400];
	[tilespmem:s20+$0xA040] =	vst v5  }
0x2ed: {  	v52 =	vld [tilespmem:s24+$0x2810];
	v0 =	vmax.f32 v0, $0.0e+00;
	v1 =	vadd.f32 v4, v1  }
0x2ee: {  	v5 =	vld [tilespmem:s24+$0x6410];
	[tilespmem:s20+$0xA050] =	vst v0  }
0x2ef: {  	v0 =	vld [tilespmem:s24+$0x2820];
	v1 =	vmax.f32 v1, $0.0e+00  }
0x2f0: {  	v53 =	vld [tilespmem:s24+$0x6420];
	[tilespmem:s20+$0xA060] =	vst v1  }
0x2f1: {  	v1 =	vld [tilespmem:s24+$0x2830]  }
0x2f2: {  	v54 =	vld [tilespmem:s24+$0x6430]  }
0x2f3: {  	v56 =	vld [tilespmem:s24+$0x2840]  }
0x2f4: {  	v57 =	vld [tilespmem:s24+$0x6440]  }
0x2f5: {  	v58 =	vld [tilespmem:s24+$0x2850]  }
0x2f6: {  	v2 =	vadd.f32 v7, v2;
	v59 =	vld [tilespmem:s24+$0x6450]  }
0x2f7: {  	v6 =	vadd.f32 v8, v6;
	v60 =	vld [tilespmem:s24+$0x2860]  }
0x2f8: {  	v2 =	vmax.f32 v2, $0.0e+00;
	v61 =	vld [tilespmem:s24+$0x6460];
	v3 =	vadd.f32 v5, v52  }
0x2f9: {  	[tilespmem:s24+$0xA070] =	vst v2;
	v55 =	vmax.f32 v6, $0.0e+00;
	v0 =	vadd.f32 v53, v0  }
0x2fa: {  	[tilespmem:s24+$0xA000] =	vst v55;
	v3 =	vmax.f32 v3, $0.0e+00;
	v1 =	vadd.f32 v54, v1  }
0x2fb: {  	[tilespmem:s24+$0xA010] =	vst v3;
	v0 =	vmax.f32 v0, $0.0e+00;
	v2 =	vadd.f32 v57, v56  }
0x2fc: {  	v3 =	vadd.f32 v59, v58;
	[tilespmem:s24+$0xA020] =	vst v0;
	v1 =	vmax.f32 v1, $0.0e+00  }
0x2fd: {  	v0 =	vadd.f32 v61, v60;
	v62 =	vmax.f32 v2, $0.0e+00;
	[tilespmem:s24+$0xA030] =	vst v1  }
0x2fe: {  	v63 =	vmax.f32 v3, $0.0e+00;
	[tilespmem:s24+$0xA040] =	vst v62  }
0x2ff: {  	[tilespmem:s24+$0xA050] =	vst v63;
	v0 =	vmax.f32 v0, $0.0e+00  }
0x300: {  	[tilespmem:s24+$0xA060] =	vst v0  }
0x301: {  	_ =	swait.ge [sflag:s12], $0x28  }
0x302: {  	s30 =	simm.s32 $0xB680;
	s31 =	simm.s32 $0xA000;
	[sflag:s12] =	ssyncset.done $0x0  }
0x303: {  	s0 =	smul.u32 $0x280, s0;
	s16 =	sadd.s32 $0x1, s16;
	[sflag:s12] =	ssyncadd.s32 $0xFFFFFFD8  }
0x304: {  	[spmem:s2] =	stream.indirect.scatter.add.f32 [tilespmem:s31], [sflag:$0x9], $0x80, s30, s17, $0xb8;
	[tilespmem:$0x1F480] =	vst v63  }
0x305: {  	p0 =	sne.s32 s16, $0x28;
	_ =	swait.ge [sflag:s4], $0x28  }
.Ltmp9:
0x306: {  	s0 =	sadd.s32 s7, s0;
	[sflag:s4] =	ssyncset.done $0x0;
	(pc) =	sbr.rel @p0 .LBB2_8-.Ltmp9, $4  }
0x307: {  	s24 =	simm.s32 $0x0;
	s30 =	simm.s32 $0x6400;
	[sflag:s4] =	ssyncadd.s32 $0xFFFFFFD8  }
0x308: {  	[tilespmem:s30], [sflag:$0x6] =	stream.linear.gather [hbm4b:s0+s24], $0x1400, $0x38;
	[tilespmem:$0x1F480] =	vst v63  }
0x309: {  	s31 =	simm.s32 $0x2800  }
0x30a: {  	[tilespmem:s31], [sflag:$0x3] =	stream.indirect.gather [hbm4b:s1+s17], $0x80, s13, s17, $0xb8;
	[tilespmem:$0x1F480] =	vst v63  }
0x30b: {  	_ =	swait.ge [sflag:s22], $0x1400  }
0x30c: {  	[sflag:s22] =	ssyncset.done $0x0  }
0x30d: {  	[sflag:s22] =	ssyncadd.s32 $0xFFFFEC00  }
0x30e: {  	_ =	swait.ge [sflag:s23], $0x1400  }
0x30f: {  	[sflag:s23] =	ssyncset.done $0x0  }
0x310: {  	s0 =	simm.s32 $0x0;
	s14 =	rddreg [dreg:$0x1a];
	[sflag:s23] =	ssyncadd.s32 $0xFFFFEC00  }
0x311: {  	[tilespmem:s8], [sflag:$0xA] =	stream.linear.gather [hbm4b:s14+s0], $0x28, $0x38;
	[tilespmem:$0x1F480] =	vst v63  }
0x312: {  	_ =	swait.ge [sflag:s29], $0x1400  }
0x313: {  	[sflag:s29] =	ssyncset.done $0x0  }
0x314: {  	s16 =	simm.s32 $0xB580;
	s31 =	rddreg [dreg:$0x1b];
	[sflag:s29] =	ssyncadd.s32 $0xFFFFEC00  }
0x315: {  	[tilespmem:s16], [sflag:$0xD] =	stream.linear.gather [hbm4b:s31+s0], $0x28, $0x38;
	[tilespmem:$0x1F480] =	vst v63  }
0x316: {  	s0 =	simm.s32 $0x0  }
0x317: {  	v0 =	vld [tilespmem:s0+$0x70]  }
0x318: {  	v1 =	vld [tilespmem:s0+$0x3C70]  }
0x319: {  	v2 =	vld [tilespmem:s0+$0x0]  }
0x31a: {  	v3 =	vld [tilespmem:s0+$0x3C00]  }
0x31b: {  	v4 =	vld [tilespmem:s0+$0x10]  }
0x31c: {  	v5 =	vld [tilespmem:s0+$0x3C10]  }
0x31d: {  	v6 =	vld [tilespmem:s0+$0x20]  }
0x31e: {  	v0 =	vadd.f32 v1, v0;
	v1 =	vld [tilespmem:s0+$0x3C20]  }
0x31f: {  	v7 =	vld [tilespmem:s0+$0x30]  }
0x320: {  	v8 =	vld [tilespmem:s0+$0x3C30];
	v2 =	vadd.f32 v3, v2  }
0x321: {  	v9 =	vld [tilespmem:s0+$0x40];
	v0 =	vmax.f32 v0, $0.0e+00  }
0x322: {  	[tilespmem:s0+$0x7870] =	vst v0;
	v0 =	vmax.f32 v2, $0.0e+00;
	v2 =	vadd.f32 v5, v4;
	v5 =	vld [tilespmem:s0+$0x3C40]  }
0x323: {  	v3 =	vld [tilespmem:s0+$0x3C50];
	v1 =	vadd.f32 v1, v6  }
0x324: {  	[tilespmem:s0+$0x7800] =	vst v0;
	v0 =	vld [tilespmem:s0+$0x50];
	v2 =	vmax.f32 v2, $0.0e+00  }
0x325: {  	v4 =	vld [tilespmem:s0+$0x3C60];
	v6 =	vadd.f32 v8, v7;
	[tilespmem:s0+$0x7810] =	vst v2;
	v2 =	vmax.f32 v1, $0.0e+00  }
0x326: {  	s14 =	simm.s32 $0x80;
	v1 =	vld [tilespmem:s0+$0x60];
	[tilespmem:s0+$0x7820] =	vst v2  }
0x327: {  	s16 =	simm.s32 $0x400;
	v6 =	vmax.f32 v6, $0.0e+00;
	v5 =	vadd.f32 v5, v9;
	v2 =	vld [tilespmem:s14+$0x70]  }
.LBB2_22:
0x328: {  	p0 =	sne.s32 s16, $0x4E00;
	v7 =	vld [tilespmem:s14+$0x3C70];
	[tilespmem:s0+$0x7830] =	vst v6  }
0x329: {  	v6 =	vld [tilespmem:s14+$0x0];
	v5 =	vmax.f32 v5, $0.0e+00;
	v0 =	vadd.f32 v3, v0  }
0x32a: {  	v3 =	vld [tilespmem:s14+$0x3C00];
	[tilespmem:s0+$0x7840] =	vst v5  }
0x32b: {  	v5 =	vld [tilespmem:s14+$0x10];
	v0 =	vmax.f32 v0, $0.0e+00;
	v1 =	vadd.f32 v4, v1  }
0x32c: {  	v4 =	vld [tilespmem:s14+$0x3C10];
	[tilespmem:s0+$0x7850] =	vst v0  }
0x32d: {  	v0 =	vld [tilespmem:s14+$0x20];
	v2 =	vadd.f32 v7, v2;
	v1 =	vmax.f32 v1, $0.0e+00  }
0x32e: {  	v7 =	vld [tilespmem:s14+$0x3C20];
	[tilespmem:s0+$0x7860] =	vst v1;
	s0 =	smov.u32 s14  }
0x32f: {  	v1 =	vadd.f32 v3, v6;
	v6 =	vld [tilespmem:s0+$0x30];
	v2 =	vmax.f32 v2, $0.0e+00  }
0x330: {  	v8 =	vld [tilespmem:s0+$0x3C30];
	[tilespmem:s0+$0x7870] =	vst v2  }
0x331: {  	v1 =	vmax.f32 v1, $0.0e+00;
	v2 =	vadd.f32 v4, v5;
	v5 =	vld [tilespmem:s0+$0x40]  }
0x332: {  	[tilespmem:s0+$0x7800] =	vst v1;
	v9 =	vld [tilespmem:s0+$0x3C40]  }
.Ltmp10:
0x333: {  	v1 =	vmax.f32 v2, $0.0e+00;
	v2 =	vadd.f32 v7, v0;
	v0 =	vld [tilespmem:s0+$0x50];
	(pc) =	sbr.rel @p0 .LBB2_22-.Ltmp10, $4  }
0x334: {  	[tilespmem:s0+$0x7810] =	vst v1;
	v3 =	vld [tilespmem:s0+$0x3C50]  }
0x335: {  	v2 =	vmax.f32 v2, $0.0e+00;
	v6 =	vadd.f32 v8, v6;
	v1 =	vld [tilespmem:s0+$0x60]  }
0x336: {  	s14 =	sshra.s32 s16, $0x2;
	[tilespmem:s0+$0x7820] =	vst v2;
	v4 =	vld [tilespmem:s0+$0x3C60]  }
0x337: {  	s16 =	sadd.s32 $0x200, s16;
	v2 =	vld [tilespmem:s14+$0x70];
	v6 =	vmax.f32 v6, $0.0e+00;
	v5 =	vadd.f32 v9, v5  }
0x338: {  	v7 =	vld [tilespmem:s14+$0x3C70];
	[tilespmem:s0+$0x7830] =	vst v6  }
0x339: {  	v6 =	vld [tilespmem:s14+$0x0];
	v5 =	vmax.f32 v5, $0.0e+00;
	v0 =	vadd.f32 v3, v0  }
0x33a: {  	v8 =	vld [tilespmem:s14+$0x3C00];
	[tilespmem:s0+$0x7840] =	vst v5  }
0x33b: {  	v3 =	vld [tilespmem:s14+$0x10];
	v0 =	vmax.f32 v0, $0.0e+00;
	v1 =	vadd.f32 v4, v1  }
0x33c: {  	v5 =	vld [tilespmem:s14+$0x3C10];
	[tilespmem:s0+$0x7850] =	vst v0  }
0x33d: {  	v0 =	vld [tilespmem:s14+$0x20];
	v1 =	vmax.f32 v1, $0.0e+00  }
0x33e: {  	v4 =	vld [tilespmem:s14+$0x3C20];
	v2 =	vadd.f32 v7, v2;
	[tilespmem:s0+$0x7860] =	vst v1  }
0x33f: {  	v6 =	vadd.f32 v8, v6;
	v1 =	vld [tilespmem:s14+$0x30]  }
0x340: {  	v2 =	vmax.f32 v2, $0.0e+00;
	v7 =	vld [tilespmem:s14+$0x3C30]  }
0x341: {  	[tilespmem:s14+$0x7870] =	vst v2;
	v2 =	vmax.f32 v6, $0.0e+00;
	v6 =	vld [tilespmem:s14+$0x40]  }
0x342: {  	v3 =	vadd.f32 v5, v3;
	v5 =	vld [tilespmem:s14+$0x50]  }
0x343: {  	[tilespmem:s14+$0x7800] =	vst v2;
	v2 =	vld [tilespmem:s14+$0x3C40];
	v0 =	vadd.f32 v4, v0  }
0x344: {  	v3 =	vmax.f32 v3, $0.0e+00;
	v4 =	vld [tilespmem:s14+$0x60]  }
0x345: {  	[tilespmem:s14+$0x7810] =	vst v3;
	v3 =	vld [tilespmem:s14+$0x3C50];
	v0 =	vmax.f32 v0, $0.0e+00  }
0x346: {  	[tilespmem:s14+$0x7820] =	vst v0;
	v0 =	vld [tilespmem:s14+$0x3C60];
	_ =	sdelay $0x1  }
0x347: {  	v1 =	vadd.f32 v7, v1  }
0x348: {  	v2 =	vadd.f32 v2, v6  }
0x349: {  	v1 =	vmax.f32 v1, $0.0e+00;
	v3 =	vadd.f32 v3, v5  }
0x34a: {  	[tilespmem:s14+$0x7830] =	vst v1;
	v1 =	vmax.f32 v2, $0.0e+00;
	v0 =	vadd.f32 v0, v4  }
0x34b: {  	[tilespmem:s14+$0x7840] =	vst v1;
	v1 =	vmax.f32 v3, $0.0e+00  }
0x34c: {  	[tilespmem:s14+$0x7850] =	vst v1;
	v0 =	vmax.f32 v0, $0.0e+00  }
0x34d: {  	[tilespmem:s14+$0x7860] =	vst v0  }
0x34e: {  	_ =	swait.ge [sflag:s18], $0x28  }
0x34f: {  	[sflag:s18] =	ssyncset.done $0x0  }
0x350: {  	s9 =	simm.s32 $0xB700;
	s16 =	simm.s32 $0x7800;
	[sflag:s18] =	ssyncadd.s32 $0xFFFFFFD8  }
0x351: {  	[spmem:s2] =	stream.indirect.scatter.add.f32 [tilespmem:s16], [sflag:$0x7], $0x80, s9, s17, $0xb8;
	[tilespmem:$0x1F480] =	vst v63  }
0x352: {  	_ =	swait.ge [sflag:s15], $0x28  }
0x353: {  	s20 =	sld [smem:$0x7FA]  }
0x354: {  	[sflag:s15] =	ssyncset.done $0x0  }
0x355: {  	s0 =	simm.s32 $0x0;
	s16 =	simm.s32 $0x3C00;
	[sflag:s15] =	ssyncadd.s32 $0xFFFFFFD8  }
0x356: {  	[tilespmem:s16], [sflag:$0x4] =	stream.linear.gather [hbm4b:s20+s0], $0x1400, $0x38;
	[tilespmem:$0x1F480] =	vst v63  }
0x357: {  	_ = 	snop  }
0x358: {  	[tilespmem:s0], [sflag:$0x1] =	stream.indirect.gather [hbm4b:s1+s17], $0x80, s8, s17, $0xb8;
	[tilespmem:$0x1F480] =	vst v63  }
0x359: {  	_ =	swait.ge [sflag:s10], $0x1400  }
0x35a: {  	[sflag:s10] =	ssyncset.done $0x0  }
0x35b: {  	[sflag:s10] =	ssyncadd.s32 $0xFFFFEC00  }
0x35c: {  	_ =	swait.ge [sflag:s3], $0x1400  }
0x35d: {  	[sflag:s3] =	ssyncset.done $0x0  }
0x35e: {  	s24 =	rddreg [dreg:$0x1c];
	[sflag:s3] =	ssyncadd.s32 $0xFFFFEC00  }
0x35f: {  	[tilespmem:s11], [sflag:$0xB] =	stream.linear.gather [hbm4b:s24+s0], $0x28, $0x38;
	[tilespmem:$0x1F480] =	vst v63  }
0x360: {  	_ =	swait.ge [sflag:s19], $0x1400  }
0x361: {  	[sflag:s19] =	ssyncset.done $0x0  }
0x362: {  	s31 =	simm.s32 $0xB600;
	s30 =	rddreg [dreg:$0x1d];
	[sflag:s19] =	ssyncadd.s32 $0xFFFFEC00  }
0x363: {  	[tilespmem:s31], [sflag:$0xE] =	stream.linear.gather [hbm4b:s30+s0], $0x28, $0x38;
	[tilespmem:$0x1F480] =	vst v63  }
0x364: {  	s0 =	simm.s32 $0x0  }
0x365: {  	v0 =	vld [tilespmem:s0+$0x1470]  }
0x366: {  	v1 =	vld [tilespmem:s0+$0x5070]  }
0x367: {  	v2 =	vld [tilespmem:s0+$0x1400]  }
0x368: {  	v3 =	vld [tilespmem:s0+$0x5000]  }
0x369: {  	v4 =	vld [tilespmem:s0+$0x1410]  }
0x36a: {  	v5 =	vld [tilespmem:s0+$0x5010]  }
0x36b: {  	v6 =	vld [tilespmem:s0+$0x1420]  }
0x36c: {  	v0 =	vadd.f32 v1, v0;
	v1 =	vld [tilespmem:s0+$0x5020]  }
0x36d: {  	v7 =	vld [tilespmem:s0+$0x1430]  }
0x36e: {  	v8 =	vld [tilespmem:s0+$0x5030];
	v2 =	vadd.f32 v3, v2  }
0x36f: {  	v9 =	vld [tilespmem:s0+$0x1440];
	v0 =	vmax.f32 v0, $0.0e+00  }
0x370: {  	[tilespmem:s0+$0x8C70] =	vst v0;
	v0 =	vmax.f32 v2, $0.0e+00;
	v2 =	vadd.f32 v5, v4;
	v5 =	vld [tilespmem:s0+$0x5040]  }
0x371: {  	v3 =	vld [tilespmem:s0+$0x5050];
	v1 =	vadd.f32 v1, v6  }
0x372: {  	[tilespmem:s0+$0x8C00] =	vst v0;
	v0 =	vld [tilespmem:s0+$0x1450];
	v2 =	vmax.f32 v2, $0.0e+00  }
0x373: {  	v4 =	vld [tilespmem:s0+$0x5060];
	v6 =	vadd.f32 v8, v7;
	[tilespmem:s0+$0x8C10] =	vst v2;
	v2 =	vmax.f32 v1, $0.0e+00  }
0x374: {  	s14 =	simm.s32 $0x80;
	v1 =	vld [tilespmem:s0+$0x1460];
	[tilespmem:s0+$0x8C20] =	vst v2  }
0x375: {  	s16 =	simm.s32 $0x400;
	v6 =	vmax.f32 v6, $0.0e+00;
	v5 =	vadd.f32 v5, v9;
	v2 =	vld [tilespmem:s14+$0x1470]  }
.LBB2_24:
0x376: {  	p0 =	sne.s32 s16, $0x4E00;
	v7 =	vld [tilespmem:s14+$0x5070];
	[tilespmem:s0+$0x8C30] =	vst v6  }
0x377: {  	v6 =	vld [tilespmem:s14+$0x1400];
	v5 =	vmax.f32 v5, $0.0e+00;
	v0 =	vadd.f32 v3, v0  }
0x378: {  	v3 =	vld [tilespmem:s14+$0x5000];
	[tilespmem:s0+$0x8C40] =	vst v5  }
0x379: {  	v5 =	vld [tilespmem:s14+$0x1410];
	v0 =	vmax.f32 v0, $0.0e+00;
	v1 =	vadd.f32 v4, v1  }
0x37a: {  	v4 =	vld [tilespmem:s14+$0x5010];
	[tilespmem:s0+$0x8C50] =	vst v0  }
0x37b: {  	v0 =	vld [tilespmem:s14+$0x1420];
	v2 =	vadd.f32 v7, v2;
	v1 =	vmax.f32 v1, $0.0e+00  }
0x37c: {  	v7 =	vld [tilespmem:s14+$0x5020];
	[tilespmem:s0+$0x8C60] =	vst v1;
	s0 =	smov.u32 s14  }
0x37d: {  	v1 =	vadd.f32 v3, v6;
	v6 =	vld [tilespmem:s0+$0x1430];
	v2 =	vmax.f32 v2, $0.0e+00  }
0x37e: {  	v8 =	vld [tilespmem:s0+$0x5030];
	[tilespmem:s0+$0x8C70] =	vst v2  }
0x37f: {  	v1 =	vmax.f32 v1, $0.0e+00;
	v2 =	vadd.f32 v4, v5;
	v5 =	vld [tilespmem:s0+$0x1440]  }
0x380: {  	[tilespmem:s0+$0x8C00] =	vst v1;
	v9 =	vld [tilespmem:s0+$0x5040]  }
.Ltmp11:
0x381: {  	v1 =	vmax.f32 v2, $0.0e+00;
	v2 =	vadd.f32 v7, v0;
	v0 =	vld [tilespmem:s0+$0x1450];
	(pc) =	sbr.rel @p0 .LBB2_24-.Ltmp11, $4  }
0x382: {  	[tilespmem:s0+$0x8C10] =	vst v1;
	v3 =	vld [tilespmem:s0+$0x5050]  }
0x383: {  	v2 =	vmax.f32 v2, $0.0e+00;
	v6 =	vadd.f32 v8, v6;
	v1 =	vld [tilespmem:s0+$0x1460]  }
0x384: {  	s14 =	sshra.s32 s16, $0x2;
	[tilespmem:s0+$0x8C20] =	vst v2;
	v4 =	vld [tilespmem:s0+$0x5060]  }
0x385: {  	s16 =	sadd.s32 $0x200, s16;
	v2 =	vld [tilespmem:s14+$0x1470];
	v6 =	vmax.f32 v6, $0.0e+00;
	v5 =	vadd.f32 v9, v5  }
0x386: {  	v7 =	vld [tilespmem:s14+$0x5070];
	[tilespmem:s0+$0x8C30] =	vst v6  }
0x387: {  	v6 =	vld [tilespmem:s14+$0x1400];
	v5 =	vmax.f32 v5, $0.0e+00;
	v0 =	vadd.f32 v3, v0  }
0x388: {  	v8 =	vld [tilespmem:s14+$0x5000];
	[tilespmem:s0+$0x8C40] =	vst v5  }
0x389: {  	v3 =	vld [tilespmem:s14+$0x1410];
	v0 =	vmax.f32 v0, $0.0e+00;
	v1 =	vadd.f32 v4, v1  }
0x38a: {  	v5 =	vld [tilespmem:s14+$0x5010];
	[tilespmem:s0+$0x8C50] =	vst v0  }
0x38b: {  	v0 =	vld [tilespmem:s14+$0x1420];
	v1 =	vmax.f32 v1, $0.0e+00  }
0x38c: {  	v4 =	vld [tilespmem:s14+$0x5020];
	v2 =	vadd.f32 v7, v2;
	[tilespmem:s0+$0x8C60] =	vst v1  }
0x38d: {  	v6 =	vadd.f32 v8, v6;
	v1 =	vld [tilespmem:s14+$0x1430]  }
0x38e: {  	v2 =	vmax.f32 v2, $0.0e+00;
	v7 =	vld [tilespmem:s14+$0x5030]  }
0x38f: {  	[tilespmem:s14+$0x8C70] =	vst v2;
	v2 =	vmax.f32 v6, $0.0e+00;
	v6 =	vld [tilespmem:s14+$0x1440]  }
0x390: {  	v3 =	vadd.f32 v5, v3;
	v5 =	vld [tilespmem:s14+$0x1450]  }
0x391: {  	[tilespmem:s14+$0x8C00] =	vst v2;
	v2 =	vld [tilespmem:s14+$0x5040];
	v0 =	vadd.f32 v4, v0  }
0x392: {  	v3 =	vmax.f32 v3, $0.0e+00;
	v4 =	vld [tilespmem:s14+$0x1460]  }
0x393: {  	[tilespmem:s14+$0x8C10] =	vst v3;
	v3 =	vld [tilespmem:s14+$0x5050];
	v0 =	vmax.f32 v0, $0.0e+00  }
0x394: {  	[tilespmem:s14+$0x8C20] =	vst v0;
	v0 =	vld [tilespmem:s14+$0x5060];
	_ =	sdelay $0x1  }
0x395: {  	v1 =	vadd.f32 v7, v1  }
0x396: {  	v2 =	vadd.f32 v2, v6  }
0x397: {  	v1 =	vmax.f32 v1, $0.0e+00;
	v3 =	vadd.f32 v3, v5  }
0x398: {  	[tilespmem:s14+$0x8C30] =	vst v1;
	v1 =	vmax.f32 v2, $0.0e+00;
	v0 =	vadd.f32 v0, v4  }
0x399: {  	[tilespmem:s14+$0x8C40] =	vst v1;
	v1 =	vmax.f32 v3, $0.0e+00  }
0x39a: {  	[tilespmem:s14+$0x8C50] =	vst v1;
	v0 =	vmax.f32 v0, $0.0e+00  }
0x39b: {  	s20 =	simm.s32 $0x11;
	[tilespmem:s14+$0x8C60] =	vst v0  }
0x39c: {  	_ =	swait.ge [sflag:s20], $0x28  }
0x39d: {  	[sflag:s20] =	ssyncset.done $0x0  }
0x39e: {  	s24 =	simm.s32 $0xB780;
	s30 =	simm.s32 $0x8C00;
	[sflag:s20] =	ssyncadd.s32 $0xFFFFFFD8  }
0x39f: {  	[spmem:s2] =	stream.indirect.scatter.add.f32 [tilespmem:s30], [sflag:$0x8], $0x80, s24, s17, $0xb8;
	[tilespmem:$0x1F480] =	vst v63  }
0x3a0: {  	_ =	swait.ge [sflag:s25], $0x28  }
0x3a1: {  	s31 =	sld [smem:$0x7FB]  }
0x3a2: {  	[sflag:s25] =	ssyncset.done $0x0  }
0x3a3: {  	s16 =	simm.s32 $0x5000;
	s0 =	simm.s32 $0x0;
	[sflag:s25] =	ssyncadd.s32 $0xFFFFFFD8  }
0x3a4: {  	[tilespmem:s16], [sflag:$0x5] =	stream.linear.gather [hbm4b:s31+s0], $0x1400, $0x38;
	[tilespmem:$0x1F480] =	vst v63  }
0x3a5: {  	s20 =	simm.s32 $0x1400  }
0x3a6: {  	[tilespmem:s20], [sflag:$0x2] =	stream.indirect.gather [hbm4b:s1+s17], $0x80, s11, s17, $0xb8;
	[tilespmem:$0x1F480] =	vst v63  }
0x3a7: {  	_ =	swait.ge [sflag:s26], $0x1400  }
0x3a8: {  	[sflag:s26] =	ssyncset.done $0x0  }
0x3a9: {  	[sflag:s26] =	ssyncadd.s32 $0xFFFFEC00  }
0x3aa: {  	_ =	swait.ge [sflag:s28], $0x1400  }
0x3ab: {  	s24 =	sld [smem:$0x7F1]  }
0x3ac: {  	[sflag:s28] =	ssyncset.done $0x0  }
0x3ad: {  	[sflag:s28] =	ssyncadd.s32 $0xFFFFEC00  }
0x3ae: {  	[tilespmem:s13], [sflag:$0xC] =	stream.linear.gather [hbm4b:s24+s0], $0x28, $0x38;
	[tilespmem:$0x1F480] =	vst v63  }
0x3af: {  	_ =	swait.ge [sflag:s21], $0x1400  }
0x3b0: {  	s30 =	sld [smem:$0x7F2]  }
0x3b1: {  	[sflag:s21] =	ssyncset.done $0x0  }
0x3b2: {  	s31 =	simm.s32 $0xB680;
	[sflag:s21] =	ssyncadd.s32 $0xFFFFEC00  }
0x3b3: {  	[tilespmem:s31], [sflag:$0xF] =	stream.linear.gather [hbm4b:s30+s0], $0x28, $0x38;
	[tilespmem:$0x1F480] =	vst v63  }
0x3b4: {  	s0 =	simm.s32 $0x0  }
0x3b5: {  	v0 =	vld [tilespmem:s0+$0x2870]  }
0x3b6: {  	v1 =	vld [tilespmem:s0+$0x6470]  }
0x3b7: {  	v2 =	vld [tilespmem:s0+$0x2800]  }
0x3b8: {  	v3 =	vld [tilespmem:s0+$0x6400]  }
0x3b9: {  	v4 =	vld [tilespmem:s0+$0x2810]  }
0x3ba: {  	v5 =	vld [tilespmem:s0+$0x6410]  }
0x3bb: {  	v6 =	vld [tilespmem:s0+$0x2820]  }
0x3bc: {  	v0 =	vadd.f32 v1, v0;
	v1 =	vld [tilespmem:s0+$0x6420]  }
0x3bd: {  	v7 =	vld [tilespmem:s0+$0x2830]  }
0x3be: {  	v8 =	vld [tilespmem:s0+$0x6430];
	v2 =	vadd.f32 v3, v2  }
0x3bf: {  	v9 =	vld [tilespmem:s0+$0x2840];
	v0 =	vmax.f32 v0, $0.0e+00  }
0x3c0: {  	[tilespmem:s0+$0xA070] =	vst v0;
	v0 =	vmax.f32 v2, $0.0e+00;
	v2 =	vadd.f32 v5, v4;
	v5 =	vld [tilespmem:s0+$0x6440]  }
0x3c1: {  	v3 =	vld [tilespmem:s0+$0x6450];
	v1 =	vadd.f32 v1, v6  }
0x3c2: {  	[tilespmem:s0+$0xA000] =	vst v0;
	v0 =	vld [tilespmem:s0+$0x2850];
	v2 =	vmax.f32 v2, $0.0e+00  }
0x3c3: {  	v4 =	vld [tilespmem:s0+$0x6460];
	v6 =	vadd.f32 v8, v7;
	[tilespmem:s0+$0xA010] =	vst v2;
	v2 =	vmax.f32 v1, $0.0e+00  }
0x3c4: {  	s14 =	simm.s32 $0x80;
	v1 =	vld [tilespmem:s0+$0x2860];
	[tilespmem:s0+$0xA020] =	vst v2  }
0x3c5: {  	s16 =	simm.s32 $0x400;
	s20 =	simm.s32 $0x13;
	v6 =	vmax.f32 v6, $0.0e+00;
	v5 =	vadd.f32 v5, v9;
	v2 =	vld [tilespmem:s14+$0x2870]  }
.LBB2_26:
0x3c6: {  	p0 =	sne.s32 s16, $0x4E00;
	v7 =	vld [tilespmem:s14+$0x6470];
	[tilespmem:s0+$0xA030] =	vst v6  }
0x3c7: {  	v6 =	vld [tilespmem:s14+$0x2800];
	v5 =	vmax.f32 v5, $0.0e+00;
	v0 =	vadd.f32 v3, v0  }
0x3c8: {  	v3 =	vld [tilespmem:s14+$0x6400];
	[tilespmem:s0+$0xA040] =	vst v5  }
0x3c9: {  	v5 =	vld [tilespmem:s14+$0x2810];
	v0 =	vmax.f32 v0, $0.0e+00;
	v1 =	vadd.f32 v4, v1  }
0x3ca: {  	v4 =	vld [tilespmem:s14+$0x6410];
	[tilespmem:s0+$0xA050] =	vst v0  }
0x3cb: {  	v0 =	vld [tilespmem:s14+$0x2820];
	v2 =	vadd.f32 v7, v2;
	v1 =	vmax.f32 v1, $0.0e+00  }
0x3cc: {  	v7 =	vld [tilespmem:s14+$0x6420];
	[tilespmem:s0+$0xA060] =	vst v1;
	s0 =	smov.u32 s14  }
0x3cd: {  	v1 =	vadd.f32 v3, v6;
	v6 =	vld [tilespmem:s0+$0x2830];
	v2 =	vmax.f32 v2, $0.0e+00  }
0x3ce: {  	v8 =	vld [tilespmem:s0+$0x6430];
	[tilespmem:s0+$0xA070] =	vst v2  }
0x3cf: {  	v1 =	vmax.f32 v1, $0.0e+00;
	v2 =	vadd.f32 v4, v5;
	v5 =	vld [tilespmem:s0+$0x2840]  }
0x3d0: {  	[tilespmem:s0+$0xA000] =	vst v1;
	v9 =	vld [tilespmem:s0+$0x6440]  }
.Ltmp12:
0x3d1: {  	v1 =	vmax.f32 v2, $0.0e+00;
	v2 =	vadd.f32 v7, v0;
	v0 =	vld [tilespmem:s0+$0x2850];
	(pc) =	sbr.rel @p0 .LBB2_26-.Ltmp12, $4  }
0x3d2: {  	[tilespmem:s0+$0xA010] =	vst v1;
	v3 =	vld [tilespmem:s0+$0x6450]  }
0x3d3: {  	v2 =	vmax.f32 v2, $0.0e+00;
	v6 =	vadd.f32 v8, v6;
	v1 =	vld [tilespmem:s0+$0x2860]  }
0x3d4: {  	s14 =	sshra.s32 s16, $0x2;
	[tilespmem:s0+$0xA020] =	vst v2;
	v4 =	vld [tilespmem:s0+$0x6460]  }
0x3d5: {  	s16 =	sadd.s32 $0x200, s16;
	v2 =	vld [tilespmem:s14+$0x2870];
	v6 =	vmax.f32 v6, $0.0e+00;
	v5 =	vadd.f32 v9, v5  }
0x3d6: {  	v7 =	vld [tilespmem:s14+$0x6470];
	[tilespmem:s0+$0xA030] =	vst v6  }
0x3d7: {  	v6 =	vld [tilespmem:s14+$0x2800];
	v5 =	vmax.f32 v5, $0.0e+00;
	v0 =	vadd.f32 v3, v0  }
0x3d8: {  	v8 =	vld [tilespmem:s14+$0x6400];
	[tilespmem:s0+$0xA040] =	vst v5  }
0x3d9: {  	v3 =	vld [tilespmem:s14+$0x2810];
	v0 =	vmax.f32 v0, $0.0e+00;
	v1 =	vadd.f32 v4, v1  }
0x3da: {  	v5 =	vld [tilespmem:s14+$0x6410];
	[tilespmem:s0+$0xA050] =	vst v0  }
0x3db: {  	v0 =	vld [tilespmem:s14+$0x2820];
	v1 =	vmax.f32 v1, $0.0e+00  }
0x3dc: {  	v4 =	vld [tilespmem:s14+$0x6420];
	v2 =	vadd.f32 v7, v2;
	[tilespmem:s0+$0xA060] =	vst v1  }
0x3dd: {  	v6 =	vadd.f32 v8, v6;
	v1 =	vld [tilespmem:s14+$0x2830]  }
0x3de: {  	v2 =	vmax.f32 v2, $0.0e+00;
	v7 =	vld [tilespmem:s14+$0x6430]  }
0x3df: {  	[tilespmem:s14+$0xA070] =	vst v2;
	v2 =	vmax.f32 v6, $0.0e+00;
	v6 =	vld [tilespmem:s14+$0x2840]  }
0x3e0: {  	v3 =	vadd.f32 v5, v3;
	v5 =	vld [tilespmem:s14+$0x2850]  }
0x3e1: {  	[tilespmem:s14+$0xA000] =	vst v2;
	v2 =	vld [tilespmem:s14+$0x6440];
	v0 =	vadd.f32 v4, v0  }
0x3e2: {  	v3 =	vmax.f32 v3, $0.0e+00;
	v4 =	vld [tilespmem:s14+$0x2860]  }
0x3e3: {  	[tilespmem:s14+$0xA010] =	vst v3;
	v3 =	vld [tilespmem:s14+$0x6450];
	v0 =	vmax.f32 v0, $0.0e+00  }
0x3e4: {  	[tilespmem:s14+$0xA020] =	vst v0;
	v0 =	vld [tilespmem:s14+$0x6460];
	_ =	sdelay $0x1  }
0x3e5: {  	v1 =	vadd.f32 v7, v1  }
0x3e6: {  	v2 =	vadd.f32 v2, v6  }
0x3e7: {  	v1 =	vmax.f32 v1, $0.0e+00;
	v3 =	vadd.f32 v3, v5  }
0x3e8: {  	[tilespmem:s14+$0xA030] =	vst v1;
	v1 =	vmax.f32 v2, $0.0e+00;
	v0 =	vadd.f32 v0, v4  }
0x3e9: {  	[tilespmem:s14+$0xA040] =	vst v1;
	v1 =	vmax.f32 v3, $0.0e+00  }
0x3ea: {  	[tilespmem:s14+$0xA050] =	vst v1;
	v0 =	vmax.f32 v0, $0.0e+00  }
0x3eb: {  	s16 =	simm.s32 $0x12;
	[tilespmem:s14+$0xA060] =	vst v0  }
0x3ec: {  	_ =	swait.ge [sflag:s16], $0x28  }
0x3ed: {  	[sflag:s16] =	ssyncset.done $0x0  }
0x3ee: {  	s24 =	simm.s32 $0xB800;
	s30 =	simm.s32 $0xA000;
	[sflag:s16] =	ssyncadd.s32 $0xFFFFFFD8  }
0x3ef: {  	[spmem:s2] =	stream.indirect.scatter.add.f32 [tilespmem:s30], [sflag:$0x9], $0x80, s24, s17, $0xb8;
	[tilespmem:$0x1F480] =	vst v63  }
0x3f0: {  	_ =	swait.ge [sflag:s4], $0x28  }
0x3f1: {  	s31 =	sld [smem:$0x7FC]  }
0x3f2: {  	[sflag:s4] =	ssyncset.done $0x0  }
0x3f3: {  	s0 =	simm.s32 $0x0;
	s16 =	simm.s32 $0x6400;
	[sflag:s4] =	ssyncadd.s32 $0xFFFFFFD8  }
0x3f4: {  	[tilespmem:s16], [sflag:$0x6] =	stream.linear.gather [hbm4b:s31+s0], $0x1400, $0x38;
	[tilespmem:$0x1F480] =	vst v63  }
0x3f5: {  	s24 =	simm.s32 $0x2800  }
0x3f6: {  	[tilespmem:s24], [sflag:$0x3] =	stream.indirect.gather [hbm4b:s1+s17], $0x80, s13, s17, $0xb8;
	[tilespmem:$0x1F480] =	vst v63  }
0x3f7: {  	_ =	swait.ge [sflag:s22], $0x1400  }
0x3f8: {  	[sflag:s22] =	ssyncset.done $0x0  }
0x3f9: {  	[sflag:s22] =	ssyncadd.s32 $0xFFFFEC00  }
0x3fa: {  	_ =	swait.ge [sflag:s23], $0x1400  }
0x3fb: {  	s30 =	sld [smem:$0x7F3]  }
0x3fc: {  	[sflag:s23] =	ssyncset.done $0x0  }
0x3fd: {  	[sflag:s23] =	ssyncadd.s32 $0xFFFFEC00  }
0x3fe: {  	[tilespmem:s8], [sflag:$0xA] =	stream.linear.gather [hbm4b:s30+s0], $0x28, $0x38;
	[tilespmem:$0x1F480] =	vst v63  }
0x3ff: {  	_ =	swait.ge [sflag:s29], $0x1400  }
0x400: {  	s31 =	sld [smem:$0x7F4]  }
0x401: {  	[sflag:s29] =	ssyncset.done $0x0  }
0x402: {  	[sflag:s29] =	ssyncadd.s32 $0xFFFFEC00  }
0x403: {  	[tilespmem:s9], [sflag:$0x10] =	stream.linear.gather [hbm4b:s31+s0], $0x28, $0x38;
	[tilespmem:$0x1F480] =	vst v63  }
0x404: {  	s0 =	simm.s32 $0x0  }
0x405: {  	v0 =	vld [tilespmem:s0+$0x70]  }
0x406: {  	v1 =	vld [tilespmem:s0+$0x3C70]  }
0x407: {  	v2 =	vld [tilespmem:s0+$0x0]  }
0x408: {  	v3 =	vld [tilespmem:s0+$0x3C00]  }
0x409: {  	v4 =	vld [tilespmem:s0+$0x10]  }
0x40a: {  	v5 =	vld [tilespmem:s0+$0x3C10]  }
0x40b: {  	v6 =	vld [tilespmem:s0+$0x20]  }
0x40c: {  	v0 =	vadd.f32 v1, v0;
	v1 =	vld [tilespmem:s0+$0x3C20]  }
0x40d: {  	v7 =	vld [tilespmem:s0+$0x30]  }
0x40e: {  	v8 =	vld [tilespmem:s0+$0x3C30];
	v2 =	vadd.f32 v3, v2  }
0x40f: {  	v9 =	vld [tilespmem:s0+$0x40];
	v0 =	vmax.f32 v0, $0.0e+00  }
0x410: {  	[tilespmem:s0+$0x7870] =	vst v0;
	v0 =	vmax.f32 v2, $0.0e+00;
	v2 =	vadd.f32 v5, v4;
	v5 =	vld [tilespmem:s0+$0x3C40]  }
0x411: {  	v3 =	vld [tilespmem:s0+$0x3C50];
	v1 =	vadd.f32 v1, v6  }
0x412: {  	[tilespmem:s0+$0x7800] =	vst v0;
	v0 =	vld [tilespmem:s0+$0x50];
	v2 =	vmax.f32 v2, $0.0e+00  }
0x413: {  	v4 =	vld [tilespmem:s0+$0x3C60];
	v6 =	vadd.f32 v8, v7;
	[tilespmem:s0+$0x7810] =	vst v2;
	v2 =	vmax.f32 v1, $0.0e+00  }
0x414: {  	s14 =	simm.s32 $0x80;
	v1 =	vld [tilespmem:s0+$0x60];
	[tilespmem:s0+$0x7820] =	vst v2  }
0x415: {  	s16 =	simm.s32 $0x400;
	v6 =	vmax.f32 v6, $0.0e+00;
	v5 =	vadd.f32 v5, v9;
	v2 =	vld [tilespmem:s14+$0x70]  }
.LBB2_28:
0x416: {  	p0 =	sne.s32 s16, $0x4E00;
	v7 =	vld [tilespmem:s14+$0x3C70];
	[tilespmem:s0+$0x7830] =	vst v6  }
0x417: {  	v6 =	vld [tilespmem:s14+$0x0];
	v5 =	vmax.f32 v5, $0.0e+00;
	v0 =	vadd.f32 v3, v0  }
0x418: {  	v3 =	vld [tilespmem:s14+$0x3C00];
	[tilespmem:s0+$0x7840] =	vst v5  }
0x419: {  	v5 =	vld [tilespmem:s14+$0x10];
	v0 =	vmax.f32 v0, $0.0e+00;
	v1 =	vadd.f32 v4, v1  }
0x41a: {  	v4 =	vld [tilespmem:s14+$0x3C10];
	[tilespmem:s0+$0x7850] =	vst v0  }
0x41b: {  	v0 =	vld [tilespmem:s14+$0x20];
	v2 =	vadd.f32 v7, v2;
	v1 =	vmax.f32 v1, $0.0e+00  }
0x41c: {  	v7 =	vld [tilespmem:s14+$0x3C20];
	[tilespmem:s0+$0x7860] =	vst v1;
	s0 =	smov.u32 s14  }
0x41d: {  	v1 =	vadd.f32 v3, v6;
	v6 =	vld [tilespmem:s0+$0x30];
	v2 =	vmax.f32 v2, $0.0e+00  }
0x41e: {  	v8 =	vld [tilespmem:s0+$0x3C30];
	[tilespmem:s0+$0x7870] =	vst v2  }
0x41f: {  	v1 =	vmax.f32 v1, $0.0e+00;
	v2 =	vadd.f32 v4, v5;
	v5 =	vld [tilespmem:s0+$0x40]  }
0x420: {  	[tilespmem:s0+$0x7800] =	vst v1;
	v9 =	vld [tilespmem:s0+$0x3C40]  }
.Ltmp13:
0x421: {  	v1 =	vmax.f32 v2, $0.0e+00;
	v2 =	vadd.f32 v7, v0;
	v0 =	vld [tilespmem:s0+$0x50];
	(pc) =	sbr.rel @p0 .LBB2_28-.Ltmp13, $4  }
0x422: {  	[tilespmem:s0+$0x7810] =	vst v1;
	v3 =	vld [tilespmem:s0+$0x3C50]  }
0x423: {  	v2 =	vmax.f32 v2, $0.0e+00;
	v6 =	vadd.f32 v8, v6;
	v1 =	vld [tilespmem:s0+$0x60]  }
0x424: {  	s14 =	sshra.s32 s16, $0x2;
	[tilespmem:s0+$0x7820] =	vst v2;
	v4 =	vld [tilespmem:s0+$0x3C60]  }
0x425: {  	s16 =	sadd.s32 $0x200, s16;
	v2 =	vld [tilespmem:s14+$0x70];
	v6 =	vmax.f32 v6, $0.0e+00;
	v5 =	vadd.f32 v9, v5  }
0x426: {  	v7 =	vld [tilespmem:s14+$0x3C70];
	[tilespmem:s0+$0x7830] =	vst v6  }
0x427: {  	v6 =	vld [tilespmem:s14+$0x0];
	v5 =	vmax.f32 v5, $0.0e+00;
	v0 =	vadd.f32 v3, v0  }
0x428: {  	v8 =	vld [tilespmem:s14+$0x3C00];
	[tilespmem:s0+$0x7840] =	vst v5  }
0x429: {  	v3 =	vld [tilespmem:s14+$0x10];
	v0 =	vmax.f32 v0, $0.0e+00;
	v1 =	vadd.f32 v4, v1  }
0x42a: {  	v5 =	vld [tilespmem:s14+$0x3C10];
	[tilespmem:s0+$0x7850] =	vst v0  }
0x42b: {  	v0 =	vld [tilespmem:s14+$0x20];
	v1 =	vmax.f32 v1, $0.0e+00  }
0x42c: {  	v4 =	vld [tilespmem:s14+$0x3C20];
	v2 =	vadd.f32 v7, v2;
	[tilespmem:s0+$0x7860] =	vst v1  }
0x42d: {  	v6 =	vadd.f32 v8, v6;
	v1 =	vld [tilespmem:s14+$0x30]  }
0x42e: {  	v2 =	vmax.f32 v2, $0.0e+00;
	v7 =	vld [tilespmem:s14+$0x3C30]  }
0x42f: {  	[tilespmem:s14+$0x7870] =	vst v2;
	v2 =	vmax.f32 v6, $0.0e+00;
	v6 =	vld [tilespmem:s14+$0x40]  }
0x430: {  	v3 =	vadd.f32 v5, v3;
	v5 =	vld [tilespmem:s14+$0x50]  }
0x431: {  	[tilespmem:s14+$0x7800] =	vst v2;
	v2 =	vld [tilespmem:s14+$0x3C40];
	v0 =	vadd.f32 v4, v0  }
0x432: {  	v3 =	vmax.f32 v3, $0.0e+00;
	v4 =	vld [tilespmem:s14+$0x60]  }
0x433: {  	[tilespmem:s14+$0x7810] =	vst v3;
	v3 =	vld [tilespmem:s14+$0x3C50];
	v0 =	vmax.f32 v0, $0.0e+00  }
0x434: {  	[tilespmem:s14+$0x7820] =	vst v0;
	v0 =	vld [tilespmem:s14+$0x3C60];
	_ =	sdelay $0x1  }
0x435: {  	v1 =	vadd.f32 v7, v1  }
0x436: {  	v2 =	vadd.f32 v2, v6  }
0x437: {  	v1 =	vmax.f32 v1, $0.0e+00;
	v3 =	vadd.f32 v3, v5  }
0x438: {  	[tilespmem:s14+$0x7830] =	vst v1;
	v1 =	vmax.f32 v2, $0.0e+00;
	v0 =	vadd.f32 v0, v4  }
0x439: {  	[tilespmem:s14+$0x7840] =	vst v1;
	v1 =	vmax.f32 v3, $0.0e+00  }
0x43a: {  	[tilespmem:s14+$0x7850] =	vst v1;
	v0 =	vmax.f32 v0, $0.0e+00  }
0x43b: {  	[tilespmem:s14+$0x7860] =	vst v0;
	s14 =	simm.s32 $0xD  }
0x43c: {  	_ =	swait.ge [sflag:s14], $0x28  }
0x43d: {  	[sflag:s14] =	ssyncset.done $0x0  }
0x43e: {  	s16 =	simm.s32 $0xB580;
	s24 =	simm.s32 $0x7800;
	[sflag:s14] =	ssyncadd.s32 $0xFFFFFFD8  }
0x43f: {  	[spmem:s2] =	stream.indirect.scatter.add.f32 [tilespmem:s24], [sflag:$0x7], $0x80, s16, s17, $0xb8;
	[tilespmem:$0x1F480] =	vst v63  }
0x440: {  	_ =	swait.ge [sflag:s15], $0x28  }
0x441: {  	s31 =	sld [smem:$0x7FD]  }
0x442: {  	[sflag:s15] =	ssyncset.done $0x0  }
0x443: {  	s30 =	simm.s32 $0x0;
	s16 =	simm.s32 $0x3C00;
	[sflag:s15] =	ssyncadd.s32 $0xFFFFFFD8  }
0x444: {  	[tilespmem:s16], [sflag:$0x4] =	stream.linear.gather [hbm4b:s31+s30], $0x1400, $0x38;
	[tilespmem:$0x1F480] =	vst v63  }
0x445: {  	_ = 	snop  }
0x446: {  	[tilespmem:s30], [sflag:$0x1] =	stream.indirect.gather [hbm4b:s1+s17], $0x80, s8, s17, $0xb8;
	[tilespmem:$0x1F480] =	vst v63  }
0x447: {  	_ =	swait.ge [sflag:s10], $0x1400  }
0x448: {  	[sflag:s10] =	ssyncset.done $0x0  }
0x449: {  	[sflag:s10] =	ssyncadd.s32 $0xFFFFEC00  }
0x44a: {  	_ =	swait.ge [sflag:s3], $0x1400  }
0x44b: {  	[sflag:s3] =	ssyncset.done $0x0  }
0x44c: {  	[sflag:s3] =	ssyncadd.s32 $0xFFFFEC00  }
0x44d: {  	_ =	swait.ge [sflag:s19], $0x1400  }
0x44e: {  	[sflag:s19] =	ssyncset.done $0x0  }
0x44f: {  	s0 =	simm.s32 $0x0;
	[sflag:s19] =	ssyncadd.s32 $0xFFFFEC00  }
0x450: {  	v0 =	vld [tilespmem:s0+$0x1470]  }
0x451: {  	v1 =	vld [tilespmem:s0+$0x5070]  }
0x452: {  	v2 =	vld [tilespmem:s0+$0x1400]  }
0x453: {  	v3 =	vld [tilespmem:s0+$0x5000]  }
0x454: {  	v4 =	vld [tilespmem:s0+$0x1410]  }
0x455: {  	v5 =	vld [tilespmem:s0+$0x5010]  }
0x456: {  	v6 =	vld [tilespmem:s0+$0x1420]  }
0x457: {  	v0 =	vadd.f32 v1, v0;
	v1 =	vld [tilespmem:s0+$0x5020]  }
0x458: {  	v7 =	vld [tilespmem:s0+$0x1430]  }
0x459: {  	v8 =	vld [tilespmem:s0+$0x5030];
	v2 =	vadd.f32 v3, v2  }
0x45a: {  	v9 =	vld [tilespmem:s0+$0x1440];
	v0 =	vmax.f32 v0, $0.0e+00  }
0x45b: {  	[tilespmem:s0+$0x8C70] =	vst v0;
	v0 =	vmax.f32 v2, $0.0e+00;
	v2 =	vadd.f32 v5, v4;
	v5 =	vld [tilespmem:s0+$0x5040]  }
0x45c: {  	v3 =	vld [tilespmem:s0+$0x5050];
	v1 =	vadd.f32 v1, v6  }
0x45d: {  	[tilespmem:s0+$0x8C00] =	vst v0;
	v0 =	vld [tilespmem:s0+$0x1450];
	v2 =	vmax.f32 v2, $0.0e+00  }
0x45e: {  	v4 =	vld [tilespmem:s0+$0x5060];
	v6 =	vadd.f32 v8, v7;
	[tilespmem:s0+$0x8C10] =	vst v2;
	v2 =	vmax.f32 v1, $0.0e+00  }
0x45f: {  	s14 =	simm.s32 $0x80;
	v1 =	vld [tilespmem:s0+$0x1460];
	[tilespmem:s0+$0x8C20] =	vst v2  }
0x460: {  	s16 =	simm.s32 $0x400;
	v6 =	vmax.f32 v6, $0.0e+00;
	v5 =	vadd.f32 v5, v9;
	v2 =	vld [tilespmem:s14+$0x1470]  }
.LBB2_30:
0x461: {  	p0 =	sne.s32 s16, $0x4E00;
	v7 =	vld [tilespmem:s14+$0x5070];
	[tilespmem:s0+$0x8C30] =	vst v6  }
0x462: {  	v6 =	vld [tilespmem:s14+$0x1400];
	v5 =	vmax.f32 v5, $0.0e+00;
	v0 =	vadd.f32 v3, v0  }
0x463: {  	v3 =	vld [tilespmem:s14+$0x5000];
	[tilespmem:s0+$0x8C40] =	vst v5  }
0x464: {  	v5 =	vld [tilespmem:s14+$0x1410];
	v0 =	vmax.f32 v0, $0.0e+00;
	v1 =	vadd.f32 v4, v1  }
0x465: {  	v4 =	vld [tilespmem:s14+$0x5010];
	[tilespmem:s0+$0x8C50] =	vst v0  }
0x466: {  	v0 =	vld [tilespmem:s14+$0x1420];
	v2 =	vadd.f32 v7, v2;
	v1 =	vmax.f32 v1, $0.0e+00  }
0x467: {  	v7 =	vld [tilespmem:s14+$0x5020];
	[tilespmem:s0+$0x8C60] =	vst v1;
	s0 =	smov.u32 s14  }
0x468: {  	v1 =	vadd.f32 v3, v6;
	v6 =	vld [tilespmem:s0+$0x1430];
	v2 =	vmax.f32 v2, $0.0e+00  }
0x469: {  	v8 =	vld [tilespmem:s0+$0x5030];
	[tilespmem:s0+$0x8C70] =	vst v2  }
0x46a: {  	v1 =	vmax.f32 v1, $0.0e+00;
	v2 =	vadd.f32 v4, v5;
	v5 =	vld [tilespmem:s0+$0x1440]  }
0x46b: {  	[tilespmem:s0+$0x8C00] =	vst v1;
	v9 =	vld [tilespmem:s0+$0x5040]  }
.Ltmp14:
0x46c: {  	v1 =	vmax.f32 v2, $0.0e+00;
	v2 =	vadd.f32 v7, v0;
	v0 =	vld [tilespmem:s0+$0x1450];
	(pc) =	sbr.rel @p0 .LBB2_30-.Ltmp14, $4  }
0x46d: {  	[tilespmem:s0+$0x8C10] =	vst v1;
	v3 =	vld [tilespmem:s0+$0x5050]  }
0x46e: {  	v2 =	vmax.f32 v2, $0.0e+00;
	v6 =	vadd.f32 v8, v6;
	v1 =	vld [tilespmem:s0+$0x1460]  }
0x46f: {  	s14 =	sshra.s32 s16, $0x2;
	[tilespmem:s0+$0x8C20] =	vst v2;
	v4 =	vld [tilespmem:s0+$0x5060]  }
0x470: {  	s16 =	sadd.s32 $0x200, s16;
	v2 =	vld [tilespmem:s14+$0x1470];
	v6 =	vmax.f32 v6, $0.0e+00;
	v5 =	vadd.f32 v9, v5  }
0x471: {  	v7 =	vld [tilespmem:s14+$0x5070];
	[tilespmem:s0+$0x8C30] =	vst v6  }
0x472: {  	v6 =	vld [tilespmem:s14+$0x1400];
	v5 =	vmax.f32 v5, $0.0e+00;
	v0 =	vadd.f32 v3, v0  }
0x473: {  	v8 =	vld [tilespmem:s14+$0x5000];
	[tilespmem:s0+$0x8C40] =	vst v5  }
0x474: {  	v3 =	vld [tilespmem:s14+$0x1410];
	v0 =	vmax.f32 v0, $0.0e+00;
	v1 =	vadd.f32 v4, v1  }
0x475: {  	v5 =	vld [tilespmem:s14+$0x5010];
	[tilespmem:s0+$0x8C50] =	vst v0  }
0x476: {  	v0 =	vld [tilespmem:s14+$0x1420];
	v1 =	vmax.f32 v1, $0.0e+00  }
0x477: {  	v4 =	vld [tilespmem:s14+$0x5020];
	v2 =	vadd.f32 v7, v2;
	[tilespmem:s0+$0x8C60] =	vst v1  }
0x478: {  	v6 =	vadd.f32 v8, v6;
	v1 =	vld [tilespmem:s14+$0x1430]  }
0x479: {  	v2 =	vmax.f32 v2, $0.0e+00;
	v7 =	vld [tilespmem:s14+$0x5030]  }
0x47a: {  	[tilespmem:s14+$0x8C70] =	vst v2;
	v2 =	vmax.f32 v6, $0.0e+00;
	v6 =	vld [tilespmem:s14+$0x1440]  }
0x47b: {  	v3 =	vadd.f32 v5, v3;
	v5 =	vld [tilespmem:s14+$0x1450]  }
0x47c: {  	[tilespmem:s14+$0x8C00] =	vst v2;
	v2 =	vld [tilespmem:s14+$0x5040];
	v0 =	vadd.f32 v4, v0  }
0x47d: {  	v3 =	vmax.f32 v3, $0.0e+00;
	v4 =	vld [tilespmem:s14+$0x1460]  }
0x47e: {  	[tilespmem:s14+$0x8C10] =	vst v3;
	v3 =	vld [tilespmem:s14+$0x5050];
	v0 =	vmax.f32 v0, $0.0e+00  }
0x47f: {  	[tilespmem:s14+$0x8C20] =	vst v0;
	v0 =	vld [tilespmem:s14+$0x5060];
	_ =	sdelay $0x1  }
0x480: {  	v1 =	vadd.f32 v7, v1  }
0x481: {  	v2 =	vadd.f32 v2, v6  }
0x482: {  	v1 =	vmax.f32 v1, $0.0e+00;
	v3 =	vadd.f32 v3, v5  }
0x483: {  	[tilespmem:s14+$0x8C30] =	vst v1;
	v1 =	vmax.f32 v2, $0.0e+00;
	v0 =	vadd.f32 v0, v4  }
0x484: {  	[tilespmem:s14+$0x8C40] =	vst v1;
	v1 =	vmax.f32 v3, $0.0e+00  }
0x485: {  	[tilespmem:s14+$0x8C50] =	vst v1;
	v0 =	vmax.f32 v0, $0.0e+00  }
0x486: {  	s24 =	simm.s32 $0xE;
	[tilespmem:s14+$0x8C60] =	vst v0  }
0x487: {  	_ =	swait.ge [sflag:s24], $0x28  }
0x488: {  	[sflag:s24] =	ssyncset.done $0x0  }
0x489: {  	s30 =	simm.s32 $0xB600;
	s31 =	simm.s32 $0x8C00;
	[sflag:s24] =	ssyncadd.s32 $0xFFFFFFD8  }
0x48a: {  	[spmem:s2] =	stream.indirect.scatter.add.f32 [tilespmem:s31], [sflag:$0x8], $0x80, s30, s17, $0xb8;
	[tilespmem:$0x1F480] =	vst v63  }
0x48b: {  	_ =	swait.ge [sflag:s26], $0x1400  }
0x48c: {  	[sflag:s26] =	ssyncset.done $0x0  }
0x48d: {  	[sflag:s26] =	ssyncadd.s32 $0xFFFFEC00  }
0x48e: {  	_ =	swait.ge [sflag:s28], $0x1400  }
0x48f: {  	[sflag:s28] =	ssyncset.done $0x0  }
0x490: {  	[sflag:s28] =	ssyncadd.s32 $0xFFFFEC00  }
0x491: {  	_ =	swait.ge [sflag:s21], $0x1400  }
0x492: {  	[sflag:s21] =	ssyncset.done $0x0  }
0x493: {  	s0 =	simm.s32 $0x0;
	[sflag:s21] =	ssyncadd.s32 $0xFFFFEC00  }
0x494: {  	v0 =	vld [tilespmem:s0+$0x2870]  }
0x495: {  	v1 =	vld [tilespmem:s0+$0x6470]  }
0x496: {  	v2 =	vld [tilespmem:s0+$0x2800]  }
0x497: {  	v3 =	vld [tilespmem:s0+$0x6400]  }
0x498: {  	v4 =	vld [tilespmem:s0+$0x2810]  }
0x499: {  	v5 =	vld [tilespmem:s0+$0x6410]  }
0x49a: {  	v6 =	vld [tilespmem:s0+$0x2820]  }
0x49b: {  	v0 =	vadd.f32 v1, v0;
	v1 =	vld [tilespmem:s0+$0x6420]  }
0x49c: {  	v7 =	vld [tilespmem:s0+$0x2830]  }
0x49d: {  	v8 =	vld [tilespmem:s0+$0x6430];
	v2 =	vadd.f32 v3, v2  }
0x49e: {  	v9 =	vld [tilespmem:s0+$0x2840];
	v0 =	vmax.f32 v0, $0.0e+00  }
0x49f: {  	[tilespmem:s0+$0xA070] =	vst v0;
	v0 =	vmax.f32 v2, $0.0e+00;
	v2 =	vadd.f32 v5, v4;
	v5 =	vld [tilespmem:s0+$0x6440]  }
0x4a0: {  	v3 =	vld [tilespmem:s0+$0x6450];
	v1 =	vadd.f32 v1, v6  }
0x4a1: {  	[tilespmem:s0+$0xA000] =	vst v0;
	v0 =	vld [tilespmem:s0+$0x2850];
	v2 =	vmax.f32 v2, $0.0e+00  }
0x4a2: {  	v4 =	vld [tilespmem:s0+$0x6460];
	v6 =	vadd.f32 v8, v7;
	[tilespmem:s0+$0xA010] =	vst v2;
	v2 =	vmax.f32 v1, $0.0e+00  }
0x4a3: {  	s14 =	simm.s32 $0x80;
	v1 =	vld [tilespmem:s0+$0x2860];
	[tilespmem:s0+$0xA020] =	vst v2  }
0x4a4: {  	s16 =	simm.s32 $0x400;
	v6 =	vmax.f32 v6, $0.0e+00;
	v5 =	vadd.f32 v5, v9;
	v2 =	vld [tilespmem:s14+$0x2870]  }
.LBB2_32:
0x4a5: {  	p0 =	sne.s32 s16, $0x4E00;
	v7 =	vld [tilespmem:s14+$0x6470];
	[tilespmem:s0+$0xA030] =	vst v6  }
0x4a6: {  	v6 =	vld [tilespmem:s14+$0x2800];
	v5 =	vmax.f32 v5, $0.0e+00;
	v0 =	vadd.f32 v3, v0  }
0x4a7: {  	v3 =	vld [tilespmem:s14+$0x6400];
	[tilespmem:s0+$0xA040] =	vst v5  }
0x4a8: {  	v5 =	vld [tilespmem:s14+$0x2810];
	v0 =	vmax.f32 v0, $0.0e+00;
	v1 =	vadd.f32 v4, v1  }
0x4a9: {  	v4 =	vld [tilespmem:s14+$0x6410];
	[tilespmem:s0+$0xA050] =	vst v0  }
0x4aa: {  	v0 =	vld [tilespmem:s14+$0x2820];
	v2 =	vadd.f32 v7, v2;
	v1 =	vmax.f32 v1, $0.0e+00  }
0x4ab: {  	v7 =	vld [tilespmem:s14+$0x6420];
	[tilespmem:s0+$0xA060] =	vst v1;
	s0 =	smov.u32 s14  }
0x4ac: {  	v1 =	vadd.f32 v3, v6;
	v6 =	vld [tilespmem:s0+$0x2830];
	v2 =	vmax.f32 v2, $0.0e+00  }
0x4ad: {  	v8 =	vld [tilespmem:s0+$0x6430];
	[tilespmem:s0+$0xA070] =	vst v2  }
0x4ae: {  	v1 =	vmax.f32 v1, $0.0e+00;
	v2 =	vadd.f32 v4, v5;
	v5 =	vld [tilespmem:s0+$0x2840]  }
0x4af: {  	[tilespmem:s0+$0xA000] =	vst v1;
	v9 =	vld [tilespmem:s0+$0x6440]  }
.Ltmp15:
0x4b0: {  	v1 =	vmax.f32 v2, $0.0e+00;
	v2 =	vadd.f32 v7, v0;
	v0 =	vld [tilespmem:s0+$0x2850];
	(pc) =	sbr.rel @p0 .LBB2_32-.Ltmp15, $4  }
0x4b1: {  	[tilespmem:s0+$0xA010] =	vst v1;
	v3 =	vld [tilespmem:s0+$0x6450]  }
0x4b2: {  	v2 =	vmax.f32 v2, $0.0e+00;
	v6 =	vadd.f32 v8, v6;
	v1 =	vld [tilespmem:s0+$0x2860]  }
0x4b3: {  	s14 =	sshra.s32 s16, $0x2;
	[tilespmem:s0+$0xA020] =	vst v2;
	v4 =	vld [tilespmem:s0+$0x6460]  }
0x4b4: {  	s16 =	sadd.s32 $0x200, s16;
	v2 =	vld [tilespmem:s14+$0x2870];
	v6 =	vmax.f32 v6, $0.0e+00;
	v5 =	vadd.f32 v9, v5  }
0x4b5: {  	v7 =	vld [tilespmem:s14+$0x6470];
	[tilespmem:s0+$0xA030] =	vst v6  }
0x4b6: {  	v6 =	vld [tilespmem:s14+$0x2800];
	v5 =	vmax.f32 v5, $0.0e+00;
	v0 =	vadd.f32 v3, v0  }
0x4b7: {  	v8 =	vld [tilespmem:s14+$0x6400];
	[tilespmem:s0+$0xA040] =	vst v5  }
0x4b8: {  	v3 =	vld [tilespmem:s14+$0x2810];
	v0 =	vmax.f32 v0, $0.0e+00;
	v1 =	vadd.f32 v4, v1  }
0x4b9: {  	v5 =	vld [tilespmem:s14+$0x6410];
	[tilespmem:s0+$0xA050] =	vst v0  }
0x4ba: {  	v0 =	vld [tilespmem:s14+$0x2820];
	v1 =	vmax.f32 v1, $0.0e+00  }
0x4bb: {  	v4 =	vld [tilespmem:s14+$0x6420];
	v2 =	vadd.f32 v7, v2;
	[tilespmem:s0+$0xA060] =	vst v1  }
0x4bc: {  	v6 =	vadd.f32 v8, v6;
	v1 =	vld [tilespmem:s14+$0x2830]  }
0x4bd: {  	v2 =	vmax.f32 v2, $0.0e+00;
	v7 =	vld [tilespmem:s14+$0x6430]  }
0x4be: {  	[tilespmem:s14+$0xA070] =	vst v2;
	v2 =	vmax.f32 v6, $0.0e+00;
	v6 =	vld [tilespmem:s14+$0x2840]  }
0x4bf: {  	v3 =	vadd.f32 v5, v3;
	v5 =	vld [tilespmem:s14+$0x2850]  }
0x4c0: {  	[tilespmem:s14+$0xA000] =	vst v2;
	v2 =	vld [tilespmem:s14+$0x6440];
	v0 =	vadd.f32 v4, v0  }
0x4c1: {  	v3 =	vmax.f32 v3, $0.0e+00;
	v4 =	vld [tilespmem:s14+$0x2860]  }
0x4c2: {  	[tilespmem:s14+$0xA010] =	vst v3;
	v3 =	vld [tilespmem:s14+$0x6450];
	v0 =	vmax.f32 v0, $0.0e+00  }
0x4c3: {  	[tilespmem:s14+$0xA020] =	vst v0;
	v0 =	vld [tilespmem:s14+$0x6460];
	_ =	sdelay $0x1  }
0x4c4: {  	v1 =	vadd.f32 v7, v1  }
0x4c5: {  	v2 =	vadd.f32 v2, v6  }
0x4c6: {  	v1 =	vmax.f32 v1, $0.0e+00;
	v3 =	vadd.f32 v3, v5  }
0x4c7: {  	[tilespmem:s14+$0xA030] =	vst v1;
	v1 =	vmax.f32 v2, $0.0e+00;
	v0 =	vadd.f32 v0, v4  }
0x4c8: {  	[tilespmem:s14+$0xA040] =	vst v1;
	v1 =	vmax.f32 v3, $0.0e+00  }
0x4c9: {  	[tilespmem:s14+$0xA050] =	vst v1;
	v0 =	vmax.f32 v0, $0.0e+00  }
0x4ca: {  	[tilespmem:s14+$0xA060] =	vst v0  }
0x4cb: {  	_ =	swait.ge [sflag:s12], $0x28  }
0x4cc: {  	[sflag:s12] =	ssyncset.done $0x0  }
0x4cd: {  	s30 =	simm.s32 $0xB680;
	s31 =	simm.s32 $0xA000;
	[sflag:s12] =	ssyncadd.s32 $0xFFFFFFD8  }
0x4ce: {  	[spmem:s2] =	stream.indirect.scatter.add.f32 [tilespmem:s31], [sflag:$0x9], $0x80, s30, s17, $0xb8;
	[tilespmem:$0x1F480] =	vst v63  }
0x4cf: {  	_ =	swait.ge [sflag:s22], $0x1400  }
0x4d0: {  	[sflag:s22] =	ssyncset.done $0x0  }
0x4d1: {  	[sflag:s22] =	ssyncadd.s32 $0xFFFFEC00  }
0x4d2: {  	_ =	swait.ge [sflag:s23], $0x1400  }
0x4d3: {  	[sflag:s23] =	ssyncset.done $0x0  }
0x4d4: {  	[sflag:s23] =	ssyncadd.s32 $0xFFFFEC00  }
0x4d5: {  	_ =	swait.ge [sflag:s29], $0x1400  }
0x4d6: {  	[sflag:s29] =	ssyncset.done $0x0  }
0x4d7: {  	s0 =	simm.s32 $0x0;
	[sflag:s29] =	ssyncadd.s32 $0xFFFFEC00  }
0x4d8: {  	v0 =	vld [tilespmem:s0+$0x70]  }
0x4d9: {  	v1 =	vld [tilespmem:s0+$0x3C70]  }
0x4da: {  	v2 =	vld [tilespmem:s0+$0x0]  }
0x4db: {  	v3 =	vld [tilespmem:s0+$0x3C00]  }
0x4dc: {  	v4 =	vld [tilespmem:s0+$0x10]  }
0x4dd: {  	v5 =	vld [tilespmem:s0+$0x3C10]  }
0x4de: {  	v6 =	vld [tilespmem:s0+$0x20]  }
0x4df: {  	v0 =	vadd.f32 v1, v0;
	v1 =	vld [tilespmem:s0+$0x3C20]  }
0x4e0: {  	v7 =	vld [tilespmem:s0+$0x30]  }
0x4e1: {  	v8 =	vld [tilespmem:s0+$0x3C30];
	v2 =	vadd.f32 v3, v2  }
0x4e2: {  	v9 =	vld [tilespmem:s0+$0x40];
	v0 =	vmax.f32 v0, $0.0e+00  }
0x4e3: {  	[tilespmem:s0+$0x7870] =	vst v0;
	v0 =	vmax.f32 v2, $0.0e+00;
	v2 =	vadd.f32 v5, v4;
	v5 =	vld [tilespmem:s0+$0x3C40]  }
0x4e4: {  	v3 =	vld [tilespmem:s0+$0x3C50];
	v1 =	vadd.f32 v1, v6  }
0x4e5: {  	[tilespmem:s0+$0x7800] =	vst v0;
	v0 =	vld [tilespmem:s0+$0x50];
	v2 =	vmax.f32 v2, $0.0e+00  }
0x4e6: {  	v4 =	vld [tilespmem:s0+$0x3C60];
	v6 =	vadd.f32 v8, v7;
	[tilespmem:s0+$0x7810] =	vst v2;
	v2 =	vmax.f32 v1, $0.0e+00  }
0x4e7: {  	s14 =	simm.s32 $0x80;
	v1 =	vld [tilespmem:s0+$0x60];
	[tilespmem:s0+$0x7820] =	vst v2  }
0x4e8: {  	s16 =	simm.s32 $0x400;
	v6 =	vmax.f32 v6, $0.0e+00;
	v5 =	vadd.f32 v5, v9;
	v2 =	vld [tilespmem:s14+$0x70]  }
.LBB2_34:
0x4e9: {  	p0 =	sne.s32 s16, $0x4E00;
	v7 =	vld [tilespmem:s14+$0x3C70];
	[tilespmem:s0+$0x7830] =	vst v6  }
0x4ea: {  	v6 =	vld [tilespmem:s14+$0x0];
	v5 =	vmax.f32 v5, $0.0e+00;
	v0 =	vadd.f32 v3, v0  }
0x4eb: {  	v3 =	vld [tilespmem:s14+$0x3C00];
	[tilespmem:s0+$0x7840] =	vst v5  }
0x4ec: {  	v5 =	vld [tilespmem:s14+$0x10];
	v0 =	vmax.f32 v0, $0.0e+00;
	v1 =	vadd.f32 v4, v1  }
0x4ed: {  	v4 =	vld [tilespmem:s14+$0x3C10];
	[tilespmem:s0+$0x7850] =	vst v0  }
0x4ee: {  	v0 =	vld [tilespmem:s14+$0x20];
	v2 =	vadd.f32 v7, v2;
	v1 =	vmax.f32 v1, $0.0e+00  }
0x4ef: {  	v7 =	vld [tilespmem:s14+$0x3C20];
	[tilespmem:s0+$0x7860] =	vst v1;
	s0 =	smov.u32 s14  }
0x4f0: {  	v1 =	vadd.f32 v3, v6;
	v6 =	vld [tilespmem:s0+$0x30];
	v2 =	vmax.f32 v2, $0.0e+00  }
0x4f1: {  	v8 =	vld [tilespmem:s0+$0x3C30];
	[tilespmem:s0+$0x7870] =	vst v2  }
0x4f2: {  	v1 =	vmax.f32 v1, $0.0e+00;
	v2 =	vadd.f32 v4, v5;
	v5 =	vld [tilespmem:s0+$0x40]  }
0x4f3: {  	[tilespmem:s0+$0x7800] =	vst v1;
	v9 =	vld [tilespmem:s0+$0x3C40]  }
.Ltmp16:
0x4f4: {  	v1 =	vmax.f32 v2, $0.0e+00;
	v2 =	vadd.f32 v7, v0;
	v0 =	vld [tilespmem:s0+$0x50];
	(pc) =	sbr.rel @p0 .LBB2_34-.Ltmp16, $4  }
0x4f5: {  	[tilespmem:s0+$0x7810] =	vst v1;
	v3 =	vld [tilespmem:s0+$0x3C50]  }
0x4f6: {  	v2 =	vmax.f32 v2, $0.0e+00;
	v6 =	vadd.f32 v8, v6;
	v1 =	vld [tilespmem:s0+$0x60]  }
0x4f7: {  	s14 =	sshra.s32 s16, $0x2;
	[tilespmem:s0+$0x7820] =	vst v2;
	v4 =	vld [tilespmem:s0+$0x3C60]  }
0x4f8: {  	s16 =	sadd.s32 $0x200, s16;
	v2 =	vld [tilespmem:s14+$0x70];
	v6 =	vmax.f32 v6, $0.0e+00;
	v5 =	vadd.f32 v9, v5  }
0x4f9: {  	v7 =	vld [tilespmem:s14+$0x3C70];
	[tilespmem:s0+$0x7830] =	vst v6  }
0x4fa: {  	v6 =	vld [tilespmem:s14+$0x0];
	v5 =	vmax.f32 v5, $0.0e+00;
	v0 =	vadd.f32 v3, v0  }
0x4fb: {  	v8 =	vld [tilespmem:s14+$0x3C00];
	[tilespmem:s0+$0x7840] =	vst v5  }
0x4fc: {  	v52 =	vld [tilespmem:s14+$0x10];
	v0 =	vmax.f32 v0, $0.0e+00;
	v1 =	vadd.f32 v4, v1  }
0x4fd: {  	v5 =	vld [tilespmem:s14+$0x3C10];
	[tilespmem:s0+$0x7850] =	vst v0  }
0x4fe: {  	v0 =	vld [tilespmem:s14+$0x20];
	v1 =	vmax.f32 v1, $0.0e+00  }
0x4ff: {  	v53 =	vld [tilespmem:s14+$0x3C20];
	[tilespmem:s0+$0x7860] =	vst v1  }
0x500: {  	v1 =	vld [tilespmem:s14+$0x30]  }
0x501: {  	v54 =	vld [tilespmem:s14+$0x3C30]  }
0x502: {  	v56 =	vld [tilespmem:s14+$0x40]  }
0x503: {  	v57 =	vld [tilespmem:s14+$0x3C40]  }
0x504: {  	v58 =	vld [tilespmem:s14+$0x50]  }
0x505: {  	v2 =	vadd.f32 v7, v2;
	v59 =	vld [tilespmem:s14+$0x3C50]  }
0x506: {  	v6 =	vadd.f32 v8, v6;
	v60 =	vld [tilespmem:s14+$0x60]  }
0x507: {  	v2 =	vmax.f32 v2, $0.0e+00;
	v61 =	vld [tilespmem:s14+$0x3C60];
	v3 =	vadd.f32 v5, v52  }
0x508: {  	[tilespmem:s14+$0x7870] =	vst v2;
	v55 =	vmax.f32 v6, $0.0e+00;
	v0 =	vadd.f32 v53, v0  }
0x509: {  	[tilespmem:s14+$0x7800] =	vst v55;
	v3 =	vmax.f32 v3, $0.0e+00;
	v1 =	vadd.f32 v54, v1  }
0x50a: {  	[tilespmem:s14+$0x7810] =	vst v3;
	v0 =	vmax.f32 v0, $0.0e+00;
	v2 =	vadd.f32 v57, v56  }
0x50b: {  	v3 =	vadd.f32 v59, v58;
	[tilespmem:s14+$0x7820] =	vst v0;
	v1 =	vmax.f32 v1, $0.0e+00  }
0x50c: {  	v0 =	vadd.f32 v61, v60;
	v62 =	vmax.f32 v2, $0.0e+00;
	[tilespmem:s14+$0x7830] =	vst v1  }
0x50d: {  	v63 =	vmax.f32 v3, $0.0e+00;
	[tilespmem:s14+$0x7840] =	vst v62  }
0x50e: {  	[tilespmem:s14+$0x7850] =	vst v63;
	v0 =	vmax.f32 v0, $0.0e+00  }
0x50f: {  	[tilespmem:s14+$0x7860] =	vst v0  }
0x510: {  	_ =	swait.ge [sflag:s18], $0x28  }
0x511: {  	[sflag:s18] =	ssyncset.done $0x0  }
0x512: {  	s31 =	simm.s32 $0x7800;
	[sflag:s18] =	ssyncadd.s32 $0xFFFFFFD8  }
0x513: {  	[spmem:s2] =	stream.indirect.scatter.add.f32 [tilespmem:s31], [sflag:$0x7], $0x80, s9, s17, $0xb8;
	[tilespmem:$0x1F480] =	vst v63  }
0x514: {  	_ =	swait.ge [sflag:s19], $0x1400  }
0x515: {  	[sflag:s19] =	ssyncset.done $0x0  }
0x516: {  	[sflag:s19] =	ssyncadd.s32 $0xFFFFEC00  }
0x517: {  	_ =	swait.ge [sflag:s21], $0x1400  }
0x518: {  	[sflag:s21] =	ssyncset.done $0x0  }
0x519: {  	[sflag:s21] =	ssyncadd.s32 $0xFFFFEC00  }
0x51a: {  	_ =	swait.ge [sflag:s29], $0x1400  }
0x51b: {  	[sflag:s29] =	ssyncset.done $0x0  }
0x51c: {  	[sflag:s29] =	ssyncadd.s32 $0xFFFFEC00  }
0x51d: {  	[bflag:$0x0] =	sbarrier.arrive $0xFFFF  }
0x51e: {  	s14 =	sld [smem:$0x7F5]  }
0x51f: {  	s24 =	sld [smem:$0x7F0];
	_ =	sdelay $0x1  }
0x520: {  	s16 =	rddreg [dreg:$0x6]  }
0x521: {  	[hbm:s14], [sflag:s16] =	dma.local [spmem:s24], $0x2780  }
0x522: {  	_ =	swait.ge [sflag:s20], $0x2780  }
0x523: {  	s30 =	sld [smem:$0x7EF]  }
0x524: {  	s31 =	sld [smem:$0x7F6];
	_ =	sdelay $0x1  }
0x525: {  	s14 =	sadd.s32 $0x1, s30  }
0x526: {  	p0 =	sne.s32 s14, s31  }
.Ltmp17:
0x527: {  	_ = 	snop;
	(pc) =	sbr.rel @p0 .LBB2_1-.Ltmp17, $3  }
0x528: {  	_ =	sdelay $0x1  }
0x529: {  	[sflag:s20] =	ssyncset.done $0x0  }
0x52a: {  	[sflag:s20] =	ssyncadd.s32 $0xFFFFD880  }
0x52b: {  	_ =	sfence.sel $0x180000  }
0x52c: {  	[bflag:$0x0] =	sbarrier.arrive $0xFFFF  }
0x52d: {  	_ =	strace $0x90000047  }
0x52e: {  	s0 =	stileid.u32;
	[bflag:$0x2] =	sbarrier.arrive $0xFFFF  }
0x52f: {  	p0 =	sne.s32 s0, $0x0;
	s0 =	rddreg [dreg:$0x3]  }
0x530: {  	s0 =	sadd.s32 @!p0 $0x100000, s0  }
0x531: {  	[sflag:s0] =	ssyncadd.tile.s32 @!p0 $0x1;
	_ =	shalt  }
.Lfunc_end2:
_tile_overlayer_lowered:
.L_overlay_start_2:
0x532: {  	(tag) =	ssettag $0x2  }
0x533: {  	s0 =	rddreg [dreg:$0x0];
	s2 =	stileid.u32  }
0x534: {  	s1 =	rddreg [dreg:$0x1];
	p0 =	sne.s32 s2, $0x0  }
0x535: {  	s3 =	rddreg [dreg:$0x2];
	[bflag:$0x3] =	sbarrier.arrive $0xFFFF;
	s2 =	simm.s32 @!p0 $0x1C13  }
0x536: {  	[timem:s3], [sflag:s2] =	dma.local @!p0 [hbm:s0], s1  }
0x537: {  	s0 =	simm.s32 @!p0 $0x13  }
0x538: {  	_ =	swait.ge @!p0 [sflag:s0], s1  }
0x539: {  	s1 =	ssub.s32 @!p0 $0x0, s1;
	[sflag:s0] =	ssyncset.done @!p0 $0x0  }
0x53a: {  	[sflag:s0] =	ssyncadd.s32 @!p0 s1  }
0x53b: {  	[bflag:$0x3] =	sbarrier.arrive $0xFFFF  }
0x53c: {  	_ =	shalt  }

</sc_bundles>
